<compile_context>
chip_gen: v7x
topology: tpu7x:2x2x1
jax: 0.10.2.dev20260603
libtpu: 0.0.44.dev20260713+nightly
codegen_flags: <defaults>
</compile_context>

<pallas_src>
import jax
import jax.numpy as jnp
from jax import lax
from jax.experimental import pallas as pl
from jax.experimental.pallas import tpu as pltpu
from jax.experimental.pallas import tpu_sc as plsc

_N = 10000
_E = 160000
_IN = 128
_H = 64
_NP = 10240
_TRASH = _N
_NC = 2
_NS = 16
_NW = _NC * _NS
_CH = 128
_EP = 163840
_CHUNKS = _EP // (_NW * _CH)
_RPT = _NP // _NS

_mesh = plsc.VectorSubcoreMesh(core_axis_name="c", subcore_axis_name="s")
_sc_params = pltpu.CompilerParams(use_tc_tiling_on_sc=False)



_NB = 4


def _prop_body(f_hbm, zeros_hbm, src_hbm, dst_hbm, out_hbm,
               src_v, dst_v, rows_v,
               sg0, sg1, sg2, sg3, ss0, ss1, ss2, ss3, acc_sh, feat_sh):
    semg = (sg0, sg1, sg2, sg3)
    sems = (ss0, ss1, ss2, ss3)
    cid = lax.axis_index("c")
    sid = lax.axis_index("s")
    gwid = sid * _NC + cid
    r0 = sid * _RPT
    pltpu.sync_copy(zeros_hbm.at[pl.ds(r0, _RPT)], acc_sh.at[pl.ds(r0, _RPT)])
    pltpu.sync_copy(f_hbm.at[pl.ds(r0, _RPT)], feat_sh.at[pl.ds(r0, _RPT)])
    pltpu.sync_copy(src_hbm.at[gwid], src_v)
    pltpu.sync_copy(dst_hbm.at[gwid], dst_v)
    plsc.subcore_barrier()

    pltpu.async_copy(feat_sh.at[src_v.at[0]], rows_v.at[0], semg[0])
    pltpu.async_copy(feat_sh.at[src_v.at[1]], rows_v.at[1], semg[1])

    def step(t, carry):
        for b in range(_NB):
            j = _NB * t + b
            pltpu.make_async_copy(feat_sh.at[src_v.at[j]], rows_v.at[b],
                                  semg[b]).wait()
            pltpu.async_copy(rows_v.at[b], acc_sh.at[dst_v.at[j]],
                             sems[b], add=True)
            pb = (b + 2) % _NB

            @pl.when(j + 2 < _CHUNKS)
            def _(j=j, b=b, pb=pb):
                @pl.when(j >= 2)
                def _():
                    pltpu.make_async_copy(
                        rows_v.at[pb], acc_sh.at[dst_v.at[j - 2]],
                        sems[pb]).wait()

                pltpu.async_copy(feat_sh.at[src_v.at[j + 2]], rows_v.at[pb],
                                 semg[pb])

        return carry

    lax.fori_loop(0, _CHUNKS // _NB, step, 0)
    for b in range(_NB):
        jj = _CHUNKS - _NB + b
        pltpu.make_async_copy(rows_v.at[b], acc_sh.at[dst_v.at[jj]],
                              sems[b]).wait()
    plsc.subcore_barrier()
    pltpu.sync_copy(acc_sh.at[pl.ds(r0, _RPT)],
                    out_hbm.at[cid].at[pl.ds(r0, _RPT)])


_prop = pl.kernel(
    _prop_body,
    out_type=jax.ShapeDtypeStruct((_NC, _NP, _H), jnp.float32),
    mesh=_mesh,
    scratch_types=[
        pltpu.VMEM((_CHUNKS, _CH), jnp.int32),
        pltpu.VMEM((_CHUNKS, _CH), jnp.int32),
        pltpu.VMEM((_NB, _CH, _H), jnp.float32),
        pltpu.SemaphoreType.DMA,
        pltpu.SemaphoreType.DMA,
        pltpu.SemaphoreType.DMA,
        pltpu.SemaphoreType.DMA,
        pltpu.SemaphoreType.DMA,
        pltpu.SemaphoreType.DMA,
        pltpu.SemaphoreType.DMA,
        pltpu.SemaphoreType.DMA,
        pltpu.VMEM_SHARED((_NP, _H), jnp.float32),
        pltpu.VMEM_SHARED((_NP, _H), jnp.float32),
    ],
    compiler_params=_sc_params,
)


def _deg_body(zeros_hbm, dst_hbm, out_hbm, ones_v, dst_v, acc_sh):
    cid = lax.axis_index("c")
    sid = lax.axis_index("s")
    gwid = sid * _NC + cid
    r0 = sid * _RPT
    pltpu.sync_copy(zeros_hbm.at[pl.ds(r0, _RPT)], acc_sh.at[pl.ds(r0, _RPT)])
    pltpu.sync_copy(dst_hbm.at[gwid], dst_v)

    def fill(i, carry):
        ones_v[i, :] = jnp.ones((16,), jnp.float32)
        return carry

    lax.fori_loop(0, _CH, fill, 0)
    plsc.subcore_barrier()

    def step(j, carry):
        pltpu.sync_copy(ones_v, acc_sh.at[dst_v.at[j]], add=True)
        return carry

    lax.fori_loop(0, _CHUNKS, step, 0)
    plsc.subcore_barrier()
    pltpu.sync_copy(acc_sh.at[pl.ds(r0, _RPT)],
                    out_hbm.at[cid].at[pl.ds(r0, _RPT)])


_deg = pl.kernel(
    _deg_body,
    out_type=jax.ShapeDtypeStruct((_NC, _NP, 16), jnp.float32),
    mesh=_mesh,
    scratch_types=[
        pltpu.VMEM((_CH, 16), jnp.float32),
        pltpu.VMEM((_CHUNKS, _CH), jnp.int32),
        pltpu.VMEM_SHARED((_NP, 16), jnp.float32),
    ],
    compiler_params=_sc_params,
)



_BLK = 512
_GRID = _NP // _BLK


def _row_spec(w):
    return pl.BlockSpec((_BLK, w), lambda i: (i, 0))


def _acc_spec(w):
    return pl.BlockSpec((_NC, _BLK, w), lambda i: (0, i, 0))


def _full_spec(shape):
    return pl.BlockSpec(shape, lambda i: tuple(0 for _ in shape))


def _stage_a_body(degp, x, w1, a1_o, dinv_o):
    deg = degp[0, :, :1] + degp[1, :, :1] + 1.0
    dinv = lax.rsqrt(deg)
    a1_o[...] = dinv * jnp.dot(x[...], w1[...],
                               preferred_element_type=jnp.float32)
    dinv_o[...] = dinv


def _stage_a(degp, x, w1):
    return pl.pallas_call(
        _stage_a_body,
        grid=(_GRID,),
        in_specs=[_acc_spec(16), _row_spec(_IN), _full_spec((_IN, _H))],
        out_specs=[_row_spec(_H), _row_spec(1)],
        out_shape=[jax.ShapeDtypeStruct((_NP, _H), jnp.float32),
                   jax.ShapeDtypeStruct((_NP, 1), jnp.float32)],
    )(degp, x, w1)


def _stage_c_body(acc, a1, dinv, b1, hp_o):
    d = dinv[...]
    p = d * (acc[0] + acc[1] + a1[...])
    hp_o[...] = d * jnp.maximum(p + b1[...], 0.0)


def _stage_c(acc, a1, dinv, b1):
    return pl.pallas_call(
        _stage_c_body,
        grid=(_GRID,),
        in_specs=[_acc_spec(_H), _row_spec(_H), _row_spec(1),
                  _full_spec((1, _H))],
        out_specs=[_row_spec(_H)],
        out_shape=[jax.ShapeDtypeStruct((_NP, _H), jnp.float32)],
    )(acc, a1, dinv, b1)[0]


def _stage_e_body(acc, hp, dinv, w2a, w2b, b2a, b2b, eps,
                  zm_o, zls_o, zp_o):
    d = dinv[...]
    ph = d * (acc[0] + acc[1] + hp[...])
    zm = jnp.dot(ph, w2a[...], preferred_element_type=jnp.float32) + b2a[...]
    zls = jnp.dot(ph, w2b[...], preferred_element_type=jnp.float32) + b2b[...]
    z = eps[...] * jnp.exp(zls) + zm
    zm_o[...] = zm
    zls_o[...] = zls
    zp_o[...] = d * z


def _stage_e(acc, hp, dinv, w2a, w2b, b2a, b2b, eps):
    return pl.pallas_call(
        _stage_e_body,
        grid=(_GRID,),
        in_specs=[_acc_spec(_H), _row_spec(_H), _row_spec(1),
                  _full_spec((_H, _H)), _full_spec((_H, _H)),
                  _full_spec((1, _H)), _full_spec((1, _H)),
                  _row_spec(_H)],
        out_specs=[_row_spec(_H), _row_spec(_H), _row_spec(_H)],
        out_shape=[jax.ShapeDtypeStruct((_N, _H), jnp.float32),
                   jax.ShapeDtypeStruct((_N, _H), jnp.float32),
                   jax.ShapeDtypeStruct((_NP, _H), jnp.float32)],
    )(acc, hp, dinv, w2a, w2b, b2a, b2b, eps)


def _stage_g_body(acc, zp, dinv, wd1, bd1, ws1, bs1, hdp_o, hs_o, hst_o):
    d = dinv[...]
    pz = d * (acc[0] + acc[1] + zp[...])
    hd = jnp.maximum(
        jnp.dot(pz, wd1[...], preferred_element_type=jnp.float32) + bd1[...],
        0.0)
    hdp_o[...] = d * hd
    hs = jnp.dot(pz, ws1[...],
                 preferred_element_type=jnp.float32) + bs1[...]
    hs_o[...] = hs
    hst_o[...] = hs.T


def _stage_g(acc, zp, dinv, wd1, bd1, ws1, bs1):
    return pl.pallas_call(
        _stage_g_body,
        grid=(_GRID,),
        in_specs=[_acc_spec(_H), _row_spec(_H), _row_spec(1),
                  _full_spec((_H, _H)), _full_spec((1, _H)),
                  _full_spec((_H, _H)), _full_spec((1, _H))],
        out_specs=[_row_spec(_H), _row_spec(_H),
                   pl.BlockSpec((_H, _BLK), lambda i: (0, i))],
        out_shape=[jax.ShapeDtypeStruct((_NP, _H), jnp.float32),
                   jax.ShapeDtypeStruct((_NP, _H), jnp.float32),
                   jax.ShapeDtypeStruct((_H, _N), jnp.float32)],
    )(acc, zp, dinv, wd1, bd1, ws1, bs1)


def _stage_i_body(acc, hdp, dinv, wd2, bd2, xr_o):
    d = dinv[...]
    phd = d * (acc[0] + acc[1] + hdp[...])
    xr_o[...] = jnp.dot(phd, wd2[...],
                        preferred_element_type=jnp.float32) + bd2[...]


def _stage_i(acc, hdp, dinv, wd2, bd2):
    return pl.pallas_call(
        _stage_i_body,
        grid=(_GRID,),
        in_specs=[_acc_spec(_H), _row_spec(_H), _row_spec(1),
                  _full_spec((_H, _IN)), _full_spec((1, _IN))],
        out_specs=[_row_spec(_IN)],
        out_shape=[jax.ShapeDtypeStruct((_N, _IN), jnp.float32)],
    )(acc, hdp, dinv, wd2, bd2)[0]


_JBLK = 200


def _stage_j_body(hs, hst, adj_o):
    adj_o[...] = jnp.dot(hs[...], hst[...],
                         preferred_element_type=jnp.float32)


def _stage_j(hs, hst):
    return pl.pallas_call(
        _stage_j_body,
        grid=(_N // _JBLK,),
        in_specs=[pl.BlockSpec((_JBLK, _H), lambda i: (i, 0)),
                  pl.BlockSpec((_H, _N), lambda i: (0, 0))],
        out_specs=[pl.BlockSpec((_JBLK, _N), lambda i: (i, 0))],
        out_shape=[jax.ShapeDtypeStruct((_N, _N), jnp.float32)],
    )(hs, hst)[0]



def kernel(x, edge_index, W_enc1, b_enc1, W_enc2, b_enc2,
           W_dec1, b_dec1, W_dec2, b_dec2, W_s1, b_s1):
    pad = _EP - _E
    srcp = jnp.concatenate(
        [edge_index[0], jnp.zeros((pad,), jnp.int32)]).reshape(_NW, _CHUNKS, _CH)
    dstp = jnp.concatenate(
        [edge_index[1], jnp.full((pad,), _TRASH, jnp.int32)]).reshape(_NW, _CHUNKS, _CH)
    zeros64 = jnp.zeros((_NP, _H), jnp.float32)
    zeros16 = jnp.zeros((_NP, 16), jnp.float32)
    x_pad = jnp.pad(x, ((0, _NP - _N), (0, 0)))
    eps = jnp.pad(
        jax.random.normal(jax.random.key(42), (_N, _H), dtype=jnp.float32),
        ((0, _NP - _N), (0, 0)))
    b1 = b_enc1.reshape(1, _H)
    w2a, w2b = W_enc2[:, :_H], W_enc2[:, _H:]
    b2a, b2b = b_enc2[:_H].reshape(1, _H), b_enc2[_H:].reshape(1, _H)
    bd1 = b_dec1.reshape(1, _H)
    bd2 = b_dec2.reshape(1, _IN)
    bs1 = b_s1.reshape(1, _H)

    degp = _deg(zeros16, dstp)
    a1, dinv = _stage_a(degp, x_pad, W_enc1)

    acc1 = _prop(a1, zeros64, srcp, dstp)
    hp = _stage_c(acc1, a1, dinv, b1)

    acc2 = _prop(hp, zeros64, srcp, dstp)
    zm, zls, zp = _stage_e(acc2, hp, dinv, w2a, w2b, b2a, b2b, eps)

    acc3 = _prop(zp, zeros64, srcp, dstp)
    hdp, hs, hst = _stage_g(acc3, zp, dinv, W_dec1, bd1, W_s1, bs1)

    adj_rec = _stage_j(hs, hst)

    acc4 = _prop(hdp, zeros64, srcp, dstp)
    x_rec = _stage_i(acc4, hdp, dinv, W_dec2, bd2)

    return (zm, zls, x_rec, adj_rec)

# --- scband reference (transcript-rebuilt; emitter-appended) ---
"""Pipeline reference for scband-vgaebase-65420941852936 (READ-ONLY COPY).

The authoritative reference and input builder live on the scoring server;
editing this copy changes nothing except your own understanding.
"""

import jax, jax.numpy as jnp
import numpy as np

N = 10000
E = 160000
IN_DIM = 128
HID = 64

def _glorot(k, fan_in, fan_out):
    lim = float(np.sqrt(6.0 / (fan_in + fan_out)))
    return jax.random.uniform(k, (fan_in, fan_out), minval=-lim, maxval=lim, dtype=jnp.float32)

def setup_inputs(seed: int = 0):
    key = jax.random.key(seed)
    ks = jax.random.split(key, 10)
    x = jax.random.normal(ks[0], (N, IN_DIM), dtype=jnp.float32)
    edge_index = jax.random.randint(ks[1], (2, E), 0, N, dtype=jnp.int32)
    inp = {"x": x, "edge_index": edge_index}
    # encoder GCN: in_dim -> hid -> 2*hid
    inp["W_enc1"] = _glorot(ks[2], IN_DIM, HID)
    inp["b_enc1"] = jnp.zeros((HID,), jnp.float32)
    inp["W_enc2"] = _glorot(ks[3], HID, 2 * HID)
    inp["b_enc2"] = jnp.zeros((2 * HID,), jnp.float32)
    # attribute decoder GCN: hid -> hid -> in_dim
    inp["W_dec1"] = _glorot(ks[4], HID, HID)
    inp["b_dec1"] = jnp.zeros((HID,), jnp.float32)
    inp["W_dec2"] = _glorot(ks[5], HID, IN_DIM)
    inp["b_dec2"] = jnp.zeros((IN_DIM,), jnp.float32)
    # structure decoder GCN (num_layers-1 = 1 layer): hid -> hid
    inp["W_s1"] = _glorot(ks[6], HID, HID)
    inp["b_s1"] = jnp.zeros((HID,), jnp.float32)
    return inp

def _gcn_norm(edge_index, n):
    # add self loops + symmetric normalization (PyG gcn_norm)
    loop = jnp.arange(n, dtype=edge_index.dtype)
    src = jnp.concatenate([edge_index[0], loop])
    dst = jnp.concatenate([edge_index[1], loop])
    deg = jnp.zeros((n,), jnp.float32).at[dst].add(1.0)
    dinv = jnp.where(deg > 0, 1.0 / jnp.sqrt(deg), 0.0)
    norm = dinv[src] * dinv[dst]
    return src, dst, norm

def _gcn_conv(x, src, dst, norm, W, b, n):
    h = x @ W
    msg = h[src] * norm[:, None]
    out = jnp.zeros((n, W.shape[1]), jnp.float32).at[dst].add(msg)
    return out + b

def reference(x, edge_index, W_enc1, b_enc1, W_enc2, b_enc2, W_dec1, b_dec1, W_dec2, b_dec2, W_s1, b_s1):
    n = x.shape[0]
    src, dst, norm = _gcn_norm(edge_index, n)
    # encoder
    h = jax.nn.relu(_gcn_conv(x, src, dst, norm, W_enc1, b_enc1, n))
    out = _gcn_conv(h, src, dst, norm, W_enc2, b_enc2, n)
    z_mean = out[:, :HID]
    z_log_std = out[:, HID:]
    # z_sampling_: randn * exp(log_std) + mean
    eps = jax.random.normal(jax.random.key(42), z_mean.shape, dtype=jnp.float32)
    z = eps * jnp.exp(z_log_std) + z_mean
    # attribute decoder
    hd = jax.nn.relu(_gcn_conv(z, src, dst, norm, W_dec1, b_dec1, n))
    x_rec = _gcn_conv(hd, src, dst, norm, W_dec2, b_dec2, n)
    # structure decoder: 1-layer GCN then dot product (sigmoid_s=False)
    hs = _gcn_conv(z, src, dst, norm, W_s1, b_s1, n)
    adj_rec = hs @ hs.T
    return (z_mean, z_log_std, x_rec, adj_rec)

if __name__ == "__main__":
    import jax
    _d = setup_inputs()
    print(jax.jit(kernel)(*tuple(_d.values())))

</pallas_src>

<mosaic_0001>
#map = affine_map<(d0, d1) -> (0, 0)>
#map1 = affine_map<(d0, d1) -> (0, 0, 0)>
module attributes {stable_mosaic.version = 14 : i64} {
  func.func @_prop_body(%arg0: i32, %arg1: i32, %arg2: memref<10240x64xf32, #tpu.memory_space<hbm>>, %arg3: memref<10240x64xf32, #tpu.memory_space<hbm>>, %arg4: memref<32x40x128xi32, #tpu.memory_space<hbm>>, %arg5: memref<32x40x128xi32, #tpu.memory_space<hbm>>, %arg6: memref<2x10240x64xf32, #tpu.memory_space<hbm>>, %arg7: memref<40x128xi32, #tpu.memory_space<vmem>>, %arg8: memref<40x128xi32, #tpu.memory_space<vmem>>, %arg9: memref<4x128x64xf32, #tpu.memory_space<vmem>>, %arg10: memref<!tpu.dma_semaphore, #tpu.memory_space<semaphore_mem>>, %arg11: memref<!tpu.dma_semaphore, #tpu.memory_space<semaphore_mem>>, %arg12: memref<!tpu.dma_semaphore, #tpu.memory_space<semaphore_mem>>, %arg13: memref<!tpu.dma_semaphore, #tpu.memory_space<semaphore_mem>>, %arg14: memref<!tpu.dma_semaphore, #tpu.memory_space<semaphore_mem>>, %arg15: memref<!tpu.dma_semaphore, #tpu.memory_space<semaphore_mem>>, %arg16: memref<!tpu.dma_semaphore, #tpu.memory_space<semaphore_mem>>, %arg17: memref<!tpu.dma_semaphore, #tpu.memory_space<semaphore_mem>>, %arg18: memref<10240x64xf32, #tpu.memory_space<vmem_shared>>, %arg19: memref<10240x64xf32, #tpu.memory_space<vmem_shared>>) attributes {dimension_semantics = [#tpu.dimension_semantics<core_parallel>, #tpu.dimension_semantics<subcore_parallel>], iteration_bounds = array<i64: 2, 16>, scalar_prefetch = 0 : i64, scratch_operands = 13 : i64, tpu.core_type = #tpu.core_type<sc_vector_subcore>, window_params = [{transform_indices = #map}, {transform_indices = #map}, {transform_indices = #map1}, {transform_indices = #map1}, {transform_indices = #map1}]} {
    %mul3A = arith.constant 2 : i32
    %mul3A_0 = arith.muli %arg1, %mul3A : i32
    %add3A = arith.addi %mul3A_0, %arg0 : i32
    %mul3A_1 = arith.constant 640 : i32
    %mul3A_2 = arith.muli %arg1, %mul3A_1 : i32
    "tpu.region"() ({
      %run_scoped3A = tpu.sem_alloc : memref<!tpu.dma_semaphore, #tpu.memory_space<semaphore_mem>>
      %dma_start3A_79 = arith.constant 0 : i32
      %dma_start3A_80 = tpu.memref_slice %arg18[%mul3A_2, %dma_start3A_79] : memref<10240x64xf32, #tpu.memory_space<vmem_shared>> -> memref<640x64xf32, #tpu.memory_space<vmem_shared>>
      %dma_start3A_81 = arith.constant 0 : i32
      %dma_start3A_82 = tpu.memref_slice %arg3[%mul3A_2, %dma_start3A_81] : memref<10240x64xf32, #tpu.memory_space<hbm>> -> memref<640x64xf32, #tpu.memory_space<hbm>>
      tpu.enqueue_dma source(%dma_start3A_82 : memref<640x64xf32, #tpu.memory_space<hbm>>) target(%dma_start3A_80 : memref<640x64xf32, #tpu.memory_space<vmem_shared>>) target_semaphore(%run_scoped3A : memref<!tpu.dma_semaphore, #tpu.memory_space<semaphore_mem>>)
      %dma_wait3A_83 = arith.constant 0 : i32
      %dma_wait3A_84 = tpu.memref_slice %arg18[%mul3A_2, %dma_wait3A_83] : memref<10240x64xf32, #tpu.memory_space<vmem_shared>> -> memref<640x64xf32, #tpu.memory_space<vmem_shared>>
      %dma_wait3A_85 = arith.constant 0 : i32
      %dma_wait3A_86 = tpu.memref_slice %arg3[%mul3A_2, %dma_wait3A_85] : memref<10240x64xf32, #tpu.memory_space<hbm>> -> memref<640x64xf32, #tpu.memory_space<hbm>>
      tpu.wait_dma2 semaphore(%run_scoped3A : memref<!tpu.dma_semaphore, #tpu.memory_space<semaphore_mem>>) src(%dma_wait3A_86 : memref<640x64xf32, #tpu.memory_space<hbm>>) dst(%dma_wait3A_84 : memref<640x64xf32, #tpu.memory_space<vmem_shared>>)
      tpu.yield
    }) : () -> ()
    "tpu.region"() ({
      %run_scoped3A = tpu.sem_alloc : memref<!tpu.dma_semaphore, #tpu.memory_space<semaphore_mem>>
      %dma_start3A_79 = arith.constant 0 : i32
      %dma_start3A_80 = tpu.memref_slice %arg19[%mul3A_2, %dma_start3A_79] : memref<10240x64xf32, #tpu.memory_space<vmem_shared>> -> memref<640x64xf32, #tpu.memory_space<vmem_shared>>
      %dma_start3A_81 = arith.constant 0 : i32
      %dma_start3A_82 = tpu.memref_slice %arg2[%mul3A_2, %dma_start3A_81] : memref<10240x64xf32, #tpu.memory_space<hbm>> -> memref<640x64xf32, #tpu.memory_space<hbm>>
      tpu.enqueue_dma source(%dma_start3A_82 : memref<640x64xf32, #tpu.memory_space<hbm>>) target(%dma_start3A_80 : memref<640x64xf32, #tpu.memory_space<vmem_shared>>) target_semaphore(%run_scoped3A : memref<!tpu.dma_semaphore, #tpu.memory_space<semaphore_mem>>)
      %dma_wait3A_83 = arith.constant 0 : i32
      %dma_wait3A_84 = tpu.memref_slice %arg19[%mul3A_2, %dma_wait3A_83] : memref<10240x64xf32, #tpu.memory_space<vmem_shared>> -> memref<640x64xf32, #tpu.memory_space<vmem_shared>>
      %dma_wait3A_85 = arith.constant 0 : i32
      %dma_wait3A_86 = tpu.memref_slice %arg2[%mul3A_2, %dma_wait3A_85] : memref<10240x64xf32, #tpu.memory_space<hbm>> -> memref<640x64xf32, #tpu.memory_space<hbm>>
      tpu.wait_dma2 semaphore(%run_scoped3A : memref<!tpu.dma_semaphore, #tpu.memory_space<semaphore_mem>>) src(%dma_wait3A_86 : memref<640x64xf32, #tpu.memory_space<hbm>>) dst(%dma_wait3A_84 : memref<640x64xf32, #tpu.memory_space<vmem_shared>>)
      tpu.yield
    }) : () -> ()
    "tpu.region"() ({
      %run_scoped3A = tpu.sem_alloc : memref<!tpu.dma_semaphore, #tpu.memory_space<semaphore_mem>>
      %dma_start3A_79 = arith.constant 0 : i32
      %dma_start3A_80 = arith.constant 0 : i32
      %dma_start3A_81 = tpu.memref_slice %arg4[%add3A, %dma_start3A_79, %dma_start3A_80] : memref<32x40x128xi32, #tpu.memory_space<hbm>> -> memref<1x40x128xi32, #tpu.memory_space<hbm>>
      %dma_start3A_82 = tpu.memref_squeeze %dma_start3A_81 : memref<1x40x128xi32, #tpu.memory_space<hbm>> -> memref<40x128xi32, #tpu.memory_space<hbm>>
      %dma_start3A_83 = arith.constant 0 : i32
      %dma_start3A_84 = arith.constant 0 : i32
      %dma_start3A_85 = tpu.memref_slice %arg4[%add3A, %dma_start3A_83, %dma_start3A_84] : memref<32x40x128xi32, #tpu.memory_space<hbm>> -> memref<1x40x128xi32, #tpu.memory_space<hbm>>
      %dma_start3A_86 = tpu.memref_squeeze %dma_start3A_85 : memref<1x40x128xi32, #tpu.memory_space<hbm>> -> memref<40x128xi32, #tpu.memory_space<hbm>>
      tpu.enqueue_dma source(%dma_start3A_86 : memref<40x128xi32, #tpu.memory_space<hbm>>) target(%arg7 : memref<40x128xi32, #tpu.memory_space<vmem>>) target_semaphore(%run_scoped3A : memref<!tpu.dma_semaphore, #tpu.memory_space<semaphore_mem>>)
      %dma_wait3A_87 = arith.constant 0 : i32
      %dma_wait3A_88 = arith.constant 0 : i32
      %dma_wait3A_89 = tpu.memref_slice %arg4[%add3A, %dma_wait3A_87, %dma_wait3A_88] : memref<32x40x128xi32, #tpu.memory_space<hbm>> -> memref<1x40x128xi32, #tpu.memory_space<hbm>>
      %dma_wait3A_90 = tpu.memref_squeeze %dma_wait3A_89 : memref<1x40x128xi32, #tpu.memory_space<hbm>> -> memref<40x128xi32, #tpu.memory_space<hbm>>
      %dma_wait3A_91 = arith.constant 0 : i32
      %dma_wait3A_92 = arith.constant 0 : i32
      %dma_wait3A_93 = tpu.memref_slice %arg4[%add3A, %dma_wait3A_91, %dma_wait3A_92] : memref<32x40x128xi32, #tpu.memory_space<hbm>> -> memref<1x40x128xi32, #tpu.memory_space<hbm>>
      %dma_wait3A_94 = tpu.memref_squeeze %dma_wait3A_93 : memref<1x40x128xi32, #tpu.memory_space<hbm>> -> memref<40x128xi32, #tpu.memory_space<hbm>>
      tpu.wait_dma2 semaphore(%run_scoped3A : memref<!tpu.dma_semaphore, #tpu.memory_space<semaphore_mem>>) src(%dma_wait3A_94 : memref<40x128xi32, #tpu.memory_space<hbm>>) dst(%arg7 : memref<40x128xi32, #tpu.memory_space<vmem>>)
      tpu.yield
    }) : () -> ()
    "tpu.region"() ({
      %run_scoped3A = tpu.sem_alloc : memref<!tpu.dma_semaphore, #tpu.memory_space<semaphore_mem>>
      %dma_start3A_79 = arith.constant 0 : i32
      %dma_start3A_80 = arith.constant 0 : i32
      %dma_start3A_81 = tpu.memref_slice %arg5[%add3A, %dma_start3A_79, %dma_start3A_80] : memref<32x40x128xi32, #tpu.memory_space<hbm>> -> memref<1x40x128xi32, #tpu.memory_space<hbm>>
      %dma_start3A_82 = tpu.memref_squeeze %dma_start3A_81 : memref<1x40x128xi32, #tpu.memory_space<hbm>> -> memref<40x128xi32, #tpu.memory_space<hbm>>
      %dma_start3A_83 = arith.constant 0 : i32
      %dma_start3A_84 = arith.constant 0 : i32
      %dma_start3A_85 = tpu.memref_slice %arg5[%add3A, %dma_start3A_83, %dma_start3A_84] : memref<32x40x128xi32, #tpu.memory_space<hbm>> -> memref<1x40x128xi32, #tpu.memory_space<hbm>>
      %dma_start3A_86 = tpu.memref_squeeze %dma_start3A_85 : memref<1x40x128xi32, #tpu.memory_space<hbm>> -> memref<40x128xi32, #tpu.memory_space<hbm>>
      tpu.enqueue_dma source(%dma_start3A_86 : memref<40x128xi32, #tpu.memory_space<hbm>>) target(%arg8 : memref<40x128xi32, #tpu.memory_space<vmem>>) target_semaphore(%run_scoped3A : memref<!tpu.dma_semaphore, #tpu.memory_space<semaphore_mem>>)
      %dma_wait3A_87 = arith.constant 0 : i32
      %dma_wait3A_88 = arith.constant 0 : i32
      %dma_wait3A_89 = tpu.memref_slice %arg5[%add3A, %dma_wait3A_87, %dma_wait3A_88] : memref<32x40x128xi32, #tpu.memory_space<hbm>> -> memref<1x40x128xi32, #tpu.memory_space<hbm>>
      %dma_wait3A_90 = tpu.memref_squeeze %dma_wait3A_89 : memref<1x40x128xi32, #tpu.memory_space<hbm>> -> memref<40x128xi32, #tpu.memory_space<hbm>>
      %dma_wait3A_91 = arith.constant 0 : i32
      %dma_wait3A_92 = arith.constant 0 : i32
      %dma_wait3A_93 = tpu.memref_slice %arg5[%add3A, %dma_wait3A_91, %dma_wait3A_92] : memref<32x40x128xi32, #tpu.memory_space<hbm>> -> memref<1x40x128xi32, #tpu.memory_space<hbm>>
      %dma_wait3A_94 = tpu.memref_squeeze %dma_wait3A_93 : memref<1x40x128xi32, #tpu.memory_space<hbm>> -> memref<40x128xi32, #tpu.memory_space<hbm>>
      tpu.wait_dma2 semaphore(%run_scoped3A : memref<!tpu.dma_semaphore, #tpu.memory_space<semaphore_mem>>) src(%dma_wait3A_94 : memref<40x128xi32, #tpu.memory_space<hbm>>) dst(%arg8 : memref<40x128xi32, #tpu.memory_space<vmem>>)
      tpu.yield
    }) : () -> ()
    %barrier3A = arith.constant 0 : index
    tpu.barrier barrier_id(%barrier3A)
    %dma_start3A = arith.constant 0 : i32
    %dma_start3A_3 = arith.constant 0 : i32
    %dma_start3A_4 = arith.constant 0 : i32
    %dma_start3A_5 = arith.constant 0 : i32
    %dma_start3A_6 = tpu.memref_slice %arg9[%dma_start3A_3, %dma_start3A_4, %dma_start3A_5] : memref<4x128x64xf32, #tpu.memory_space<vmem>> -> memref<1x128x64xf32, #tpu.memory_space<vmem>>
    %dma_start3A_7 = tpu.memref_squeeze %dma_start3A_6 : memref<1x128x64xf32, #tpu.memory_space<vmem>> -> memref<128x64xf32, #tpu.memory_space<vmem>>
    %dma_start3A_8 = arith.constant 0 : i32
    %dma_start3A_9 = tpu.memref_slice %arg7[%dma_start3A, %dma_start3A_8] : memref<40x128xi32, #tpu.memory_space<vmem>> -> memref<1x128xi32, #tpu.memory_space<vmem>>
    %dma_start3A_10 = tpu.memref_squeeze %dma_start3A_9 : memref<1x128xi32, #tpu.memory_space<vmem>> -> memref<128xi32, #tpu.memory_space<vmem>>
    %dma_start3A_11 = arith.constant 0 : i32
    %dma_start3A_12 = arith.constant 0 : i32
    %dma_start3A_13 = tpu.memref_slice %arg19[%dma_start3A_11, %dma_start3A_12] : memref<10240x64xf32, #tpu.memory_space<vmem_shared>> -> memref<10240x64xf32, #tpu.memory_space<vmem_shared>>
    tpu.enqueue_indirect_dma source(%dma_start3A_13 : memref<10240x64xf32, #tpu.memory_space<vmem_shared>>) target(%dma_start3A_7 : memref<128x64xf32, #tpu.memory_space<vmem>>) offsets(%dma_start3A_10 : memref<128xi32, #tpu.memory_space<vmem>>) semaphore(%arg10 : memref<!tpu.dma_semaphore, #tpu.memory_space<semaphore_mem>>)
    %dma_start3A_14 = arith.constant 1 : i32
    %dma_start3A_15 = arith.constant 1 : i32
    %dma_start3A_16 = arith.constant 0 : i32
    %dma_start3A_17 = arith.constant 0 : i32
    %dma_start3A_18 = tpu.memref_slice %arg9[%dma_start3A_15, %dma_start3A_16, %dma_start3A_17] : memref<4x128x64xf32, #tpu.memory_space<vmem>> -> memref<1x128x64xf32, #tpu.memory_space<vmem>>
    %dma_start3A_19 = tpu.memref_squeeze %dma_start3A_18 : memref<1x128x64xf32, #tpu.memory_space<vmem>> -> memref<128x64xf32, #tpu.memory_space<vmem>>
    %dma_start3A_20 = arith.constant 0 : i32
    %dma_start3A_21 = tpu.memref_slice %arg7[%dma_start3A_14, %dma_start3A_20] : memref<40x128xi32, #tpu.memory_space<vmem>> -> memref<1x128xi32, #tpu.memory_space<vmem>>
    %dma_start3A_22 = tpu.memref_squeeze %dma_start3A_21 : memref<1x128xi32, #tpu.memory_space<vmem>> -> memref<128xi32, #tpu.memory_space<vmem>>
    %dma_start3A_23 = arith.constant 0 : i32
    %dma_start3A_24 = arith.constant 0 : i32
    %dma_start3A_25 = tpu.memref_slice %arg19[%dma_start3A_23, %dma_start3A_24] : memref<10240x64xf32, #tpu.memory_space<vmem_shared>> -> memref<10240x64xf32, #tpu.memory_space<vmem_shared>>
    tpu.enqueue_indirect_dma source(%dma_start3A_25 : memref<10240x64xf32, #tpu.memory_space<vmem_shared>>) target(%dma_start3A_19 : memref<128x64xf32, #tpu.memory_space<vmem>>) offsets(%dma_start3A_22 : memref<128xi32, #tpu.memory_space<vmem>>) semaphore(%arg11 : memref<!tpu.dma_semaphore, #tpu.memory_space<semaphore_mem>>)
    %scan3A = arith.constant 0 : i32
    %scan3A_26 = arith.constant 0 : i32
    %scan3A_27 = arith.constant 10 : i32
    %scan3A_28 = arith.addi %scan3A_26, %scan3A_27 : i32
    %scan3A_29 = arith.constant 1 : i32
    scf.for %scan3A_79 = %scan3A_26 to %scan3A_28 step %scan3A_29  : i32 {
      %mul3A_80 = arith.constant 4 : i32
      %mul3A_81 = arith.muli %mul3A_80, %scan3A_79 : i32
      %add3A_82 = arith.constant 0 : i32
      %add3A_83 = arith.addi %mul3A_81, %add3A_82 : i32
      %dma_wait3A_84 = arith.constant 0 : i32
      %dma_wait3A_85 = arith.constant 0 : i32
      %dma_wait3A_86 = arith.constant 0 : i32
      %dma_wait3A_87 = tpu.memref_slice %arg9[%dma_wait3A_84, %dma_wait3A_85, %dma_wait3A_86] : memref<4x128x64xf32, #tpu.memory_space<vmem>> -> memref<1x128x64xf32, #tpu.memory_space<vmem>>
      %dma_wait3A_88 = tpu.memref_squeeze %dma_wait3A_87 : memref<1x128x64xf32, #tpu.memory_space<vmem>> -> memref<128x64xf32, #tpu.memory_space<vmem>>
      %dma_wait3A_89 = arith.constant 0 : i32
      %dma_wait3A_90 = tpu.memref_slice %arg7[%add3A_83, %dma_wait3A_89] : memref<40x128xi32, #tpu.memory_space<vmem>> -> memref<1x128xi32, #tpu.memory_space<vmem>>
      %dma_wait3A_91 = tpu.memref_squeeze %dma_wait3A_90 : memref<1x128xi32, #tpu.memory_space<vmem>> -> memref<128xi32, #tpu.memory_space<vmem>>
      %dma_wait3A_92 = arith.constant 0 : i32
      %dma_wait3A_93 = arith.constant 0 : i32
      %dma_wait3A_94 = tpu.memref_slice %arg19[%dma_wait3A_92, %dma_wait3A_93] : memref<10240x64xf32, #tpu.memory_space<vmem_shared>> -> memref<10240x64xf32, #tpu.memory_space<vmem_shared>>
      tpu.wait_indirect_dma semaphore(%arg10 : memref<!tpu.dma_semaphore, #tpu.memory_space<semaphore_mem>>) src(%dma_wait3A_94 : memref<10240x64xf32, #tpu.memory_space<vmem_shared>>) dst(%dma_wait3A_88 : memref<128x64xf32, #tpu.memory_space<vmem>>)
      %dma_start3A_95 = arith.constant 0 : i32
      %dma_start3A_96 = arith.constant 0 : i32
      %dma_start3A_97 = arith.constant 0 : i32
      %dma_start3A_98 = tpu.memref_slice %arg9[%dma_start3A_95, %dma_start3A_96, %dma_start3A_97] : memref<4x128x64xf32, #tpu.memory_space<vmem>> -> memref<1x128x64xf32, #tpu.memory_space<vmem>>
      %dma_start3A_99 = tpu.memref_squeeze %dma_start3A_98 : memref<1x128x64xf32, #tpu.memory_space<vmem>> -> memref<128x64xf32, #tpu.memory_space<vmem>>
      %dma_start3A_100 = arith.constant 0 : i32
      %dma_start3A_101 = tpu.memref_slice %arg8[%add3A_83, %dma_start3A_100] : memref<40x128xi32, #tpu.memory_space<vmem>> -> memref<1x128xi32, #tpu.memory_space<vmem>>
      %dma_start3A_102 = tpu.memref_squeeze %dma_start3A_101 : memref<1x128xi32, #tpu.memory_space<vmem>> -> memref<128xi32, #tpu.memory_space<vmem>>
      %dma_start3A_103 = arith.constant 0 : i32
      %dma_start3A_104 = arith.constant 0 : i32
      %dma_start3A_105 = tpu.memref_slice %arg18[%dma_start3A_103, %dma_start3A_104] : memref<10240x64xf32, #tpu.memory_space<vmem_shared>> -> memref<10240x64xf32, #tpu.memory_space<vmem_shared>>
      tpu.enqueue_indirect_dma source(%dma_start3A_99 : memref<128x64xf32, #tpu.memory_space<vmem>>) target(%dma_start3A_105 : memref<10240x64xf32, #tpu.memory_space<vmem_shared>>) offsets(%dma_start3A_102 : memref<128xi32, #tpu.memory_space<vmem>>) semaphore(%arg14 : memref<!tpu.dma_semaphore, #tpu.memory_space<semaphore_mem>>) {add = true}
      %add3A_106 = arith.constant 2 : i32
      %add3A_107 = arith.addi %add3A_83, %add3A_106 : i32
      %lt3A = arith.constant 40 : i32
      %lt3A_108 = arith.cmpi slt, %add3A_107, %lt3A : i32
      %convert_element_type3A = arith.extui %lt3A_108 : i1 to i32
      %cond3A = arith.constant 0 : i32
      %cond3A_109 = arith.cmpi ne, %convert_element_type3A, %cond3A : i32
      scf.if %cond3A_109 {
        %ge3A = arith.constant 2 : i32
        %ge3A_209 = arith.cmpi sge, %add3A_83, %ge3A : i32
        %convert_element_type3A_210 = arith.extui %ge3A_209 : i1 to i32
        %cond3A_211 = arith.constant 0 : i32
        %cond3A_212 = arith.cmpi ne, %convert_element_type3A_210, %cond3A_211 : i32
        scf.if %cond3A_212 {
          %sub3A = arith.constant 2 : i32
          %sub3A_226 = arith.subi %add3A_83, %sub3A : i32
          %dma_wait3A_227 = arith.constant 2 : i32
          %dma_wait3A_228 = arith.constant 0 : i32
          %dma_wait3A_229 = arith.constant 0 : i32
          %dma_wait3A_230 = tpu.memref_slice %arg9[%dma_wait3A_227, %dma_wait3A_228, %dma_wait3A_229] : memref<4x128x64xf32, #tpu.memory_space<vmem>> -> memref<1x128x64xf32, #tpu.memory_space<vmem>>
          %dma_wait3A_231 = tpu.memref_squeeze %dma_wait3A_230 : memref<1x128x64xf32, #tpu.memory_space<vmem>> -> memref<128x64xf32, #tpu.memory_space<vmem>>
          %dma_wait3A_232 = arith.constant 0 : i32
          %dma_wait3A_233 = tpu.memref_slice %arg8[%sub3A_226, %dma_wait3A_232] : memref<40x128xi32, #tpu.memory_space<vmem>> -> memref<1x128xi32, #tpu.memory_space<vmem>>
          %dma_wait3A_234 = tpu.memref_squeeze %dma_wait3A_233 : memref<1x128xi32, #tpu.memory_space<vmem>> -> memref<128xi32, #tpu.memory_space<vmem>>
          %dma_wait3A_235 = arith.constant 0 : i32
          %dma_wait3A_236 = arith.constant 0 : i32
          %dma_wait3A_237 = tpu.memref_slice %arg18[%dma_wait3A_235, %dma_wait3A_236] : memref<10240x64xf32, #tpu.memory_space<vmem_shared>> -> memref<10240x64xf32, #tpu.memory_space<vmem_shared>>
          tpu.wait_indirect_dma semaphore(%arg16 : memref<!tpu.dma_semaphore, #tpu.memory_space<semaphore_mem>>) src(%dma_wait3A_231 : memref<128x64xf32, #tpu.memory_space<vmem>>) dst(%dma_wait3A_237 : memref<10240x64xf32, #tpu.memory_space<vmem_shared>>)
        } else {
        }
        %add3A_213 = arith.constant 2 : i32
        %add3A_214 = arith.addi %add3A_83, %add3A_213 : i32
        %dma_start3A_215 = arith.constant 2 : i32
        %dma_start3A_216 = arith.constant 0 : i32
        %dma_start3A_217 = arith.constant 0 : i32
        %dma_start3A_218 = tpu.memref_slice %arg9[%dma_start3A_215, %dma_start3A_216, %dma_start3A_217] : memref<4x128x64xf32, #tpu.memory_space<vmem>> -> memref<1x128x64xf32, #tpu.memory_space<vmem>>
        %dma_start3A_219 = tpu.memref_squeeze %dma_start3A_218 : memref<1x128x64xf32, #tpu.memory_space<vmem>> -> memref<128x64xf32, #tpu.memory_space<vmem>>
        %dma_start3A_220 = arith.constant 0 : i32
        %dma_start3A_221 = tpu.memref_slice %arg7[%add3A_214, %dma_start3A_220] : memref<40x128xi32, #tpu.memory_space<vmem>> -> memref<1x128xi32, #tpu.memory_space<vmem>>
        %dma_start3A_222 = tpu.memref_squeeze %dma_start3A_221 : memref<1x128xi32, #tpu.memory_space<vmem>> -> memref<128xi32, #tpu.memory_space<vmem>>
        %dma_start3A_223 = arith.constant 0 : i32
        %dma_start3A_224 = arith.constant 0 : i32
        %dma_start3A_225 = tpu.memref_slice %arg19[%dma_start3A_223, %dma_start3A_224] : memref<10240x64xf32, #tpu.memory_space<vmem_shared>> -> memref<10240x64xf32, #tpu.memory_space<vmem_shared>>
        tpu.enqueue_indirect_dma source(%dma_start3A_225 : memref<10240x64xf32, #tpu.memory_space<vmem_shared>>) target(%dma_start3A_219 : memref<128x64xf32, #tpu.memory_space<vmem>>) offsets(%dma_start3A_222 : memref<128xi32, #tpu.memory_space<vmem>>) semaphore(%arg12 : memref<!tpu.dma_semaphore, #tpu.memory_space<semaphore_mem>>)
      } else {
      }
      %mul3A_110 = arith.constant 4 : i32
      %mul3A_111 = arith.muli %mul3A_110, %scan3A_79 : i32
      %add3A_112 = arith.constant 1 : i32
      %add3A_113 = arith.addi %mul3A_111, %add3A_112 : i32
      %dma_wait3A_114 = arith.constant 1 : i32
      %dma_wait3A_115 = arith.constant 0 : i32
      %dma_wait3A_116 = arith.constant 0 : i32
      %dma_wait3A_117 = tpu.memref_slice %arg9[%dma_wait3A_114, %dma_wait3A_115, %dma_wait3A_116] : memref<4x128x64xf32, #tpu.memory_space<vmem>> -> memref<1x128x64xf32, #tpu.memory_space<vmem>>
      %dma_wait3A_118 = tpu.memref_squeeze %dma_wait3A_117 : memref<1x128x64xf32, #tpu.memory_space<vmem>> -> memref<128x64xf32, #tpu.memory_space<vmem>>
      %dma_wait3A_119 = arith.constant 0 : i32
      %dma_wait3A_120 = tpu.memref_slice %arg7[%add3A_113, %dma_wait3A_119] : memref<40x128xi32, #tpu.memory_space<vmem>> -> memref<1x128xi32, #tpu.memory_space<vmem>>
      %dma_wait3A_121 = tpu.memref_squeeze %dma_wait3A_120 : memref<1x128xi32, #tpu.memory_space<vmem>> -> memref<128xi32, #tpu.memory_space<vmem>>
      %dma_wait3A_122 = arith.constant 0 : i32
      %dma_wait3A_123 = arith.constant 0 : i32
      %dma_wait3A_124 = tpu.memref_slice %arg19[%dma_wait3A_122, %dma_wait3A_123] : memref<10240x64xf32, #tpu.memory_space<vmem_shared>> -> memref<10240x64xf32, #tpu.memory_space<vmem_shared>>
      tpu.wait_indirect_dma semaphore(%arg11 : memref<!tpu.dma_semaphore, #tpu.memory_space<semaphore_mem>>) src(%dma_wait3A_124 : memref<10240x64xf32, #tpu.memory_space<vmem_shared>>) dst(%dma_wait3A_118 : memref<128x64xf32, #tpu.memory_space<vmem>>)
      %dma_start3A_125 = arith.constant 1 : i32
      %dma_start3A_126 = arith.constant 0 : i32
      %dma_start3A_127 = arith.constant 0 : i32
      %dma_start3A_128 = tpu.memref_slice %arg9[%dma_start3A_125, %dma_start3A_126, %dma_start3A_127] : memref<4x128x64xf32, #tpu.memory_space<vmem>> -> memref<1x128x64xf32, #tpu.memory_space<vmem>>
      %dma_start3A_129 = tpu.memref_squeeze %dma_start3A_128 : memref<1x128x64xf32, #tpu.memory_space<vmem>> -> memref<128x64xf32, #tpu.memory_space<vmem>>
      %dma_start3A_130 = arith.constant 0 : i32
      %dma_start3A_131 = tpu.memref_slice %arg8[%add3A_113, %dma_start3A_130] : memref<40x128xi32, #tpu.memory_space<vmem>> -> memref<1x128xi32, #tpu.memory_space<vmem>>
      %dma_start3A_132 = tpu.memref_squeeze %dma_start3A_131 : memref<1x128xi32, #tpu.memory_space<vmem>> -> memref<128xi32, #tpu.memory_space<vmem>>
      %dma_start3A_133 = arith.constant 0 : i32
      %dma_start3A_134 = arith.constant 0 : i32
      %dma_start3A_135 = tpu.memref_slice %arg18[%dma_start3A_133, %dma_start3A_134] : memref<10240x64xf32, #tpu.memory_space<vmem_shared>> -> memref<10240x64xf32, #tpu.memory_space<vmem_shared>>
      tpu.enqueue_indirect_dma source(%dma_start3A_129 : memref<128x64xf32, #tpu.memory_space<vmem>>) target(%dma_start3A_135 : memref<10240x64xf32, #tpu.memory_space<vmem_shared>>) offsets(%dma_start3A_132 : memref<128xi32, #tpu.memory_space<vmem>>) semaphore(%arg15 : memref<!tpu.dma_semaphore, #tpu.memory_space<semaphore_mem>>) {add = true}
      %add3A_136 = arith.constant 2 : i32
      %add3A_137 = arith.addi %add3A_113, %add3A_136 : i32
      %lt3A_138 = arith.constant 40 : i32
      %lt3A_139 = arith.cmpi slt, %add3A_137, %lt3A_138 : i32
      %convert_element_type3A_140 = arith.extui %lt3A_139 : i1 to i32
      %cond3A_141 = arith.constant 0 : i32
      %cond3A_142 = arith.cmpi ne, %convert_element_type3A_140, %cond3A_141 : i32
      scf.if %cond3A_142 {
        %ge3A = arith.constant 2 : i32
        %ge3A_209 = arith.cmpi sge, %add3A_113, %ge3A : i32
        %convert_element_type3A_210 = arith.extui %ge3A_209 : i1 to i32
        %cond3A_211 = arith.constant 0 : i32
        %cond3A_212 = arith.cmpi ne, %convert_element_type3A_210, %cond3A_211 : i32
        scf.if %cond3A_212 {
          %sub3A = arith.constant 2 : i32
          %sub3A_226 = arith.subi %add3A_113, %sub3A : i32
          %dma_wait3A_227 = arith.constant 3 : i32
          %dma_wait3A_228 = arith.constant 0 : i32
          %dma_wait3A_229 = arith.constant 0 : i32
          %dma_wait3A_230 = tpu.memref_slice %arg9[%dma_wait3A_227, %dma_wait3A_228, %dma_wait3A_229] : memref<4x128x64xf32, #tpu.memory_space<vmem>> -> memref<1x128x64xf32, #tpu.memory_space<vmem>>
          %dma_wait3A_231 = tpu.memref_squeeze %dma_wait3A_230 : memref<1x128x64xf32, #tpu.memory_space<vmem>> -> memref<128x64xf32, #tpu.memory_space<vmem>>
          %dma_wait3A_232 = arith.constant 0 : i32
          %dma_wait3A_233 = tpu.memref_slice %arg8[%sub3A_226, %dma_wait3A_232] : memref<40x128xi32, #tpu.memory_space<vmem>> -> memref<1x128xi32, #tpu.memory_space<vmem>>
          %dma_wait3A_234 = tpu.memref_squeeze %dma_wait3A_233 : memref<1x128xi32, #tpu.memory_space<vmem>> -> memref<128xi32, #tpu.memory_space<vmem>>
          %dma_wait3A_235 = arith.constant 0 : i32
          %dma_wait3A_236 = arith.constant 0 : i32
          %dma_wait3A_237 = tpu.memref_slice %arg18[%dma_wait3A_235, %dma_wait3A_236] : memref<10240x64xf32, #tpu.memory_space<vmem_shared>> -> memref<10240x64xf32, #tpu.memory_space<vmem_shared>>
          tpu.wait_indirect_dma semaphore(%arg17 : memref<!tpu.dma_semaphore, #tpu.memory_space<semaphore_mem>>) src(%dma_wait3A_231 : memref<128x64xf32, #tpu.memory_space<vmem>>) dst(%dma_wait3A_237 : memref<10240x64xf32, #tpu.memory_space<vmem_shared>>)
        } else {
        }
        %add3A_213 = arith.constant 2 : i32
        %add3A_214 = arith.addi %add3A_113, %add3A_213 : i32
        %dma_start3A_215 = arith.constant 3 : i32
        %dma_start3A_216 = arith.constant 0 : i32
        %dma_start3A_217 = arith.constant 0 : i32
        %dma_start3A_218 = tpu.memref_slice %arg9[%dma_start3A_215, %dma_start3A_216, %dma_start3A_217] : memref<4x128x64xf32, #tpu.memory_space<vmem>> -> memref<1x128x64xf32, #tpu.memory_space<vmem>>
        %dma_start3A_219 = tpu.memref_squeeze %dma_start3A_218 : memref<1x128x64xf32, #tpu.memory_space<vmem>> -> memref<128x64xf32, #tpu.memory_space<vmem>>
        %dma_start3A_220 = arith.constant 0 : i32
        %dma_start3A_221 = tpu.memref_slice %arg7[%add3A_214, %dma_start3A_220] : memref<40x128xi32, #tpu.memory_space<vmem>> -> memref<1x128xi32, #tpu.memory_space<vmem>>
        %dma_start3A_222 = tpu.memref_squeeze %dma_start3A_221 : memref<1x128xi32, #tpu.memory_space<vmem>> -> memref<128xi32, #tpu.memory_space<vmem>>
        %dma_start3A_223 = arith.constant 0 : i32
        %dma_start3A_224 = arith.constant 0 : i32
        %dma_start3A_225 = tpu.memref_slice %arg19[%dma_start3A_223, %dma_start3A_224] : memref<10240x64xf32, #tpu.memory_space<vmem_shared>> -> memref<10240x64xf32, #tpu.memory_space<vmem_shared>>
        tpu.enqueue_indirect_dma source(%dma_start3A_225 : memref<10240x64xf32, #tpu.memory_space<vmem_shared>>) target(%dma_start3A_219 : memref<128x64xf32, #tpu.memory_space<vmem>>) offsets(%dma_start3A_222 : memref<128xi32, #tpu.memory_space<vmem>>) semaphore(%arg13 : memref<!tpu.dma_semaphore, #tpu.memory_space<semaphore_mem>>)
      } else {
      }
      %mul3A_143 = arith.constant 4 : i32
      %mul3A_144 = arith.muli %mul3A_143, %scan3A_79 : i32
      %add3A_145 = arith.constant 2 : i32
      %add3A_146 = arith.addi %mul3A_144, %add3A_145 : i32
      %dma_wait3A_147 = arith.constant 2 : i32
      %dma_wait3A_148 = arith.constant 0 : i32
      %dma_wait3A_149 = arith.constant 0 : i32
      %dma_wait3A_150 = tpu.memref_slice %arg9[%dma_wait3A_147, %dma_wait3A_148, %dma_wait3A_149] : memref<4x128x64xf32, #tpu.memory_space<vmem>> -> memref<1x128x64xf32, #tpu.memory_space<vmem>>
      %dma_wait3A_151 = tpu.memref_squeeze %dma_wait3A_150 : memref<1x128x64xf32, #tpu.memory_space<vmem>> -> memref<128x64xf32, #tpu.memory_space<vmem>>
      %dma_wait3A_152 = arith.constant 0 : i32
      %dma_wait3A_153 = tpu.memref_slice %arg7[%add3A_146, %dma_wait3A_152] : memref<40x128xi32, #tpu.memory_space<vmem>> -> memref<1x128xi32, #tpu.memory_space<vmem>>
      %dma_wait3A_154 = tpu.memref_squeeze %dma_wait3A_153 : memref<1x128xi32, #tpu.memory_space<vmem>> -> memref<128xi32, #tpu.memory_space<vmem>>
      %dma_wait3A_155 = arith.constant 0 : i32
      %dma_wait3A_156 = arith.constant 0 : i32
      %dma_wait3A_157 = tpu.memref_slice %arg19[%dma_wait3A_155, %dma_wait3A_156] : memref<10240x64xf32, #tpu.memory_space<vmem_shared>> -> memref<10240x64xf32, #tpu.memory_space<vmem_shared>>
      tpu.wait_indirect_dma semaphore(%arg12 : memref<!tpu.dma_semaphore, #tpu.memory_space<semaphore_mem>>) src(%dma_wait3A_157 : memref<10240x64xf32, #tpu.memory_space<vmem_shared>>) dst(%dma_wait3A_151 : memref<128x64xf32, #tpu.memory_space<vmem>>)
      %dma_start3A_158 = arith.constant 2 : i32
      %dma_start3A_159 = arith.constant 0 : i32
      %dma_start3A_160 = arith.constant 0 : i32
      %dma_start3A_161 = tpu.memref_slice %arg9[%dma_start3A_158, %dma_start3A_159, %dma_start3A_160] : memref<4x128x64xf32, #tpu.memory_space<vmem>> -> memref<1x128x64xf32, #tpu.memory_space<vmem>>
      %dma_start3A_162 = tpu.memref_squeeze %dma_start3A_161 : memref<1x128x64xf32, #tpu.memory_space<vmem>> -> memref<128x64xf32, #tpu.memory_space<vmem>>
      %dma_start3A_163 = arith.constant 0 : i32
      %dma_start3A_164 = tpu.memref_slice %arg8[%add3A_146, %dma_start3A_163] : memref<40x128xi32, #tpu.memory_space<vmem>> -> memref<1x128xi32, #tpu.memory_space<vmem>>
      %dma_start3A_165 = tpu.memref_squeeze %dma_start3A_164 : memref<1x128xi32, #tpu.memory_space<vmem>> -> memref<128xi32, #tpu.memory_space<vmem>>
      %dma_start3A_166 = arith.constant 0 : i32
      %dma_start3A_167 = arith.constant 0 : i32
      %dma_start3A_168 = tpu.memref_slice %arg18[%dma_start3A_166, %dma_start3A_167] : memref<10240x64xf32, #tpu.memory_space<vmem_shared>> -> memref<10240x64xf32, #tpu.memory_space<vmem_shared>>
      tpu.enqueue_indirect_dma source(%dma_start3A_162 : memref<128x64xf32, #tpu.memory_space<vmem>>) target(%dma_start3A_168 : memref<10240x64xf32, #tpu.memory_space<vmem_shared>>) offsets(%dma_start3A_165 : memref<128xi32, #tpu.memory_space<vmem>>) semaphore(%arg16 : memref<!tpu.dma_semaphore, #tpu.memory_space<semaphore_mem>>) {add = true}
      %add3A_169 = arith.constant 2 : i32
      %add3A_170 = arith.addi %add3A_146, %add3A_169 : i32
      %lt3A_171 = arith.constant 40 : i32
      %lt3A_172 = arith.cmpi slt, %add3A_170, %lt3A_171 : i32
      %convert_element_type3A_173 = arith.extui %lt3A_172 : i1 to i32
      %cond3A_174 = arith.constant 0 : i32
      %cond3A_175 = arith.cmpi ne, %convert_element_type3A_173, %cond3A_174 : i32
      scf.if %cond3A_175 {
        %ge3A = arith.constant 2 : i32
        %ge3A_209 = arith.cmpi sge, %add3A_146, %ge3A : i32
        %convert_element_type3A_210 = arith.extui %ge3A_209 : i1 to i32
        %cond3A_211 = arith.constant 0 : i32
        %cond3A_212 = arith.cmpi ne, %convert_element_type3A_210, %cond3A_211 : i32
        scf.if %cond3A_212 {
          %sub3A = arith.constant 2 : i32
          %sub3A_226 = arith.subi %add3A_146, %sub3A : i32
          %dma_wait3A_227 = arith.constant 0 : i32
          %dma_wait3A_228 = arith.constant 0 : i32
          %dma_wait3A_229 = arith.constant 0 : i32
          %dma_wait3A_230 = tpu.memref_slice %arg9[%dma_wait3A_227, %dma_wait3A_228, %dma_wait3A_229] : memref<4x128x64xf32, #tpu.memory_space<vmem>> -> memref<1x128x64xf32, #tpu.memory_space<vmem>>
          %dma_wait3A_231 = tpu.memref_squeeze %dma_wait3A_230 : memref<1x128x64xf32, #tpu.memory_space<vmem>> -> memref<128x64xf32, #tpu.memory_space<vmem>>
          %dma_wait3A_232 = arith.constant 0 : i32
          %dma_wait3A_233 = tpu.memref_slice %arg8[%sub3A_226, %dma_wait3A_232] : memref<40x128xi32, #tpu.memory_space<vmem>> -> memref<1x128xi32, #tpu.memory_space<vmem>>
          %dma_wait3A_234 = tpu.memref_squeeze %dma_wait3A_233 : memref<1x128xi32, #tpu.memory_space<vmem>> -> memref<128xi32, #tpu.memory_space<vmem>>
          %dma_wait3A_235 = arith.constant 0 : i32
          %dma_wait3A_236 = arith.constant 0 : i32
          %dma_wait3A_237 = tpu.memref_slice %arg18[%dma_wait3A_235, %dma_wait3A_236] : memref<10240x64xf32, #tpu.memory_space<vmem_shared>> -> memref<10240x64xf32, #tpu.memory_space<vmem_shared>>
          tpu.wait_indirect_dma semaphore(%arg14 : memref<!tpu.dma_semaphore, #tpu.memory_space<semaphore_mem>>) src(%dma_wait3A_231 : memref<128x64xf32, #tpu.memory_space<vmem>>) dst(%dma_wait3A_237 : memref<10240x64xf32, #tpu.memory_space<vmem_shared>>)
        } else {
        }
        %add3A_213 = arith.constant 2 : i32
        %add3A_214 = arith.addi %add3A_146, %add3A_213 : i32
        %dma_start3A_215 = arith.constant 0 : i32
        %dma_start3A_216 = arith.constant 0 : i32
        %dma_start3A_217 = arith.constant 0 : i32
        %dma_start3A_218 = tpu.memref_slice %arg9[%dma_start3A_215, %dma_start3A_216, %dma_start3A_217] : memref<4x128x64xf32, #tpu.memory_space<vmem>> -> memref<1x128x64xf32, #tpu.memory_space<vmem>>
        %dma_start3A_219 = tpu.memref_squeeze %dma_start3A_218 : memref<1x128x64xf32, #tpu.memory_space<vmem>> -> memref<128x64xf32, #tpu.memory_space<vmem>>
        %dma_start3A_220 = arith.constant 0 : i32
        %dma_start3A_221 = tpu.memref_slice %arg7[%add3A_214, %dma_start3A_220] : memref<40x128xi32, #tpu.memory_space<vmem>> -> memref<1x128xi32, #tpu.memory_space<vmem>>
        %dma_start3A_222 = tpu.memref_squeeze %dma_start3A_221 : memref<1x128xi32, #tpu.memory_space<vmem>> -> memref<128xi32, #tpu.memory_space<vmem>>
        %dma_start3A_223 = arith.constant 0 : i32
        %dma_start3A_224 = arith.constant 0 : i32
        %dma_start3A_225 = tpu.memref_slice %arg19[%dma_start3A_223, %dma_start3A_224] : memref<10240x64xf32, #tpu.memory_space<vmem_shared>> -> memref<10240x64xf32, #tpu.memory_space<vmem_shared>>
        tpu.enqueue_indirect_dma source(%dma_start3A_225 : memref<10240x64xf32, #tpu.memory_space<vmem_shared>>) target(%dma_start3A_219 : memref<128x64xf32, #tpu.memory_space<vmem>>) offsets(%dma_start3A_222 : memref<128xi32, #tpu.memory_space<vmem>>) semaphore(%arg10 : memref<!tpu.dma_semaphore, #tpu.memory_space<semaphore_mem>>)
      } else {
      }
      %mul3A_176 = arith.constant 4 : i32
      %mul3A_177 = arith.muli %mul3A_176, %scan3A_79 : i32
      %add3A_178 = arith.constant 3 : i32
      %add3A_179 = arith.addi %mul3A_177, %add3A_178 : i32
      %dma_wait3A_180 = arith.constant 3 : i32
      %dma_wait3A_181 = arith.constant 0 : i32
      %dma_wait3A_182 = arith.constant 0 : i32
      %dma_wait3A_183 = tpu.memref_slice %arg9[%dma_wait3A_180, %dma_wait3A_181, %dma_wait3A_182] : memref<4x128x64xf32, #tpu.memory_space<vmem>> -> memref<1x128x64xf32, #tpu.memory_space<vmem>>
      %dma_wait3A_184 = tpu.memref_squeeze %dma_wait3A_183 : memref<1x128x64xf32, #tpu.memory_space<vmem>> -> memref<128x64xf32, #tpu.memory_space<vmem>>
      %dma_wait3A_185 = arith.constant 0 : i32
      %dma_wait3A_186 = tpu.memref_slice %arg7[%add3A_179, %dma_wait3A_185] : memref<40x128xi32, #tpu.memory_space<vmem>> -> memref<1x128xi32, #tpu.memory_space<vmem>>
      %dma_wait3A_187 = tpu.memref_squeeze %dma_wait3A_186 : memref<1x128xi32, #tpu.memory_space<vmem>> -> memref<128xi32, #tpu.memory_space<vmem>>
      %dma_wait3A_188 = arith.constant 0 : i32
      %dma_wait3A_189 = arith.constant 0 : i32
      %dma_wait3A_190 = tpu.memref_slice %arg19[%dma_wait3A_188, %dma_wait3A_189] : memref<10240x64xf32, #tpu.memory_space<vmem_shared>> -> memref<10240x64xf32, #tpu.memory_space<vmem_shared>>
      tpu.wait_indirect_dma semaphore(%arg13 : memref<!tpu.dma_semaphore, #tpu.memory_space<semaphore_mem>>) src(%dma_wait3A_190 : memref<10240x64xf32, #tpu.memory_space<vmem_shared>>) dst(%dma_wait3A_184 : memref<128x64xf32, #tpu.memory_space<vmem>>)
      %dma_start3A_191 = arith.constant 3 : i32
      %dma_start3A_192 = arith.constant 0 : i32
      %dma_start3A_193 = arith.constant 0 : i32
      %dma_start3A_194 = tpu.memref_slice %arg9[%dma_start3A_191, %dma_start3A_192, %dma_start3A_193] : memref<4x128x64xf32, #tpu.memory_space<vmem>> -> memref<1x128x64xf32, #tpu.memory_space<vmem>>
      %dma_start3A_195 = tpu.memref_squeeze %dma_start3A_194 : memref<1x128x64xf32, #tpu.memory_space<vmem>> -> memref<128x64xf32, #tpu.memory_space<vmem>>
      %dma_start3A_196 = arith.constant 0 : i32
      %dma_start3A_197 = tpu.memref_slice %arg8[%add3A_179, %dma_start3A_196] : memref<40x128xi32, #tpu.memory_space<vmem>> -> memref<1x128xi32, #tpu.memory_space<vmem>>
      %dma_start3A_198 = tpu.memref_squeeze %dma_start3A_197 : memref<1x128xi32, #tpu.memory_space<vmem>> -> memref<128xi32, #tpu.memory_space<vmem>>
      %dma_start3A_199 = arith.constant 0 : i32
      %dma_start3A_200 = arith.constant 0 : i32
      %dma_start3A_201 = tpu.memref_slice %arg18[%dma_start3A_199, %dma_start3A_200] : memref<10240x64xf32, #tpu.memory_space<vmem_shared>> -> memref<10240x64xf32, #tpu.memory_space<vmem_shared>>
      tpu.enqueue_indirect_dma source(%dma_start3A_195 : memref<128x64xf32, #tpu.memory_space<vmem>>) target(%dma_start3A_201 : memref<10240x64xf32, #tpu.memory_space<vmem_shared>>) offsets(%dma_start3A_198 : memref<128xi32, #tpu.memory_space<vmem>>) semaphore(%arg17 : memref<!tpu.dma_semaphore, #tpu.memory_space<semaphore_mem>>) {add = true}
      %add3A_202 = arith.constant 2 : i32
      %add3A_203 = arith.addi %add3A_179, %add3A_202 : i32
      %lt3A_204 = arith.constant 40 : i32
      %lt3A_205 = arith.cmpi slt, %add3A_203, %lt3A_204 : i32
      %convert_element_type3A_206 = arith.extui %lt3A_205 : i1 to i32
      %cond3A_207 = arith.constant 0 : i32
      %cond3A_208 = arith.cmpi ne, %convert_element_type3A_206, %cond3A_207 : i32
      scf.if %cond3A_208 {
        %ge3A = arith.constant 2 : i32
        %ge3A_209 = arith.cmpi sge, %add3A_179, %ge3A : i32
        %convert_element_type3A_210 = arith.extui %ge3A_209 : i1 to i32
        %cond3A_211 = arith.constant 0 : i32
        %cond3A_212 = arith.cmpi ne, %convert_element_type3A_210, %cond3A_211 : i32
        scf.if %cond3A_212 {
          %sub3A = arith.constant 2 : i32
          %sub3A_226 = arith.subi %add3A_179, %sub3A : i32
          %dma_wait3A_227 = arith.constant 1 : i32
          %dma_wait3A_228 = arith.constant 0 : i32
          %dma_wait3A_229 = arith.constant 0 : i32
          %dma_wait3A_230 = tpu.memref_slice %arg9[%dma_wait3A_227, %dma_wait3A_228, %dma_wait3A_229] : memref<4x128x64xf32, #tpu.memory_space<vmem>> -> memref<1x128x64xf32, #tpu.memory_space<vmem>>
          %dma_wait3A_231 = tpu.memref_squeeze %dma_wait3A_230 : memref<1x128x64xf32, #tpu.memory_space<vmem>> -> memref<128x64xf32, #tpu.memory_space<vmem>>
          %dma_wait3A_232 = arith.constant 0 : i32
          %dma_wait3A_233 = tpu.memref_slice %arg8[%sub3A_226, %dma_wait3A_232] : memref<40x128xi32, #tpu.memory_space<vmem>> -> memref<1x128xi32, #tpu.memory_space<vmem>>
          %dma_wait3A_234 = tpu.memref_squeeze %dma_wait3A_233 : memref<1x128xi32, #tpu.memory_space<vmem>> -> memref<128xi32, #tpu.memory_space<vmem>>
          %dma_wait3A_235 = arith.constant 0 : i32
          %dma_wait3A_236 = arith.constant 0 : i32
          %dma_wait3A_237 = tpu.memref_slice %arg18[%dma_wait3A_235, %dma_wait3A_236] : memref<10240x64xf32, #tpu.memory_space<vmem_shared>> -> memref<10240x64xf32, #tpu.memory_space<vmem_shared>>
          tpu.wait_indirect_dma semaphore(%arg15 : memref<!tpu.dma_semaphore, #tpu.memory_space<semaphore_mem>>) src(%dma_wait3A_231 : memref<128x64xf32, #tpu.memory_space<vmem>>) dst(%dma_wait3A_237 : memref<10240x64xf32, #tpu.memory_space<vmem_shared>>)
        } else {
        }
        %add3A_213 = arith.constant 2 : i32
        %add3A_214 = arith.addi %add3A_179, %add3A_213 : i32
        %dma_start3A_215 = arith.constant 1 : i32
        %dma_start3A_216 = arith.constant 0 : i32
        %dma_start3A_217 = arith.constant 0 : i32
        %dma_start3A_218 = tpu.memref_slice %arg9[%dma_start3A_215, %dma_start3A_216, %dma_start3A_217] : memref<4x128x64xf32, #tpu.memory_space<vmem>> -> memref<1x128x64xf32, #tpu.memory_space<vmem>>
        %dma_start3A_219 = tpu.memref_squeeze %dma_start3A_218 : memref<1x128x64xf32, #tpu.memory_space<vmem>> -> memref<128x64xf32, #tpu.memory_space<vmem>>
        %dma_start3A_220 = arith.constant 0 : i32
        %dma_start3A_221 = tpu.memref_slice %arg7[%add3A_214, %dma_start3A_220] : memref<40x128xi32, #tpu.memory_space<vmem>> -> memref<1x128xi32, #tpu.memory_space<vmem>>
        %dma_start3A_222 = tpu.memref_squeeze %dma_start3A_221 : memref<1x128xi32, #tpu.memory_space<vmem>> -> memref<128xi32, #tpu.memory_space<vmem>>
        %dma_start3A_223 = arith.constant 0 : i32
        %dma_start3A_224 = arith.constant 0 : i32
        %dma_start3A_225 = tpu.memref_slice %arg19[%dma_start3A_223, %dma_start3A_224] : memref<10240x64xf32, #tpu.memory_space<vmem_shared>> -> memref<10240x64xf32, #tpu.memory_space<vmem_shared>>
        tpu.enqueue_indirect_dma source(%dma_start3A_225 : memref<10240x64xf32, #tpu.memory_space<vmem_shared>>) target(%dma_start3A_219 : memref<128x64xf32, #tpu.memory_space<vmem>>) offsets(%dma_start3A_222 : memref<128xi32, #tpu.memory_space<vmem>>) semaphore(%arg11 : memref<!tpu.dma_semaphore, #tpu.memory_space<semaphore_mem>>)
      } else {
      }
    }
    %scan3A_30 = arith.constant 10 : i32
    %dma_wait3A = arith.constant 0 : i32
    %dma_wait3A_31 = arith.constant 36 : i32
    %dma_wait3A_32 = arith.constant 0 : i32
    %dma_wait3A_33 = arith.constant 0 : i32
    %dma_wait3A_34 = tpu.memref_slice %arg9[%dma_wait3A, %dma_wait3A_32, %dma_wait3A_33] : memref<4x128x64xf32, #tpu.memory_space<vmem>> -> memref<1x128x64xf32, #tpu.memory_space<vmem>>
    %dma_wait3A_35 = tpu.memref_squeeze %dma_wait3A_34 : memref<1x128x64xf32, #tpu.memory_space<vmem>> -> memref<128x64xf32, #tpu.memory_space<vmem>>
    %dma_wait3A_36 = arith.constant 0 : i32
    %dma_wait3A_37 = tpu.memref_slice %arg8[%dma_wait3A_31, %dma_wait3A_36] : memref<40x128xi32, #tpu.memory_space<vmem>> -> memref<1x128xi32, #tpu.memory_space<vmem>>
    %dma_wait3A_38 = tpu.memref_squeeze %dma_wait3A_37 : memref<1x128xi32, #tpu.memory_space<vmem>> -> memref<128xi32, #tpu.memory_space<vmem>>
    %dma_wait3A_39 = arith.constant 0 : i32
    %dma_wait3A_40 = arith.constant 0 : i32
    %dma_wait3A_41 = tpu.memref_slice %arg18[%dma_wait3A_39, %dma_wait3A_40] : memref<10240x64xf32, #tpu.memory_space<vmem_shared>> -> memref<10240x64xf32, #tpu.memory_space<vmem_shared>>
    tpu.wait_indirect_dma semaphore(%arg14 : memref<!tpu.dma_semaphore, #tpu.memory_space<semaphore_mem>>) src(%dma_wait3A_35 : memref<128x64xf32, #tpu.memory_space<vmem>>) dst(%dma_wait3A_41 : memref<10240x64xf32, #tpu.memory_space<vmem_shared>>)
    %dma_wait3A_42 = arith.constant 1 : i32
    %dma_wait3A_43 = arith.constant 37 : i32
    %dma_wait3A_44 = arith.constant 0 : i32
    %dma_wait3A_45 = arith.constant 0 : i32
    %dma_wait3A_46 = tpu.memref_slice %arg9[%dma_wait3A_42, %dma_wait3A_44, %dma_wait3A_45] : memref<4x128x64xf32, #tpu.memory_space<vmem>> -> memref<1x128x64xf32, #tpu.memory_space<vmem>>
    %dma_wait3A_47 = tpu.memref_squeeze %dma_wait3A_46 : memref<1x128x64xf32, #tpu.memory_space<vmem>> -> memref<128x64xf32, #tpu.memory_space<vmem>>
    %dma_wait3A_48 = arith.constant 0 : i32
    %dma_wait3A_49 = tpu.memref_slice %arg8[%dma_wait3A_43, %dma_wait3A_48] : memref<40x128xi32, #tpu.memory_space<vmem>> -> memref<1x128xi32, #tpu.memory_space<vmem>>
    %dma_wait3A_50 = tpu.memref_squeeze %dma_wait3A_49 : memref<1x128xi32, #tpu.memory_space<vmem>> -> memref<128xi32, #tpu.memory_space<vmem>>
    %dma_wait3A_51 = arith.constant 0 : i32
    %dma_wait3A_52 = arith.constant 0 : i32
    %dma_wait3A_53 = tpu.memref_slice %arg18[%dma_wait3A_51, %dma_wait3A_52] : memref<10240x64xf32, #tpu.memory_space<vmem_shared>> -> memref<10240x64xf32, #tpu.memory_space<vmem_shared>>
    tpu.wait_indirect_dma semaphore(%arg15 : memref<!tpu.dma_semaphore, #tpu.memory_space<semaphore_mem>>) src(%dma_wait3A_47 : memref<128x64xf32, #tpu.memory_space<vmem>>) dst(%dma_wait3A_53 : memref<10240x64xf32, #tpu.memory_space<vmem_shared>>)
    %dma_wait3A_54 = arith.constant 2 : i32
    %dma_wait3A_55 = arith.constant 38 : i32
    %dma_wait3A_56 = arith.constant 0 : i32
    %dma_wait3A_57 = arith.constant 0 : i32
    %dma_wait3A_58 = tpu.memref_slice %arg9[%dma_wait3A_54, %dma_wait3A_56, %dma_wait3A_57] : memref<4x128x64xf32, #tpu.memory_space<vmem>> -> memref<1x128x64xf32, #tpu.memory_space<vmem>>
    %dma_wait3A_59 = tpu.memref_squeeze %dma_wait3A_58 : memref<1x128x64xf32, #tpu.memory_space<vmem>> -> memref<128x64xf32, #tpu.memory_space<vmem>>
    %dma_wait3A_60 = arith.constant 0 : i32
    %dma_wait3A_61 = tpu.memref_slice %arg8[%dma_wait3A_55, %dma_wait3A_60] : memref<40x128xi32, #tpu.memory_space<vmem>> -> memref<1x128xi32, #tpu.memory_space<vmem>>
    %dma_wait3A_62 = tpu.memref_squeeze %dma_wait3A_61 : memref<1x128xi32, #tpu.memory_space<vmem>> -> memref<128xi32, #tpu.memory_space<vmem>>
    %dma_wait3A_63 = arith.constant 0 : i32
    %dma_wait3A_64 = arith.constant 0 : i32
    %dma_wait3A_65 = tpu.memref_slice %arg18[%dma_wait3A_63, %dma_wait3A_64] : memref<10240x64xf32, #tpu.memory_space<vmem_shared>> -> memref<10240x64xf32, #tpu.memory_space<vmem_shared>>
    tpu.wait_indirect_dma semaphore(%arg16 : memref<!tpu.dma_semaphore, #tpu.memory_space<semaphore_mem>>) src(%dma_wait3A_59 : memref<128x64xf32, #tpu.memory_space<vmem>>) dst(%dma_wait3A_65 : memref<10240x64xf32, #tpu.memory_space<vmem_shared>>)
    %dma_wait3A_66 = arith.constant 3 : i32
    %dma_wait3A_67 = arith.constant 39 : i32
    %dma_wait3A_68 = arith.constant 0 : i32
    %dma_wait3A_69 = arith.constant 0 : i32
    %dma_wait3A_70 = tpu.memref_slice %arg9[%dma_wait3A_66, %dma_wait3A_68, %dma_wait3A_69] : memref<4x128x64xf32, #tpu.memory_space<vmem>> -> memref<1x128x64xf32, #tpu.memory_space<vmem>>
    %dma_wait3A_71 = tpu.memref_squeeze %dma_wait3A_70 : memref<1x128x64xf32, #tpu.memory_space<vmem>> -> memref<128x64xf32, #tpu.memory_space<vmem>>
    %dma_wait3A_72 = arith.constant 0 : i32
    %dma_wait3A_73 = tpu.memref_slice %arg8[%dma_wait3A_67, %dma_wait3A_72] : memref<40x128xi32, #tpu.memory_space<vmem>> -> memref<1x128xi32, #tpu.memory_space<vmem>>
    %dma_wait3A_74 = tpu.memref_squeeze %dma_wait3A_73 : memref<1x128xi32, #tpu.memory_space<vmem>> -> memref<128xi32, #tpu.memory_space<vmem>>
    %dma_wait3A_75 = arith.constant 0 : i32
    %dma_wait3A_76 = arith.constant 0 : i32
    %dma_wait3A_77 = tpu.memref_slice %arg18[%dma_wait3A_75, %dma_wait3A_76] : memref<10240x64xf32, #tpu.memory_space<vmem_shared>> -> memref<10240x64xf32, #tpu.memory_space<vmem_shared>>
    tpu.wait_indirect_dma semaphore(%arg17 : memref<!tpu.dma_semaphore, #tpu.memory_space<semaphore_mem>>) src(%dma_wait3A_71 : memref<128x64xf32, #tpu.memory_space<vmem>>) dst(%dma_wait3A_77 : memref<10240x64xf32, #tpu.memory_space<vmem_shared>>)
    %barrier3A_78 = arith.constant 0 : index
    tpu.barrier barrier_id(%barrier3A_78)
    "tpu.region"() ({
      %run_scoped3A = tpu.sem_alloc : memref<!tpu.dma_semaphore, #tpu.memory_space<semaphore_mem>>
      %dma_start3A_79 = arith.constant 0 : i32
      %dma_start3A_80 = arith.constant 0 : i32
      %dma_start3A_81 = tpu.memref_slice %arg6[%arg0, %dma_start3A_79, %dma_start3A_80] : memref<2x10240x64xf32, #tpu.memory_space<hbm>> -> memref<1x10240x64xf32, #tpu.memory_space<hbm>>
      %dma_start3A_82 = tpu.memref_squeeze %dma_start3A_81 : memref<1x10240x64xf32, #tpu.memory_space<hbm>> -> memref<10240x64xf32, #tpu.memory_space<hbm>>
      %dma_start3A_83 = arith.constant 0 : i32
      %dma_start3A_84 = tpu.memref_slice %dma_start3A_82[%mul3A_2, %dma_start3A_83] : memref<10240x64xf32, #tpu.memory_space<hbm>> -> memref<640x64xf32, #tpu.memory_space<hbm>>
      %dma_start3A_85 = arith.constant 0 : i32
      %dma_start3A_86 = tpu.memref_slice %arg18[%mul3A_2, %dma_start3A_85] : memref<10240x64xf32, #tpu.memory_space<vmem_shared>> -> memref<640x64xf32, #tpu.memory_space<vmem_shared>>
      tpu.enqueue_dma source(%dma_start3A_86 : memref<640x64xf32, #tpu.memory_space<vmem_shared>>) target(%dma_start3A_84 : memref<640x64xf32, #tpu.memory_space<hbm>>) target_semaphore(%run_scoped3A : memref<!tpu.dma_semaphore, #tpu.memory_space<semaphore_mem>>)
      %dma_wait3A_87 = arith.constant 0 : i32
      %dma_wait3A_88 = arith.constant 0 : i32
      %dma_wait3A_89 = tpu.memref_slice %arg6[%arg0, %dma_wait3A_87, %dma_wait3A_88] : memref<2x10240x64xf32, #tpu.memory_space<hbm>> -> memref<1x10240x64xf32, #tpu.memory_space<hbm>>
      %dma_wait3A_90 = tpu.memref_squeeze %dma_wait3A_89 : memref<1x10240x64xf32, #tpu.memory_space<hbm>> -> memref<10240x64xf32, #tpu.memory_space<hbm>>
      %dma_wait3A_91 = arith.constant 0 : i32
      %dma_wait3A_92 = tpu.memref_slice %dma_wait3A_90[%mul3A_2, %dma_wait3A_91] : memref<10240x64xf32, #tpu.memory_space<hbm>> -> memref<640x64xf32, #tpu.memory_space<hbm>>
      %dma_wait3A_93 = arith.constant 0 : i32
      %dma_wait3A_94 = tpu.memref_slice %arg18[%mul3A_2, %dma_wait3A_93] : memref<10240x64xf32, #tpu.memory_space<vmem_shared>> -> memref<640x64xf32, #tpu.memory_space<vmem_shared>>
      tpu.wait_dma2 semaphore(%run_scoped3A : memref<!tpu.dma_semaphore, #tpu.memory_space<semaphore_mem>>) src(%dma_wait3A_94 : memref<640x64xf32, #tpu.memory_space<vmem_shared>>) dst(%dma_wait3A_92 : memref<640x64xf32, #tpu.memory_space<hbm>>)
      tpu.yield
    }) : () -> ()
    return
  }
}

#map = affine_map<(d0, d1) -> (0, 0)>
#map1 = affine_map<(d0, d1) -> (0, 0, 0)>
module attributes {stable_mosaic.version = 14 : i64} {
  func.func @_deg_body(%arg0: i32, %arg1: i32, %arg2: memref<10240x16xf32, #tpu.memory_space<hbm>>, %arg3: memref<32x40x128xi32, #tpu.memory_space<hbm>>, %arg4: memref<2x10240x16xf32, #tpu.memory_space<hbm>>, %arg5: memref<128x16xf32, #tpu.memory_space<vmem>>, %arg6: memref<40x128xi32, #tpu.memory_space<vmem>>, %arg7: memref<10240x16xf32, #tpu.memory_space<vmem_shared>>) attributes {dimension_semantics = [#tpu.dimension_semantics<core_parallel>, #tpu.dimension_semantics<subcore_parallel>], iteration_bounds = array<i64: 2, 16>, scalar_prefetch = 0 : i64, scratch_operands = 3 : i64, tpu.core_type = #tpu.core_type<sc_vector_subcore>, window_params = [{transform_indices = #map}, {transform_indices = #map1}, {transform_indices = #map1}]} {
    %mul3A = arith.constant 2 : i32
    %mul3A_0 = arith.muli %arg1, %mul3A : i32
    %add3A = arith.addi %mul3A_0, %arg0 : i32
    %mul3A_1 = arith.constant 640 : i32
    %mul3A_2 = arith.muli %arg1, %mul3A_1 : i32
    "tpu.region"() ({
      %run_scoped3A = tpu.sem_alloc : memref<!tpu.dma_semaphore, #tpu.memory_space<semaphore_mem>>
      %dma_start3A = arith.constant 0 : i32
      %dma_start3A_15 = tpu.memref_slice %arg7[%mul3A_2, %dma_start3A] : memref<10240x16xf32, #tpu.memory_space<vmem_shared>> -> memref<640x16xf32, #tpu.memory_space<vmem_shared>>
      %dma_start3A_16 = arith.constant 0 : i32
      %dma_start3A_17 = tpu.memref_slice %arg2[%mul3A_2, %dma_start3A_16] : memref<10240x16xf32, #tpu.memory_space<hbm>> -> memref<640x16xf32, #tpu.memory_space<hbm>>
      tpu.enqueue_dma source(%dma_start3A_17 : memref<640x16xf32, #tpu.memory_space<hbm>>) target(%dma_start3A_15 : memref<640x16xf32, #tpu.memory_space<vmem_shared>>) target_semaphore(%run_scoped3A : memref<!tpu.dma_semaphore, #tpu.memory_space<semaphore_mem>>)
      %dma_wait3A = arith.constant 0 : i32
      %dma_wait3A_18 = tpu.memref_slice %arg7[%mul3A_2, %dma_wait3A] : memref<10240x16xf32, #tpu.memory_space<vmem_shared>> -> memref<640x16xf32, #tpu.memory_space<vmem_shared>>
      %dma_wait3A_19 = arith.constant 0 : i32
      %dma_wait3A_20 = tpu.memref_slice %arg2[%mul3A_2, %dma_wait3A_19] : memref<10240x16xf32, #tpu.memory_space<hbm>> -> memref<640x16xf32, #tpu.memory_space<hbm>>
      tpu.wait_dma2 semaphore(%run_scoped3A : memref<!tpu.dma_semaphore, #tpu.memory_space<semaphore_mem>>) src(%dma_wait3A_20 : memref<640x16xf32, #tpu.memory_space<hbm>>) dst(%dma_wait3A_18 : memref<640x16xf32, #tpu.memory_space<vmem_shared>>)
      tpu.yield
    }) : () -> ()
    "tpu.region"() ({
      %run_scoped3A = tpu.sem_alloc : memref<!tpu.dma_semaphore, #tpu.memory_space<semaphore_mem>>
      %dma_start3A = arith.constant 0 : i32
      %dma_start3A_15 = arith.constant 0 : i32
      %dma_start3A_16 = tpu.memref_slice %arg3[%add3A, %dma_start3A, %dma_start3A_15] : memref<32x40x128xi32, #tpu.memory_space<hbm>> -> memref<1x40x128xi32, #tpu.memory_space<hbm>>
      %dma_start3A_17 = tpu.memref_squeeze %dma_start3A_16 : memref<1x40x128xi32, #tpu.memory_space<hbm>> -> memref<40x128xi32, #tpu.memory_space<hbm>>
      %dma_start3A_18 = arith.constant 0 : i32
      %dma_start3A_19 = arith.constant 0 : i32
      %dma_start3A_20 = tpu.memref_slice %arg3[%add3A, %dma_start3A_18, %dma_start3A_19] : memref<32x40x128xi32, #tpu.memory_space<hbm>> -> memref<1x40x128xi32, #tpu.memory_space<hbm>>
      %dma_start3A_21 = tpu.memref_squeeze %dma_start3A_20 : memref<1x40x128xi32, #tpu.memory_space<hbm>> -> memref<40x128xi32, #tpu.memory_space<hbm>>
      tpu.enqueue_dma source(%dma_start3A_21 : memref<40x128xi32, #tpu.memory_space<hbm>>) target(%arg6 : memref<40x128xi32, #tpu.memory_space<vmem>>) target_semaphore(%run_scoped3A : memref<!tpu.dma_semaphore, #tpu.memory_space<semaphore_mem>>)
      %dma_wait3A = arith.constant 0 : i32
      %dma_wait3A_22 = arith.constant 0 : i32
      %dma_wait3A_23 = tpu.memref_slice %arg3[%add3A, %dma_wait3A, %dma_wait3A_22] : memref<32x40x128xi32, #tpu.memory_space<hbm>> -> memref<1x40x128xi32, #tpu.memory_space<hbm>>
      %dma_wait3A_24 = tpu.memref_squeeze %dma_wait3A_23 : memref<1x40x128xi32, #tpu.memory_space<hbm>> -> memref<40x128xi32, #tpu.memory_space<hbm>>
      %dma_wait3A_25 = arith.constant 0 : i32
      %dma_wait3A_26 = arith.constant 0 : i32
      %dma_wait3A_27 = tpu.memref_slice %arg3[%add3A, %dma_wait3A_25, %dma_wait3A_26] : memref<32x40x128xi32, #tpu.memory_space<hbm>> -> memref<1x40x128xi32, #tpu.memory_space<hbm>>
      %dma_wait3A_28 = tpu.memref_squeeze %dma_wait3A_27 : memref<1x40x128xi32, #tpu.memory_space<hbm>> -> memref<40x128xi32, #tpu.memory_space<hbm>>
      tpu.wait_dma2 semaphore(%run_scoped3A : memref<!tpu.dma_semaphore, #tpu.memory_space<semaphore_mem>>) src(%dma_wait3A_28 : memref<40x128xi32, #tpu.memory_space<hbm>>) dst(%arg6 : memref<40x128xi32, #tpu.memory_space<vmem>>)
      tpu.yield
    }) : () -> ()
    %scan3A = arith.constant 0 : i32
    %scan3A_3 = arith.constant 0 : i32
    %scan3A_4 = arith.constant 128 : i32
    %scan3A_5 = arith.addi %scan3A_3, %scan3A_4 : i32
    %scan3A_6 = arith.constant 1 : i32
    scf.for %scan3A_15 = %scan3A_3 to %scan3A_5 step %scan3A_6  : i32 {
      %broadcast_in_dim3A = arith.constant 1.000000e+00 : f32
      %broadcast_in_dim3A_16 = vector.broadcast %broadcast_in_dim3A : f32 to vector<16xf32>
      %swap3A = arith.index_cast %scan3A_15 : i32 to index
      %swap3A_17 = arith.constant 0 : index
      %swap3A_18 = tpu.vector_load %arg5[%swap3A, %swap3A_17] {strides = array<i32>} : memref<128x16xf32, #tpu.memory_space<vmem>>, vector<1x16xf32>,
      %swap3A_19 = vector.shape_cast %swap3A_18 : vector<1x16xf32> to vector<16xf32>
      %swap3A_20 = vector.shape_cast %broadcast_in_dim3A_16 : vector<16xf32> to vector<1x16xf32>
      tpu.vector_store %arg5[%swap3A, %swap3A_17], %swap3A_20 {strides = array<i32>} : memref<128x16xf32, #tpu.memory_space<vmem>>, vector<1x16xf32>,
    }
    %scan3A_7 = arith.constant 128 : i32
    %barrier3A = arith.constant 0 : index
    tpu.barrier barrier_id(%barrier3A)
    %scan3A_8 = arith.constant 0 : i32
    %scan3A_9 = arith.constant 0 : i32
    %scan3A_10 = arith.constant 40 : i32
    %scan3A_11 = arith.addi %scan3A_9, %scan3A_10 : i32
    %scan3A_12 = arith.constant 1 : i32
    scf.for %scan3A_15 = %scan3A_9 to %scan3A_11 step %scan3A_12  : i32 {
      "tpu.region"() ({
        %run_scoped3A = tpu.sem_alloc : memref<!tpu.dma_semaphore, #tpu.memory_space<semaphore_mem>>
        %dma_start3A = arith.constant 0 : i32
        %dma_start3A_16 = tpu.memref_slice %arg6[%scan3A_15, %dma_start3A] : memref<40x128xi32, #tpu.memory_space<vmem>> -> memref<1x128xi32, #tpu.memory_space<vmem>>
        %dma_start3A_17 = tpu.memref_squeeze %dma_start3A_16 : memref<1x128xi32, #tpu.memory_space<vmem>> -> memref<128xi32, #tpu.memory_space<vmem>>
        %dma_start3A_18 = arith.constant 0 : i32
        %dma_start3A_19 = arith.constant 0 : i32
        %dma_start3A_20 = tpu.memref_slice %arg7[%dma_start3A_18, %dma_start3A_19] : memref<10240x16xf32, #tpu.memory_space<vmem_shared>> -> memref<10240x16xf32, #tpu.memory_space<vmem_shared>>
        tpu.enqueue_indirect_dma source(%arg5 : memref<128x16xf32, #tpu.memory_space<vmem>>) target(%dma_start3A_20 : memref<10240x16xf32, #tpu.memory_space<vmem_shared>>) offsets(%dma_start3A_17 : memref<128xi32, #tpu.memory_space<vmem>>) semaphore(%run_scoped3A : memref<!tpu.dma_semaphore, #tpu.memory_space<semaphore_mem>>) {add = true}
        %dma_wait3A = arith.constant 0 : i32
        %dma_wait3A_21 = tpu.memref_slice %arg6[%scan3A_15, %dma_wait3A] : memref<40x128xi32, #tpu.memory_space<vmem>> -> memref<1x128xi32, #tpu.memory_space<vmem>>
        %dma_wait3A_22 = tpu.memref_squeeze %dma_wait3A_21 : memref<1x128xi32, #tpu.memory_space<vmem>> -> memref<128xi32, #tpu.memory_space<vmem>>
        %dma_wait3A_23 = arith.constant 0 : i32
        %dma_wait3A_24 = arith.constant 0 : i32
        %dma_wait3A_25 = tpu.memref_slice %arg7[%dma_wait3A_23, %dma_wait3A_24] : memref<10240x16xf32, #tpu.memory_space<vmem_shared>> -> memref<10240x16xf32, #tpu.memory_space<vmem_shared>>
        tpu.wait_indirect_dma semaphore(%run_scoped3A : memref<!tpu.dma_semaphore, #tpu.memory_space<semaphore_mem>>) src(%arg5 : memref<128x16xf32, #tpu.memory_space<vmem>>) dst(%dma_wait3A_25 : memref<10240x16xf32, #tpu.memory_space<vmem_shared>>)
        tpu.yield
      }) : () -> ()
    }
    %scan3A_13 = arith.constant 40 : i32
    %barrier3A_14 = arith.constant 0 : index
    tpu.barrier barrier_id(%barrier3A_14)
    "tpu.region"() ({
      %run_scoped3A = tpu.sem_alloc : memref<!tpu.dma_semaphore, #tpu.memory_space<semaphore_mem>>
      %dma_start3A = arith.constant 0 : i32
      %dma_start3A_15 = arith.constant 0 : i32
      %dma_start3A_16 = tpu.memref_slice %arg4[%arg0, %dma_start3A, %dma_start3A_15] : memref<2x10240x16xf32, #tpu.memory_space<hbm>> -> memref<1x10240x16xf32, #tpu.memory_space<hbm>>
      %dma_start3A_17 = tpu.memref_squeeze %dma_start3A_16 : memref<1x10240x16xf32, #tpu.memory_space<hbm>> -> memref<10240x16xf32, #tpu.memory_space<hbm>>
      %dma_start3A_18 = arith.constant 0 : i32
      %dma_start3A_19 = tpu.memref_slice %dma_start3A_17[%mul3A_2, %dma_start3A_18] : memref<10240x16xf32, #tpu.memory_space<hbm>> -> memref<640x16xf32, #tpu.memory_space<hbm>>
      %dma_start3A_20 = arith.constant 0 : i32
      %dma_start3A_21 = tpu.memref_slice %arg7[%mul3A_2, %dma_start3A_20] : memref<10240x16xf32, #tpu.memory_space<vmem_shared>> -> memref<640x16xf32, #tpu.memory_space<vmem_shared>>
      tpu.enqueue_dma source(%dma_start3A_21 : memref<640x16xf32, #tpu.memory_space<vmem_shared>>) target(%dma_start3A_19 : memref<640x16xf32, #tpu.memory_space<hbm>>) target_semaphore(%run_scoped3A : memref<!tpu.dma_semaphore, #tpu.memory_space<semaphore_mem>>)
      %dma_wait3A = arith.constant 0 : i32
      %dma_wait3A_22 = arith.constant 0 : i32
      %dma_wait3A_23 = tpu.memref_slice %arg4[%arg0, %dma_wait3A, %dma_wait3A_22] : memref<2x10240x16xf32, #tpu.memory_space<hbm>> -> memref<1x10240x16xf32, #tpu.memory_space<hbm>>
      %dma_wait3A_24 = tpu.memref_squeeze %dma_wait3A_23 : memref<1x10240x16xf32, #tpu.memory_space<hbm>> -> memref<10240x16xf32, #tpu.memory_space<hbm>>
      %dma_wait3A_25 = arith.constant 0 : i32
      %dma_wait3A_26 = tpu.memref_slice %dma_wait3A_24[%mul3A_2, %dma_wait3A_25] : memref<10240x16xf32, #tpu.memory_space<hbm>> -> memref<640x16xf32, #tpu.memory_space<hbm>>
      %dma_wait3A_27 = arith.constant 0 : i32
      %dma_wait3A_28 = tpu.memref_slice %arg7[%mul3A_2, %dma_wait3A_27] : memref<10240x16xf32, #tpu.memory_space<vmem_shared>> -> memref<640x16xf32, #tpu.memory_space<vmem_shared>>
      tpu.wait_dma2 semaphore(%run_scoped3A : memref<!tpu.dma_semaphore, #tpu.memory_space<semaphore_mem>>) src(%dma_wait3A_28 : memref<640x16xf32, #tpu.memory_space<vmem_shared>>) dst(%dma_wait3A_26 : memref<640x16xf32, #tpu.memory_space<hbm>>)
      tpu.yield
    }) : () -> ()
    return
  }
}

#map = affine_map<(d0, d1) -> (0, 0)>
#map1 = affine_map<(d0, d1) -> (0, 0, 0)>
module attributes {stable_mosaic.version = 14 : i64} {
  func.func @_prop_body(%arg0: i32, %arg1: i32, %arg2: memref<10240x64xf32, #tpu.memory_space<hbm>>, %arg3: memref<10240x64xf32, #tpu.memory_space<hbm>>, %arg4: memref<32x40x128xi32, #tpu.memory_space<hbm>>, %arg5: memref<32x40x128xi32, #tpu.memory_space<hbm>>, %arg6: memref<2x10240x64xf32, #tpu.memory_space<hbm>>, %arg7: memref<40x128xi32, #tpu.memory_space<vmem>>, %arg8: memref<40x128xi32, #tpu.memory_space<vmem>>, %arg9: memref<4x128x64xf32, #tpu.memory_space<vmem>>, %arg10: memref<!tpu.dma_semaphore, #tpu.memory_space<semaphore_mem>>, %arg11: memref<!tpu.dma_semaphore, #tpu.memory_space<semaphore_mem>>, %arg12: memref<!tpu.dma_semaphore, #tpu.memory_space<semaphore_mem>>, %arg13: memref<!tpu.dma_semaphore, #tpu.memory_space<semaphore_mem>>, %arg14: memref<!tpu.dma_semaphore, #tpu.memory_space<semaphore_mem>>, %arg15: memref<!tpu.dma_semaphore, #tpu.memory_space<semaphore_mem>>, %arg16: memref<!tpu.dma_semaphore, #tpu.memory_space<semaphore_mem>>, %arg17: memref<!tpu.dma_semaphore, #tpu.memory_space<semaphore_mem>>, %arg18: memref<10240x64xf32, #tpu.memory_space<vmem_shared>>, %arg19: memref<10240x64xf32, #tpu.memory_space<vmem_shared>>) attributes {dimension_semantics = [#tpu.dimension_semantics<core_parallel>, #tpu.dimension_semantics<subcore_parallel>], iteration_bounds = array<i64: 2, 16>, scalar_prefetch = 0 : i64, scratch_operands = 13 : i64, tpu.core_type = #tpu.core_type<sc_vector_subcore>, window_params = [{transform_indices = #map}, {transform_indices = #map}, {transform_indices = #map1}, {transform_indices = #map1}, {transform_indices = #map1}]} {
    %mul3A = arith.constant 2 : i32
    %mul3A_0 = arith.muli %arg1, %mul3A : i32
    %add3A = arith.addi %mul3A_0, %arg0 : i32
    %mul3A_1 = arith.constant 640 : i32
    %mul3A_2 = arith.muli %arg1, %mul3A_1 : i32
    "tpu.region"() ({
      %run_scoped3A = tpu.sem_alloc : memref<!tpu.dma_semaphore, #tpu.memory_space<semaphore_mem>>
      %dma_start3A_79 = arith.constant 0 : i32
      %dma_start3A_80 = tpu.memref_slice %arg18[%mul3A_2, %dma_start3A_79] : memref<10240x64xf32, #tpu.memory_space<vmem_shared>> -> memref<640x64xf32, #tpu.memory_space<vmem_shared>>
      %dma_start3A_81 = arith.constant 0 : i32
      %dma_start3A_82 = tpu.memref_slice %arg3[%mul3A_2, %dma_start3A_81] : memref<10240x64xf32, #tpu.memory_space<hbm>> -> memref<640x64xf32, #tpu.memory_space<hbm>>
      tpu.enqueue_dma source(%dma_start3A_82 : memref<640x64xf32, #tpu.memory_space<hbm>>) target(%dma_start3A_80 : memref<640x64xf32, #tpu.memory_space<vmem_shared>>) target_semaphore(%run_scoped3A : memref<!tpu.dma_semaphore, #tpu.memory_space<semaphore_mem>>)
      %dma_wait3A_83 = arith.constant 0 : i32
      %dma_wait3A_84 = tpu.memref_slice %arg18[%mul3A_2, %dma_wait3A_83] : memref<10240x64xf32, #tpu.memory_space<vmem_shared>> -> memref<640x64xf32, #tpu.memory_space<vmem_shared>>
      %dma_wait3A_85 = arith.constant 0 : i32
      %dma_wait3A_86 = tpu.memref_slice %arg3[%mul3A_2, %dma_wait3A_85] : memref<10240x64xf32, #tpu.memory_space<hbm>> -> memref<640x64xf32, #tpu.memory_space<hbm>>
      tpu.wait_dma2 semaphore(%run_scoped3A : memref<!tpu.dma_semaphore, #tpu.memory_space<semaphore_mem>>) src(%dma_wait3A_86 : memref<640x64xf32, #tpu.memory_space<hbm>>) dst(%dma_wait3A_84 : memref<640x64xf32, #tpu.memory_space<vmem_shared>>)
      tpu.yield
    }) : () -> ()
    "tpu.region"() ({
      %run_scoped3A = tpu.sem_alloc : memref<!tpu.dma_semaphore, #tpu.memory_space<semaphore_mem>>
      %dma_start3A_79 = arith.constant 0 : i32
      %dma_start3A_80 = tpu.memref_slice %arg19[%mul3A_2, %dma_start3A_79] : memref<10240x64xf32, #tpu.memory_space<vmem_shared>> -> memref<640x64xf32, #tpu.memory_space<vmem_shared>>
      %dma_start3A_81 = arith.constant 0 : i32
      %dma_start3A_82 = tpu.memref_slice %arg2[%mul3A_2, %dma_start3A_81] : memref<10240x64xf32, #tpu.memory_space<hbm>> -> memref<640x64xf32, #tpu.memory_space<hbm>>
      tpu.enqueue_dma source(%dma_start3A_82 : memref<640x64xf32, #tpu.memory_space<hbm>>) target(%dma_start3A_80 : memref<640x64xf32, #tpu.memory_space<vmem_shared>>) target_semaphore(%run_scoped3A : memref<!tpu.dma_semaphore, #tpu.memory_space<semaphore_mem>>)
      %dma_wait3A_83 = arith.constant 0 : i32
      %dma_wait3A_84 = tpu.memref_slice %arg19[%mul3A_2, %dma_wait3A_83] : memref<10240x64xf32, #tpu.memory_space<vmem_shared>> -> memref<640x64xf32, #tpu.memory_space<vmem_shared>>
      %dma_wait3A_85 = arith.constant 0 : i32
      %dma_wait3A_86 = tpu.memref_slice %arg2[%mul3A_2, %dma_wait3A_85] : memref<10240x64xf32, #tpu.memory_space<hbm>> -> memref<640x64xf32, #tpu.memory_space<hbm>>
      tpu.wait_dma2 semaphore(%run_scoped3A : memref<!tpu.dma_semaphore, #tpu.memory_space<semaphore_mem>>) src(%dma_wait3A_86 : memref<640x64xf32, #tpu.memory_space<hbm>>) dst(%dma_wait3A_84 : memref<640x64xf32, #tpu.memory_space<vmem_shared>>)
      tpu.yield
    }) : () -> ()
    "tpu.region"() ({
      %run_scoped3A = tpu.sem_alloc : memref<!tpu.dma_semaphore, #tpu.memory_space<semaphore_mem>>
      %dma_start3A_79 = arith.constant 0 : i32
      %dma_start3A_80 = arith.constant 0 : i32
      %dma_start3A_81 = tpu.memref_slice %arg4[%add3A, %dma_start3A_79, %dma_start3A_80] : memref<32x40x128xi32, #tpu.memory_space<hbm>> -> memref<1x40x128xi32, #tpu.memory_space<hbm>>
      %dma_start3A_82 = tpu.memref_squeeze %dma_start3A_81 : memref<1x40x128xi32, #tpu.memory_space<hbm>> -> memref<40x128xi32, #tpu.memory_space<hbm>>
      %dma_start3A_83 = arith.constant 0 : i32
      %dma_start3A_84 = arith.constant 0 : i32
      %dma_start3A_85 = tpu.memref_slice %arg4[%add3A, %dma_start3A_83, %dma_start3A_84] : memref<32x40x128xi32, #tpu.memory_space<hbm>> -> memref<1x40x128xi32, #tpu.memory_space<hbm>>
      %dma_start3A_86 = tpu.memref_squeeze %dma_start3A_85 : memref<1x40x128xi32, #tpu.memory_space<hbm>> -> memref<40x128xi32, #tpu.memory_space<hbm>>
      tpu.enqueue_dma source(%dma_start3A_86 : memref<40x128xi32, #tpu.memory_space<hbm>>) target(%arg7 : memref<40x128xi32, #tpu.memory_space<vmem>>) target_semaphore(%run_scoped3A : memref<!tpu.dma_semaphore, #tpu.memory_space<semaphore_mem>>)
      %dma_wait3A_87 = arith.constant 0 : i32
      %dma_wait3A_88 = arith.constant 0 : i32
      %dma_wait3A_89 = tpu.memref_slice %arg4[%add3A, %dma_wait3A_87, %dma_wait3A_88] : memref<32x40x128xi32, #tpu.memory_space<hbm>> -> memref<1x40x128xi32, #tpu.memory_space<hbm>>
      %dma_wait3A_90 = tpu.memref_squeeze %dma_wait3A_89 : memref<1x40x128xi32, #tpu.memory_space<hbm>> -> memref<40x128xi32, #tpu.memory_space<hbm>>
      %dma_wait3A_91 = arith.constant 0 : i32
      %dma_wait3A_92 = arith.constant 0 : i32
      %dma_wait3A_93 = tpu.memref_slice %arg4[%add3A, %dma_wait3A_91, %dma_wait3A_92] : memref<32x40x128xi32, #tpu.memory_space<hbm>> -> memref<1x40x128xi32, #tpu.memory_space<hbm>>
      %dma_wait3A_94 = tpu.memref_squeeze %dma_wait3A_93 : memref<1x40x128xi32, #tpu.memory_space<hbm>> -> memref<40x128xi32, #tpu.memory_space<hbm>>
      tpu.wait_dma2 semaphore(%run_scoped3A : memref<!tpu.dma_semaphore, #tpu.memory_space<semaphore_mem>>) src(%dma_wait3A_94 : memref<40x128xi32, #tpu.memory_space<hbm>>) dst(%arg7 : memref<40x128xi32, #tpu.memory_space<vmem>>)
      tpu.yield
    }) : () -> ()
    "tpu.region"() ({
      %run_scoped3A = tpu.sem_alloc : memref<!tpu.dma_semaphore, #tpu.memory_space<semaphore_mem>>
      %dma_start3A_79 = arith.constant 0 : i32
      %dma_start3A_80 = arith.constant 0 : i32
      %dma_start3A_81 = tpu.memref_slice %arg5[%add3A, %dma_start3A_79, %dma_start3A_80] : memref<32x40x128xi32, #tpu.memory_space<hbm>> -> memref<1x40x128xi32, #tpu.memory_space<hbm>>
      %dma_start3A_82 = tpu.memref_squeeze %dma_start3A_81 : memref<1x40x128xi32, #tpu.memory_space<hbm>> -> memref<40x128xi32, #tpu.memory_space<hbm>>
      %dma_start3A_83 = arith.constant 0 : i32
      %dma_start3A_84 = arith.constant 0 : i32
      %dma_start3A_85 = tpu.memref_slice %arg5[%add3A, %dma_start3A_83, %dma_start3A_84] : memref<32x40x128xi32, #tpu.memory_space<hbm>> -> memref<1x40x128xi32, #tpu.memory_space<hbm>>
      %dma_start3A_86 = tpu.memref_squeeze %dma_start3A_85 : memref<1x40x128xi32, #tpu.memory_space<hbm>> -> memref<40x128xi32, #tpu.memory_space<hbm>>
      tpu.enqueue_dma source(%dma_start3A_86 : memref<40x128xi32, #tpu.memory_space<hbm>>) target(%arg8 : memref<40x128xi32, #tpu.memory_space<vmem>>) target_semaphore(%run_scoped3A : memref<!tpu.dma_semaphore, #tpu.memory_space<semaphore_mem>>)
      %dma_wait3A_87 = arith.constant 0 : i32
      %dma_wait3A_88 = arith.constant 0 : i32
      %dma_wait3A_89 = tpu.memref_slice %arg5[%add3A, %dma_wait3A_87, %dma_wait3A_88] : memref<32x40x128xi32, #tpu.memory_space<hbm>> -> memref<1x40x128xi32, #tpu.memory_space<hbm>>
      %dma_wait3A_90 = tpu.memref_squeeze %dma_wait3A_89 : memref<1x40x128xi32, #tpu.memory_space<hbm>> -> memref<40x128xi32, #tpu.memory_space<hbm>>
      %dma_wait3A_91 = arith.constant 0 : i32
      %dma_wait3A_92 = arith.constant 0 : i32
      %dma_wait3A_93 = tpu.memref_slice %arg5[%add3A, %dma_wait3A_91, %dma_wait3A_92] : memref<32x40x128xi32, #tpu.memory_space<hbm>> -> memref<1x40x128xi32, #tpu.memory_space<hbm>>
      %dma_wait3A_94 = tpu.memref_squeeze %dma_wait3A_93 : memref<1x40x128xi32, #tpu.memory_space<hbm>> -> memref<40x128xi32, #tpu.memory_space<hbm>>
      tpu.wait_dma2 semaphore(%run_scoped3A : memref<!tpu.dma_semaphore, #tpu.memory_space<semaphore_mem>>) src(%dma_wait3A_94 : memref<40x128xi32, #tpu.memory_space<hbm>>) dst(%arg8 : memref<40x128xi32, #tpu.memory_space<vmem>>)
      tpu.yield
    }) : () -> ()
    %barrier3A = arith.constant 0 : index
    tpu.barrier barrier_id(%barrier3A)
    %dma_start3A = arith.constant 0 : i32
    %dma_start3A_3 = arith.constant 0 : i32
    %dma_start3A_4 = arith.constant 0 : i32
    %dma_start3A_5 = arith.constant 0 : i32
    %dma_start3A_6 = tpu.memref_slice %arg9[%dma_start3A_3, %dma_start3A_4, %dma_start3A_5] : memref<4x128x64xf32, #tpu.memory_space<vmem>> -> memref<1x128x64xf32, #tpu.memory_space<vmem>>
    %dma_start3A_7 = tpu.memref_squeeze %dma_start3A_6 : memref<1x128x64xf32, #tpu.memory_space<vmem>> -> memref<128x64xf32, #tpu.memory_space<vmem>>
    %dma_start3A_8 = arith.constant 0 : i32
    %dma_start3A_9 = tpu.memref_slice %arg7[%dma_start3A, %dma_start3A_8] : memref<40x128xi32, #tpu.memory_space<vmem>> -> memref<1x128xi32, #tpu.memory_space<vmem>>
    %dma_start3A_10 = tpu.memref_squeeze %dma_start3A_9 : memref<1x128xi32, #tpu.memory_space<vmem>> -> memref<128xi32, #tpu.memory_space<vmem>>
    %dma_start3A_11 = arith.constant 0 : i32
    %dma_start3A_12 = arith.constant 0 : i32
    %dma_start3A_13 = tpu.memref_slice %arg19[%dma_start3A_11, %dma_start3A_12] : memref<10240x64xf32, #tpu.memory_space<vmem_shared>> -> memref<10240x64xf32, #tpu.memory_space<vmem_shared>>
    tpu.enqueue_indirect_dma source(%dma_start3A_13 : memref<10240x64xf32, #tpu.memory_space<vmem_shared>>) target(%dma_start3A_7 : memref<128x64xf32, #tpu.memory_space<vmem>>) offsets(%dma_start3A_10 : memref<128xi32, #tpu.memory_space<vmem>>) semaphore(%arg10 : memref<!tpu.dma_semaphore, #tpu.memory_space<semaphore_mem>>)
    %dma_start3A_14 = arith.constant 1 : i32
    %dma_start3A_15 = arith.constant 1 : i32
    %dma_start3A_16 = arith.constant 0 : i32
    %dma_start3A_17 = arith.constant 0 : i32
    %dma_start3A_18 = tpu.memref_slice %arg9[%dma_start3A_15, %dma_start3A_16, %dma_start3A_17] : memref<4x128x64xf32, #tpu.memory_space<vmem>> -> memref<1x128x64xf32, #tpu.memory_space<vmem>>
    %dma_start3A_19 = tpu.memref_squeeze %dma_start3A_18 : memref<1x128x64xf32, #tpu.memory_space<vmem>> -> memref<128x64xf32, #tpu.memory_space<vmem>>
    %dma_start3A_20 = arith.constant 0 : i32
    %dma_start3A_21 = tpu.memref_slice %arg7[%dma_start3A_14, %dma_start3A_20] : memref<40x128xi32, #tpu.memory_space<vmem>> -> memref<1x128xi32, #tpu.memory_space<vmem>>
    %dma_start3A_22 = tpu.memref_squeeze %dma_start3A_21 : memref<1x128xi32, #tpu.memory_space<vmem>> -> memref<128xi32, #tpu.memory_space<vmem>>
    %dma_start3A_23 = arith.constant 0 : i32
    %dma_start3A_24 = arith.constant 0 : i32
    %dma_start3A_25 = tpu.memref_slice %arg19[%dma_start3A_23, %dma_start3A_24] : memref<10240x64xf32, #tpu.memory_space<vmem_shared>> -> memref<10240x64xf32, #tpu.memory_space<vmem_shared>>
    tpu.enqueue_indirect_dma source(%dma_start3A_25 : memref<10240x64xf32, #tpu.memory_space<vmem_shared>>) target(%dma_start3A_19 : memref<128x64xf32, #tpu.memory_space<vmem>>) offsets(%dma_start3A_22 : memref<128xi32, #tpu.memory_space<vmem>>) semaphore(%arg11 : memref<!tpu.dma_semaphore, #tpu.memory_space<semaphore_mem>>)
    %scan3A = arith.constant 0 : i32
    %scan3A_26 = arith.constant 0 : i32
    %scan3A_27 = arith.constant 10 : i32
    %scan3A_28 = arith.addi %scan3A_26, %scan3A_27 : i32
    %scan3A_29 = arith.constant 1 : i32
    scf.for %scan3A_79 = %scan3A_26 to %scan3A_28 step %scan3A_29  : i32 {
      %mul3A_80 = arith.constant 4 : i32
      %mul3A_81 = arith.muli %mul3A_80, %scan3A_79 : i32
      %add3A_82 = arith.constant 0 : i32
      %add3A_83 = arith.addi %mul3A_81, %add3A_82 : i32
      %dma_wait3A_84 = arith.constant 0 : i32
      %dma_wait3A_85 = arith.constant 0 : i32
      %dma_wait3A_86 = arith.constant 0 : i32
      %dma_wait3A_87 = tpu.memref_slice %arg9[%dma_wait3A_84, %dma_wait3A_85, %dma_wait3A_86] : memref<4x128x64xf32, #tpu.memory_space<vmem>> -> memref<1x128x64xf32, #tpu.memory_space<vmem>>
      %dma_wait3A_88 = tpu.memref_squeeze %dma_wait3A_87 : memref<1x128x64xf32, #tpu.memory_space<vmem>> -> memref<128x64xf32, #tpu.memory_space<vmem>>
      %dma_wait3A_89 = arith.constant 0 : i32
      %dma_wait3A_90 = tpu.memref_slice %arg7[%add3A_83, %dma_wait3A_89] : memref<40x128xi32, #tpu.memory_space<vmem>> -> memref<1x128xi32, #tpu.memory_space<vmem>>
      %dma_wait3A_91 = tpu.memref_squeeze %dma_wait3A_90 : memref<1x128xi32, #tpu.memory_space<vmem>> -> memref<128xi32, #tpu.memory_space<vmem>>
      %dma_wait3A_92 = arith.constant 0 : i32
      %dma_wait3A_93 = arith.constant 0 : i32
      %dma_wait3A_94 = tpu.memref_slice %arg19[%dma_wait3A_92, %dma_wait3A_93] : memref<10240x64xf32, #tpu.memory_space<vmem_shared>> -> memref<10240x64xf32, #tpu.memory_space<vmem_shared>>
      tpu.wait_indirect_dma semaphore(%arg10 : memref<!tpu.dma_semaphore, #tpu.memory_space<semaphore_mem>>) src(%dma_wait3A_94 : memref<10240x64xf32, #tpu.memory_space<vmem_shared>>) dst(%dma_wait3A_88 : memref<128x64xf32, #tpu.memory_space<vmem>>)
      %dma_start3A_95 = arith.constant 0 : i32
      %dma_start3A_96 = arith.constant 0 : i32
      %dma_start3A_97 = arith.constant 0 : i32
      %dma_start3A_98 = tpu.memref_slice %arg9[%dma_start3A_95, %dma_start3A_96, %dma_start3A_97] : memref<4x128x64xf32, #tpu.memory_space<vmem>> -> memref<1x128x64xf32, #tpu.memory_space<vmem>>
      %dma_start3A_99 = tpu.memref_squeeze %dma_start3A_98 : memref<1x128x64xf32, #tpu.memory_space<vmem>> -> memref<128x64xf32, #tpu.memory_space<vmem>>
      %dma_start3A_100 = arith.constant 0 : i32
      %dma_start3A_101 = tpu.memref_slice %arg8[%add3A_83, %dma_start3A_100] : memref<40x128xi32, #tpu.memory_space<vmem>> -> memref<1x128xi32, #tpu.memory_space<vmem>>
      %dma_start3A_102 = tpu.memref_squeeze %dma_start3A_101 : memref<1x128xi32, #tpu.memory_space<vmem>> -> memref<128xi32, #tpu.memory_space<vmem>>
      %dma_start3A_103 = arith.constant 0 : i32
      %dma_start3A_104 = arith.constant 0 : i32
      %dma_start3A_105 = tpu.memref_slice %arg18[%dma_start3A_103, %dma_start3A_104] : memref<10240x64xf32, #tpu.memory_space<vmem_shared>> -> memref<10240x64xf32, #tpu.memory_space<vmem_shared>>
      tpu.enqueue_indirect_dma source(%dma_start3A_99 : memref<128x64xf32, #tpu.memory_space<vmem>>) target(%dma_start3A_105 : memref<10240x64xf32, #tpu.memory_space<vmem_shared>>) offsets(%dma_start3A_102 : memref<128xi32, #tpu.memory_space<vmem>>) semaphore(%arg14 : memref<!tpu.dma_semaphore, #tpu.memory_space<semaphore_mem>>) {add = true}
      %add3A_106 = arith.constant 2 : i32
      %add3A_107 = arith.addi %add3A_83, %add3A_106 : i32
      %lt3A = arith.constant 40 : i32
      %lt3A_108 = arith.cmpi slt, %add3A_107, %lt3A : i32
      %convert_element_type3A = arith.extui %lt3A_108 : i1 to i32
      %cond3A = arith.constant 0 : i32
      %cond3A_109 = arith.cmpi ne, %convert_element_type3A, %cond3A : i32
      scf.if %cond3A_109 {
        %ge3A = arith.constant 2 : i32
        %ge3A_209 = arith.cmpi sge, %add3A_83, %ge3A : i32
        %convert_element_type3A_210 = arith.extui %ge3A_209 : i1 to i32
        %cond3A_211 = arith.constant 0 : i32
        %cond3A_212 = arith.cmpi ne, %convert_element_type3A_210, %cond3A_211 : i32
        scf.if %cond3A_212 {
          %sub3A = arith.constant 2 : i32
          %sub3A_226 = arith.subi %add3A_83, %sub3A : i32
          %dma_wait3A_227 = arith.constant 2 : i32
          %dma_wait3A_228 = arith.constant 0 : i32
          %dma_wait3A_229 = arith.constant 0 : i32
          %dma_wait3A_230 = tpu.memref_slice %arg9[%dma_wait3A_227, %dma_wait3A_228, %dma_wait3A_229] : memref<4x128x64xf32, #tpu.memory_space<vmem>> -> memref<1x128x64xf32, #tpu.memory_space<vmem>>
          %dma_wait3A_231 = tpu.memref_squeeze %dma_wait3A_230 : memref<1x128x64xf32, #tpu.memory_space<vmem>> -> memref<128x64xf32, #tpu.memory_space<vmem>>
          %dma_wait3A_232 = arith.constant 0 : i32
          %dma_wait3A_233 = tpu.memref_slice %arg8[%sub3A_226, %dma_wait3A_232] : memref<40x128xi32, #tpu.memory_space<vmem>> -> memref<1x128xi32, #tpu.memory_space<vmem>>
          %dma_wait3A_234 = tpu.memref_squeeze %dma_wait3A_233 : memref<1x128xi32, #tpu.memory_space<vmem>> -> memref<128xi32, #tpu.memory_space<vmem>>
          %dma_wait3A_235 = arith.constant 0 : i32
          %dma_wait3A_236 = arith.constant 0 : i32
          %dma_wait3A_237 = tpu.memref_slice %arg18[%dma_wait3A_235, %dma_wait3A_236] : memref<10240x64xf32, #tpu.memory_space<vmem_shared>> -> memref<10240x64xf32, #tpu.memory_space<vmem_shared>>
          tpu.wait_indirect_dma semaphore(%arg16 : memref<!tpu.dma_semaphore, #tpu.memory_space<semaphore_mem>>) src(%dma_wait3A_231 : memref<128x64xf32, #tpu.memory_space<vmem>>) dst(%dma_wait3A_237 : memref<10240x64xf32, #tpu.memory_space<vmem_shared>>)
        } else {
        }
        %add3A_213 = arith.constant 2 : i32
        %add3A_214 = arith.addi %add3A_83, %add3A_213 : i32
        %dma_start3A_215 = arith.constant 2 : i32
        %dma_start3A_216 = arith.constant 0 : i32
        %dma_start3A_217 = arith.constant 0 : i32
        %dma_start3A_218 = tpu.memref_slice %arg9[%dma_start3A_215, %dma_start3A_216, %dma_start3A_217] : memref<4x128x64xf32, #tpu.memory_space<vmem>> -> memref<1x128x64xf32, #tpu.memory_space<vmem>>
        %dma_start3A_219 = tpu.memref_squeeze %dma_start3A_218 : memref<1x128x64xf32, #tpu.memory_space<vmem>> -> memref<128x64xf32, #tpu.memory_space<vmem>>
        %dma_start3A_220 = arith.constant 0 : i32
        %dma_start3A_221 = tpu.memref_slice %arg7[%add3A_214, %dma_start3A_220] : memref<40x128xi32, #tpu.memory_space<vmem>> -> memref<1x128xi32, #tpu.memory_space<vmem>>
        %dma_start3A_222 = tpu.memref_squeeze %dma_start3A_221 : memref<1x128xi32, #tpu.memory_space<vmem>> -> memref<128xi32, #tpu.memory_space<vmem>>
        %dma_start3A_223 = arith.constant 0 : i32
        %dma_start3A_224 = arith.constant 0 : i32
        %dma_start3A_225 = tpu.memref_slice %arg19[%dma_start3A_223, %dma_start3A_224] : memref<10240x64xf32, #tpu.memory_space<vmem_shared>> -> memref<10240x64xf32, #tpu.memory_space<vmem_shared>>
        tpu.enqueue_indirect_dma source(%dma_start3A_225 : memref<10240x64xf32, #tpu.memory_space<vmem_shared>>) target(%dma_start3A_219 : memref<128x64xf32, #tpu.memory_space<vmem>>) offsets(%dma_start3A_222 : memref<128xi32, #tpu.memory_space<vmem>>) semaphore(%arg12 : memref<!tpu.dma_semaphore, #tpu.memory_space<semaphore_mem>>)
      } else {
      }
      %mul3A_110 = arith.constant 4 : i32
      %mul3A_111 = arith.muli %mul3A_110, %scan3A_79 : i32
      %add3A_112 = arith.constant 1 : i32
      %add3A_113 = arith.addi %mul3A_111, %add3A_112 : i32
      %dma_wait3A_114 = arith.constant 1 : i32
      %dma_wait3A_115 = arith.constant 0 : i32
      %dma_wait3A_116 = arith.constant 0 : i32
      %dma_wait3A_117 = tpu.memref_slice %arg9[%dma_wait3A_114, %dma_wait3A_115, %dma_wait3A_116] : memref<4x128x64xf32, #tpu.memory_space<vmem>> -> memref<1x128x64xf32, #tpu.memory_space<vmem>>
      %dma_wait3A_118 = tpu.memref_squeeze %dma_wait3A_117 : memref<1x128x64xf32, #tpu.memory_space<vmem>> -> memref<128x64xf32, #tpu.memory_space<vmem>>
      %dma_wait3A_119 = arith.constant 0 : i32
      %dma_wait3A_120 = tpu.memref_slice %arg7[%add3A_113, %dma_wait3A_119] : memref<40x128xi32, #tpu.memory_space<vmem>> -> memref<1x128xi32, #tpu.memory_space<vmem>>
      %dma_wait3A_121 = tpu.memref_squeeze %dma_wait3A_120 : memref<1x128xi32, #tpu.memory_space<vmem>> -> memref<128xi32, #tpu.memory_space<vmem>>
      %dma_wait3A_122 = arith.constant 0 : i32
      %dma_wait3A_123 = arith.constant 0 : i32
      %dma_wait3A_124 = tpu.memref_slice %arg19[%dma_wait3A_122, %dma_wait3A_123] : memref<10240x64xf32, #tpu.memory_space<vmem_shared>> -> memref<10240x64xf32, #tpu.memory_space<vmem_shared>>
      tpu.wait_indirect_dma semaphore(%arg11 : memref<!tpu.dma_semaphore, #tpu.memory_space<semaphore_mem>>) src(%dma_wait3A_124 : memref<10240x64xf32, #tpu.memory_space<vmem_shared>>) dst(%dma_wait3A_118 : memref<128x64xf32, #tpu.memory_space<vmem>>)
      %dma_start3A_125 = arith.constant 1 : i32
      %dma_start3A_126 = arith.constant 0 : i32
      %dma_start3A_127 = arith.constant 0 : i32
      %dma_start3A_128 = tpu.memref_slice %arg9[%dma_start3A_125, %dma_start3A_126, %dma_start3A_127] : memref<4x128x64xf32, #tpu.memory_space<vmem>> -> memref<1x128x64xf32, #tpu.memory_space<vmem>>
      %dma_start3A_129 = tpu.memref_squeeze %dma_start3A_128 : memref<1x128x64xf32, #tpu.memory_space<vmem>> -> memref<128x64xf32, #tpu.memory_space<vmem>>
      %dma_start3A_130 = arith.constant 0 : i32
      %dma_start3A_131 = tpu.memref_slice %arg8[%add3A_113, %dma_start3A_130] : memref<40x128xi32, #tpu.memory_space<vmem>> -> memref<1x128xi32, #tpu.memory_space<vmem>>
      %dma_start3A_132 = tpu.memref_squeeze %dma_start3A_131 : memref<1x128xi32, #tpu.memory_space<vmem>> -> memref<128xi32, #tpu.memory_space<vmem>>
      %dma_start3A_133 = arith.constant 0 : i32
      %dma_start3A_134 = arith.constant 0 : i32
      %dma_start3A_135 = tpu.memref_slice %arg18[%dma_start3A_133, %dma_start3A_134] : memref<10240x64xf32, #tpu.memory_space<vmem_shared>> -> memref<10240x64xf32, #tpu.memory_space<vmem_shared>>
      tpu.enqueue_indirect_dma source(%dma_start3A_129 : memref<128x64xf32, #tpu.memory_space<vmem>>) target(%dma_start3A_135 : memref<10240x64xf32, #tpu.memory_space<vmem_shared>>) offsets(%dma_start3A_132 : memref<128xi32, #tpu.memory_space<vmem>>) semaphore(%arg15 : memref<!tpu.dma_semaphore, #tpu.memory_space<semaphore_mem>>) {add = true}
      %add3A_136 = arith.constant 2 : i32
      %add3A_137 = arith.addi %add3A_113, %add3A_136 : i32
      %lt3A_138 = arith.constant 40 : i32
      %lt3A_139 = arith.cmpi slt, %add3A_137, %lt3A_138 : i32
      %convert_element_type3A_140 = arith.extui %lt3A_139 : i1 to i32
      %cond3A_141 = arith.constant 0 : i32
      %cond3A_142 = arith.cmpi ne, %convert_element_type3A_140, %cond3A_141 : i32
      scf.if %cond3A_142 {
        %ge3A = arith.constant 2 : i32
        %ge3A_209 = arith.cmpi sge, %add3A_113, %ge3A : i32
        %convert_element_type3A_210 = arith.extui %ge3A_209 : i1 to i32
        %cond3A_211 = arith.constant 0 : i32
        %cond3A_212 = arith.cmpi ne, %convert_element_type3A_210, %cond3A_211 : i32
        scf.if %cond3A_212 {
          %sub3A = arith.constant 2 : i32
          %sub3A_226 = arith.subi %add3A_113, %sub3A : i32
          %dma_wait3A_227 = arith.constant 3 : i32
          %dma_wait3A_228 = arith.constant 0 : i32
          %dma_wait3A_229 = arith.constant 0 : i32
          %dma_wait3A_230 = tpu.memref_slice %arg9[%dma_wait3A_227, %dma_wait3A_228, %dma_wait3A_229] : memref<4x128x64xf32, #tpu.memory_space<vmem>> -> memref<1x128x64xf32, #tpu.memory_space<vmem>>
          %dma_wait3A_231 = tpu.memref_squeeze %dma_wait3A_230 : memref<1x128x64xf32, #tpu.memory_space<vmem>> -> memref<128x64xf32, #tpu.memory_space<vmem>>
          %dma_wait3A_232 = arith.constant 0 : i32
          %dma_wait3A_233 = tpu.memref_slice %arg8[%sub3A_226, %dma_wait3A_232] : memref<40x128xi32, #tpu.memory_space<vmem>> -> memref<1x128xi32, #tpu.memory_space<vmem>>
          %dma_wait3A_234 = tpu.memref_squeeze %dma_wait3A_233 : memref<1x128xi32, #tpu.memory_space<vmem>> -> memref<128xi32, #tpu.memory_space<vmem>>
          %dma_wait3A_235 = arith.constant 0 : i32
          %dma_wait3A_236 = arith.constant 0 : i32
          %dma_wait3A_237 = tpu.memref_slice %arg18[%dma_wait3A_235, %dma_wait3A_236] : memref<10240x64xf32, #tpu.memory_space<vmem_shared>> -> memref<10240x64xf32, #tpu.memory_space<vmem_shared>>
          tpu.wait_indirect_dma semaphore(%arg17 : memref<!tpu.dma_semaphore, #tpu.memory_space<semaphore_mem>>) src(%dma_wait3A_231 : memref<128x64xf32, #tpu.memory_space<vmem>>) dst(%dma_wait3A_237 : memref<10240x64xf32, #tpu.memory_space<vmem_shared>>)
        } else {
        }
        %add3A_213 = arith.constant 2 : i32
        %add3A_214 = arith.addi %add3A_113, %add3A_213 : i32
        %dma_start3A_215 = arith.constant 3 : i32
        %dma_start3A_216 = arith.constant 0 : i32
        %dma_start3A_217 = arith.constant 0 : i32
        %dma_start3A_218 = tpu.memref_slice %arg9[%dma_start3A_215, %dma_start3A_216, %dma_start3A_217] : memref<4x128x64xf32, #tpu.memory_space<vmem>> -> memref<1x128x64xf32, #tpu.memory_space<vmem>>
        %dma_start3A_219 = tpu.memref_squeeze %dma_start3A_218 : memref<1x128x64xf32, #tpu.memory_space<vmem>> -> memref<128x64xf32, #tpu.memory_space<vmem>>
        %dma_start3A_220 = arith.constant 0 : i32
        %dma_start3A_221 = tpu.memref_slice %arg7[%add3A_214, %dma_start3A_220] : memref<40x128xi32, #tpu.memory_space<vmem>> -> memref<1x128xi32, #tpu.memory_space<vmem>>
        %dma_start3A_222 = tpu.memref_squeeze %dma_start3A_221 : memref<1x128xi32, #tpu.memory_space<vmem>> -> memref<128xi32, #tpu.memory_space<vmem>>
        %dma_start3A_223 = arith.constant 0 : i32
        %dma_start3A_224 = arith.constant 0 : i32
        %dma_start3A_225 = tpu.memref_slice %arg19[%dma_start3A_223, %dma_start3A_224] : memref<10240x64xf32, #tpu.memory_space<vmem_shared>> -> memref<10240x64xf32, #tpu.memory_space<vmem_shared>>
        tpu.enqueue_indirect_dma source(%dma_start3A_225 : memref<10240x64xf32, #tpu.memory_space<vmem_shared>>) target(%dma_start3A_219 : memref<128x64xf32, #tpu.memory_space<vmem>>) offsets(%dma_start3A_222 : memref<128xi32, #tpu.memory_space<vmem>>) semaphore(%arg13 : memref<!tpu.dma_semaphore, #tpu.memory_space<semaphore_mem>>)
      } else {
      }
      %mul3A_143 = arith.constant 4 : i32
      %mul3A_144 = arith.muli %mul3A_143, %scan3A_79 : i32
      %add3A_145 = arith.constant 2 : i32
      %add3A_146 = arith.addi %mul3A_144, %add3A_145 : i32
      %dma_wait3A_147 = arith.constant 2 : i32
      %dma_wait3A_148 = arith.constant 0 : i32
      %dma_wait3A_149 = arith.constant 0 : i32
      %dma_wait3A_150 = tpu.memref_slice %arg9[%dma_wait3A_147, %dma_wait3A_148, %dma_wait3A_149] : memref<4x128x64xf32, #tpu.memory_space<vmem>> -> memref<1x128x64xf32, #tpu.memory_space<vmem>>
      %dma_wait3A_151 = tpu.memref_squeeze %dma_wait3A_150 : memref<1x128x64xf32, #tpu.memory_space<vmem>> -> memref<128x64xf32, #tpu.memory_space<vmem>>
      %dma_wait3A_152 = arith.constant 0 : i32
      %dma_wait3A_153 = tpu.memref_slice %arg7[%add3A_146, %dma_wait3A_152] : memref<40x128xi32, #tpu.memory_space<vmem>> -> memref<1x128xi32, #tpu.memory_space<vmem>>
      %dma_wait3A_154 = tpu.memref_squeeze %dma_wait3A_153 : memref<1x128xi32, #tpu.memory_space<vmem>> -> memref<128xi32, #tpu.memory_space<vmem>>
      %dma_wait3A_155 = arith.constant 0 : i32
      %dma_wait3A_156 = arith.constant 0 : i32
      %dma_wait3A_157 = tpu.memref_slice %arg19[%dma_wait3A_155, %dma_wait3A_156] : memref<10240x64xf32, #tpu.memory_space<vmem_shared>> -> memref<10240x64xf32, #tpu.memory_space<vmem_shared>>
      tpu.wait_indirect_dma semaphore(%arg12 : memref<!tpu.dma_semaphore, #tpu.memory_space<semaphore_mem>>) src(%dma_wait3A_157 : memref<10240x64xf32, #tpu.memory_space<vmem_shared>>) dst(%dma_wait3A_151 : memref<128x64xf32, #tpu.memory_space<vmem>>)
      %dma_start3A_158 = arith.constant 2 : i32
      %dma_start3A_159 = arith.constant 0 : i32
      %dma_start3A_160 = arith.constant 0 : i32
      %dma_start3A_161 = tpu.memref_slice %arg9[%dma_start3A_158, %dma_start3A_159, %dma_start3A_160] : memref<4x128x64xf32, #tpu.memory_space<vmem>> -> memref<1x128x64xf32, #tpu.memory_space<vmem>>
      %dma_start3A_162 = tpu.memref_squeeze %dma_start3A_161 : memref<1x128x64xf32, #tpu.memory_space<vmem>> -> memref<128x64xf32, #tpu.memory_space<vmem>>
      %dma_start3A_163 = arith.constant 0 : i32
      %dma_start3A_164 = tpu.memref_slice %arg8[%add3A_146, %dma_start3A_163] : memref<40x128xi32, #tpu.memory_space<vmem>> -> memref<1x128xi32, #tpu.memory_space<vmem>>
      %dma_start3A_165 = tpu.memref_squeeze %dma_start3A_164 : memref<1x128xi32, #tpu.memory_space<vmem>> -> memref<128xi32, #tpu.memory_space<vmem>>
      %dma_start3A_166 = arith.constant 0 : i32
      %dma_start3A_167 = arith.constant 0 : i32
      %dma_start3A_168 = tpu.memref_slice %arg18[%dma_start3A_166, %dma_start3A_167] : memref<10240x64xf32, #tpu.memory_space<vmem_shared>> -> memref<10240x64xf32, #tpu.memory_space<vmem_shared>>
      tpu.enqueue_indirect_dma source(%dma_start3A_162 : memref<128x64xf32, #tpu.memory_space<vmem>>) target(%dma_start3A_168 : memref<10240x64xf32, #tpu.memory_space<vmem_shared>>) offsets(%dma_start3A_165 : memref<128xi32, #tpu.memory_space<vmem>>) semaphore(%arg16 : memref<!tpu.dma_semaphore, #tpu.memory_space<semaphore_mem>>) {add = true}
      %add3A_169 = arith.constant 2 : i32
      %add3A_170 = arith.addi %add3A_146, %add3A_169 : i32
      %lt3A_171 = arith.constant 40 : i32
      %lt3A_172 = arith.cmpi slt, %add3A_170, %lt3A_171 : i32
      %convert_element_type3A_173 = arith.extui %lt3A_172 : i1 to i32
      %cond3A_174 = arith.constant 0 : i32
      %cond3A_175 = arith.cmpi ne, %convert_element_type3A_173, %cond3A_174 : i32
      scf.if %cond3A_175 {
        %ge3A = arith.constant 2 : i32
        %ge3A_209 = arith.cmpi sge, %add3A_146, %ge3A : i32
        %convert_element_type3A_210 = arith.extui %ge3A_209 : i1 to i32
        %cond3A_211 = arith.constant 0 : i32
        %cond3A_212 = arith.cmpi ne, %convert_element_type3A_210, %cond3A_211 : i32
        scf.if %cond3A_212 {
          %sub3A = arith.constant 2 : i32
          %sub3A_226 = arith.subi %add3A_146, %sub3A : i32
          %dma_wait3A_227 = arith.constant 0 : i32
          %dma_wait3A_228 = arith.constant 0 : i32
          %dma_wait3A_229 = arith.constant 0 : i32
          %dma_wait3A_230 = tpu.memref_slice %arg9[%dma_wait3A_227, %dma_wait3A_228, %dma_wait3A_229] : memref<4x128x64xf32, #tpu.memory_space<vmem>> -> memref<1x128x64xf32, #tpu.memory_space<vmem>>
          %dma_wait3A_231 = tpu.memref_squeeze %dma_wait3A_230 : memref<1x128x64xf32, #tpu.memory_space<vmem>> -> memref<128x64xf32, #tpu.memory_space<vmem>>
          %dma_wait3A_232 = arith.constant 0 : i32
          %dma_wait3A_233 = tpu.memref_slice %arg8[%sub3A_226, %dma_wait3A_232] : memref<40x128xi32, #tpu.memory_space<vmem>> -> memref<1x128xi32, #tpu.memory_space<vmem>>
          %dma_wait3A_234 = tpu.memref_squeeze %dma_wait3A_233 : memref<1x128xi32, #tpu.memory_space<vmem>> -> memref<128xi32, #tpu.memory_space<vmem>>
          %dma_wait3A_235 = arith.constant 0 : i32
          %dma_wait3A_236 = arith.constant 0 : i32
          %dma_wait3A_237 = tpu.memref_slice %arg18[%dma_wait3A_235, %dma_wait3A_236] : memref<10240x64xf32, #tpu.memory_space<vmem_shared>> -> memref<10240x64xf32, #tpu.memory_space<vmem_shared>>
          tpu.wait_indirect_dma semaphore(%arg14 : memref<!tpu.dma_semaphore, #tpu.memory_space<semaphore_mem>>) src(%dma_wait3A_231 : memref<128x64xf32, #tpu.memory_space<vmem>>) dst(%dma_wait3A_237 : memref<10240x64xf32, #tpu.memory_space<vmem_shared>>)
        } else {
        }
        %add3A_213 = arith.constant 2 : i32
        %add3A_214 = arith.addi %add3A_146, %add3A_213 : i32
        %dma_start3A_215 = arith.constant 0 : i32
        %dma_start3A_216 = arith.constant 0 : i32
        %dma_start3A_217 = arith.constant 0 : i32
        %dma_start3A_218 = tpu.memref_slice %arg9[%dma_start3A_215, %dma_start3A_216, %dma_start3A_217] : memref<4x128x64xf32, #tpu.memory_space<vmem>> -> memref<1x128x64xf32, #tpu.memory_space<vmem>>
        %dma_start3A_219 = tpu.memref_squeeze %dma_start3A_218 : memref<1x128x64xf32, #tpu.memory_space<vmem>> -> memref<128x64xf32, #tpu.memory_space<vmem>>
        %dma_start3A_220 = arith.constant 0 : i32
        %dma_start3A_221 = tpu.memref_slice %arg7[%add3A_214, %dma_start3A_220] : memref<40x128xi32, #tpu.memory_space<vmem>> -> memref<1x128xi32, #tpu.memory_space<vmem>>
        %dma_start3A_222 = tpu.memref_squeeze %dma_start3A_221 : memref<1x128xi32, #tpu.memory_space<vmem>> -> memref<128xi32, #tpu.memory_space<vmem>>
        %dma_start3A_223 = arith.constant 0 : i32
        %dma_start3A_224 = arith.constant 0 : i32
        %dma_start3A_225 = tpu.memref_slice %arg19[%dma_start3A_223, %dma_start3A_224] : memref<10240x64xf32, #tpu.memory_space<vmem_shared>> -> memref<10240x64xf32, #tpu.memory_space<vmem_shared>>
        tpu.enqueue_indirect_dma source(%dma_start3A_225 : memref<10240x64xf32, #tpu.memory_space<vmem_shared>>) target(%dma_start3A_219 : memref<128x64xf32, #tpu.memory_space<vmem>>) offsets(%dma_start3A_222 : memref<128xi32, #tpu.memory_space<vmem>>) semaphore(%arg10 : memref<!tpu.dma_semaphore, #tpu.memory_space<semaphore_mem>>)
      } else {
      }
      %mul3A_176 = arith.constant 4 : i32
      %mul3A_177 = arith.muli %mul3A_176, %scan3A_79 : i32
      %add3A_178 = arith.constant 3 : i32
      %add3A_179 = arith.addi %mul3A_177, %add3A_178 : i32
      %dma_wait3A_180 = arith.constant 3 : i32
      %dma_wait3A_181 = arith.constant 0 : i32
      %dma_wait3A_182 = arith.constant 0 : i32
      %dma_wait3A_183 = tpu.memref_slice %arg9[%dma_wait3A_180, %dma_wait3A_181, %dma_wait3A_182] : memref<4x128x64xf32, #tpu.memory_space<vmem>> -> memref<1x128x64xf32, #tpu.memory_space<vmem>>
      %dma_wait3A_184 = tpu.memref_squeeze %dma_wait3A_183 : memref<1x128x64xf32, #tpu.memory_space<vmem>> -> memref<128x64xf32, #tpu.memory_space<vmem>>
      %dma_wait3A_185 = arith.constant 0 : i32
      %dma_wait3A_186 = tpu.memref_slice %arg7[%add3A_179, %dma_wait3A_185] : memref<40x128xi32, #tpu.memory_space<vmem>> -> memref<1x128xi32, #tpu.memory_space<vmem>>
      %dma_wait3A_187 = tpu.memref_squeeze %dma_wait3A_186 : memref<1x128xi32, #tpu.memory_space<vmem>> -> memref<128xi32, #tpu.memory_space<vmem>>
      %dma_wait3A_188 = arith.constant 0 : i32
      %dma_wait3A_189 = arith.constant 0 : i32
      %dma_wait3A_190 = tpu.memref_slice %arg19[%dma_wait3A_188, %dma_wait3A_189] : memref<10240x64xf32, #tpu.memory_space<vmem_shared>> -> memref<10240x64xf32, #tpu.memory_space<vmem_shared>>
      tpu.wait_indirect_dma semaphore(%arg13 : memref<!tpu.dma_semaphore, #tpu.memory_space<semaphore_mem>>) src(%dma_wait3A_190 : memref<10240x64xf32, #tpu.memory_space<vmem_shared>>) dst(%dma_wait3A_184 : memref<128x64xf32, #tpu.memory_space<vmem>>)
      %dma_start3A_191 = arith.constant 3 : i32
      %dma_start3A_192 = arith.constant 0 : i32
      %dma_start3A_193 = arith.constant 0 : i32
      %dma_start3A_194 = tpu.memref_slice %arg9[%dma_start3A_191, %dma_start3A_192, %dma_start3A_193] : memref<4x128x64xf32, #tpu.memory_space<vmem>> -> memref<1x128x64xf32, #tpu.memory_space<vmem>>
      %dma_start3A_195 = tpu.memref_squeeze %dma_start3A_194 : memref<1x128x64xf32, #tpu.memory_space<vmem>> -> memref<128x64xf32, #tpu.memory_space<vmem>>
      %dma_start3A_196 = arith.constant 0 : i32
      %dma_start3A_197 = tpu.memref_slice %arg8[%add3A_179, %dma_start3A_196] : memref<40x128xi32, #tpu.memory_space<vmem>> -> memref<1x128xi32, #tpu.memory_space<vmem>>
      %dma_start3A_198 = tpu.memref_squeeze %dma_start3A_197 : memref<1x128xi32, #tpu.memory_space<vmem>> -> memref<128xi32, #tpu.memory_space<vmem>>
      %dma_start3A_199 = arith.constant 0 : i32
      %dma_start3A_200 = arith.constant 0 : i32
      %dma_start3A_201 = tpu.memref_slice %arg18[%dma_start3A_199, %dma_start3A_200] : memref<10240x64xf32, #tpu.memory_space<vmem_shared>> -> memref<10240x64xf32, #tpu.memory_space<vmem_shared>>
      tpu.enqueue_indirect_dma source(%dma_start3A_195 : memref<128x64xf32, #tpu.memory_space<vmem>>) target(%dma_start3A_201 : memref<10240x64xf32, #tpu.memory_space<vmem_shared>>) offsets(%dma_start3A_198 : memref<128xi32, #tpu.memory_space<vmem>>) semaphore(%arg17 : memref<!tpu.dma_semaphore, #tpu.memory_space<semaphore_mem>>) {add = true}
      %add3A_202 = arith.constant 2 : i32
      %add3A_203 = arith.addi %add3A_179, %add3A_202 : i32
      %lt3A_204 = arith.constant 40 : i32
      %lt3A_205 = arith.cmpi slt, %add3A_203, %lt3A_204 : i32
      %convert_element_type3A_206 = arith.extui %lt3A_205 : i1 to i32
      %cond3A_207 = arith.constant 0 : i32
      %cond3A_208 = arith.cmpi ne, %convert_element_type3A_206, %cond3A_207 : i32
      scf.if %cond3A_208 {
        %ge3A = arith.constant 2 : i32
        %ge3A_209 = arith.cmpi sge, %add3A_179, %ge3A : i32
        %convert_element_type3A_210 = arith.extui %ge3A_209 : i1 to i32
        %cond3A_211 = arith.constant 0 : i32
        %cond3A_212 = arith.cmpi ne, %convert_element_type3A_210, %cond3A_211 : i32
        scf.if %cond3A_212 {
          %sub3A = arith.constant 2 : i32
          %sub3A_226 = arith.subi %add3A_179, %sub3A : i32
          %dma_wait3A_227 = arith.constant 1 : i32
          %dma_wait3A_228 = arith.constant 0 : i32
          %dma_wait3A_229 = arith.constant 0 : i32
          %dma_wait3A_230 = tpu.memref_slice %arg9[%dma_wait3A_227, %dma_wait3A_228, %dma_wait3A_229] : memref<4x128x64xf32, #tpu.memory_space<vmem>> -> memref<1x128x64xf32, #tpu.memory_space<vmem>>
          %dma_wait3A_231 = tpu.memref_squeeze %dma_wait3A_230 : memref<1x128x64xf32, #tpu.memory_space<vmem>> -> memref<128x64xf32, #tpu.memory_space<vmem>>
          %dma_wait3A_232 = arith.constant 0 : i32
          %dma_wait3A_233 = tpu.memref_slice %arg8[%sub3A_226, %dma_wait3A_232] : memref<40x128xi32, #tpu.memory_space<vmem>> -> memref<1x128xi32, #tpu.memory_space<vmem>>
          %dma_wait3A_234 = tpu.memref_squeeze %dma_wait3A_233 : memref<1x128xi32, #tpu.memory_space<vmem>> -> memref<128xi32, #tpu.memory_space<vmem>>
          %dma_wait3A_235 = arith.constant 0 : i32
          %dma_wait3A_236 = arith.constant 0 : i32
          %dma_wait3A_237 = tpu.memref_slice %arg18[%dma_wait3A_235, %dma_wait3A_236] : memref<10240x64xf32, #tpu.memory_space<vmem_shared>> -> memref<10240x64xf32, #tpu.memory_space<vmem_shared>>
          tpu.wait_indirect_dma semaphore(%arg15 : memref<!tpu.dma_semaphore, #tpu.memory_space<semaphore_mem>>) src(%dma_wait3A_231 : memref<128x64xf32, #tpu.memory_space<vmem>>) dst(%dma_wait3A_237 : memref<10240x64xf32, #tpu.memory_space<vmem_shared>>)
        } else {
        }
        %add3A_213 = arith.constant 2 : i32
        %add3A_214 = arith.addi %add3A_179, %add3A_213 : i32
        %dma_start3A_215 = arith.constant 1 : i32
        %dma_start3A_216 = arith.constant 0 : i32
        %dma_start3A_217 = arith.constant 0 : i32
        %dma_start3A_218 = tpu.memref_slice %arg9[%dma_start3A_215, %dma_start3A_216, %dma_start3A_217] : memref<4x128x64xf32, #tpu.memory_space<vmem>> -> memref<1x128x64xf32, #tpu.memory_space<vmem>>
        %dma_start3A_219 = tpu.memref_squeeze %dma_start3A_218 : memref<1x128x64xf32, #tpu.memory_space<vmem>> -> memref<128x64xf32, #tpu.memory_space<vmem>>
        %dma_start3A_220 = arith.constant 0 : i32
        %dma_start3A_221 = tpu.memref_slice %arg7[%add3A_214, %dma_start3A_220] : memref<40x128xi32, #tpu.memory_space<vmem>> -> memref<1x128xi32, #tpu.memory_space<vmem>>
        %dma_start3A_222 = tpu.memref_squeeze %dma_start3A_221 : memref<1x128xi32, #tpu.memory_space<vmem>> -> memref<128xi32, #tpu.memory_space<vmem>>
        %dma_start3A_223 = arith.constant 0 : i32
        %dma_start3A_224 = arith.constant 0 : i32
        %dma_start3A_225 = tpu.memref_slice %arg19[%dma_start3A_223, %dma_start3A_224] : memref<10240x64xf32, #tpu.memory_space<vmem_shared>> -> memref<10240x64xf32, #tpu.memory_space<vmem_shared>>
        tpu.enqueue_indirect_dma source(%dma_start3A_225 : memref<10240x64xf32, #tpu.memory_space<vmem_shared>>) target(%dma_start3A_219 : memref<128x64xf32, #tpu.memory_space<vmem>>) offsets(%dma_start3A_222 : memref<128xi32, #tpu.memory_space<vmem>>) semaphore(%arg11 : memref<!tpu.dma_semaphore, #tpu.memory_space<semaphore_mem>>)
      } else {
      }
    }
    %scan3A_30 = arith.constant 10 : i32
    %dma_wait3A = arith.constant 0 : i32
    %dma_wait3A_31 = arith.constant 36 : i32
    %dma_wait3A_32 = arith.constant 0 : i32
    %dma_wait3A_33 = arith.constant 0 : i32
    %dma_wait3A_34 = tpu.memref_slice %arg9[%dma_wait3A, %dma_wait3A_32, %dma_wait3A_33] : memref<4x128x64xf32, #tpu.memory_space<vmem>> -> memref<1x128x64xf32, #tpu.memory_space<vmem>>
    %dma_wait3A_35 = tpu.memref_squeeze %dma_wait3A_34 : memref<1x128x64xf32, #tpu.memory_space<vmem>> -> memref<128x64xf32, #tpu.memory_space<vmem>>
    %dma_wait3A_36 = arith.constant 0 : i32
    %dma_wait3A_37 = tpu.memref_slice %arg8[%dma_wait3A_31, %dma_wait3A_36] : memref<40x128xi32, #tpu.memory_space<vmem>> -> memref<1x128xi32, #tpu.memory_space<vmem>>
    %dma_wait3A_38 = tpu.memref_squeeze %dma_wait3A_37 : memref<1x128xi32, #tpu.memory_space<vmem>> -> memref<128xi32, #tpu.memory_space<vmem>>
    %dma_wait3A_39 = arith.constant 0 : i32
    %dma_wait3A_40 = arith.constant 0 : i32
    %dma_wait3A_41 = tpu.memref_slice %arg18[%dma_wait3A_39, %dma_wait3A_40] : memref<10240x64xf32, #tpu.memory_space<vmem_shared>> -> memref<10240x64xf32, #tpu.memory_space<vmem_shared>>
    tpu.wait_indirect_dma semaphore(%arg14 : memref<!tpu.dma_semaphore, #tpu.memory_space<semaphore_mem>>) src(%dma_wait3A_35 : memref<128x64xf32, #tpu.memory_space<vmem>>) dst(%dma_wait3A_41 : memref<10240x64xf32, #tpu.memory_space<vmem_shared>>)
    %dma_wait3A_42 = arith.constant 1 : i32
    %dma_wait3A_43 = arith.constant 37 : i32
    %dma_wait3A_44 = arith.constant 0 : i32
    %dma_wait3A_45 = arith.constant 0 : i32
    %dma_wait3A_46 = tpu.memref_slice %arg9[%dma_wait3A_42, %dma_wait3A_44, %dma_wait3A_45] : memref<4x128x64xf32, #tpu.memory_space<vmem>> -> memref<1x128x64xf32, #tpu.memory_space<vmem>>
    %dma_wait3A_47 = tpu.memref_squeeze %dma_wait3A_46 : memref<1x128x64xf32, #tpu.memory_space<vmem>> -> memref<128x64xf32, #tpu.memory_space<vmem>>
    %dma_wait3A_48 = arith.constant 0 : i32
    %dma_wait3A_49 = tpu.memref_slice %arg8[%dma_wait3A_43, %dma_wait3A_48] : memref<40x128xi32, #tpu.memory_space<vmem>> -> memref<1x128xi32, #tpu.memory_space<vmem>>
    %dma_wait3A_50 = tpu.memref_squeeze %dma_wait3A_49 : memref<1x128xi32, #tpu.memory_space<vmem>> -> memref<128xi32, #tpu.memory_space<vmem>>
    %dma_wait3A_51 = arith.constant 0 : i32
    %dma_wait3A_52 = arith.constant 0 : i32
    %dma_wait3A_53 = tpu.memref_slice %arg18[%dma_wait3A_51, %dma_wait3A_52] : memref<10240x64xf32, #tpu.memory_space<vmem_shared>> -> memref<10240x64xf32, #tpu.memory_space<vmem_shared>>
    tpu.wait_indirect_dma semaphore(%arg15 : memref<!tpu.dma_semaphore, #tpu.memory_space<semaphore_mem>>) src(%dma_wait3A_47 : memref<128x64xf32, #tpu.memory_space<vmem>>) dst(%dma_wait3A_53 : memref<10240x64xf32, #tpu.memory_space<vmem_shared>>)
    %dma_wait3A_54 = arith.constant 2 : i32
    %dma_wait3A_55 = arith.constant 38 : i32
    %dma_wait3A_56 = arith.constant 0 : i32
    %dma_wait3A_57 = arith.constant 0 : i32
    %dma_wait3A_58 = tpu.memref_slice %arg9[%dma_wait3A_54, %dma_wait3A_56, %dma_wait3A_57] : memref<4x128x64xf32, #tpu.memory_space<vmem>> -> memref<1x128x64xf32, #tpu.memory_space<vmem>>
    %dma_wait3A_59 = tpu.memref_squeeze %dma_wait3A_58 : memref<1x128x64xf32, #tpu.memory_space<vmem>> -> memref<128x64xf32, #tpu.memory_space<vmem>>
    %dma_wait3A_60 = arith.constant 0 : i32
    %dma_wait3A_61 = tpu.memref_slice %arg8[%dma_wait3A_55, %dma_wait3A_60] : memref<40x128xi32, #tpu.memory_space<vmem>> -> memref<1x128xi32, #tpu.memory_space<vmem>>
    %dma_wait3A_62 = tpu.memref_squeeze %dma_wait3A_61 : memref<1x128xi32, #tpu.memory_space<vmem>> -> memref<128xi32, #tpu.memory_space<vmem>>
    %dma_wait3A_63 = arith.constant 0 : i32
    %dma_wait3A_64 = arith.constant 0 : i32
    %dma_wait3A_65 = tpu.memref_slice %arg18[%dma_wait3A_63, %dma_wait3A_64] : memref<10240x64xf32, #tpu.memory_space<vmem_shared>> -> memref<10240x64xf32, #tpu.memory_space<vmem_shared>>
    tpu.wait_indirect_dma semaphore(%arg16 : memref<!tpu.dma_semaphore, #tpu.memory_space<semaphore_mem>>) src(%dma_wait3A_59 : memref<128x64xf32, #tpu.memory_space<vmem>>) dst(%dma_wait3A_65 : memref<10240x64xf32, #tpu.memory_space<vmem_shared>>)
    %dma_wait3A_66 = arith.constant 3 : i32
    %dma_wait3A_67 = arith.constant 39 : i32
    %dma_wait3A_68 = arith.constant 0 : i32
    %dma_wait3A_69 = arith.constant 0 : i32
    %dma_wait3A_70 = tpu.memref_slice %arg9[%dma_wait3A_66, %dma_wait3A_68, %dma_wait3A_69] : memref<4x128x64xf32, #tpu.memory_space<vmem>> -> memref<1x128x64xf32, #tpu.memory_space<vmem>>
    %dma_wait3A_71 = tpu.memref_squeeze %dma_wait3A_70 : memref<1x128x64xf32, #tpu.memory_space<vmem>> -> memref<128x64xf32, #tpu.memory_space<vmem>>
    %dma_wait3A_72 = arith.constant 0 : i32
    %dma_wait3A_73 = tpu.memref_slice %arg8[%dma_wait3A_67, %dma_wait3A_72] : memref<40x128xi32, #tpu.memory_space<vmem>> -> memref<1x128xi32, #tpu.memory_space<vmem>>
    %dma_wait3A_74 = tpu.memref_squeeze %dma_wait3A_73 : memref<1x128xi32, #tpu.memory_space<vmem>> -> memref<128xi32, #tpu.memory_space<vmem>>
    %dma_wait3A_75 = arith.constant 0 : i32
    %dma_wait3A_76 = arith.constant 0 : i32
    %dma_wait3A_77 = tpu.memref_slice %arg18[%dma_wait3A_75, %dma_wait3A_76] : memref<10240x64xf32, #tpu.memory_space<vmem_shared>> -> memref<10240x64xf32, #tpu.memory_space<vmem_shared>>
    tpu.wait_indirect_dma semaphore(%arg17 : memref<!tpu.dma_semaphore, #tpu.memory_space<semaphore_mem>>) src(%dma_wait3A_71 : memref<128x64xf32, #tpu.memory_space<vmem>>) dst(%dma_wait3A_77 : memref<10240x64xf32, #tpu.memory_space<vmem_shared>>)
    %barrier3A_78 = arith.constant 0 : index
    tpu.barrier barrier_id(%barrier3A_78)
    "tpu.region"() ({
      %run_scoped3A = tpu.sem_alloc : memref<!tpu.dma_semaphore, #tpu.memory_space<semaphore_mem>>
      %dma_start3A_79 = arith.constant 0 : i32
      %dma_start3A_80 = arith.constant 0 : i32
      %dma_start3A_81 = tpu.memref_slice %arg6[%arg0, %dma_start3A_79, %dma_start3A_80] : memref<2x10240x64xf32, #tpu.memory_space<hbm>> -> memref<1x10240x64xf32, #tpu.memory_space<hbm>>
      %dma_start3A_82 = tpu.memref_squeeze %dma_start3A_81 : memref<1x10240x64xf32, #tpu.memory_space<hbm>> -> memref<10240x64xf32, #tpu.memory_space<hbm>>
      %dma_start3A_83 = arith.constant 0 : i32
      %dma_start3A_84 = tpu.memref_slice %dma_start3A_82[%mul3A_2, %dma_start3A_83] : memref<10240x64xf32, #tpu.memory_space<hbm>> -> memref<640x64xf32, #tpu.memory_space<hbm>>
      %dma_start3A_85 = arith.constant 0 : i32
      %dma_start3A_86 = tpu.memref_slice %arg18[%mul3A_2, %dma_start3A_85] : memref<10240x64xf32, #tpu.memory_space<vmem_shared>> -> memref<640x64xf32, #tpu.memory_space<vmem_shared>>
      tpu.enqueue_dma source(%dma_start3A_86 : memref<640x64xf32, #tpu.memory_space<vmem_shared>>) target(%dma_start3A_84 : memref<640x64xf32, #tpu.memory_space<hbm>>) target_semaphore(%run_scoped3A : memref<!tpu.dma_semaphore, #tpu.memory_space<semaphore_mem>>)
      %dma_wait3A_87 = arith.constant 0 : i32
      %dma_wait3A_88 = arith.constant 0 : i32
      %dma_wait3A_89 = tpu.memref_slice %arg6[%arg0, %dma_wait3A_87, %dma_wait3A_88] : memref<2x10240x64xf32, #tpu.memory_space<hbm>> -> memref<1x10240x64xf32, #tpu.memory_space<hbm>>
      %dma_wait3A_90 = tpu.memref_squeeze %dma_wait3A_89 : memref<1x10240x64xf32, #tpu.memory_space<hbm>> -> memref<10240x64xf32, #tpu.memory_space<hbm>>
      %dma_wait3A_91 = arith.constant 0 : i32
      %dma_wait3A_92 = tpu.memref_slice %dma_wait3A_90[%mul3A_2, %dma_wait3A_91] : memref<10240x64xf32, #tpu.memory_space<hbm>> -> memref<640x64xf32, #tpu.memory_space<hbm>>
      %dma_wait3A_93 = arith.constant 0 : i32
      %dma_wait3A_94 = tpu.memref_slice %arg18[%mul3A_2, %dma_wait3A_93] : memref<10240x64xf32, #tpu.memory_space<vmem_shared>> -> memref<640x64xf32, #tpu.memory_space<vmem_shared>>
      tpu.wait_dma2 semaphore(%run_scoped3A : memref<!tpu.dma_semaphore, #tpu.memory_space<semaphore_mem>>) src(%dma_wait3A_94 : memref<640x64xf32, #tpu.memory_space<vmem_shared>>) dst(%dma_wait3A_92 : memref<640x64xf32, #tpu.memory_space<hbm>>)
      tpu.yield
    }) : () -> ()
    return
  }
}

#map = affine_map<(d0, d1) -> (0, 0)>
#map1 = affine_map<(d0, d1) -> (0, 0, 0)>
module attributes {stable_mosaic.version = 14 : i64} {
  func.func @_prop_body(%arg0: i32, %arg1: i32, %arg2: memref<10240x64xf32, #tpu.memory_space<hbm>>, %arg3: memref<10240x64xf32, #tpu.memory_space<hbm>>, %arg4: memref<32x40x128xi32, #tpu.memory_space<hbm>>, %arg5: memref<32x40x128xi32, #tpu.memory_space<hbm>>, %arg6: memref<2x10240x64xf32, #tpu.memory_space<hbm>>, %arg7: memref<40x128xi32, #tpu.memory_space<vmem>>, %arg8: memref<40x128xi32, #tpu.memory_space<vmem>>, %arg9: memref<4x128x64xf32, #tpu.memory_space<vmem>>, %arg10: memref<!tpu.dma_semaphore, #tpu.memory_space<semaphore_mem>>, %arg11: memref<!tpu.dma_semaphore, #tpu.memory_space<semaphore_mem>>, %arg12: memref<!tpu.dma_semaphore, #tpu.memory_space<semaphore_mem>>, %arg13: memref<!tpu.dma_semaphore, #tpu.memory_space<semaphore_mem>>, %arg14: memref<!tpu.dma_semaphore, #tpu.memory_space<semaphore_mem>>, %arg15: memref<!tpu.dma_semaphore, #tpu.memory_space<semaphore_mem>>, %arg16: memref<!tpu.dma_semaphore, #tpu.memory_space<semaphore_mem>>, %arg17: memref<!tpu.dma_semaphore, #tpu.memory_space<semaphore_mem>>, %arg18: memref<10240x64xf32, #tpu.memory_space<vmem_shared>>, %arg19: memref<10240x64xf32, #tpu.memory_space<vmem_shared>>) attributes {dimension_semantics = [#tpu.dimension_semantics<core_parallel>, #tpu.dimension_semantics<subcore_parallel>], iteration_bounds = array<i64: 2, 16>, scalar_prefetch = 0 : i64, scratch_operands = 13 : i64, tpu.core_type = #tpu.core_type<sc_vector_subcore>, window_params = [{transform_indices = #map}, {transform_indices = #map}, {transform_indices = #map1}, {transform_indices = #map1}, {transform_indices = #map1}]} {
    %mul3A = arith.constant 2 : i32
    %mul3A_0 = arith.muli %arg1, %mul3A : i32
    %add3A = arith.addi %mul3A_0, %arg0 : i32
    %mul3A_1 = arith.constant 640 : i32
    %mul3A_2 = arith.muli %arg1, %mul3A_1 : i32
    "tpu.region"() ({
      %run_scoped3A = tpu.sem_alloc : memref<!tpu.dma_semaphore, #tpu.memory_space<semaphore_mem>>
      %dma_start3A_79 = arith.constant 0 : i32
      %dma_start3A_80 = tpu.memref_slice %arg18[%mul3A_2, %dma_start3A_79] : memref<10240x64xf32, #tpu.memory_space<vmem_shared>> -> memref<640x64xf32, #tpu.memory_space<vmem_shared>>
      %dma_start3A_81 = arith.constant 0 : i32
      %dma_start3A_82 = tpu.memref_slice %arg3[%mul3A_2, %dma_start3A_81] : memref<10240x64xf32, #tpu.memory_space<hbm>> -> memref<640x64xf32, #tpu.memory_space<hbm>>
      tpu.enqueue_dma source(%dma_start3A_82 : memref<640x64xf32, #tpu.memory_space<hbm>>) target(%dma_start3A_80 : memref<640x64xf32, #tpu.memory_space<vmem_shared>>) target_semaphore(%run_scoped3A : memref<!tpu.dma_semaphore, #tpu.memory_space<semaphore_mem>>)
      %dma_wait3A_83 = arith.constant 0 : i32
      %dma_wait3A_84 = tpu.memref_slice %arg18[%mul3A_2, %dma_wait3A_83] : memref<10240x64xf32, #tpu.memory_space<vmem_shared>> -> memref<640x64xf32, #tpu.memory_space<vmem_shared>>
      %dma_wait3A_85 = arith.constant 0 : i32
      %dma_wait3A_86 = tpu.memref_slice %arg3[%mul3A_2, %dma_wait3A_85] : memref<10240x64xf32, #tpu.memory_space<hbm>> -> memref<640x64xf32, #tpu.memory_space<hbm>>
      tpu.wait_dma2 semaphore(%run_scoped3A : memref<!tpu.dma_semaphore, #tpu.memory_space<semaphore_mem>>) src(%dma_wait3A_86 : memref<640x64xf32, #tpu.memory_space<hbm>>) dst(%dma_wait3A_84 : memref<640x64xf32, #tpu.memory_space<vmem_shared>>)
      tpu.yield
    }) : () -> ()
    "tpu.region"() ({
      %run_scoped3A = tpu.sem_alloc : memref<!tpu.dma_semaphore, #tpu.memory_space<semaphore_mem>>
      %dma_start3A_79 = arith.constant 0 : i32
      %dma_start3A_80 = tpu.memref_slice %arg19[%mul3A_2, %dma_start3A_79] : memref<10240x64xf32, #tpu.memory_space<vmem_shared>> -> memref<640x64xf32, #tpu.memory_space<vmem_shared>>
      %dma_start3A_81 = arith.constant 0 : i32
      %dma_start3A_82 = tpu.memref_slice %arg2[%mul3A_2, %dma_start3A_81] : memref<10240x64xf32, #tpu.memory_space<hbm>> -> memref<640x64xf32, #tpu.memory_space<hbm>>
      tpu.enqueue_dma source(%dma_start3A_82 : memref<640x64xf32, #tpu.memory_space<hbm>>) target(%dma_start3A_80 : memref<640x64xf32, #tpu.memory_space<vmem_shared>>) target_semaphore(%run_scoped3A : memref<!tpu.dma_semaphore, #tpu.memory_space<semaphore_mem>>)
      %dma_wait3A_83 = arith.constant 0 : i32
      %dma_wait3A_84 = tpu.memref_slice %arg19[%mul3A_2, %dma_wait3A_83] : memref<10240x64xf32, #tpu.memory_space<vmem_shared>> -> memref<640x64xf32, #tpu.memory_space<vmem_shared>>
      %dma_wait3A_85 = arith.constant 0 : i32
      %dma_wait3A_86 = tpu.memref_slice %arg2[%mul3A_2, %dma_wait3A_85] : memref<10240x64xf32, #tpu.memory_space<hbm>> -> memref<640x64xf32, #tpu.memory_space<hbm>>
      tpu.wait_dma2 semaphore(%run_scoped3A : memref<!tpu.dma_semaphore, #tpu.memory_space<semaphore_mem>>) src(%dma_wait3A_86 : memref<640x64xf32, #tpu.memory_space<hbm>>) dst(%dma_wait3A_84 : memref<640x64xf32, #tpu.memory_space<vmem_shared>>)
      tpu.yield
    }) : () -> ()
    "tpu.region"() ({
      %run_scoped3A = tpu.sem_alloc : memref<!tpu.dma_semaphore, #tpu.memory_space<semaphore_mem>>
      %dma_start3A_79 = arith.constant 0 : i32
      %dma_start3A_80 = arith.constant 0 : i32
      %dma_start3A_81 = tpu.memref_slice %arg4[%add3A, %dma_start3A_79, %dma_start3A_80] : memref<32x40x128xi32, #tpu.memory_space<hbm>> -> memref<1x40x128xi32, #tpu.memory_space<hbm>>
      %dma_start3A_82 = tpu.memref_squeeze %dma_start3A_81 : memref<1x40x128xi32, #tpu.memory_space<hbm>> -> memref<40x128xi32, #tpu.memory_space<hbm>>
      %dma_start3A_83 = arith.constant 0 : i32
      %dma_start3A_84 = arith.constant 0 : i32
      %dma_start3A_85 = tpu.memref_slice %arg4[%add3A, %dma_start3A_83, %dma_start3A_84] : memref<32x40x128xi32, #tpu.memory_space<hbm>> -> memref<1x40x128xi32, #tpu.memory_space<hbm>>
      %dma_start3A_86 = tpu.memref_squeeze %dma_start3A_85 : memref<1x40x128xi32, #tpu.memory_space<hbm>> -> memref<40x128xi32, #tpu.memory_space<hbm>>
      tpu.enqueue_dma source(%dma_start3A_86 : memref<40x128xi32, #tpu.memory_space<hbm>>) target(%arg7 : memref<40x128xi32, #tpu.memory_space<vmem>>) target_semaphore(%run_scoped3A : memref<!tpu.dma_semaphore, #tpu.memory_space<semaphore_mem>>)
      %dma_wait3A_87 = arith.constant 0 : i32
      %dma_wait3A_88 = arith.constant 0 : i32
      %dma_wait3A_89 = tpu.memref_slice %arg4[%add3A, %dma_wait3A_87, %dma_wait3A_88] : memref<32x40x128xi32, #tpu.memory_space<hbm>> -> memref<1x40x128xi32, #tpu.memory_space<hbm>>
      %dma_wait3A_90 = tpu.memref_squeeze %dma_wait3A_89 : memref<1x40x128xi32, #tpu.memory_space<hbm>> -> memref<40x128xi32, #tpu.memory_space<hbm>>
      %dma_wait3A_91 = arith.constant 0 : i32
      %dma_wait3A_92 = arith.constant 0 : i32
      %dma_wait3A_93 = tpu.memref_slice %arg4[%add3A, %dma_wait3A_91, %dma_wait3A_92] : memref<32x40x128xi32, #tpu.memory_space<hbm>> -> memref<1x40x128xi32, #tpu.memory_space<hbm>>
      %dma_wait3A_94 = tpu.memref_squeeze %dma_wait3A_93 : memref<1x40x128xi32, #tpu.memory_space<hbm>> -> memref<40x128xi32, #tpu.memory_space<hbm>>
      tpu.wait_dma2 semaphore(%run_scoped3A : memref<!tpu.dma_semaphore, #tpu.memory_space<semaphore_mem>>) src(%dma_wait3A_94 : memref<40x128xi32, #tpu.memory_space<hbm>>) dst(%arg7 : memref<40x128xi32, #tpu.memory_space<vmem>>)
      tpu.yield
    }) : () -> ()
    "tpu.region"() ({
      %run_scoped3A = tpu.sem_alloc : memref<!tpu.dma_semaphore, #tpu.memory_space<semaphore_mem>>
      %dma_start3A_79 = arith.constant 0 : i32
      %dma_start3A_80 = arith.constant 0 : i32
      %dma_start3A_81 = tpu.memref_slice %arg5[%add3A, %dma_start3A_79, %dma_start3A_80] : memref<32x40x128xi32, #tpu.memory_space<hbm>> -> memref<1x40x128xi32, #tpu.memory_space<hbm>>
      %dma_start3A_82 = tpu.memref_squeeze %dma_start3A_81 : memref<1x40x128xi32, #tpu.memory_space<hbm>> -> memref<40x128xi32, #tpu.memory_space<hbm>>
      %dma_start3A_83 = arith.constant 0 : i32
      %dma_start3A_84 = arith.constant 0 : i32
      %dma_start3A_85 = tpu.memref_slice %arg5[%add3A, %dma_start3A_83, %dma_start3A_84] : memref<32x40x128xi32, #tpu.memory_space<hbm>> -> memref<1x40x128xi32, #tpu.memory_space<hbm>>
      %dma_start3A_86 = tpu.memref_squeeze %dma_start3A_85 : memref<1x40x128xi32, #tpu.memory_space<hbm>> -> memref<40x128xi32, #tpu.memory_space<hbm>>
      tpu.enqueue_dma source(%dma_start3A_86 : memref<40x128xi32, #tpu.memory_space<hbm>>) target(%arg8 : memref<40x128xi32, #tpu.memory_space<vmem>>) target_semaphore(%run_scoped3A : memref<!tpu.dma_semaphore, #tpu.memory_space<semaphore_mem>>)
      %dma_wait3A_87 = arith.constant 0 : i32
      %dma_wait3A_88 = arith.constant 0 : i32
      %dma_wait3A_89 = tpu.memref_slice %arg5[%add3A, %dma_wait3A_87, %dma_wait3A_88] : memref<32x40x128xi32, #tpu.memory_space<hbm>> -> memref<1x40x128xi32, #tpu.memory_space<hbm>>
      %dma_wait3A_90 = tpu.memref_squeeze %dma_wait3A_89 : memref<1x40x128xi32, #tpu.memory_space<hbm>> -> memref<40x128xi32, #tpu.memory_space<hbm>>
      %dma_wait3A_91 = arith.constant 0 : i32
      %dma_wait3A_92 = arith.constant 0 : i32
      %dma_wait3A_93 = tpu.memref_slice %arg5[%add3A, %dma_wait3A_91, %dma_wait3A_92] : memref<32x40x128xi32, #tpu.memory_space<hbm>> -> memref<1x40x128xi32, #tpu.memory_space<hbm>>
      %dma_wait3A_94 = tpu.memref_squeeze %dma_wait3A_93 : memref<1x40x128xi32, #tpu.memory_space<hbm>> -> memref<40x128xi32, #tpu.memory_space<hbm>>
      tpu.wait_dma2 semaphore(%run_scoped3A : memref<!tpu.dma_semaphore, #tpu.memory_space<semaphore_mem>>) src(%dma_wait3A_94 : memref<40x128xi32, #tpu.memory_space<hbm>>) dst(%arg8 : memref<40x128xi32, #tpu.memory_space<vmem>>)
      tpu.yield
    }) : () -> ()
    %barrier3A = arith.constant 0 : index
    tpu.barrier barrier_id(%barrier3A)
    %dma_start3A = arith.constant 0 : i32
    %dma_start3A_3 = arith.constant 0 : i32
    %dma_start3A_4 = arith.constant 0 : i32
    %dma_start3A_5 = arith.constant 0 : i32
    %dma_start3A_6 = tpu.memref_slice %arg9[%dma_start3A_3, %dma_start3A_4, %dma_start3A_5] : memref<4x128x64xf32, #tpu.memory_space<vmem>> -> memref<1x128x64xf32, #tpu.memory_space<vmem>>
    %dma_start3A_7 = tpu.memref_squeeze %dma_start3A_6 : memref<1x128x64xf32, #tpu.memory_space<vmem>> -> memref<128x64xf32, #tpu.memory_space<vmem>>
    %dma_start3A_8 = arith.constant 0 : i32
    %dma_start3A_9 = tpu.memref_slice %arg7[%dma_start3A, %dma_start3A_8] : memref<40x128xi32, #tpu.memory_space<vmem>> -> memref<1x128xi32, #tpu.memory_space<vmem>>
    %dma_start3A_10 = tpu.memref_squeeze %dma_start3A_9 : memref<1x128xi32, #tpu.memory_space<vmem>> -> memref<128xi32, #tpu.memory_space<vmem>>
    %dma_start3A_11 = arith.constant 0 : i32
    %dma_start3A_12 = arith.constant 0 : i32
    %dma_start3A_13 = tpu.memref_slice %arg19[%dma_start3A_11, %dma_start3A_12] : memref<10240x64xf32, #tpu.memory_space<vmem_shared>> -> memref<10240x64xf32, #tpu.memory_space<vmem_shared>>
    tpu.enqueue_indirect_dma source(%dma_start3A_13 : memref<10240x64xf32, #tpu.memory_space<vmem_shared>>) target(%dma_start3A_7 : memref<128x64xf32, #tpu.memory_space<vmem>>) offsets(%dma_start3A_10 : memref<128xi32, #tpu.memory_space<vmem>>) semaphore(%arg10 : memref<!tpu.dma_semaphore, #tpu.memory_space<semaphore_mem>>)
    %dma_start3A_14 = arith.constant 1 : i32
    %dma_start3A_15 = arith.constant 1 : i32
    %dma_start3A_16 = arith.constant 0 : i32
    %dma_start3A_17 = arith.constant 0 : i32
    %dma_start3A_18 = tpu.memref_slice %arg9[%dma_start3A_15, %dma_start3A_16, %dma_start3A_17] : memref<4x128x64xf32, #tpu.memory_space<vmem>> -> memref<1x128x64xf32, #tpu.memory_space<vmem>>
    %dma_start3A_19 = tpu.memref_squeeze %dma_start3A_18 : memref<1x128x64xf32, #tpu.memory_space<vmem>> -> memref<128x64xf32, #tpu.memory_space<vmem>>
    %dma_start3A_20 = arith.constant 0 : i32
    %dma_start3A_21 = tpu.memref_slice %arg7[%dma_start3A_14, %dma_start3A_20] : memref<40x128xi32, #tpu.memory_space<vmem>> -> memref<1x128xi32, #tpu.memory_space<vmem>>
    %dma_start3A_22 = tpu.memref_squeeze %dma_start3A_21 : memref<1x128xi32, #tpu.memory_space<vmem>> -> memref<128xi32, #tpu.memory_space<vmem>>
    %dma_start3A_23 = arith.constant 0 : i32
    %dma_start3A_24 = arith.constant 0 : i32
    %dma_start3A_25 = tpu.memref_slice %arg19[%dma_start3A_23, %dma_start3A_24] : memref<10240x64xf32, #tpu.memory_space<vmem_shared>> -> memref<10240x64xf32, #tpu.memory_space<vmem_shared>>
    tpu.enqueue_indirect_dma source(%dma_start3A_25 : memref<10240x64xf32, #tpu.memory_space<vmem_shared>>) target(%dma_start3A_19 : memref<128x64xf32, #tpu.memory_space<vmem>>) offsets(%dma_start3A_22 : memref<128xi32, #tpu.memory_space<vmem>>) semaphore(%arg11 : memref<!tpu.dma_semaphore, #tpu.memory_space<semaphore_mem>>)
    %scan3A = arith.constant 0 : i32
    %scan3A_26 = arith.constant 0 : i32
    %scan3A_27 = arith.constant 10 : i32
    %scan3A_28 = arith.addi %scan3A_26, %scan3A_27 : i32
    %scan3A_29 = arith.constant 1 : i32
    scf.for %scan3A_79 = %scan3A_26 to %scan3A_28 step %scan3A_29  : i32 {
      %mul3A_80 = arith.constant 4 : i32
      %mul3A_81 = arith.muli %mul3A_80, %scan3A_79 : i32
      %add3A_82 = arith.constant 0 : i32
      %add3A_83 = arith.addi %mul3A_81, %add3A_82 : i32
      %dma_wait3A_84 = arith.constant 0 : i32
      %dma_wait3A_85 = arith.constant 0 : i32
      %dma_wait3A_86 = arith.constant 0 : i32
      %dma_wait3A_87 = tpu.memref_slice %arg9[%dma_wait3A_84, %dma_wait3A_85, %dma_wait3A_86] : memref<4x128x64xf32, #tpu.memory_space<vmem>> -> memref<1x128x64xf32, #tpu.memory_space<vmem>>
      %dma_wait3A_88 = tpu.memref_squeeze %dma_wait3A_87 : memref<1x128x64xf32, #tpu.memory_space<vmem>> -> memref<128x64xf32, #tpu.memory_space<vmem>>
      %dma_wait3A_89 = arith.constant 0 : i32
      %dma_wait3A_90 = tpu.memref_slice %arg7[%add3A_83, %dma_wait3A_89] : memref<40x128xi32, #tpu.memory_space<vmem>> -> memref<1x128xi32, #tpu.memory_space<vmem>>
      %dma_wait3A_91 = tpu.memref_squeeze %dma_wait3A_90 : memref<1x128xi32, #tpu.memory_space<vmem>> -> memref<128xi32, #tpu.memory_space<vmem>>
      %dma_wait3A_92 = arith.constant 0 : i32
      %dma_wait3A_93 = arith.constant 0 : i32
      %dma_wait3A_94 = tpu.memref_slice %arg19[%dma_wait3A_92, %dma_wait3A_93] : memref<10240x64xf32, #tpu.memory_space<vmem_shared>> -> memref<10240x64xf32, #tpu.memory_space<vmem_shared>>
      tpu.wait_indirect_dma semaphore(%arg10 : memref<!tpu.dma_semaphore, #tpu.memory_space<semaphore_mem>>) src(%dma_wait3A_94 : memref<10240x64xf32, #tpu.memory_space<vmem_shared>>) dst(%dma_wait3A_88 : memref<128x64xf32, #tpu.memory_space<vmem>>)
      %dma_start3A_95 = arith.constant 0 : i32
      %dma_start3A_96 = arith.constant 0 : i32
      %dma_start3A_97 = arith.constant 0 : i32
      %dma_start3A_98 = tpu.memref_slice %arg9[%dma_start3A_95, %dma_start3A_96, %dma_start3A_97] : memref<4x128x64xf32, #tpu.memory_space<vmem>> -> memref<1x128x64xf32, #tpu.memory_space<vmem>>
      %dma_start3A_99 = tpu.memref_squeeze %dma_start3A_98 : memref<1x128x64xf32, #tpu.memory_space<vmem>> -> memref<128x64xf32, #tpu.memory_space<vmem>>
      %dma_start3A_100 = arith.constant 0 : i32
      %dma_start3A_101 = tpu.memref_slice %arg8[%add3A_83, %dma_start3A_100] : memref<40x128xi32, #tpu.memory_space<vmem>> -> memref<1x128xi32, #tpu.memory_space<vmem>>
      %dma_start3A_102 = tpu.memref_squeeze %dma_start3A_101 : memref<1x128xi32, #tpu.memory_space<vmem>> -> memref<128xi32, #tpu.memory_space<vmem>>
      %dma_start3A_103 = arith.constant 0 : i32
      %dma_start3A_104 = arith.constant 0 : i32
      %dma_start3A_105 = tpu.memref_slice %arg18[%dma_start3A_103, %dma_start3A_104] : memref<10240x64xf32, #tpu.memory_space<vmem_shared>> -> memref<10240x64xf32, #tpu.memory_space<vmem_shared>>
      tpu.enqueue_indirect_dma source(%dma_start3A_99 : memref<128x64xf32, #tpu.memory_space<vmem>>) target(%dma_start3A_105 : memref<10240x64xf32, #tpu.memory_space<vmem_shared>>) offsets(%dma_start3A_102 : memref<128xi32, #tpu.memory_space<vmem>>) semaphore(%arg14 : memref<!tpu.dma_semaphore, #tpu.memory_space<semaphore_mem>>) {add = true}
      %add3A_106 = arith.constant 2 : i32
      %add3A_107 = arith.addi %add3A_83, %add3A_106 : i32
      %lt3A = arith.constant 40 : i32
      %lt3A_108 = arith.cmpi slt, %add3A_107, %lt3A : i32
      %convert_element_type3A = arith.extui %lt3A_108 : i1 to i32
      %cond3A = arith.constant 0 : i32
      %cond3A_109 = arith.cmpi ne, %convert_element_type3A, %cond3A : i32
      scf.if %cond3A_109 {
        %ge3A = arith.constant 2 : i32
        %ge3A_209 = arith.cmpi sge, %add3A_83, %ge3A : i32
        %convert_element_type3A_210 = arith.extui %ge3A_209 : i1 to i32
        %cond3A_211 = arith.constant 0 : i32
        %cond3A_212 = arith.cmpi ne, %convert_element_type3A_210, %cond3A_211 : i32
        scf.if %cond3A_212 {
          %sub3A = arith.constant 2 : i32
          %sub3A_226 = arith.subi %add3A_83, %sub3A : i32
          %dma_wait3A_227 = arith.constant 2 : i32
          %dma_wait3A_228 = arith.constant 0 : i32
          %dma_wait3A_229 = arith.constant 0 : i32
          %dma_wait3A_230 = tpu.memref_slice %arg9[%dma_wait3A_227, %dma_wait3A_228, %dma_wait3A_229] : memref<4x128x64xf32, #tpu.memory_space<vmem>> -> memref<1x128x64xf32, #tpu.memory_space<vmem>>
          %dma_wait3A_231 = tpu.memref_squeeze %dma_wait3A_230 : memref<1x128x64xf32, #tpu.memory_space<vmem>> -> memref<128x64xf32, #tpu.memory_space<vmem>>
          %dma_wait3A_232 = arith.constant 0 : i32
          %dma_wait3A_233 = tpu.memref_slice %arg8[%sub3A_226, %dma_wait3A_232] : memref<40x128xi32, #tpu.memory_space<vmem>> -> memref<1x128xi32, #tpu.memory_space<vmem>>
          %dma_wait3A_234 = tpu.memref_squeeze %dma_wait3A_233 : memref<1x128xi32, #tpu.memory_space<vmem>> -> memref<128xi32, #tpu.memory_space<vmem>>
          %dma_wait3A_235 = arith.constant 0 : i32
          %dma_wait3A_236 = arith.constant 0 : i32
          %dma_wait3A_237 = tpu.memref_slice %arg18[%dma_wait3A_235, %dma_wait3A_236] : memref<10240x64xf32, #tpu.memory_space<vmem_shared>> -> memref<10240x64xf32, #tpu.memory_space<vmem_shared>>
          tpu.wait_indirect_dma semaphore(%arg16 : memref<!tpu.dma_semaphore, #tpu.memory_space<semaphore_mem>>) src(%dma_wait3A_231 : memref<128x64xf32, #tpu.memory_space<vmem>>) dst(%dma_wait3A_237 : memref<10240x64xf32, #tpu.memory_space<vmem_shared>>)
        } else {
        }
        %add3A_213 = arith.constant 2 : i32
        %add3A_214 = arith.addi %add3A_83, %add3A_213 : i32
        %dma_start3A_215 = arith.constant 2 : i32
        %dma_start3A_216 = arith.constant 0 : i32
        %dma_start3A_217 = arith.constant 0 : i32
        %dma_start3A_218 = tpu.memref_slice %arg9[%dma_start3A_215, %dma_start3A_216, %dma_start3A_217] : memref<4x128x64xf32, #tpu.memory_space<vmem>> -> memref<1x128x64xf32, #tpu.memory_space<vmem>>
        %dma_start3A_219 = tpu.memref_squeeze %dma_start3A_218 : memref<1x128x64xf32, #tpu.memory_space<vmem>> -> memref<128x64xf32, #tpu.memory_space<vmem>>
        %dma_start3A_220 = arith.constant 0 : i32
        %dma_start3A_221 = tpu.memref_slice %arg7[%add3A_214, %dma_start3A_220] : memref<40x128xi32, #tpu.memory_space<vmem>> -> memref<1x128xi32, #tpu.memory_space<vmem>>
        %dma_start3A_222 = tpu.memref_squeeze %dma_start3A_221 : memref<1x128xi32, #tpu.memory_space<vmem>> -> memref<128xi32, #tpu.memory_space<vmem>>
        %dma_start3A_223 = arith.constant 0 : i32
        %dma_start3A_224 = arith.constant 0 : i32
        %dma_start3A_225 = tpu.memref_slice %arg19[%dma_start3A_223, %dma_start3A_224] : memref<10240x64xf32, #tpu.memory_space<vmem_shared>> -> memref<10240x64xf32, #tpu.memory_space<vmem_shared>>
        tpu.enqueue_indirect_dma source(%dma_start3A_225 : memref<10240x64xf32, #tpu.memory_space<vmem_shared>>) target(%dma_start3A_219 : memref<128x64xf32, #tpu.memory_space<vmem>>) offsets(%dma_start3A_222 : memref<128xi32, #tpu.memory_space<vmem>>) semaphore(%arg12 : memref<!tpu.dma_semaphore, #tpu.memory_space<semaphore_mem>>)
      } else {
      }
      %mul3A_110 = arith.constant 4 : i32
      %mul3A_111 = arith.muli %mul3A_110, %scan3A_79 : i32
      %add3A_112 = arith.constant 1 : i32
      %add3A_113 = arith.addi %mul3A_111, %add3A_112 : i32
      %dma_wait3A_114 = arith.constant 1 : i32
      %dma_wait3A_115 = arith.constant 0 : i32
      %dma_wait3A_116 = arith.constant 0 : i32
      %dma_wait3A_117 = tpu.memref_slice %arg9[%dma_wait3A_114, %dma_wait3A_115, %dma_wait3A_116] : memref<4x128x64xf32, #tpu.memory_space<vmem>> -> memref<1x128x64xf32, #tpu.memory_space<vmem>>
      %dma_wait3A_118 = tpu.memref_squeeze %dma_wait3A_117 : memref<1x128x64xf32, #tpu.memory_space<vmem>> -> memref<128x64xf32, #tpu.memory_space<vmem>>
      %dma_wait3A_119 = arith.constant 0 : i32
      %dma_wait3A_120 = tpu.memref_slice %arg7[%add3A_113, %dma_wait3A_119] : memref<40x128xi32, #tpu.memory_space<vmem>> -> memref<1x128xi32, #tpu.memory_space<vmem>>
      %dma_wait3A_121 = tpu.memref_squeeze %dma_wait3A_120 : memref<1x128xi32, #tpu.memory_space<vmem>> -> memref<128xi32, #tpu.memory_space<vmem>>
      %dma_wait3A_122 = arith.constant 0 : i32
      %dma_wait3A_123 = arith.constant 0 : i32
      %dma_wait3A_124 = tpu.memref_slice %arg19[%dma_wait3A_122, %dma_wait3A_123] : memref<10240x64xf32, #tpu.memory_space<vmem_shared>> -> memref<10240x64xf32, #tpu.memory_space<vmem_shared>>
      tpu.wait_indirect_dma semaphore(%arg11 : memref<!tpu.dma_semaphore, #tpu.memory_space<semaphore_mem>>) src(%dma_wait3A_124 : memref<10240x64xf32, #tpu.memory_space<vmem_shared>>) dst(%dma_wait3A_118 : memref<128x64xf32, #tpu.memory_space<vmem>>)
      %dma_start3A_125 = arith.constant 1 : i32
      %dma_start3A_126 = arith.constant 0 : i32
      %dma_start3A_127 = arith.constant 0 : i32
      %dma_start3A_128 = tpu.memref_slice %arg9[%dma_start3A_125, %dma_start3A_126, %dma_start3A_127] : memref<4x128x64xf32, #tpu.memory_space<vmem>> -> memref<1x128x64xf32, #tpu.memory_space<vmem>>
      %dma_start3A_129 = tpu.memref_squeeze %dma_start3A_128 : memref<1x128x64xf32, #tpu.memory_space<vmem>> -> memref<128x64xf32, #tpu.memory_space<vmem>>
      %dma_start3A_130 = arith.constant 0 : i32
      %dma_start3A_131 = tpu.memref_slice %arg8[%add3A_113, %dma_start3A_130] : memref<40x128xi32, #tpu.memory_space<vmem>> -> memref<1x128xi32, #tpu.memory_space<vmem>>
      %dma_start3A_132 = tpu.memref_squeeze %dma_start3A_131 : memref<1x128xi32, #tpu.memory_space<vmem>> -> memref<128xi32, #tpu.memory_space<vmem>>
      %dma_start3A_133 = arith.constant 0 : i32
      %dma_start3A_134 = arith.constant 0 : i32
      %dma_start3A_135 = tpu.memref_slice %arg18[%dma_start3A_133, %dma_start3A_134] : memref<10240x64xf32, #tpu.memory_space<vmem_shared>> -> memref<10240x64xf32, #tpu.memory_space<vmem_shared>>
      tpu.enqueue_indirect_dma source(%dma_start3A_129 : memref<128x64xf32, #tpu.memory_space<vmem>>) target(%dma_start3A_135 : memref<10240x64xf32, #tpu.memory_space<vmem_shared>>) offsets(%dma_start3A_132 : memref<128xi32, #tpu.memory_space<vmem>>) semaphore(%arg15 : memref<!tpu.dma_semaphore, #tpu.memory_space<semaphore_mem>>) {add = true}
      %add3A_136 = arith.constant 2 : i32
      %add3A_137 = arith.addi %add3A_113, %add3A_136 : i32
      %lt3A_138 = arith.constant 40 : i32
      %lt3A_139 = arith.cmpi slt, %add3A_137, %lt3A_138 : i32
      %convert_element_type3A_140 = arith.extui %lt3A_139 : i1 to i32
      %cond3A_141 = arith.constant 0 : i32
      %cond3A_142 = arith.cmpi ne, %convert_element_type3A_140, %cond3A_141 : i32
      scf.if %cond3A_142 {
        %ge3A = arith.constant 2 : i32
        %ge3A_209 = arith.cmpi sge, %add3A_113, %ge3A : i32
        %convert_element_type3A_210 = arith.extui %ge3A_209 : i1 to i32
        %cond3A_211 = arith.constant 0 : i32
        %cond3A_212 = arith.cmpi ne, %convert_element_type3A_210, %cond3A_211 : i32
        scf.if %cond3A_212 {
          %sub3A = arith.constant 2 : i32
          %sub3A_226 = arith.subi %add3A_113, %sub3A : i32
          %dma_wait3A_227 = arith.constant 3 : i32
          %dma_wait3A_228 = arith.constant 0 : i32
          %dma_wait3A_229 = arith.constant 0 : i32
          %dma_wait3A_230 = tpu.memref_slice %arg9[%dma_wait3A_227, %dma_wait3A_228, %dma_wait3A_229] : memref<4x128x64xf32, #tpu.memory_space<vmem>> -> memref<1x128x64xf32, #tpu.memory_space<vmem>>
          %dma_wait3A_231 = tpu.memref_squeeze %dma_wait3A_230 : memref<1x128x64xf32, #tpu.memory_space<vmem>> -> memref<128x64xf32, #tpu.memory_space<vmem>>
          %dma_wait3A_232 = arith.constant 0 : i32
          %dma_wait3A_233 = tpu.memref_slice %arg8[%sub3A_226, %dma_wait3A_232] : memref<40x128xi32, #tpu.memory_space<vmem>> -> memref<1x128xi32, #tpu.memory_space<vmem>>
          %dma_wait3A_234 = tpu.memref_squeeze %dma_wait3A_233 : memref<1x128xi32, #tpu.memory_space<vmem>> -> memref<128xi32, #tpu.memory_space<vmem>>
          %dma_wait3A_235 = arith.constant 0 : i32
          %dma_wait3A_236 = arith.constant 0 : i32
          %dma_wait3A_237 = tpu.memref_slice %arg18[%dma_wait3A_235, %dma_wait3A_236] : memref<10240x64xf32, #tpu.memory_space<vmem_shared>> -> memref<10240x64xf32, #tpu.memory_space<vmem_shared>>
          tpu.wait_indirect_dma semaphore(%arg17 : memref<!tpu.dma_semaphore, #tpu.memory_space<semaphore_mem>>) src(%dma_wait3A_231 : memref<128x64xf32, #tpu.memory_space<vmem>>) dst(%dma_wait3A_237 : memref<10240x64xf32, #tpu.memory_space<vmem_shared>>)
        } else {
        }
        %add3A_213 = arith.constant 2 : i32
        %add3A_214 = arith.addi %add3A_113, %add3A_213 : i32
        %dma_start3A_215 = arith.constant 3 : i32
        %dma_start3A_216 = arith.constant 0 : i32
        %dma_start3A_217 = arith.constant 0 : i32
        %dma_start3A_218 = tpu.memref_slice %arg9[%dma_start3A_215, %dma_start3A_216, %dma_start3A_217] : memref<4x128x64xf32, #tpu.memory_space<vmem>> -> memref<1x128x64xf32, #tpu.memory_space<vmem>>
        %dma_start3A_219 = tpu.memref_squeeze %dma_start3A_218 : memref<1x128x64xf32, #tpu.memory_space<vmem>> -> memref<128x64xf32, #tpu.memory_space<vmem>>
        %dma_start3A_220 = arith.constant 0 : i32
        %dma_start3A_221 = tpu.memref_slice %arg7[%add3A_214, %dma_start3A_220] : memref<40x128xi32, #tpu.memory_space<vmem>> -> memref<1x128xi32, #tpu.memory_space<vmem>>
        %dma_start3A_222 = tpu.memref_squeeze %dma_start3A_221 : memref<1x128xi32, #tpu.memory_space<vmem>> -> memref<128xi32, #tpu.memory_space<vmem>>
        %dma_start3A_223 = arith.constant 0 : i32
        %dma_start3A_224 = arith.constant 0 : i32
        %dma_start3A_225 = tpu.memref_slice %arg19[%dma_start3A_223, %dma_start3A_224] : memref<10240x64xf32, #tpu.memory_space<vmem_shared>> -> memref<10240x64xf32, #tpu.memory_space<vmem_shared>>
        tpu.enqueue_indirect_dma source(%dma_start3A_225 : memref<10240x64xf32, #tpu.memory_space<vmem_shared>>) target(%dma_start3A_219 : memref<128x64xf32, #tpu.memory_space<vmem>>) offsets(%dma_start3A_222 : memref<128xi32, #tpu.memory_space<vmem>>) semaphore(%arg13 : memref<!tpu.dma_semaphore, #tpu.memory_space<semaphore_mem>>)
      } else {
      }
      %mul3A_143 = arith.constant 4 : i32
      %mul3A_144 = arith.muli %mul3A_143, %scan3A_79 : i32
      %add3A_145 = arith.constant 2 : i32
      %add3A_146 = arith.addi %mul3A_144, %add3A_145 : i32
      %dma_wait3A_147 = arith.constant 2 : i32
      %dma_wait3A_148 = arith.constant 0 : i32
      %dma_wait3A_149 = arith.constant 0 : i32
      %dma_wait3A_150 = tpu.memref_slice %arg9[%dma_wait3A_147, %dma_wait3A_148, %dma_wait3A_149] : memref<4x128x64xf32, #tpu.memory_space<vmem>> -> memref<1x128x64xf32, #tpu.memory_space<vmem>>
      %dma_wait3A_151 = tpu.memref_squeeze %dma_wait3A_150 : memref<1x128x64xf32, #tpu.memory_space<vmem>> -> memref<128x64xf32, #tpu.memory_space<vmem>>
      %dma_wait3A_152 = arith.constant 0 : i32
      %dma_wait3A_153 = tpu.memref_slice %arg7[%add3A_146, %dma_wait3A_152] : memref<40x128xi32, #tpu.memory_space<vmem>> -> memref<1x128xi32, #tpu.memory_space<vmem>>
      %dma_wait3A_154 = tpu.memref_squeeze %dma_wait3A_153 : memref<1x128xi32, #tpu.memory_space<vmem>> -> memref<128xi32, #tpu.memory_space<vmem>>
      %dma_wait3A_155 = arith.constant 0 : i32
      %dma_wait3A_156 = arith.constant 0 : i32
      %dma_wait3A_157 = tpu.memref_slice %arg19[%dma_wait3A_155, %dma_wait3A_156] : memref<10240x64xf32, #tpu.memory_space<vmem_shared>> -> memref<10240x64xf32, #tpu.memory_space<vmem_shared>>
      tpu.wait_indirect_dma semaphore(%arg12 : memref<!tpu.dma_semaphore, #tpu.memory_space<semaphore_mem>>) src(%dma_wait3A_157 : memref<10240x64xf32, #tpu.memory_space<vmem_shared>>) dst(%dma_wait3A_151 : memref<128x64xf32, #tpu.memory_space<vmem>>)
      %dma_start3A_158 = arith.constant 2 : i32
      %dma_start3A_159 = arith.constant 0 : i32
      %dma_start3A_160 = arith.constant 0 : i32
      %dma_start3A_161 = tpu.memref_slice %arg9[%dma_start3A_158, %dma_start3A_159, %dma_start3A_160] : memref<4x128x64xf32, #tpu.memory_space<vmem>> -> memref<1x128x64xf32, #tpu.memory_space<vmem>>
      %dma_start3A_162 = tpu.memref_squeeze %dma_start3A_161 : memref<1x128x64xf32, #tpu.memory_space<vmem>> -> memref<128x64xf32, #tpu.memory_space<vmem>>
      %dma_start3A_163 = arith.constant 0 : i32
      %dma_start3A_164 = tpu.memref_slice %arg8[%add3A_146, %dma_start3A_163] : memref<40x128xi32, #tpu.memory_space<vmem>> -> memref<1x128xi32, #tpu.memory_space<vmem>>
      %dma_start3A_165 = tpu.memref_squeeze %dma_start3A_164 : memref<1x128xi32, #tpu.memory_space<vmem>> -> memref<128xi32, #tpu.memory_space<vmem>>
      %dma_start3A_166 = arith.constant 0 : i32
      %dma_start3A_167 = arith.constant 0 : i32
      %dma_start3A_168 = tpu.memref_slice %arg18[%dma_start3A_166, %dma_start3A_167] : memref<10240x64xf32, #tpu.memory_space<vmem_shared>> -> memref<10240x64xf32, #tpu.memory_space<vmem_shared>>
      tpu.enqueue_indirect_dma source(%dma_start3A_162 : memref<128x64xf32, #tpu.memory_space<vmem>>) target(%dma_start3A_168 : memref<10240x64xf32, #tpu.memory_space<vmem_shared>>) offsets(%dma_start3A_165 : memref<128xi32, #tpu.memory_space<vmem>>) semaphore(%arg16 : memref<!tpu.dma_semaphore, #tpu.memory_space<semaphore_mem>>) {add = true}
      %add3A_169 = arith.constant 2 : i32
      %add3A_170 = arith.addi %add3A_146, %add3A_169 : i32
      %lt3A_171 = arith.constant 40 : i32
      %lt3A_172 = arith.cmpi slt, %add3A_170, %lt3A_171 : i32
      %convert_element_type3A_173 = arith.extui %lt3A_172 : i1 to i32
      %cond3A_174 = arith.constant 0 : i32
      %cond3A_175 = arith.cmpi ne, %convert_element_type3A_173, %cond3A_174 : i32
      scf.if %cond3A_175 {
        %ge3A = arith.constant 2 : i32
        %ge3A_209 = arith.cmpi sge, %add3A_146, %ge3A : i32
        %convert_element_type3A_210 = arith.extui %ge3A_209 : i1 to i32
        %cond3A_211 = arith.constant 0 : i32
        %cond3A_212 = arith.cmpi ne, %convert_element_type3A_210, %cond3A_211 : i32
        scf.if %cond3A_212 {
          %sub3A = arith.constant 2 : i32
          %sub3A_226 = arith.subi %add3A_146, %sub3A : i32
          %dma_wait3A_227 = arith.constant 0 : i32
          %dma_wait3A_228 = arith.constant 0 : i32
          %dma_wait3A_229 = arith.constant 0 : i32
          %dma_wait3A_230 = tpu.memref_slice %arg9[%dma_wait3A_227, %dma_wait3A_228, %dma_wait3A_229] : memref<4x128x64xf32, #tpu.memory_space<vmem>> -> memref<1x128x64xf32, #tpu.memory_space<vmem>>
          %dma_wait3A_231 = tpu.memref_squeeze %dma_wait3A_230 : memref<1x128x64xf32, #tpu.memory_space<vmem>> -> memref<128x64xf32, #tpu.memory_space<vmem>>
          %dma_wait3A_232 = arith.constant 0 : i32
          %dma_wait3A_233 = tpu.memref_slice %arg8[%sub3A_226, %dma_wait3A_232] : memref<40x128xi32, #tpu.memory_space<vmem>> -> memref<1x128xi32, #tpu.memory_space<vmem>>
          %dma_wait3A_234 = tpu.memref_squeeze %dma_wait3A_233 : memref<1x128xi32, #tpu.memory_space<vmem>> -> memref<128xi32, #tpu.memory_space<vmem>>
          %dma_wait3A_235 = arith.constant 0 : i32
          %dma_wait3A_236 = arith.constant 0 : i32
          %dma_wait3A_237 = tpu.memref_slice %arg18[%dma_wait3A_235, %dma_wait3A_236] : memref<10240x64xf32, #tpu.memory_space<vmem_shared>> -> memref<10240x64xf32, #tpu.memory_space<vmem_shared>>
          tpu.wait_indirect_dma semaphore(%arg14 : memref<!tpu.dma_semaphore, #tpu.memory_space<semaphore_mem>>) src(%dma_wait3A_231 : memref<128x64xf32, #tpu.memory_space<vmem>>) dst(%dma_wait3A_237 : memref<10240x64xf32, #tpu.memory_space<vmem_shared>>)
        } else {
        }
        %add3A_213 = arith.constant 2 : i32
        %add3A_214 = arith.addi %add3A_146, %add3A_213 : i32
        %dma_start3A_215 = arith.constant 0 : i32
        %dma_start3A_216 = arith.constant 0 : i32
        %dma_start3A_217 = arith.constant 0 : i32
        %dma_start3A_218 = tpu.memref_slice %arg9[%dma_start3A_215, %dma_start3A_216, %dma_start3A_217] : memref<4x128x64xf32, #tpu.memory_space<vmem>> -> memref<1x128x64xf32, #tpu.memory_space<vmem>>
        %dma_start3A_219 = tpu.memref_squeeze %dma_start3A_218 : memref<1x128x64xf32, #tpu.memory_space<vmem>> -> memref<128x64xf32, #tpu.memory_space<vmem>>
        %dma_start3A_220 = arith.constant 0 : i32
        %dma_start3A_221 = tpu.memref_slice %arg7[%add3A_214, %dma_start3A_220] : memref<40x128xi32, #tpu.memory_space<vmem>> -> memref<1x128xi32, #tpu.memory_space<vmem>>
        %dma_start3A_222 = tpu.memref_squeeze %dma_start3A_221 : memref<1x128xi32, #tpu.memory_space<vmem>> -> memref<128xi32, #tpu.memory_space<vmem>>
        %dma_start3A_223 = arith.constant 0 : i32
        %dma_start3A_224 = arith.constant 0 : i32
        %dma_start3A_225 = tpu.memref_slice %arg19[%dma_start3A_223, %dma_start3A_224] : memref<10240x64xf32, #tpu.memory_space<vmem_shared>> -> memref<10240x64xf32, #tpu.memory_space<vmem_shared>>
        tpu.enqueue_indirect_dma source(%dma_start3A_225 : memref<10240x64xf32, #tpu.memory_space<vmem_shared>>) target(%dma_start3A_219 : memref<128x64xf32, #tpu.memory_space<vmem>>) offsets(%dma_start3A_222 : memref<128xi32, #tpu.memory_space<vmem>>) semaphore(%arg10 : memref<!tpu.dma_semaphore, #tpu.memory_space<semaphore_mem>>)
      } else {
      }
      %mul3A_176 = arith.constant 4 : i32
      %mul3A_177 = arith.muli %mul3A_176, %scan3A_79 : i32
      %add3A_178 = arith.constant 3 : i32
      %add3A_179 = arith.addi %mul3A_177, %add3A_178 : i32
      %dma_wait3A_180 = arith.constant 3 : i32
      %dma_wait3A_181 = arith.constant 0 : i32
      %dma_wait3A_182 = arith.constant 0 : i32
      %dma_wait3A_183 = tpu.memref_slice %arg9[%dma_wait3A_180, %dma_wait3A_181, %dma_wait3A_182] : memref<4x128x64xf32, #tpu.memory_space<vmem>> -> memref<1x128x64xf32, #tpu.memory_space<vmem>>
      %dma_wait3A_184 = tpu.memref_squeeze %dma_wait3A_183 : memref<1x128x64xf32, #tpu.memory_space<vmem>> -> memref<128x64xf32, #tpu.memory_space<vmem>>
      %dma_wait3A_185 = arith.constant 0 : i32
      %dma_wait3A_186 = tpu.memref_slice %arg7[%add3A_179, %dma_wait3A_185] : memref<40x128xi32, #tpu.memory_space<vmem>> -> memref<1x128xi32, #tpu.memory_space<vmem>>
      %dma_wait3A_187 = tpu.memref_squeeze %dma_wait3A_186 : memref<1x128xi32, #tpu.memory_space<vmem>> -> memref<128xi32, #tpu.memory_space<vmem>>
      %dma_wait3A_188 = arith.constant 0 : i32
      %dma_wait3A_189 = arith.constant 0 : i32
      %dma_wait3A_190 = tpu.memref_slice %arg19[%dma_wait3A_188, %dma_wait3A_189] : memref<10240x64xf32, #tpu.memory_space<vmem_shared>> -> memref<10240x64xf32, #tpu.memory_space<vmem_shared>>
      tpu.wait_indirect_dma semaphore(%arg13 : memref<!tpu.dma_semaphore, #tpu.memory_space<semaphore_mem>>) src(%dma_wait3A_190 : memref<10240x64xf32, #tpu.memory_space<vmem_shared>>) dst(%dma_wait3A_184 : memref<128x64xf32, #tpu.memory_space<vmem>>)
      %dma_start3A_191 = arith.constant 3 : i32
      %dma_start3A_192 = arith.constant 0 : i32
      %dma_start3A_193 = arith.constant 0 : i32
      %dma_start3A_194 = tpu.memref_slice %arg9[%dma_start3A_191, %dma_start3A_192, %dma_start3A_193] : memref<4x128x64xf32, #tpu.memory_space<vmem>> -> memref<1x128x64xf32, #tpu.memory_space<vmem>>
      %dma_start3A_195 = tpu.memref_squeeze %dma_start3A_194 : memref<1x128x64xf32, #tpu.memory_space<vmem>> -> memref<128x64xf32, #tpu.memory_space<vmem>>
      %dma_start3A_196 = arith.constant 0 : i32
      %dma_start3A_197 = tpu.memref_slice %arg8[%add3A_179, %dma_start3A_196] : memref<40x128xi32, #tpu.memory_space<vmem>> -> memref<1x128xi32, #tpu.memory_space<vmem>>
      %dma_start3A_198 = tpu.memref_squeeze %dma_start3A_197 : memref<1x128xi32, #tpu.memory_space<vmem>> -> memref<128xi32, #tpu.memory_space<vmem>>
      %dma_start3A_199 = arith.constant 0 : i32
      %dma_start3A_200 = arith.constant 0 : i32
      %dma_start3A_201 = tpu.memref_slice %arg18[%dma_start3A_199, %dma_start3A_200] : memref<10240x64xf32, #tpu.memory_space<vmem_shared>> -> memref<10240x64xf32, #tpu.memory_space<vmem_shared>>
      tpu.enqueue_indirect_dma source(%dma_start3A_195 : memref<128x64xf32, #tpu.memory_space<vmem>>) target(%dma_start3A_201 : memref<10240x64xf32, #tpu.memory_space<vmem_shared>>) offsets(%dma_start3A_198 : memref<128xi32, #tpu.memory_space<vmem>>) semaphore(%arg17 : memref<!tpu.dma_semaphore, #tpu.memory_space<semaphore_mem>>) {add = true}
      %add3A_202 = arith.constant 2 : i32
      %add3A_203 = arith.addi %add3A_179, %add3A_202 : i32
      %lt3A_204 = arith.constant 40 : i32
      %lt3A_205 = arith.cmpi slt, %add3A_203, %lt3A_204 : i32
      %convert_element_type3A_206 = arith.extui %lt3A_205 : i1 to i32
      %cond3A_207 = arith.constant 0 : i32
      %cond3A_208 = arith.cmpi ne, %convert_element_type3A_206, %cond3A_207 : i32
      scf.if %cond3A_208 {
        %ge3A = arith.constant 2 : i32
        %ge3A_209 = arith.cmpi sge, %add3A_179, %ge3A : i32
        %convert_element_type3A_210 = arith.extui %ge3A_209 : i1 to i32
        %cond3A_211 = arith.constant 0 : i32
        %cond3A_212 = arith.cmpi ne, %convert_element_type3A_210, %cond3A_211 : i32
        scf.if %cond3A_212 {
          %sub3A = arith.constant 2 : i32
          %sub3A_226 = arith.subi %add3A_179, %sub3A : i32
          %dma_wait3A_227 = arith.constant 1 : i32
          %dma_wait3A_228 = arith.constant 0 : i32
          %dma_wait3A_229 = arith.constant 0 : i32
          %dma_wait3A_230 = tpu.memref_slice %arg9[%dma_wait3A_227, %dma_wait3A_228, %dma_wait3A_229] : memref<4x128x64xf32, #tpu.memory_space<vmem>> -> memref<1x128x64xf32, #tpu.memory_space<vmem>>
          %dma_wait3A_231 = tpu.memref_squeeze %dma_wait3A_230 : memref<1x128x64xf32, #tpu.memory_space<vmem>> -> memref<128x64xf32, #tpu.memory_space<vmem>>
          %dma_wait3A_232 = arith.constant 0 : i32
          %dma_wait3A_233 = tpu.memref_slice %arg8[%sub3A_226, %dma_wait3A_232] : memref<40x128xi32, #tpu.memory_space<vmem>> -> memref<1x128xi32, #tpu.memory_space<vmem>>
          %dma_wait3A_234 = tpu.memref_squeeze %dma_wait3A_233 : memref<1x128xi32, #tpu.memory_space<vmem>> -> memref<128xi32, #tpu.memory_space<vmem>>
          %dma_wait3A_235 = arith.constant 0 : i32
          %dma_wait3A_236 = arith.constant 0 : i32
          %dma_wait3A_237 = tpu.memref_slice %arg18[%dma_wait3A_235, %dma_wait3A_236] : memref<10240x64xf32, #tpu.memory_space<vmem_shared>> -> memref<10240x64xf32, #tpu.memory_space<vmem_shared>>
          tpu.wait_indirect_dma semaphore(%arg15 : memref<!tpu.dma_semaphore, #tpu.memory_space<semaphore_mem>>) src(%dma_wait3A_231 : memref<128x64xf32, #tpu.memory_space<vmem>>) dst(%dma_wait3A_237 : memref<10240x64xf32, #tpu.memory_space<vmem_shared>>)
        } else {
        }
        %add3A_213 = arith.constant 2 : i32
        %add3A_214 = arith.addi %add3A_179, %add3A_213 : i32
        %dma_start3A_215 = arith.constant 1 : i32
        %dma_start3A_216 = arith.constant 0 : i32
        %dma_start3A_217 = arith.constant 0 : i32
        %dma_start3A_218 = tpu.memref_slice %arg9[%dma_start3A_215, %dma_start3A_216, %dma_start3A_217] : memref<4x128x64xf32, #tpu.memory_space<vmem>> -> memref<1x128x64xf32, #tpu.memory_space<vmem>>
        %dma_start3A_219 = tpu.memref_squeeze %dma_start3A_218 : memref<1x128x64xf32, #tpu.memory_space<vmem>> -> memref<128x64xf32, #tpu.memory_space<vmem>>
        %dma_start3A_220 = arith.constant 0 : i32
        %dma_start3A_221 = tpu.memref_slice %arg7[%add3A_214, %dma_start3A_220] : memref<40x128xi32, #tpu.memory_space<vmem>> -> memref<1x128xi32, #tpu.memory_space<vmem>>
        %dma_start3A_222 = tpu.memref_squeeze %dma_start3A_221 : memref<1x128xi32, #tpu.memory_space<vmem>> -> memref<128xi32, #tpu.memory_space<vmem>>
        %dma_start3A_223 = arith.constant 0 : i32
        %dma_start3A_224 = arith.constant 0 : i32
        %dma_start3A_225 = tpu.memref_slice %arg19[%dma_start3A_223, %dma_start3A_224] : memref<10240x64xf32, #tpu.memory_space<vmem_shared>> -> memref<10240x64xf32, #tpu.memory_space<vmem_shared>>
        tpu.enqueue_indirect_dma source(%dma_start3A_225 : memref<10240x64xf32, #tpu.memory_space<vmem_shared>>) target(%dma_start3A_219 : memref<128x64xf32, #tpu.memory_space<vmem>>) offsets(%dma_start3A_222 : memref<128xi32, #tpu.memory_space<vmem>>) semaphore(%arg11 : memref<!tpu.dma_semaphore, #tpu.memory_space<semaphore_mem>>)
      } else {
      }
    }
    %scan3A_30 = arith.constant 10 : i32
    %dma_wait3A = arith.constant 0 : i32
    %dma_wait3A_31 = arith.constant 36 : i32
    %dma_wait3A_32 = arith.constant 0 : i32
    %dma_wait3A_33 = arith.constant 0 : i32
    %dma_wait3A_34 = tpu.memref_slice %arg9[%dma_wait3A, %dma_wait3A_32, %dma_wait3A_33] : memref<4x128x64xf32, #tpu.memory_space<vmem>> -> memref<1x128x64xf32, #tpu.memory_space<vmem>>
    %dma_wait3A_35 = tpu.memref_squeeze %dma_wait3A_34 : memref<1x128x64xf32, #tpu.memory_space<vmem>> -> memref<128x64xf32, #tpu.memory_space<vmem>>
    %dma_wait3A_36 = arith.constant 0 : i32
    %dma_wait3A_37 = tpu.memref_slice %arg8[%dma_wait3A_31, %dma_wait3A_36] : memref<40x128xi32, #tpu.memory_space<vmem>> -> memref<1x128xi32, #tpu.memory_space<vmem>>
    %dma_wait3A_38 = tpu.memref_squeeze %dma_wait3A_37 : memref<1x128xi32, #tpu.memory_space<vmem>> -> memref<128xi32, #tpu.memory_space<vmem>>
    %dma_wait3A_39 = arith.constant 0 : i32
    %dma_wait3A_40 = arith.constant 0 : i32
    %dma_wait3A_41 = tpu.memref_slice %arg18[%dma_wait3A_39, %dma_wait3A_40] : memref<10240x64xf32, #tpu.memory_space<vmem_shared>> -> memref<10240x64xf32, #tpu.memory_space<vmem_shared>>
    tpu.wait_indirect_dma semaphore(%arg14 : memref<!tpu.dma_semaphore, #tpu.memory_space<semaphore_mem>>) src(%dma_wait3A_35 : memref<128x64xf32, #tpu.memory_space<vmem>>) dst(%dma_wait3A_41 : memref<10240x64xf32, #tpu.memory_space<vmem_shared>>)
    %dma_wait3A_42 = arith.constant 1 : i32
    %dma_wait3A_43 = arith.constant 37 : i32
    %dma_wait3A_44 = arith.constant 0 : i32
    %dma_wait3A_45 = arith.constant 0 : i32
    %dma_wait3A_46 = tpu.memref_slice %arg9[%dma_wait3A_42, %dma_wait3A_44, %dma_wait3A_45] : memref<4x128x64xf32, #tpu.memory_space<vmem>> -> memref<1x128x64xf32, #tpu.memory_space<vmem>>
    %dma_wait3A_47 = tpu.memref_squeeze %dma_wait3A_46 : memref<1x128x64xf32, #tpu.memory_space<vmem>> -> memref<128x64xf32, #tpu.memory_space<vmem>>
    %dma_wait3A_48 = arith.constant 0 : i32
    %dma_wait3A_49 = tpu.memref_slice %arg8[%dma_wait3A_43, %dma_wait3A_48] : memref<40x128xi32, #tpu.memory_space<vmem>> -> memref<1x128xi32, #tpu.memory_space<vmem>>
    %dma_wait3A_50 = tpu.memref_squeeze %dma_wait3A_49 : memref<1x128xi32, #tpu.memory_space<vmem>> -> memref<128xi32, #tpu.memory_space<vmem>>
    %dma_wait3A_51 = arith.constant 0 : i32
    %dma_wait3A_52 = arith.constant 0 : i32
    %dma_wait3A_53 = tpu.memref_slice %arg18[%dma_wait3A_51, %dma_wait3A_52] : memref<10240x64xf32, #tpu.memory_space<vmem_shared>> -> memref<10240x64xf32, #tpu.memory_space<vmem_shared>>
    tpu.wait_indirect_dma semaphore(%arg15 : memref<!tpu.dma_semaphore, #tpu.memory_space<semaphore_mem>>) src(%dma_wait3A_47 : memref<128x64xf32, #tpu.memory_space<vmem>>) dst(%dma_wait3A_53 : memref<10240x64xf32, #tpu.memory_space<vmem_shared>>)
    %dma_wait3A_54 = arith.constant 2 : i32
    %dma_wait3A_55 = arith.constant 38 : i32
    %dma_wait3A_56 = arith.constant 0 : i32
    %dma_wait3A_57 = arith.constant 0 : i32
    %dma_wait3A_58 = tpu.memref_slice %arg9[%dma_wait3A_54, %dma_wait3A_56, %dma_wait3A_57] : memref<4x128x64xf32, #tpu.memory_space<vmem>> -> memref<1x128x64xf32, #tpu.memory_space<vmem>>
    %dma_wait3A_59 = tpu.memref_squeeze %dma_wait3A_58 : memref<1x128x64xf32, #tpu.memory_space<vmem>> -> memref<128x64xf32, #tpu.memory_space<vmem>>
    %dma_wait3A_60 = arith.constant 0 : i32
    %dma_wait3A_61 = tpu.memref_slice %arg8[%dma_wait3A_55, %dma_wait3A_60] : memref<40x128xi32, #tpu.memory_space<vmem>> -> memref<1x128xi32, #tpu.memory_space<vmem>>
    %dma_wait3A_62 = tpu.memref_squeeze %dma_wait3A_61 : memref<1x128xi32, #tpu.memory_space<vmem>> -> memref<128xi32, #tpu.memory_space<vmem>>
    %dma_wait3A_63 = arith.constant 0 : i32
    %dma_wait3A_64 = arith.constant 0 : i32
    %dma_wait3A_65 = tpu.memref_slice %arg18[%dma_wait3A_63, %dma_wait3A_64] : memref<10240x64xf32, #tpu.memory_space<vmem_shared>> -> memref<10240x64xf32, #tpu.memory_space<vmem_shared>>
    tpu.wait_indirect_dma semaphore(%arg16 : memref<!tpu.dma_semaphore, #tpu.memory_space<semaphore_mem>>) src(%dma_wait3A_59 : memref<128x64xf32, #tpu.memory_space<vmem>>) dst(%dma_wait3A_65 : memref<10240x64xf32, #tpu.memory_space<vmem_shared>>)
    %dma_wait3A_66 = arith.constant 3 : i32
    %dma_wait3A_67 = arith.constant 39 : i32
    %dma_wait3A_68 = arith.constant 0 : i32
    %dma_wait3A_69 = arith.constant 0 : i32
    %dma_wait3A_70 = tpu.memref_slice %arg9[%dma_wait3A_66, %dma_wait3A_68, %dma_wait3A_69] : memref<4x128x64xf32, #tpu.memory_space<vmem>> -> memref<1x128x64xf32, #tpu.memory_space<vmem>>
    %dma_wait3A_71 = tpu.memref_squeeze %dma_wait3A_70 : memref<1x128x64xf32, #tpu.memory_space<vmem>> -> memref<128x64xf32, #tpu.memory_space<vmem>>
    %dma_wait3A_72 = arith.constant 0 : i32
    %dma_wait3A_73 = tpu.memref_slice %arg8[%dma_wait3A_67, %dma_wait3A_72] : memref<40x128xi32, #tpu.memory_space<vmem>> -> memref<1x128xi32, #tpu.memory_space<vmem>>
    %dma_wait3A_74 = tpu.memref_squeeze %dma_wait3A_73 : memref<1x128xi32, #tpu.memory_space<vmem>> -> memref<128xi32, #tpu.memory_space<vmem>>
    %dma_wait3A_75 = arith.constant 0 : i32
    %dma_wait3A_76 = arith.constant 0 : i32
    %dma_wait3A_77 = tpu.memref_slice %arg18[%dma_wait3A_75, %dma_wait3A_76] : memref<10240x64xf32, #tpu.memory_space<vmem_shared>> -> memref<10240x64xf32, #tpu.memory_space<vmem_shared>>
    tpu.wait_indirect_dma semaphore(%arg17 : memref<!tpu.dma_semaphore, #tpu.memory_space<semaphore_mem>>) src(%dma_wait3A_71 : memref<128x64xf32, #tpu.memory_space<vmem>>) dst(%dma_wait3A_77 : memref<10240x64xf32, #tpu.memory_space<vmem_shared>>)
    %barrier3A_78 = arith.constant 0 : index
    tpu.barrier barrier_id(%barrier3A_78)
    "tpu.region"() ({
      %run_scoped3A = tpu.sem_alloc : memref<!tpu.dma_semaphore, #tpu.memory_space<semaphore_mem>>
      %dma_start3A_79 = arith.constant 0 : i32
      %dma_start3A_80 = arith.constant 0 : i32
      %dma_start3A_81 = tpu.memref_slice %arg6[%arg0, %dma_start3A_79, %dma_start3A_80] : memref<2x10240x64xf32, #tpu.memory_space<hbm>> -> memref<1x10240x64xf32, #tpu.memory_space<hbm>>
      %dma_start3A_82 = tpu.memref_squeeze %dma_start3A_81 : memref<1x10240x64xf32, #tpu.memory_space<hbm>> -> memref<10240x64xf32, #tpu.memory_space<hbm>>
      %dma_start3A_83 = arith.constant 0 : i32
      %dma_start3A_84 = tpu.memref_slice %dma_start3A_82[%mul3A_2, %dma_start3A_83] : memref<10240x64xf32, #tpu.memory_space<hbm>> -> memref<640x64xf32, #tpu.memory_space<hbm>>
      %dma_start3A_85 = arith.constant 0 : i32
      %dma_start3A_86 = tpu.memref_slice %arg18[%mul3A_2, %dma_start3A_85] : memref<10240x64xf32, #tpu.memory_space<vmem_shared>> -> memref<640x64xf32, #tpu.memory_space<vmem_shared>>
      tpu.enqueue_dma source(%dma_start3A_86 : memref<640x64xf32, #tpu.memory_space<vmem_shared>>) target(%dma_start3A_84 : memref<640x64xf32, #tpu.memory_space<hbm>>) target_semaphore(%run_scoped3A : memref<!tpu.dma_semaphore, #tpu.memory_space<semaphore_mem>>)
      %dma_wait3A_87 = arith.constant 0 : i32
      %dma_wait3A_88 = arith.constant 0 : i32
      %dma_wait3A_89 = tpu.memref_slice %arg6[%arg0, %dma_wait3A_87, %dma_wait3A_88] : memref<2x10240x64xf32, #tpu.memory_space<hbm>> -> memref<1x10240x64xf32, #tpu.memory_space<hbm>>
      %dma_wait3A_90 = tpu.memref_squeeze %dma_wait3A_89 : memref<1x10240x64xf32, #tpu.memory_space<hbm>> -> memref<10240x64xf32, #tpu.memory_space<hbm>>
      %dma_wait3A_91 = arith.constant 0 : i32
      %dma_wait3A_92 = tpu.memref_slice %dma_wait3A_90[%mul3A_2, %dma_wait3A_91] : memref<10240x64xf32, #tpu.memory_space<hbm>> -> memref<640x64xf32, #tpu.memory_space<hbm>>
      %dma_wait3A_93 = arith.constant 0 : i32
      %dma_wait3A_94 = tpu.memref_slice %arg18[%mul3A_2, %dma_wait3A_93] : memref<10240x64xf32, #tpu.memory_space<vmem_shared>> -> memref<640x64xf32, #tpu.memory_space<vmem_shared>>
      tpu.wait_dma2 semaphore(%run_scoped3A : memref<!tpu.dma_semaphore, #tpu.memory_space<semaphore_mem>>) src(%dma_wait3A_94 : memref<640x64xf32, #tpu.memory_space<vmem_shared>>) dst(%dma_wait3A_92 : memref<640x64xf32, #tpu.memory_space<hbm>>)
      tpu.yield
    }) : () -> ()
    return
  }
}

#map = affine_map<(d0, d1) -> (0, 0)>
#map1 = affine_map<(d0, d1) -> (0, 0, 0)>
module attributes {stable_mosaic.version = 14 : i64} {
  func.func @_prop_body(%arg0: i32, %arg1: i32, %arg2: memref<10240x64xf32, #tpu.memory_space<hbm>>, %arg3: memref<10240x64xf32, #tpu.memory_space<hbm>>, %arg4: memref<32x40x128xi32, #tpu.memory_space<hbm>>, %arg5: memref<32x40x128xi32, #tpu.memory_space<hbm>>, %arg6: memref<2x10240x64xf32, #tpu.memory_space<hbm>>, %arg7: memref<40x128xi32, #tpu.memory_space<vmem>>, %arg8: memref<40x128xi32, #tpu.memory_space<vmem>>, %arg9: memref<4x128x64xf32, #tpu.memory_space<vmem>>, %arg10: memref<!tpu.dma_semaphore, #tpu.memory_space<semaphore_mem>>, %arg11: memref<!tpu.dma_semaphore, #tpu.memory_space<semaphore_mem>>, %arg12: memref<!tpu.dma_semaphore, #tpu.memory_space<semaphore_mem>>, %arg13: memref<!tpu.dma_semaphore, #tpu.memory_space<semaphore_mem>>, %arg14: memref<!tpu.dma_semaphore, #tpu.memory_space<semaphore_mem>>, %arg15: memref<!tpu.dma_semaphore, #tpu.memory_space<semaphore_mem>>, %arg16: memref<!tpu.dma_semaphore, #tpu.memory_space<semaphore_mem>>, %arg17: memref<!tpu.dma_semaphore, #tpu.memory_space<semaphore_mem>>, %arg18: memref<10240x64xf32, #tpu.memory_space<vmem_shared>>, %arg19: memref<10240x64xf32, #tpu.memory_space<vmem_shared>>) attributes {dimension_semantics = [#tpu.dimension_semantics<core_parallel>, #tpu.dimension_semantics<subcore_parallel>], iteration_bounds = array<i64: 2, 16>, scalar_prefetch = 0 : i64, scratch_operands = 13 : i64, tpu.core_type = #tpu.core_type<sc_vector_subcore>, window_params = [{transform_indices = #map}, {transform_indices = #map}, {transform_indices = #map1}, {transform_indices = #map1}, {transform_indices = #map1}]} {
    %mul3A = arith.constant 2 : i32
    %mul3A_0 = arith.muli %arg1, %mul3A : i32
    %add3A = arith.addi %mul3A_0, %arg0 : i32
    %mul3A_1 = arith.constant 640 : i32
    %mul3A_2 = arith.muli %arg1, %mul3A_1 : i32
    "tpu.region"() ({
      %run_scoped3A = tpu.sem_alloc : memref<!tpu.dma_semaphore, #tpu.memory_space<semaphore_mem>>
      %dma_start3A_79 = arith.constant 0 : i32
      %dma_start3A_80 = tpu.memref_slice %arg18[%mul3A_2, %dma_start3A_79] : memref<10240x64xf32, #tpu.memory_space<vmem_shared>> -> memref<640x64xf32, #tpu.memory_space<vmem_shared>>
      %dma_start3A_81 = arith.constant 0 : i32
      %dma_start3A_82 = tpu.memref_slice %arg3[%mul3A_2, %dma_start3A_81] : memref<10240x64xf32, #tpu.memory_space<hbm>> -> memref<640x64xf32, #tpu.memory_space<hbm>>
      tpu.enqueue_dma source(%dma_start3A_82 : memref<640x64xf32, #tpu.memory_space<hbm>>) target(%dma_start3A_80 : memref<640x64xf32, #tpu.memory_space<vmem_shared>>) target_semaphore(%run_scoped3A : memref<!tpu.dma_semaphore, #tpu.memory_space<semaphore_mem>>)
      %dma_wait3A_83 = arith.constant 0 : i32
      %dma_wait3A_84 = tpu.memref_slice %arg18[%mul3A_2, %dma_wait3A_83] : memref<10240x64xf32, #tpu.memory_space<vmem_shared>> -> memref<640x64xf32, #tpu.memory_space<vmem_shared>>
      %dma_wait3A_85 = arith.constant 0 : i32
      %dma_wait3A_86 = tpu.memref_slice %arg3[%mul3A_2, %dma_wait3A_85] : memref<10240x64xf32, #tpu.memory_space<hbm>> -> memref<640x64xf32, #tpu.memory_space<hbm>>
      tpu.wait_dma2 semaphore(%run_scoped3A : memref<!tpu.dma_semaphore, #tpu.memory_space<semaphore_mem>>) src(%dma_wait3A_86 : memref<640x64xf32, #tpu.memory_space<hbm>>) dst(%dma_wait3A_84 : memref<640x64xf32, #tpu.memory_space<vmem_shared>>)
      tpu.yield
    }) : () -> ()
    "tpu.region"() ({
      %run_scoped3A = tpu.sem_alloc : memref<!tpu.dma_semaphore, #tpu.memory_space<semaphore_mem>>
      %dma_start3A_79 = arith.constant 0 : i32
      %dma_start3A_80 = tpu.memref_slice %arg19[%mul3A_2, %dma_start3A_79] : memref<10240x64xf32, #tpu.memory_space<vmem_shared>> -> memref<640x64xf32, #tpu.memory_space<vmem_shared>>
      %dma_start3A_81 = arith.constant 0 : i32
      %dma_start3A_82 = tpu.memref_slice %arg2[%mul3A_2, %dma_start3A_81] : memref<10240x64xf32, #tpu.memory_space<hbm>> -> memref<640x64xf32, #tpu.memory_space<hbm>>
      tpu.enqueue_dma source(%dma_start3A_82 : memref<640x64xf32, #tpu.memory_space<hbm>>) target(%dma_start3A_80 : memref<640x64xf32, #tpu.memory_space<vmem_shared>>) target_semaphore(%run_scoped3A : memref<!tpu.dma_semaphore, #tpu.memory_space<semaphore_mem>>)
      %dma_wait3A_83 = arith.constant 0 : i32
      %dma_wait3A_84 = tpu.memref_slice %arg19[%mul3A_2, %dma_wait3A_83] : memref<10240x64xf32, #tpu.memory_space<vmem_shared>> -> memref<640x64xf32, #tpu.memory_space<vmem_shared>>
      %dma_wait3A_85 = arith.constant 0 : i32
      %dma_wait3A_86 = tpu.memref_slice %arg2[%mul3A_2, %dma_wait3A_85] : memref<10240x64xf32, #tpu.memory_space<hbm>> -> memref<640x64xf32, #tpu.memory_space<hbm>>
      tpu.wait_dma2 semaphore(%run_scoped3A : memref<!tpu.dma_semaphore, #tpu.memory_space<semaphore_mem>>) src(%dma_wait3A_86 : memref<640x64xf32, #tpu.memory_space<hbm>>) dst(%dma_wait3A_84 : memref<640x64xf32, #tpu.memory_space<vmem_shared>>)
      tpu.yield
    }) : () -> ()
    "tpu.region"() ({
      %run_scoped3A = tpu.sem_alloc : memref<!tpu.dma_semaphore, #tpu.memory_space<semaphore_mem>>
      %dma_start3A_79 = arith.constant 0 : i32
      %dma_start3A_80 = arith.constant 0 : i32
      %dma_start3A_81 = tpu.memref_slice %arg4[%add3A, %dma_start3A_79, %dma_start3A_80] : memref<32x40x128xi32, #tpu.memory_space<hbm>> -> memref<1x40x128xi32, #tpu.memory_space<hbm>>
      %dma_start3A_82 = tpu.memref_squeeze %dma_start3A_81 : memref<1x40x128xi32, #tpu.memory_space<hbm>> -> memref<40x128xi32, #tpu.memory_space<hbm>>
      %dma_start3A_83 = arith.constant 0 : i32
      %dma_start3A_84 = arith.constant 0 : i32
      %dma_start3A_85 = tpu.memref_slice %arg4[%add3A, %dma_start3A_83, %dma_start3A_84] : memref<32x40x128xi32, #tpu.memory_space<hbm>> -> memref<1x40x128xi32, #tpu.memory_space<hbm>>
      %dma_start3A_86 = tpu.memref_squeeze %dma_start3A_85 : memref<1x40x128xi32, #tpu.memory_space<hbm>> -> memref<40x128xi32, #tpu.memory_space<hbm>>
      tpu.enqueue_dma source(%dma_start3A_86 : memref<40x128xi32, #tpu.memory_space<hbm>>) target(%arg7 : memref<40x128xi32, #tpu.memory_space<vmem>>) target_semaphore(%run_scoped3A : memref<!tpu.dma_semaphore, #tpu.memory_space<semaphore_mem>>)
      %dma_wait3A_87 = arith.constant 0 : i32
      %dma_wait3A_88 = arith.constant 0 : i32
      %dma_wait3A_89 = tpu.memref_slice %arg4[%add3A, %dma_wait3A_87, %dma_wait3A_88] : memref<32x40x128xi32, #tpu.memory_space<hbm>> -> memref<1x40x128xi32, #tpu.memory_space<hbm>>
      %dma_wait3A_90 = tpu.memref_squeeze %dma_wait3A_89 : memref<1x40x128xi32, #tpu.memory_space<hbm>> -> memref<40x128xi32, #tpu.memory_space<hbm>>
      %dma_wait3A_91 = arith.constant 0 : i32
      %dma_wait3A_92 = arith.constant 0 : i32
      %dma_wait3A_93 = tpu.memref_slice %arg4[%add3A, %dma_wait3A_91, %dma_wait3A_92] : memref<32x40x128xi32, #tpu.memory_space<hbm>> -> memref<1x40x128xi32, #tpu.memory_space<hbm>>
      %dma_wait3A_94 = tpu.memref_squeeze %dma_wait3A_93 : memref<1x40x128xi32, #tpu.memory_space<hbm>> -> memref<40x128xi32, #tpu.memory_space<hbm>>
      tpu.wait_dma2 semaphore(%run_scoped3A : memref<!tpu.dma_semaphore, #tpu.memory_space<semaphore_mem>>) src(%dma_wait3A_94 : memref<40x128xi32, #tpu.memory_space<hbm>>) dst(%arg7 : memref<40x128xi32, #tpu.memory_space<vmem>>)
      tpu.yield
    }) : () -> ()
    "tpu.region"() ({
      %run_scoped3A = tpu.sem_alloc : memref<!tpu.dma_semaphore, #tpu.memory_space<semaphore_mem>>
      %dma_start3A_79 = arith.constant 0 : i32
      %dma_start3A_80 = arith.constant 0 : i32
      %dma_start3A_81 = tpu.memref_slice %arg5[%add3A, %dma_start3A_79, %dma_start3A_80] : memref<32x40x128xi32, #tpu.memory_space<hbm>> -> memref<1x40x128xi32, #tpu.memory_space<hbm>>
      %dma_start3A_82 = tpu.memref_squeeze %dma_start3A_81 : memref<1x40x128xi32, #tpu.memory_space<hbm>> -> memref<40x128xi32, #tpu.memory_space<hbm>>
      %dma_start3A_83 = arith.constant 0 : i32
      %dma_start3A_84 = arith.constant 0 : i32
      %dma_start3A_85 = tpu.memref_slice %arg5[%add3A, %dma_start3A_83, %dma_start3A_84] : memref<32x40x128xi32, #tpu.memory_space<hbm>> -> memref<1x40x128xi32, #tpu.memory_space<hbm>>
      %dma_start3A_86 = tpu.memref_squeeze %dma_start3A_85 : memref<1x40x128xi32, #tpu.memory_space<hbm>> -> memref<40x128xi32, #tpu.memory_space<hbm>>
      tpu.enqueue_dma source(%dma_start3A_86 : memref<40x128xi32, #tpu.memory_space<hbm>>) target(%arg8 : memref<40x128xi32, #tpu.memory_space<vmem>>) target_semaphore(%run_scoped3A : memref<!tpu.dma_semaphore, #tpu.memory_space<semaphore_mem>>)
      %dma_wait3A_87 = arith.constant 0 : i32
      %dma_wait3A_88 = arith.constant 0 : i32
      %dma_wait3A_89 = tpu.memref_slice %arg5[%add3A, %dma_wait3A_87, %dma_wait3A_88] : memref<32x40x128xi32, #tpu.memory_space<hbm>> -> memref<1x40x128xi32, #tpu.memory_space<hbm>>
      %dma_wait3A_90 = tpu.memref_squeeze %dma_wait3A_89 : memref<1x40x128xi32, #tpu.memory_space<hbm>> -> memref<40x128xi32, #tpu.memory_space<hbm>>
      %dma_wait3A_91 = arith.constant 0 : i32
      %dma_wait3A_92 = arith.constant 0 : i32
      %dma_wait3A_93 = tpu.memref_slice %arg5[%add3A, %dma_wait3A_91, %dma_wait3A_92] : memref<32x40x128xi32, #tpu.memory_space<hbm>> -> memref<1x40x128xi32, #tpu.memory_space<hbm>>
      %dma_wait3A_94 = tpu.memref_squeeze %dma_wait3A_93 : memref<1x40x128xi32, #tpu.memory_space<hbm>> -> memref<40x128xi32, #tpu.memory_space<hbm>>
      tpu.wait_dma2 semaphore(%run_scoped3A : memref<!tpu.dma_semaphore, #tpu.memory_space<semaphore_mem>>) src(%dma_wait3A_94 : memref<40x128xi32, #tpu.memory_space<hbm>>) dst(%arg8 : memref<40x128xi32, #tpu.memory_space<vmem>>)
      tpu.yield
    }) : () -> ()
    %barrier3A = arith.constant 0 : index
    tpu.barrier barrier_id(%barrier3A)
    %dma_start3A = arith.constant 0 : i32
    %dma_start3A_3 = arith.constant 0 : i32
    %dma_start3A_4 = arith.constant 0 : i32
    %dma_start3A_5 = arith.constant 0 : i32
    %dma_start3A_6 = tpu.memref_slice %arg9[%dma_start3A_3, %dma_start3A_4, %dma_start3A_5] : memref<4x128x64xf32, #tpu.memory_space<vmem>> -> memref<1x128x64xf32, #tpu.memory_space<vmem>>
    %dma_start3A_7 = tpu.memref_squeeze %dma_start3A_6 : memref<1x128x64xf32, #tpu.memory_space<vmem>> -> memref<128x64xf32, #tpu.memory_space<vmem>>
    %dma_start3A_8 = arith.constant 0 : i32
    %dma_start3A_9 = tpu.memref_slice %arg7[%dma_start3A, %dma_start3A_8] : memref<40x128xi32, #tpu.memory_space<vmem>> -> memref<1x128xi32, #tpu.memory_space<vmem>>
    %dma_start3A_10 = tpu.memref_squeeze %dma_start3A_9 : memref<1x128xi32, #tpu.memory_space<vmem>> -> memref<128xi32, #tpu.memory_space<vmem>>
    %dma_start3A_11 = arith.constant 0 : i32
    %dma_start3A_12 = arith.constant 0 : i32
    %dma_start3A_13 = tpu.memref_slice %arg19[%dma_start3A_11, %dma_start3A_12] : memref<10240x64xf32, #tpu.memory_space<vmem_shared>> -> memref<10240x64xf32, #tpu.memory_space<vmem_shared>>
    tpu.enqueue_indirect_dma source(%dma_start3A_13 : memref<10240x64xf32, #tpu.memory_space<vmem_shared>>) target(%dma_start3A_7 : memref<128x64xf32, #tpu.memory_space<vmem>>) offsets(%dma_start3A_10 : memref<128xi32, #tpu.memory_space<vmem>>) semaphore(%arg10 : memref<!tpu.dma_semaphore, #tpu.memory_space<semaphore_mem>>)
    %dma_start3A_14 = arith.constant 1 : i32
    %dma_start3A_15 = arith.constant 1 : i32
    %dma_start3A_16 = arith.constant 0 : i32
    %dma_start3A_17 = arith.constant 0 : i32
    %dma_start3A_18 = tpu.memref_slice %arg9[%dma_start3A_15, %dma_start3A_16, %dma_start3A_17] : memref<4x128x64xf32, #tpu.memory_space<vmem>> -> memref<1x128x64xf32, #tpu.memory_space<vmem>>
    %dma_start3A_19 = tpu.memref_squeeze %dma_start3A_18 : memref<1x128x64xf32, #tpu.memory_space<vmem>> -> memref<128x64xf32, #tpu.memory_space<vmem>>
    %dma_start3A_20 = arith.constant 0 : i32
    %dma_start3A_21 = tpu.memref_slice %arg7[%dma_start3A_14, %dma_start3A_20] : memref<40x128xi32, #tpu.memory_space<vmem>> -> memref<1x128xi32, #tpu.memory_space<vmem>>
    %dma_start3A_22 = tpu.memref_squeeze %dma_start3A_21 : memref<1x128xi32, #tpu.memory_space<vmem>> -> memref<128xi32, #tpu.memory_space<vmem>>
    %dma_start3A_23 = arith.constant 0 : i32
    %dma_start3A_24 = arith.constant 0 : i32
    %dma_start3A_25 = tpu.memref_slice %arg19[%dma_start3A_23, %dma_start3A_24] : memref<10240x64xf32, #tpu.memory_space<vmem_shared>> -> memref<10240x64xf32, #tpu.memory_space<vmem_shared>>
    tpu.enqueue_indirect_dma source(%dma_start3A_25 : memref<10240x64xf32, #tpu.memory_space<vmem_shared>>) target(%dma_start3A_19 : memref<128x64xf32, #tpu.memory_space<vmem>>) offsets(%dma_start3A_22 : memref<128xi32, #tpu.memory_space<vmem>>) semaphore(%arg11 : memref<!tpu.dma_semaphore, #tpu.memory_space<semaphore_mem>>)
    %scan3A = arith.constant 0 : i32
    %scan3A_26 = arith.constant 0 : i32
    %scan3A_27 = arith.constant 10 : i32
    %scan3A_28 = arith.addi %scan3A_26, %scan3A_27 : i32
    %scan3A_29 = arith.constant 1 : i32
    scf.for %scan3A_79 = %scan3A_26 to %scan3A_28 step %scan3A_29  : i32 {
      %mul3A_80 = arith.constant 4 : i32
      %mul3A_81 = arith.muli %mul3A_80, %scan3A_79 : i32
      %add3A_82 = arith.constant 0 : i32
      %add3A_83 = arith.addi %mul3A_81, %add3A_82 : i32
      %dma_wait3A_84 = arith.constant 0 : i32
      %dma_wait3A_85 = arith.constant 0 : i32
      %dma_wait3A_86 = arith.constant 0 : i32
      %dma_wait3A_87 = tpu.memref_slice %arg9[%dma_wait3A_84, %dma_wait3A_85, %dma_wait3A_86] : memref<4x128x64xf32, #tpu.memory_space<vmem>> -> memref<1x128x64xf32, #tpu.memory_space<vmem>>
      %dma_wait3A_88 = tpu.memref_squeeze %dma_wait3A_87 : memref<1x128x64xf32, #tpu.memory_space<vmem>> -> memref<128x64xf32, #tpu.memory_space<vmem>>
      %dma_wait3A_89 = arith.constant 0 : i32
      %dma_wait3A_90 = tpu.memref_slice %arg7[%add3A_83, %dma_wait3A_89] : memref<40x128xi32, #tpu.memory_space<vmem>> -> memref<1x128xi32, #tpu.memory_space<vmem>>
      %dma_wait3A_91 = tpu.memref_squeeze %dma_wait3A_90 : memref<1x128xi32, #tpu.memory_space<vmem>> -> memref<128xi32, #tpu.memory_space<vmem>>
      %dma_wait3A_92 = arith.constant 0 : i32
      %dma_wait3A_93 = arith.constant 0 : i32
      %dma_wait3A_94 = tpu.memref_slice %arg19[%dma_wait3A_92, %dma_wait3A_93] : memref<10240x64xf32, #tpu.memory_space<vmem_shared>> -> memref<10240x64xf32, #tpu.memory_space<vmem_shared>>
      tpu.wait_indirect_dma semaphore(%arg10 : memref<!tpu.dma_semaphore, #tpu.memory_space<semaphore_mem>>) src(%dma_wait3A_94 : memref<10240x64xf32, #tpu.memory_space<vmem_shared>>) dst(%dma_wait3A_88 : memref<128x64xf32, #tpu.memory_space<vmem>>)
      %dma_start3A_95 = arith.constant 0 : i32
      %dma_start3A_96 = arith.constant 0 : i32
      %dma_start3A_97 = arith.constant 0 : i32
      %dma_start3A_98 = tpu.memref_slice %arg9[%dma_start3A_95, %dma_start3A_96, %dma_start3A_97] : memref<4x128x64xf32, #tpu.memory_space<vmem>> -> memref<1x128x64xf32, #tpu.memory_space<vmem>>
      %dma_start3A_99 = tpu.memref_squeeze %dma_start3A_98 : memref<1x128x64xf32, #tpu.memory_space<vmem>> -> memref<128x64xf32, #tpu.memory_space<vmem>>
      %dma_start3A_100 = arith.constant 0 : i32
      %dma_start3A_101 = tpu.memref_slice %arg8[%add3A_83, %dma_start3A_100] : memref<40x128xi32, #tpu.memory_space<vmem>> -> memref<1x128xi32, #tpu.memory_space<vmem>>
      %dma_start3A_102 = tpu.memref_squeeze %dma_start3A_101 : memref<1x128xi32, #tpu.memory_space<vmem>> -> memref<128xi32, #tpu.memory_space<vmem>>
      %dma_start3A_103 = arith.constant 0 : i32
      %dma_start3A_104 = arith.constant 0 : i32
      %dma_start3A_105 = tpu.memref_slice %arg18[%dma_start3A_103, %dma_start3A_104] : memref<10240x64xf32, #tpu.memory_space<vmem_shared>> -> memref<10240x64xf32, #tpu.memory_space<vmem_shared>>
      tpu.enqueue_indirect_dma source(%dma_start3A_99 : memref<128x64xf32, #tpu.memory_space<vmem>>) target(%dma_start3A_105 : memref<10240x64xf32, #tpu.memory_space<vmem_shared>>) offsets(%dma_start3A_102 : memref<128xi32, #tpu.memory_space<vmem>>) semaphore(%arg14 : memref<!tpu.dma_semaphore, #tpu.memory_space<semaphore_mem>>) {add = true}
      %add3A_106 = arith.constant 2 : i32
      %add3A_107 = arith.addi %add3A_83, %add3A_106 : i32
      %lt3A = arith.constant 40 : i32
      %lt3A_108 = arith.cmpi slt, %add3A_107, %lt3A : i32
      %convert_element_type3A = arith.extui %lt3A_108 : i1 to i32
      %cond3A = arith.constant 0 : i32
      %cond3A_109 = arith.cmpi ne, %convert_element_type3A, %cond3A : i32
      scf.if %cond3A_109 {
        %ge3A = arith.constant 2 : i32
        %ge3A_209 = arith.cmpi sge, %add3A_83, %ge3A : i32
        %convert_element_type3A_210 = arith.extui %ge3A_209 : i1 to i32
        %cond3A_211 = arith.constant 0 : i32
        %cond3A_212 = arith.cmpi ne, %convert_element_type3A_210, %cond3A_211 : i32
        scf.if %cond3A_212 {
          %sub3A = arith.constant 2 : i32
          %sub3A_226 = arith.subi %add3A_83, %sub3A : i32
          %dma_wait3A_227 = arith.constant 2 : i32
          %dma_wait3A_228 = arith.constant 0 : i32
          %dma_wait3A_229 = arith.constant 0 : i32
          %dma_wait3A_230 = tpu.memref_slice %arg9[%dma_wait3A_227, %dma_wait3A_228, %dma_wait3A_229] : memref<4x128x64xf32, #tpu.memory_space<vmem>> -> memref<1x128x64xf32, #tpu.memory_space<vmem>>
          %dma_wait3A_231 = tpu.memref_squeeze %dma_wait3A_230 : memref<1x128x64xf32, #tpu.memory_space<vmem>> -> memref<128x64xf32, #tpu.memory_space<vmem>>
          %dma_wait3A_232 = arith.constant 0 : i32
          %dma_wait3A_233 = tpu.memref_slice %arg8[%sub3A_226, %dma_wait3A_232] : memref<40x128xi32, #tpu.memory_space<vmem>> -> memref<1x128xi32, #tpu.memory_space<vmem>>
          %dma_wait3A_234 = tpu.memref_squeeze %dma_wait3A_233 : memref<1x128xi32, #tpu.memory_space<vmem>> -> memref<128xi32, #tpu.memory_space<vmem>>
          %dma_wait3A_235 = arith.constant 0 : i32
          %dma_wait3A_236 = arith.constant 0 : i32
          %dma_wait3A_237 = tpu.memref_slice %arg18[%dma_wait3A_235, %dma_wait3A_236] : memref<10240x64xf32, #tpu.memory_space<vmem_shared>> -> memref<10240x64xf32, #tpu.memory_space<vmem_shared>>
          tpu.wait_indirect_dma semaphore(%arg16 : memref<!tpu.dma_semaphore, #tpu.memory_space<semaphore_mem>>) src(%dma_wait3A_231 : memref<128x64xf32, #tpu.memory_space<vmem>>) dst(%dma_wait3A_237 : memref<10240x64xf32, #tpu.memory_space<vmem_shared>>)
        } else {
        }
        %add3A_213 = arith.constant 2 : i32
        %add3A_214 = arith.addi %add3A_83, %add3A_213 : i32
        %dma_start3A_215 = arith.constant 2 : i32
        %dma_start3A_216 = arith.constant 0 : i32
        %dma_start3A_217 = arith.constant 0 : i32
        %dma_start3A_218 = tpu.memref_slice %arg9[%dma_start3A_215, %dma_start3A_216, %dma_start3A_217] : memref<4x128x64xf32, #tpu.memory_space<vmem>> -> memref<1x128x64xf32, #tpu.memory_space<vmem>>
        %dma_start3A_219 = tpu.memref_squeeze %dma_start3A_218 : memref<1x128x64xf32, #tpu.memory_space<vmem>> -> memref<128x64xf32, #tpu.memory_space<vmem>>
        %dma_start3A_220 = arith.constant 0 : i32
        %dma_start3A_221 = tpu.memref_slice %arg7[%add3A_214, %dma_start3A_220] : memref<40x128xi32, #tpu.memory_space<vmem>> -> memref<1x128xi32, #tpu.memory_space<vmem>>
        %dma_start3A_222 = tpu.memref_squeeze %dma_start3A_221 : memref<1x128xi32, #tpu.memory_space<vmem>> -> memref<128xi32, #tpu.memory_space<vmem>>
        %dma_start3A_223 = arith.constant 0 : i32
        %dma_start3A_224 = arith.constant 0 : i32
        %dma_start3A_225 = tpu.memref_slice %arg19[%dma_start3A_223, %dma_start3A_224] : memref<10240x64xf32, #tpu.memory_space<vmem_shared>> -> memref<10240x64xf32, #tpu.memory_space<vmem_shared>>
        tpu.enqueue_indirect_dma source(%dma_start3A_225 : memref<10240x64xf32, #tpu.memory_space<vmem_shared>>) target(%dma_start3A_219 : memref<128x64xf32, #tpu.memory_space<vmem>>) offsets(%dma_start3A_222 : memref<128xi32, #tpu.memory_space<vmem>>) semaphore(%arg12 : memref<!tpu.dma_semaphore, #tpu.memory_space<semaphore_mem>>)
      } else {
      }
      %mul3A_110 = arith.constant 4 : i32
      %mul3A_111 = arith.muli %mul3A_110, %scan3A_79 : i32
      %add3A_112 = arith.constant 1 : i32
      %add3A_113 = arith.addi %mul3A_111, %add3A_112 : i32
      %dma_wait3A_114 = arith.constant 1 : i32
      %dma_wait3A_115 = arith.constant 0 : i32
      %dma_wait3A_116 = arith.constant 0 : i32
      %dma_wait3A_117 = tpu.memref_slice %arg9[%dma_wait3A_114, %dma_wait3A_115, %dma_wait3A_116] : memref<4x128x64xf32, #tpu.memory_space<vmem>> -> memref<1x128x64xf32, #tpu.memory_space<vmem>>
      %dma_wait3A_118 = tpu.memref_squeeze %dma_wait3A_117 : memref<1x128x64xf32, #tpu.memory_space<vmem>> -> memref<128x64xf32, #tpu.memory_space<vmem>>
      %dma_wait3A_119 = arith.constant 0 : i32
      %dma_wait3A_120 = tpu.memref_slice %arg7[%add3A_113, %dma_wait3A_119] : memref<40x128xi32, #tpu.memory_space<vmem>> -> memref<1x128xi32, #tpu.memory_space<vmem>>
      %dma_wait3A_121 = tpu.memref_squeeze %dma_wait3A_120 : memref<1x128xi32, #tpu.memory_space<vmem>> -> memref<128xi32, #tpu.memory_space<vmem>>
      %dma_wait3A_122 = arith.constant 0 : i32
      %dma_wait3A_123 = arith.constant 0 : i32
      %dma_wait3A_124 = tpu.memref_slice %arg19[%dma_wait3A_122, %dma_wait3A_123] : memref<10240x64xf32, #tpu.memory_space<vmem_shared>> -> memref<10240x64xf32, #tpu.memory_space<vmem_shared>>
      tpu.wait_indirect_dma semaphore(%arg11 : memref<!tpu.dma_semaphore, #tpu.memory_space<semaphore_mem>>) src(%dma_wait3A_124 : memref<10240x64xf32, #tpu.memory_space<vmem_shared>>) dst(%dma_wait3A_118 : memref<128x64xf32, #tpu.memory_space<vmem>>)
      %dma_start3A_125 = arith.constant 1 : i32
      %dma_start3A_126 = arith.constant 0 : i32
      %dma_start3A_127 = arith.constant 0 : i32
      %dma_start3A_128 = tpu.memref_slice %arg9[%dma_start3A_125, %dma_start3A_126, %dma_start3A_127] : memref<4x128x64xf32, #tpu.memory_space<vmem>> -> memref<1x128x64xf32, #tpu.memory_space<vmem>>
      %dma_start3A_129 = tpu.memref_squeeze %dma_start3A_128 : memref<1x128x64xf32, #tpu.memory_space<vmem>> -> memref<128x64xf32, #tpu.memory_space<vmem>>
      %dma_start3A_130 = arith.constant 0 : i32
      %dma_start3A_131 = tpu.memref_slice %arg8[%add3A_113, %dma_start3A_130] : memref<40x128xi32, #tpu.memory_space<vmem>> -> memref<1x128xi32, #tpu.memory_space<vmem>>
      %dma_start3A_132 = tpu.memref_squeeze %dma_start3A_131 : memref<1x128xi32, #tpu.memory_space<vmem>> -> memref<128xi32, #tpu.memory_space<vmem>>
      %dma_start3A_133 = arith.constant 0 : i32
      %dma_start3A_134 = arith.constant 0 : i32
      %dma_start3A_135 = tpu.memref_slice %arg18[%dma_start3A_133, %dma_start3A_134] : memref<10240x64xf32, #tpu.memory_space<vmem_shared>> -> memref<10240x64xf32, #tpu.memory_space<vmem_shared>>
      tpu.enqueue_indirect_dma source(%dma_start3A_129 : memref<128x64xf32, #tpu.memory_space<vmem>>) target(%dma_start3A_135 : memref<10240x64xf32, #tpu.memory_space<vmem_shared>>) offsets(%dma_start3A_132 : memref<128xi32, #tpu.memory_space<vmem>>) semaphore(%arg15 : memref<!tpu.dma_semaphore, #tpu.memory_space<semaphore_mem>>) {add = true}
      %add3A_136 = arith.constant 2 : i32
      %add3A_137 = arith.addi %add3A_113, %add3A_136 : i32
      %lt3A_138 = arith.constant 40 : i32
      %lt3A_139 = arith.cmpi slt, %add3A_137, %lt3A_138 : i32
      %convert_element_type3A_140 = arith.extui %lt3A_139 : i1 to i32
      %cond3A_141 = arith.constant 0 : i32
      %cond3A_142 = arith.cmpi ne, %convert_element_type3A_140, %cond3A_141 : i32
      scf.if %cond3A_142 {
        %ge3A = arith.constant 2 : i32
        %ge3A_209 = arith.cmpi sge, %add3A_113, %ge3A : i32
        %convert_element_type3A_210 = arith.extui %ge3A_209 : i1 to i32
        %cond3A_211 = arith.constant 0 : i32
        %cond3A_212 = arith.cmpi ne, %convert_element_type3A_210, %cond3A_211 : i32
        scf.if %cond3A_212 {
          %sub3A = arith.constant 2 : i32
          %sub3A_226 = arith.subi %add3A_113, %sub3A : i32
          %dma_wait3A_227 = arith.constant 3 : i32
          %dma_wait3A_228 = arith.constant 0 : i32
          %dma_wait3A_229 = arith.constant 0 : i32
          %dma_wait3A_230 = tpu.memref_slice %arg9[%dma_wait3A_227, %dma_wait3A_228, %dma_wait3A_229] : memref<4x128x64xf32, #tpu.memory_space<vmem>> -> memref<1x128x64xf32, #tpu.memory_space<vmem>>
          %dma_wait3A_231 = tpu.memref_squeeze %dma_wait3A_230 : memref<1x128x64xf32, #tpu.memory_space<vmem>> -> memref<128x64xf32, #tpu.memory_space<vmem>>
          %dma_wait3A_232 = arith.constant 0 : i32
          %dma_wait3A_233 = tpu.memref_slice %arg8[%sub3A_226, %dma_wait3A_232] : memref<40x128xi32, #tpu.memory_space<vmem>> -> memref<1x128xi32, #tpu.memory_space<vmem>>
          %dma_wait3A_234 = tpu.memref_squeeze %dma_wait3A_233 : memref<1x128xi32, #tpu.memory_space<vmem>> -> memref<128xi32, #tpu.memory_space<vmem>>
          %dma_wait3A_235 = arith.constant 0 : i32
          %dma_wait3A_236 = arith.constant 0 : i32
          %dma_wait3A_237 = tpu.memref_slice %arg18[%dma_wait3A_235, %dma_wait3A_236] : memref<10240x64xf32, #tpu.memory_space<vmem_shared>> -> memref<10240x64xf32, #tpu.memory_space<vmem_shared>>
          tpu.wait_indirect_dma semaphore(%arg17 : memref<!tpu.dma_semaphore, #tpu.memory_space<semaphore_mem>>) src(%dma_wait3A_231 : memref<128x64xf32, #tpu.memory_space<vmem>>) dst(%dma_wait3A_237 : memref<10240x64xf32, #tpu.memory_space<vmem_shared>>)
        } else {
        }
        %add3A_213 = arith.constant 2 : i32
        %add3A_214 = arith.addi %add3A_113, %add3A_213 : i32
        %dma_start3A_215 = arith.constant 3 : i32
        %dma_start3A_216 = arith.constant 0 : i32
        %dma_start3A_217 = arith.constant 0 : i32
        %dma_start3A_218 = tpu.memref_slice %arg9[%dma_start3A_215, %dma_start3A_216, %dma_start3A_217] : memref<4x128x64xf32, #tpu.memory_space<vmem>> -> memref<1x128x64xf32, #tpu.memory_space<vmem>>
        %dma_start3A_219 = tpu.memref_squeeze %dma_start3A_218 : memref<1x128x64xf32, #tpu.memory_space<vmem>> -> memref<128x64xf32, #tpu.memory_space<vmem>>
        %dma_start3A_220 = arith.constant 0 : i32
        %dma_start3A_221 = tpu.memref_slice %arg7[%add3A_214, %dma_start3A_220] : memref<40x128xi32, #tpu.memory_space<vmem>> -> memref<1x128xi32, #tpu.memory_space<vmem>>
        %dma_start3A_222 = tpu.memref_squeeze %dma_start3A_221 : memref<1x128xi32, #tpu.memory_space<vmem>> -> memref<128xi32, #tpu.memory_space<vmem>>
        %dma_start3A_223 = arith.constant 0 : i32
        %dma_start3A_224 = arith.constant 0 : i32
        %dma_start3A_225 = tpu.memref_slice %arg19[%dma_start3A_223, %dma_start3A_224] : memref<10240x64xf32, #tpu.memory_space<vmem_shared>> -> memref<10240x64xf32, #tpu.memory_space<vmem_shared>>
        tpu.enqueue_indirect_dma source(%dma_start3A_225 : memref<10240x64xf32, #tpu.memory_space<vmem_shared>>) target(%dma_start3A_219 : memref<128x64xf32, #tpu.memory_space<vmem>>) offsets(%dma_start3A_222 : memref<128xi32, #tpu.memory_space<vmem>>) semaphore(%arg13 : memref<!tpu.dma_semaphore, #tpu.memory_space<semaphore_mem>>)
      } else {
      }
      %mul3A_143 = arith.constant 4 : i32
      %mul3A_144 = arith.muli %mul3A_143, %scan3A_79 : i32
      %add3A_145 = arith.constant 2 : i32
      %add3A_146 = arith.addi %mul3A_144, %add3A_145 : i32
      %dma_wait3A_147 = arith.constant 2 : i32
      %dma_wait3A_148 = arith.constant 0 : i32
      %dma_wait3A_149 = arith.constant 0 : i32
      %dma_wait3A_150 = tpu.memref_slice %arg9[%dma_wait3A_147, %dma_wait3A_148, %dma_wait3A_149] : memref<4x128x64xf32, #tpu.memory_space<vmem>> -> memref<1x128x64xf32, #tpu.memory_space<vmem>>
      %dma_wait3A_151 = tpu.memref_squeeze %dma_wait3A_150 : memref<1x128x64xf32, #tpu.memory_space<vmem>> -> memref<128x64xf32, #tpu.memory_space<vmem>>
      %dma_wait3A_152 = arith.constant 0 : i32
      %dma_wait3A_153 = tpu.memref_slice %arg7[%add3A_146, %dma_wait3A_152] : memref<40x128xi32, #tpu.memory_space<vmem>> -> memref<1x128xi32, #tpu.memory_space<vmem>>
      %dma_wait3A_154 = tpu.memref_squeeze %dma_wait3A_153 : memref<1x128xi32, #tpu.memory_space<vmem>> -> memref<128xi32, #tpu.memory_space<vmem>>
      %dma_wait3A_155 = arith.constant 0 : i32
      %dma_wait3A_156 = arith.constant 0 : i32
      %dma_wait3A_157 = tpu.memref_slice %arg19[%dma_wait3A_155, %dma_wait3A_156] : memref<10240x64xf32, #tpu.memory_space<vmem_shared>> -> memref<10240x64xf32, #tpu.memory_space<vmem_shared>>
      tpu.wait_indirect_dma semaphore(%arg12 : memref<!tpu.dma_semaphore, #tpu.memory_space<semaphore_mem>>) src(%dma_wait3A_157 : memref<10240x64xf32, #tpu.memory_space<vmem_shared>>) dst(%dma_wait3A_151 : memref<128x64xf32, #tpu.memory_space<vmem>>)
      %dma_start3A_158 = arith.constant 2 : i32
      %dma_start3A_159 = arith.constant 0 : i32
      %dma_start3A_160 = arith.constant 0 : i32
      %dma_start3A_161 = tpu.memref_slice %arg9[%dma_start3A_158, %dma_start3A_159, %dma_start3A_160] : memref<4x128x64xf32, #tpu.memory_space<vmem>> -> memref<1x128x64xf32, #tpu.memory_space<vmem>>
      %dma_start3A_162 = tpu.memref_squeeze %dma_start3A_161 : memref<1x128x64xf32, #tpu.memory_space<vmem>> -> memref<128x64xf32, #tpu.memory_space<vmem>>
      %dma_start3A_163 = arith.constant 0 : i32
      %dma_start3A_164 = tpu.memref_slice %arg8[%add3A_146, %dma_start3A_163] : memref<40x128xi32, #tpu.memory_space<vmem>> -> memref<1x128xi32, #tpu.memory_space<vmem>>
      %dma_start3A_165 = tpu.memref_squeeze %dma_start3A_164 : memref<1x128xi32, #tpu.memory_space<vmem>> -> memref<128xi32, #tpu.memory_space<vmem>>
      %dma_start3A_166 = arith.constant 0 : i32
      %dma_start3A_167 = arith.constant 0 : i32
      %dma_start3A_168 = tpu.memref_slice %arg18[%dma_start3A_166, %dma_start3A_167] : memref<10240x64xf32, #tpu.memory_space<vmem_shared>> -> memref<10240x64xf32, #tpu.memory_space<vmem_shared>>
      tpu.enqueue_indirect_dma source(%dma_start3A_162 : memref<128x64xf32, #tpu.memory_space<vmem>>) target(%dma_start3A_168 : memref<10240x64xf32, #tpu.memory_space<vmem_shared>>) offsets(%dma_start3A_165 : memref<128xi32, #tpu.memory_space<vmem>>) semaphore(%arg16 : memref<!tpu.dma_semaphore, #tpu.memory_space<semaphore_mem>>) {add = true}
      %add3A_169 = arith.constant 2 : i32
      %add3A_170 = arith.addi %add3A_146, %add3A_169 : i32
      %lt3A_171 = arith.constant 40 : i32
      %lt3A_172 = arith.cmpi slt, %add3A_170, %lt3A_171 : i32
      %convert_element_type3A_173 = arith.extui %lt3A_172 : i1 to i32
      %cond3A_174 = arith.constant 0 : i32
      %cond3A_175 = arith.cmpi ne, %convert_element_type3A_173, %cond3A_174 : i32
      scf.if %cond3A_175 {
        %ge3A = arith.constant 2 : i32
        %ge3A_209 = arith.cmpi sge, %add3A_146, %ge3A : i32
        %convert_element_type3A_210 = arith.extui %ge3A_209 : i1 to i32
        %cond3A_211 = arith.constant 0 : i32
        %cond3A_212 = arith.cmpi ne, %convert_element_type3A_210, %cond3A_211 : i32
        scf.if %cond3A_212 {
          %sub3A = arith.constant 2 : i32
          %sub3A_226 = arith.subi %add3A_146, %sub3A : i32
          %dma_wait3A_227 = arith.constant 0 : i32
          %dma_wait3A_228 = arith.constant 0 : i32
          %dma_wait3A_229 = arith.constant 0 : i32
          %dma_wait3A_230 = tpu.memref_slice %arg9[%dma_wait3A_227, %dma_wait3A_228, %dma_wait3A_229] : memref<4x128x64xf32, #tpu.memory_space<vmem>> -> memref<1x128x64xf32, #tpu.memory_space<vmem>>
          %dma_wait3A_231 = tpu.memref_squeeze %dma_wait3A_230 : memref<1x128x64xf32, #tpu.memory_space<vmem>> -> memref<128x64xf32, #tpu.memory_space<vmem>>
          %dma_wait3A_232 = arith.constant 0 : i32
          %dma_wait3A_233 = tpu.memref_slice %arg8[%sub3A_226, %dma_wait3A_232] : memref<40x128xi32, #tpu.memory_space<vmem>> -> memref<1x128xi32, #tpu.memory_space<vmem>>
          %dma_wait3A_234 = tpu.memref_squeeze %dma_wait3A_233 : memref<1x128xi32, #tpu.memory_space<vmem>> -> memref<128xi32, #tpu.memory_space<vmem>>
          %dma_wait3A_235 = arith.constant 0 : i32
          %dma_wait3A_236 = arith.constant 0 : i32
          %dma_wait3A_237 = tpu.memref_slice %arg18[%dma_wait3A_235, %dma_wait3A_236] : memref<10240x64xf32, #tpu.memory_space<vmem_shared>> -> memref<10240x64xf32, #tpu.memory_space<vmem_shared>>
          tpu.wait_indirect_dma semaphore(%arg14 : memref<!tpu.dma_semaphore, #tpu.memory_space<semaphore_mem>>) src(%dma_wait3A_231 : memref<128x64xf32, #tpu.memory_space<vmem>>) dst(%dma_wait3A_237 : memref<10240x64xf32, #tpu.memory_space<vmem_shared>>)
        } else {
        }
        %add3A_213 = arith.constant 2 : i32
        %add3A_214 = arith.addi %add3A_146, %add3A_213 : i32
        %dma_start3A_215 = arith.constant 0 : i32
        %dma_start3A_216 = arith.constant 0 : i32
        %dma_start3A_217 = arith.constant 0 : i32
        %dma_start3A_218 = tpu.memref_slice %arg9[%dma_start3A_215, %dma_start3A_216, %dma_start3A_217] : memref<4x128x64xf32, #tpu.memory_space<vmem>> -> memref<1x128x64xf32, #tpu.memory_space<vmem>>
        %dma_start3A_219 = tpu.memref_squeeze %dma_start3A_218 : memref<1x128x64xf32, #tpu.memory_space<vmem>> -> memref<128x64xf32, #tpu.memory_space<vmem>>
        %dma_start3A_220 = arith.constant 0 : i32
        %dma_start3A_221 = tpu.memref_slice %arg7[%add3A_214, %dma_start3A_220] : memref<40x128xi32, #tpu.memory_space<vmem>> -> memref<1x128xi32, #tpu.memory_space<vmem>>
        %dma_start3A_222 = tpu.memref_squeeze %dma_start3A_221 : memref<1x128xi32, #tpu.memory_space<vmem>> -> memref<128xi32, #tpu.memory_space<vmem>>
        %dma_start3A_223 = arith.constant 0 : i32
        %dma_start3A_224 = arith.constant 0 : i32
        %dma_start3A_225 = tpu.memref_slice %arg19[%dma_start3A_223, %dma_start3A_224] : memref<10240x64xf32, #tpu.memory_space<vmem_shared>> -> memref<10240x64xf32, #tpu.memory_space<vmem_shared>>
        tpu.enqueue_indirect_dma source(%dma_start3A_225 : memref<10240x64xf32, #tpu.memory_space<vmem_shared>>) target(%dma_start3A_219 : memref<128x64xf32, #tpu.memory_space<vmem>>) offsets(%dma_start3A_222 : memref<128xi32, #tpu.memory_space<vmem>>) semaphore(%arg10 : memref<!tpu.dma_semaphore, #tpu.memory_space<semaphore_mem>>)
      } else {
      }
      %mul3A_176 = arith.constant 4 : i32
      %mul3A_177 = arith.muli %mul3A_176, %scan3A_79 : i32
      %add3A_178 = arith.constant 3 : i32
      %add3A_179 = arith.addi %mul3A_177, %add3A_178 : i32
      %dma_wait3A_180 = arith.constant 3 : i32
      %dma_wait3A_181 = arith.constant 0 : i32
      %dma_wait3A_182 = arith.constant 0 : i32
      %dma_wait3A_183 = tpu.memref_slice %arg9[%dma_wait3A_180, %dma_wait3A_181, %dma_wait3A_182] : memref<4x128x64xf32, #tpu.memory_space<vmem>> -> memref<1x128x64xf32, #tpu.memory_space<vmem>>
      %dma_wait3A_184 = tpu.memref_squeeze %dma_wait3A_183 : memref<1x128x64xf32, #tpu.memory_space<vmem>> -> memref<128x64xf32, #tpu.memory_space<vmem>>
      %dma_wait3A_185 = arith.constant 0 : i32
      %dma_wait3A_186 = tpu.memref_slice %arg7[%add3A_179, %dma_wait3A_185] : memref<40x128xi32, #tpu.memory_space<vmem>> -> memref<1x128xi32, #tpu.memory_space<vmem>>
      %dma_wait3A_187 = tpu.memref_squeeze %dma_wait3A_186 : memref<1x128xi32, #tpu.memory_space<vmem>> -> memref<128xi32, #tpu.memory_space<vmem>>
      %dma_wait3A_188 = arith.constant 0 : i32
      %dma_wait3A_189 = arith.constant 0 : i32
      %dma_wait3A_190 = tpu.memref_slice %arg19[%dma_wait3A_188, %dma_wait3A_189] : memref<10240x64xf32, #tpu.memory_space<vmem_shared>> -> memref<10240x64xf32, #tpu.memory_space<vmem_shared>>
      tpu.wait_indirect_dma semaphore(%arg13 : memref<!tpu.dma_semaphore, #tpu.memory_space<semaphore_mem>>) src(%dma_wait3A_190 : memref<10240x64xf32, #tpu.memory_space<vmem_shared>>) dst(%dma_wait3A_184 : memref<128x64xf32, #tpu.memory_space<vmem>>)
      %dma_start3A_191 = arith.constant 3 : i32
      %dma_start3A_192 = arith.constant 0 : i32
      %dma_start3A_193 = arith.constant 0 : i32
      %dma_start3A_194 = tpu.memref_slice %arg9[%dma_start3A_191, %dma_start3A_192, %dma_start3A_193] : memref<4x128x64xf32, #tpu.memory_space<vmem>> -> memref<1x128x64xf32, #tpu.memory_space<vmem>>
      %dma_start3A_195 = tpu.memref_squeeze %dma_start3A_194 : memref<1x128x64xf32, #tpu.memory_space<vmem>> -> memref<128x64xf32, #tpu.memory_space<vmem>>
      %dma_start3A_196 = arith.constant 0 : i32
      %dma_start3A_197 = tpu.memref_slice %arg8[%add3A_179, %dma_start3A_196] : memref<40x128xi32, #tpu.memory_space<vmem>> -> memref<1x128xi32, #tpu.memory_space<vmem>>
      %dma_start3A_198 = tpu.memref_squeeze %dma_start3A_197 : memref<1x128xi32, #tpu.memory_space<vmem>> -> memref<128xi32, #tpu.memory_space<vmem>>
      %dma_start3A_199 = arith.constant 0 : i32
      %dma_start3A_200 = arith.constant 0 : i32
      %dma_start3A_201 = tpu.memref_slice %arg18[%dma_start3A_199, %dma_start3A_200] : memref<10240x64xf32, #tpu.memory_space<vmem_shared>> -> memref<10240x64xf32, #tpu.memory_space<vmem_shared>>
      tpu.enqueue_indirect_dma source(%dma_start3A_195 : memref<128x64xf32, #tpu.memory_space<vmem>>) target(%dma_start3A_201 : memref<10240x64xf32, #tpu.memory_space<vmem_shared>>) offsets(%dma_start3A_198 : memref<128xi32, #tpu.memory_space<vmem>>) semaphore(%arg17 : memref<!tpu.dma_semaphore, #tpu.memory_space<semaphore_mem>>) {add = true}
      %add3A_202 = arith.constant 2 : i32
      %add3A_203 = arith.addi %add3A_179, %add3A_202 : i32
      %lt3A_204 = arith.constant 40 : i32
      %lt3A_205 = arith.cmpi slt, %add3A_203, %lt3A_204 : i32
      %convert_element_type3A_206 = arith.extui %lt3A_205 : i1 to i32
      %cond3A_207 = arith.constant 0 : i32
      %cond3A_208 = arith.cmpi ne, %convert_element_type3A_206, %cond3A_207 : i32
      scf.if %cond3A_208 {
        %ge3A = arith.constant 2 : i32
        %ge3A_209 = arith.cmpi sge, %add3A_179, %ge3A : i32
        %convert_element_type3A_210 = arith.extui %ge3A_209 : i1 to i32
        %cond3A_211 = arith.constant 0 : i32
        %cond3A_212 = arith.cmpi ne, %convert_element_type3A_210, %cond3A_211 : i32
        scf.if %cond3A_212 {
          %sub3A = arith.constant 2 : i32
          %sub3A_226 = arith.subi %add3A_179, %sub3A : i32
          %dma_wait3A_227 = arith.constant 1 : i32
          %dma_wait3A_228 = arith.constant 0 : i32
          %dma_wait3A_229 = arith.constant 0 : i32
          %dma_wait3A_230 = tpu.memref_slice %arg9[%dma_wait3A_227, %dma_wait3A_228, %dma_wait3A_229] : memref<4x128x64xf32, #tpu.memory_space<vmem>> -> memref<1x128x64xf32, #tpu.memory_space<vmem>>
          %dma_wait3A_231 = tpu.memref_squeeze %dma_wait3A_230 : memref<1x128x64xf32, #tpu.memory_space<vmem>> -> memref<128x64xf32, #tpu.memory_space<vmem>>
          %dma_wait3A_232 = arith.constant 0 : i32
          %dma_wait3A_233 = tpu.memref_slice %arg8[%sub3A_226, %dma_wait3A_232] : memref<40x128xi32, #tpu.memory_space<vmem>> -> memref<1x128xi32, #tpu.memory_space<vmem>>
          %dma_wait3A_234 = tpu.memref_squeeze %dma_wait3A_233 : memref<1x128xi32, #tpu.memory_space<vmem>> -> memref<128xi32, #tpu.memory_space<vmem>>
          %dma_wait3A_235 = arith.constant 0 : i32
          %dma_wait3A_236 = arith.constant 0 : i32
          %dma_wait3A_237 = tpu.memref_slice %arg18[%dma_wait3A_235, %dma_wait3A_236] : memref<10240x64xf32, #tpu.memory_space<vmem_shared>> -> memref<10240x64xf32, #tpu.memory_space<vmem_shared>>
          tpu.wait_indirect_dma semaphore(%arg15 : memref<!tpu.dma_semaphore, #tpu.memory_space<semaphore_mem>>) src(%dma_wait3A_231 : memref<128x64xf32, #tpu.memory_space<vmem>>) dst(%dma_wait3A_237 : memref<10240x64xf32, #tpu.memory_space<vmem_shared>>)
        } else {
        }
        %add3A_213 = arith.constant 2 : i32
        %add3A_214 = arith.addi %add3A_179, %add3A_213 : i32
        %dma_start3A_215 = arith.constant 1 : i32
        %dma_start3A_216 = arith.constant 0 : i32
        %dma_start3A_217 = arith.constant 0 : i32
        %dma_start3A_218 = tpu.memref_slice %arg9[%dma_start3A_215, %dma_start3A_216, %dma_start3A_217] : memref<4x128x64xf32, #tpu.memory_space<vmem>> -> memref<1x128x64xf32, #tpu.memory_space<vmem>>
        %dma_start3A_219 = tpu.memref_squeeze %dma_start3A_218 : memref<1x128x64xf32, #tpu.memory_space<vmem>> -> memref<128x64xf32, #tpu.memory_space<vmem>>
        %dma_start3A_220 = arith.constant 0 : i32
        %dma_start3A_221 = tpu.memref_slice %arg7[%add3A_214, %dma_start3A_220] : memref<40x128xi32, #tpu.memory_space<vmem>> -> memref<1x128xi32, #tpu.memory_space<vmem>>
        %dma_start3A_222 = tpu.memref_squeeze %dma_start3A_221 : memref<1x128xi32, #tpu.memory_space<vmem>> -> memref<128xi32, #tpu.memory_space<vmem>>
        %dma_start3A_223 = arith.constant 0 : i32
        %dma_start3A_224 = arith.constant 0 : i32
        %dma_start3A_225 = tpu.memref_slice %arg19[%dma_start3A_223, %dma_start3A_224] : memref<10240x64xf32, #tpu.memory_space<vmem_shared>> -> memref<10240x64xf32, #tpu.memory_space<vmem_shared>>
        tpu.enqueue_indirect_dma source(%dma_start3A_225 : memref<10240x64xf32, #tpu.memory_space<vmem_shared>>) target(%dma_start3A_219 : memref<128x64xf32, #tpu.memory_space<vmem>>) offsets(%dma_start3A_222 : memref<128xi32, #tpu.memory_space<vmem>>) semaphore(%arg11 : memref<!tpu.dma_semaphore, #tpu.memory_space<semaphore_mem>>)
      } else {
      }
    }
    %scan3A_30 = arith.constant 10 : i32
    %dma_wait3A = arith.constant 0 : i32
    %dma_wait3A_31 = arith.constant 36 : i32
    %dma_wait3A_32 = arith.constant 0 : i32
    %dma_wait3A_33 = arith.constant 0 : i32
    %dma_wait3A_34 = tpu.memref_slice %arg9[%dma_wait3A, %dma_wait3A_32, %dma_wait3A_33] : memref<4x128x64xf32, #tpu.memory_space<vmem>> -> memref<1x128x64xf32, #tpu.memory_space<vmem>>
    %dma_wait3A_35 = tpu.memref_squeeze %dma_wait3A_34 : memref<1x128x64xf32, #tpu.memory_space<vmem>> -> memref<128x64xf32, #tpu.memory_space<vmem>>
    %dma_wait3A_36 = arith.constant 0 : i32
    %dma_wait3A_37 = tpu.memref_slice %arg8[%dma_wait3A_31, %dma_wait3A_36] : memref<40x128xi32, #tpu.memory_space<vmem>> -> memref<1x128xi32, #tpu.memory_space<vmem>>
    %dma_wait3A_38 = tpu.memref_squeeze %dma_wait3A_37 : memref<1x128xi32, #tpu.memory_space<vmem>> -> memref<128xi32, #tpu.memory_space<vmem>>
    %dma_wait3A_39 = arith.constant 0 : i32
    %dma_wait3A_40 = arith.constant 0 : i32
    %dma_wait3A_41 = tpu.memref_slice %arg18[%dma_wait3A_39, %dma_wait3A_40] : memref<10240x64xf32, #tpu.memory_space<vmem_shared>> -> memref<10240x64xf32, #tpu.memory_space<vmem_shared>>
    tpu.wait_indirect_dma semaphore(%arg14 : memref<!tpu.dma_semaphore, #tpu.memory_space<semaphore_mem>>) src(%dma_wait3A_35 : memref<128x64xf32, #tpu.memory_space<vmem>>) dst(%dma_wait3A_41 : memref<10240x64xf32, #tpu.memory_space<vmem_shared>>)
    %dma_wait3A_42 = arith.constant 1 : i32
    %dma_wait3A_43 = arith.constant 37 : i32
    %dma_wait3A_44 = arith.constant 0 : i32
    %dma_wait3A_45 = arith.constant 0 : i32
    %dma_wait3A_46 = tpu.memref_slice %arg9[%dma_wait3A_42, %dma_wait3A_44, %dma_wait3A_45] : memref<4x128x64xf32, #tpu.memory_space<vmem>> -> memref<1x128x64xf32, #tpu.memory_space<vmem>>
    %dma_wait3A_47 = tpu.memref_squeeze %dma_wait3A_46 : memref<1x128x64xf32, #tpu.memory_space<vmem>> -> memref<128x64xf32, #tpu.memory_space<vmem>>
    %dma_wait3A_48 = arith.constant 0 : i32
    %dma_wait3A_49 = tpu.memref_slice %arg8[%dma_wait3A_43, %dma_wait3A_48] : memref<40x128xi32, #tpu.memory_space<vmem>> -> memref<1x128xi32, #tpu.memory_space<vmem>>
    %dma_wait3A_50 = tpu.memref_squeeze %dma_wait3A_49 : memref<1x128xi32, #tpu.memory_space<vmem>> -> memref<128xi32, #tpu.memory_space<vmem>>
    %dma_wait3A_51 = arith.constant 0 : i32
    %dma_wait3A_52 = arith.constant 0 : i32
    %dma_wait3A_53 = tpu.memref_slice %arg18[%dma_wait3A_51, %dma_wait3A_52] : memref<10240x64xf32, #tpu.memory_space<vmem_shared>> -> memref<10240x64xf32, #tpu.memory_space<vmem_shared>>
    tpu.wait_indirect_dma semaphore(%arg15 : memref<!tpu.dma_semaphore, #tpu.memory_space<semaphore_mem>>) src(%dma_wait3A_47 : memref<128x64xf32, #tpu.memory_space<vmem>>) dst(%dma_wait3A_53 : memref<10240x64xf32, #tpu.memory_space<vmem_shared>>)
    %dma_wait3A_54 = arith.constant 2 : i32
    %dma_wait3A_55 = arith.constant 38 : i32
    %dma_wait3A_56 = arith.constant 0 : i32
    %dma_wait3A_57 = arith.constant 0 : i32
    %dma_wait3A_58 = tpu.memref_slice %arg9[%dma_wait3A_54, %dma_wait3A_56, %dma_wait3A_57] : memref<4x128x64xf32, #tpu.memory_space<vmem>> -> memref<1x128x64xf32, #tpu.memory_space<vmem>>
    %dma_wait3A_59 = tpu.memref_squeeze %dma_wait3A_58 : memref<1x128x64xf32, #tpu.memory_space<vmem>> -> memref<128x64xf32, #tpu.memory_space<vmem>>
    %dma_wait3A_60 = arith.constant 0 : i32
    %dma_wait3A_61 = tpu.memref_slice %arg8[%dma_wait3A_55, %dma_wait3A_60] : memref<40x128xi32, #tpu.memory_space<vmem>> -> memref<1x128xi32, #tpu.memory_space<vmem>>
    %dma_wait3A_62 = tpu.memref_squeeze %dma_wait3A_61 : memref<1x128xi32, #tpu.memory_space<vmem>> -> memref<128xi32, #tpu.memory_space<vmem>>
    %dma_wait3A_63 = arith.constant 0 : i32
    %dma_wait3A_64 = arith.constant 0 : i32
    %dma_wait3A_65 = tpu.memref_slice %arg18[%dma_wait3A_63, %dma_wait3A_64] : memref<10240x64xf32, #tpu.memory_space<vmem_shared>> -> memref<10240x64xf32, #tpu.memory_space<vmem_shared>>
    tpu.wait_indirect_dma semaphore(%arg16 : memref<!tpu.dma_semaphore, #tpu.memory_space<semaphore_mem>>) src(%dma_wait3A_59 : memref<128x64xf32, #tpu.memory_space<vmem>>) dst(%dma_wait3A_65 : memref<10240x64xf32, #tpu.memory_space<vmem_shared>>)
    %dma_wait3A_66 = arith.constant 3 : i32
    %dma_wait3A_67 = arith.constant 39 : i32
    %dma_wait3A_68 = arith.constant 0 : i32
    %dma_wait3A_69 = arith.constant 0 : i32
    %dma_wait3A_70 = tpu.memref_slice %arg9[%dma_wait3A_66, %dma_wait3A_68, %dma_wait3A_69] : memref<4x128x64xf32, #tpu.memory_space<vmem>> -> memref<1x128x64xf32, #tpu.memory_space<vmem>>
    %dma_wait3A_71 = tpu.memref_squeeze %dma_wait3A_70 : memref<1x128x64xf32, #tpu.memory_space<vmem>> -> memref<128x64xf32, #tpu.memory_space<vmem>>
    %dma_wait3A_72 = arith.constant 0 : i32
    %dma_wait3A_73 = tpu.memref_slice %arg8[%dma_wait3A_67, %dma_wait3A_72] : memref<40x128xi32, #tpu.memory_space<vmem>> -> memref<1x128xi32, #tpu.memory_space<vmem>>
    %dma_wait3A_74 = tpu.memref_squeeze %dma_wait3A_73 : memref<1x128xi32, #tpu.memory_space<vmem>> -> memref<128xi32, #tpu.memory_space<vmem>>
    %dma_wait3A_75 = arith.constant 0 : i32
    %dma_wait3A_76 = arith.constant 0 : i32
    %dma_wait3A_77 = tpu.memref_slice %arg18[%dma_wait3A_75, %dma_wait3A_76] : memref<10240x64xf32, #tpu.memory_space<vmem_shared>> -> memref<10240x64xf32, #tpu.memory_space<vmem_shared>>
    tpu.wait_indirect_dma semaphore(%arg17 : memref<!tpu.dma_semaphore, #tpu.memory_space<semaphore_mem>>) src(%dma_wait3A_71 : memref<128x64xf32, #tpu.memory_space<vmem>>) dst(%dma_wait3A_77 : memref<10240x64xf32, #tpu.memory_space<vmem_shared>>)
    %barrier3A_78 = arith.constant 0 : index
    tpu.barrier barrier_id(%barrier3A_78)
    "tpu.region"() ({
      %run_scoped3A = tpu.sem_alloc : memref<!tpu.dma_semaphore, #tpu.memory_space<semaphore_mem>>
      %dma_start3A_79 = arith.constant 0 : i32
      %dma_start3A_80 = arith.constant 0 : i32
      %dma_start3A_81 = tpu.memref_slice %arg6[%arg0, %dma_start3A_79, %dma_start3A_80] : memref<2x10240x64xf32, #tpu.memory_space<hbm>> -> memref<1x10240x64xf32, #tpu.memory_space<hbm>>
      %dma_start3A_82 = tpu.memref_squeeze %dma_start3A_81 : memref<1x10240x64xf32, #tpu.memory_space<hbm>> -> memref<10240x64xf32, #tpu.memory_space<hbm>>
      %dma_start3A_83 = arith.constant 0 : i32
      %dma_start3A_84 = tpu.memref_slice %dma_start3A_82[%mul3A_2, %dma_start3A_83] : memref<10240x64xf32, #tpu.memory_space<hbm>> -> memref<640x64xf32, #tpu.memory_space<hbm>>
      %dma_start3A_85 = arith.constant 0 : i32
      %dma_start3A_86 = tpu.memref_slice %arg18[%mul3A_2, %dma_start3A_85] : memref<10240x64xf32, #tpu.memory_space<vmem_shared>> -> memref<640x64xf32, #tpu.memory_space<vmem_shared>>
      tpu.enqueue_dma source(%dma_start3A_86 : memref<640x64xf32, #tpu.memory_space<vmem_shared>>) target(%dma_start3A_84 : memref<640x64xf32, #tpu.memory_space<hbm>>) target_semaphore(%run_scoped3A : memref<!tpu.dma_semaphore, #tpu.memory_space<semaphore_mem>>)
      %dma_wait3A_87 = arith.constant 0 : i32
      %dma_wait3A_88 = arith.constant 0 : i32
      %dma_wait3A_89 = tpu.memref_slice %arg6[%arg0, %dma_wait3A_87, %dma_wait3A_88] : memref<2x10240x64xf32, #tpu.memory_space<hbm>> -> memref<1x10240x64xf32, #tpu.memory_space<hbm>>
      %dma_wait3A_90 = tpu.memref_squeeze %dma_wait3A_89 : memref<1x10240x64xf32, #tpu.memory_space<hbm>> -> memref<10240x64xf32, #tpu.memory_space<hbm>>
      %dma_wait3A_91 = arith.constant 0 : i32
      %dma_wait3A_92 = tpu.memref_slice %dma_wait3A_90[%mul3A_2, %dma_wait3A_91] : memref<10240x64xf32, #tpu.memory_space<hbm>> -> memref<640x64xf32, #tpu.memory_space<hbm>>
      %dma_wait3A_93 = arith.constant 0 : i32
      %dma_wait3A_94 = tpu.memref_slice %arg18[%mul3A_2, %dma_wait3A_93] : memref<10240x64xf32, #tpu.memory_space<vmem_shared>> -> memref<640x64xf32, #tpu.memory_space<vmem_shared>>
      tpu.wait_dma2 semaphore(%run_scoped3A : memref<!tpu.dma_semaphore, #tpu.memory_space<semaphore_mem>>) src(%dma_wait3A_94 : memref<640x64xf32, #tpu.memory_space<vmem_shared>>) dst(%dma_wait3A_92 : memref<640x64xf32, #tpu.memory_space<hbm>>)
      tpu.yield
    }) : () -> ()
    return
  }
}

module attributes {stable_mosaic.version = 14 : i64} {
  func.func @_stage_a_body(%arg0: i32, %arg1: memref<2x512x16xf32, #tpu.memory_space<vmem>>, %arg2: memref<512x128xf32, #tpu.memory_space<vmem>>, %arg3: memref<128x64xf32, #tpu.memory_space<vmem>>, %arg4: memref<512x64xf32, #tpu.memory_space<vmem>>, %arg5: memref<512x1xf32, #tpu.memory_space<vmem>>) attributes {dimension_semantics = [#tpu.dimension_semantics<arbitrary>], iteration_bounds = array<i64: 20>, scalar_prefetch = 0 : i64, scratch_operands = 0 : i64, tpu.core_type = #tpu.core_type<tc>, window_params = [{transform_indices = @transform_0, window_bounds = array<i64: 2, 512, 16>}, {transform_indices = @transform_1, window_bounds = array<i64: 512, 128>}, {pipeline_mode = #tpu.pipeline_mode<synchronous>, transform_indices = @transform_2, window_bounds = array<i64: 128, 64>}, {transform_indices = @transform_3, window_bounds = array<i64: 512, 64>}, {transform_indices = @transform_4, window_bounds = array<i64: 512, 1>}]} {
    %get3A = arith.constant 0 : index
    %get3A_0 = arith.constant 0 : index
    %get3A_1 = arith.constant 0 : index
    %get3A_2 = vector.load %arg1[%get3A, %get3A_0, %get3A_1] : memref<2x512x16xf32, #tpu.memory_space<vmem>>, vector<1x512x1xf32>
    %get3A_3 = vector.shape_cast %get3A_2 : vector<1x512x1xf32> to vector<512x1xf32>
    %get3A_4 = arith.constant 1 : index
    %get3A_5 = arith.constant 0 : index
    %get3A_6 = arith.constant 0 : index
    %get3A_7 = vector.load %arg1[%get3A_4, %get3A_5, %get3A_6] : memref<2x512x16xf32, #tpu.memory_space<vmem>>, vector<1x512x1xf32>
    %get3A_8 = vector.shape_cast %get3A_7 : vector<1x512x1xf32> to vector<512x1xf32>
    %add3A = arith.addf %get3A_3, %get3A_8 : vector<512x1xf32>
    %add3A_9 = arith.constant 1.000000e+00 : f32
    %add3A_10 = vector.broadcast %add3A_9 : f32 to vector<512x1xf32>
    %add3A_11 = arith.addf %add3A, %add3A_10 : vector<512x1xf32>
    %rsqrt3A = math.rsqrt %add3A_11 : vector<512x1xf32>
    %get3A_12 = arith.constant 0 : index
    %get3A_13 = arith.constant 0 : index
    %get3A_14 = vector.load %arg2[%get3A_12, %get3A_13] : memref<512x128xf32, #tpu.memory_space<vmem>>, vector<512x128xf32>
    %get3A_15 = arith.constant 0 : index
    %get3A_16 = arith.constant 0 : index
    %get3A_17 = vector.load %arg3[%get3A_15, %get3A_16] : memref<128x64xf32, #tpu.memory_space<vmem>>, vector<128x64xf32>
    %dot_general3A = arith.constant dense<0.000000e+00> : vector<512x64xf32>
    %dot_general3A_18 = tpu.matmul %get3A_14, %get3A_17, %dot_general3A {dimension_numbers = #tpu.dot_dimension_numbers<[1], [0], [0], [1], [0, 0, 1, 1], [], []>, transpose_lhs_hint = false} : vector<512x128xf32>, vector<128x64xf32>, vector<512x64xf32> -> vector<512x64xf32>
    %mul3A = vector.broadcast %rsqrt3A : vector<512x1xf32> to vector<512x64xf32>
    %mul3A_19 = arith.mulf %mul3A, %dot_general3A_18 : vector<512x64xf32>
    %swap3A = arith.constant 0 : index
    %swap3A_20 = arith.constant 0 : index
    %swap3A_21 = vector.load %arg4[%swap3A, %swap3A_20] : memref<512x64xf32, #tpu.memory_space<vmem>>, vector<512x64xf32>
    tpu.vector_store %arg4[%swap3A, %swap3A_20], %mul3A_19 {strides = array<i32>} : memref<512x64xf32, #tpu.memory_space<vmem>>, vector<512x64xf32>,
    %swap3A_22 = arith.constant 0 : index
    %swap3A_23 = arith.constant 0 : index
    %swap3A_24 = vector.load %arg5[%swap3A_22, %swap3A_23] : memref<512x1xf32, #tpu.memory_space<vmem>>, vector<512x1xf32>
    tpu.vector_store %arg5[%swap3A_22, %swap3A_23], %rsqrt3A {strides = array<i32>} : memref<512x1xf32, #tpu.memory_space<vmem>>, vector<512x1xf32>,
    return
  }
  func.func @transform_0(%arg0: i32) -> (i32, i32, i32) {
    %c0_i32 = arith.constant 0 : i32
    %c0_i32_0 = arith.constant 0 : i32
    %c0_i32_1 = arith.constant 0 : i32
    return %c0_i32, %arg0, %c0_i32_0 : i32, i32, i32
  }
  func.func @transform_1(%arg0: i32) -> (i32, i32) {
    %c0_i32 = arith.constant 0 : i32
    %c0_i32_0 = arith.constant 0 : i32
    return %arg0, %c0_i32 : i32, i32
  }
  func.func @transform_2(%arg0: i32) -> (i32, i32) {
    %c0_i32 = arith.constant 0 : i32
    %c0_i32_0 = arith.constant 0 : i32
    %c0_i32_1 = arith.constant 0 : i32
    return %c0_i32, %c0_i32_0 : i32, i32
  }
  func.func @transform_3(%arg0: i32) -> (i32, i32) {
    %c0_i32 = arith.constant 0 : i32
    %c0_i32_0 = arith.constant 0 : i32
    return %arg0, %c0_i32 : i32, i32
  }
  func.func @transform_4(%arg0: i32) -> (i32, i32) {
    %c0_i32 = arith.constant 0 : i32
    %c0_i32_0 = arith.constant 0 : i32
    return %arg0, %c0_i32 : i32, i32
  }
}

module attributes {stable_mosaic.version = 14 : i64} {
  func.func @_stage_c_body(%arg0: i32, %arg1: memref<2x512x64xf32, #tpu.memory_space<vmem>>, %arg2: memref<512x64xf32, #tpu.memory_space<vmem>>, %arg3: memref<512x1xf32, #tpu.memory_space<vmem>>, %arg4: memref<1x64xf32, #tpu.memory_space<vmem>>, %arg5: memref<512x64xf32, #tpu.memory_space<vmem>>) attributes {dimension_semantics = [#tpu.dimension_semantics<arbitrary>], iteration_bounds = array<i64: 20>, scalar_prefetch = 0 : i64, scratch_operands = 0 : i64, tpu.core_type = #tpu.core_type<tc>, window_params = [{transform_indices = @transform_0, window_bounds = array<i64: 2, 512, 64>}, {transform_indices = @transform_1, window_bounds = array<i64: 512, 64>}, {transform_indices = @transform_2, window_bounds = array<i64: 512, 1>}, {pipeline_mode = #tpu.pipeline_mode<synchronous>, transform_indices = @transform_3, window_bounds = array<i64: 1, 64>}, {transform_indices = @transform_4, window_bounds = array<i64: 512, 64>}]} {
    %get3A = arith.constant 0 : index
    %get3A_0 = arith.constant 0 : index
    %get3A_1 = vector.load %arg3[%get3A, %get3A_0] : memref<512x1xf32, #tpu.memory_space<vmem>>, vector<512x1xf32>
    %get3A_2 = arith.constant 0 : index
    %get3A_3 = arith.constant 0 : index
    %get3A_4 = arith.constant 0 : index
    %get3A_5 = vector.load %arg1[%get3A_2, %get3A_3, %get3A_4] : memref<2x512x64xf32, #tpu.memory_space<vmem>>, vector<1x512x64xf32>
    %get3A_6 = vector.shape_cast %get3A_5 : vector<1x512x64xf32> to vector<512x64xf32>
    %get3A_7 = arith.constant 1 : index
    %get3A_8 = arith.constant 0 : index
    %get3A_9 = arith.constant 0 : index
    %get3A_10 = vector.load %arg1[%get3A_7, %get3A_8, %get3A_9] : memref<2x512x64xf32, #tpu.memory_space<vmem>>, vector<1x512x64xf32>
    %get3A_11 = vector.shape_cast %get3A_10 : vector<1x512x64xf32> to vector<512x64xf32>
    %add3A = arith.addf %get3A_6, %get3A_11 : vector<512x64xf32>
    %get3A_12 = arith.constant 0 : index
    %get3A_13 = arith.constant 0 : index
    %get3A_14 = vector.load %arg2[%get3A_12, %get3A_13] : memref<512x64xf32, #tpu.memory_space<vmem>>, vector<512x64xf32>
    %add3A_15 = arith.addf %add3A, %get3A_14 : vector<512x64xf32>
    %mul3A = vector.broadcast %get3A_1 : vector<512x1xf32> to vector<512x64xf32>
    %mul3A_16 = arith.mulf %mul3A, %add3A_15 : vector<512x64xf32>
    %get3A_17 = arith.constant 0 : index
    %get3A_18 = arith.constant 0 : index
    %get3A_19 = vector.load %arg4[%get3A_17, %get3A_18] : memref<1x64xf32, #tpu.memory_space<vmem>>, vector<1x64xf32>
    %add3A_20 = vector.broadcast %get3A_19 : vector<1x64xf32> to vector<512x64xf32>
    %add3A_21 = arith.addf %mul3A_16, %add3A_20 : vector<512x64xf32>
    %max3A = arith.constant 0.000000e+00 : f32
    %max3A_22 = vector.broadcast %max3A : f32 to vector<512x64xf32>
    %max3A_23 = arith.maximumf %add3A_21, %max3A_22 : vector<512x64xf32>
    %mul3A_24 = vector.broadcast %get3A_1 : vector<512x1xf32> to vector<512x64xf32>
    %mul3A_25 = arith.mulf %mul3A_24, %max3A_23 : vector<512x64xf32>
    %swap3A = arith.constant 0 : index
    %swap3A_26 = arith.constant 0 : index
    %swap3A_27 = vector.load %arg5[%swap3A, %swap3A_26] : memref<512x64xf32, #tpu.memory_space<vmem>>, vector<512x64xf32>
    tpu.vector_store %arg5[%swap3A, %swap3A_26], %mul3A_25 {strides = array<i32>} : memref<512x64xf32, #tpu.memory_space<vmem>>, vector<512x64xf32>,
    return
  }
  func.func @transform_0(%arg0: i32) -> (i32, i32, i32) {
    %c0_i32 = arith.constant 0 : i32
    %c0_i32_0 = arith.constant 0 : i32
    %c0_i32_1 = arith.constant 0 : i32
    return %c0_i32, %arg0, %c0_i32_0 : i32, i32, i32
  }
  func.func @transform_1(%arg0: i32) -> (i32, i32) {
    %c0_i32 = arith.constant 0 : i32
    %c0_i32_0 = arith.constant 0 : i32
    return %arg0, %c0_i32 : i32, i32
  }
  func.func @transform_2(%arg0: i32) -> (i32, i32) {
    %c0_i32 = arith.constant 0 : i32
    %c0_i32_0 = arith.constant 0 : i32
    return %arg0, %c0_i32 : i32, i32
  }
  func.func @transform_3(%arg0: i32) -> (i32, i32) {
    %c0_i32 = arith.constant 0 : i32
    %c0_i32_0 = arith.constant 0 : i32
    %c0_i32_1 = arith.constant 0 : i32
    return %c0_i32, %c0_i32_0 : i32, i32
  }
  func.func @transform_4(%arg0: i32) -> (i32, i32) {
    %c0_i32 = arith.constant 0 : i32
    %c0_i32_0 = arith.constant 0 : i32
    return %arg0, %c0_i32 : i32, i32
  }
}

module attributes {stable_mosaic.version = 14 : i64} {
  func.func @_stage_e_body(%arg0: i32, %arg1: memref<2x512x64xf32, #tpu.memory_space<vmem>>, %arg2: memref<512x64xf32, #tpu.memory_space<vmem>>, %arg3: memref<512x1xf32, #tpu.memory_space<vmem>>, %arg4: memref<64x64xf32, #tpu.memory_space<vmem>>, %arg5: memref<64x64xf32, #tpu.memory_space<vmem>>, %arg6: memref<1x64xf32, #tpu.memory_space<vmem>>, %arg7: memref<1x64xf32, #tpu.memory_space<vmem>>, %arg8: memref<512x64xf32, #tpu.memory_space<vmem>>, %arg9: memref<512x64xf32, #tpu.memory_space<vmem>>, %arg10: memref<512x64xf32, #tpu.memory_space<vmem>>, %arg11: memref<512x64xf32, #tpu.memory_space<vmem>>) attributes {dimension_semantics = [#tpu.dimension_semantics<arbitrary>], iteration_bounds = array<i64: 20>, scalar_prefetch = 0 : i64, scratch_operands = 0 : i64, tpu.core_type = #tpu.core_type<tc>, window_params = [{transform_indices = @transform_0, window_bounds = array<i64: 2, 512, 64>}, {transform_indices = @transform_1, window_bounds = array<i64: 512, 64>}, {transform_indices = @transform_2, window_bounds = array<i64: 512, 1>}, {pipeline_mode = #tpu.pipeline_mode<synchronous>, transform_indices = @transform_3, window_bounds = array<i64: 64, 64>}, {pipeline_mode = #tpu.pipeline_mode<synchronous>, transform_indices = @transform_4, window_bounds = array<i64: 64, 64>}, {pipeline_mode = #tpu.pipeline_mode<synchronous>, transform_indices = @transform_5, window_bounds = array<i64: 1, 64>}, {pipeline_mode = #tpu.pipeline_mode<synchronous>, transform_indices = @transform_6, window_bounds = array<i64: 1, 64>}, {transform_indices = @transform_7, window_bounds = array<i64: 512, 64>}, {transform_indices = @transform_8, window_bounds = array<i64: 512, 64>}, {transform_indices = @transform_9, window_bounds = array<i64: 512, 64>}, {transform_indices = @transform_10, window_bounds = array<i64: 512, 64>}]} {
    %get3A = arith.constant 0 : index
    %get3A_0 = arith.constant 0 : index
    %get3A_1 = vector.load %arg3[%get3A, %get3A_0] : memref<512x1xf32, #tpu.memory_space<vmem>>, vector<512x1xf32>
    %get3A_2 = arith.constant 0 : index
    %get3A_3 = arith.constant 0 : index
    %get3A_4 = arith.constant 0 : index
    %get3A_5 = vector.load %arg1[%get3A_2, %get3A_3, %get3A_4] : memref<2x512x64xf32, #tpu.memory_space<vmem>>, vector<1x512x64xf32>
    %get3A_6 = vector.shape_cast %get3A_5 : vector<1x512x64xf32> to vector<512x64xf32>
    %get3A_7 = arith.constant 1 : index
    %get3A_8 = arith.constant 0 : index
    %get3A_9 = arith.constant 0 : index
    %get3A_10 = vector.load %arg1[%get3A_7, %get3A_8, %get3A_9] : memref<2x512x64xf32, #tpu.memory_space<vmem>>, vector<1x512x64xf32>
    %get3A_11 = vector.shape_cast %get3A_10 : vector<1x512x64xf32> to vector<512x64xf32>
    %add3A = arith.addf %get3A_6, %get3A_11 : vector<512x64xf32>
    %get3A_12 = arith.constant 0 : index
    %get3A_13 = arith.constant 0 : index
    %get3A_14 = vector.load %arg2[%get3A_12, %get3A_13] : memref<512x64xf32, #tpu.memory_space<vmem>>, vector<512x64xf32>
    %add3A_15 = arith.addf %add3A, %get3A_14 : vector<512x64xf32>
    %mul3A = vector.broadcast %get3A_1 : vector<512x1xf32> to vector<512x64xf32>
    %mul3A_16 = arith.mulf %mul3A, %add3A_15 : vector<512x64xf32>
    %get3A_17 = arith.constant 0 : index
    %get3A_18 = arith.constant 0 : index
    %get3A_19 = vector.load %arg4[%get3A_17, %get3A_18] : memref<64x64xf32, #tpu.memory_space<vmem>>, vector<64x64xf32>
    %dot_general3A = arith.constant dense<0.000000e+00> : vector<512x64xf32>
    %dot_general3A_20 = tpu.matmul %mul3A_16, %get3A_19, %dot_general3A {dimension_numbers = #tpu.dot_dimension_numbers<[1], [0], [0], [1], [0, 0, 1, 1], [], []>, transpose_lhs_hint = false} : vector<512x64xf32>, vector<64x64xf32>, vector<512x64xf32> -> vector<512x64xf32>
    %get3A_21 = arith.constant 0 : index
    %get3A_22 = arith.constant 0 : index
    %get3A_23 = vector.load %arg6[%get3A_21, %get3A_22] : memref<1x64xf32, #tpu.memory_space<vmem>>, vector<1x64xf32>
    %add3A_24 = vector.broadcast %get3A_23 : vector<1x64xf32> to vector<512x64xf32>
    %add3A_25 = arith.addf %dot_general3A_20, %add3A_24 : vector<512x64xf32>
    %get3A_26 = arith.constant 0 : index
    %get3A_27 = arith.constant 0 : index
    %get3A_28 = vector.load %arg5[%get3A_26, %get3A_27] : memref<64x64xf32, #tpu.memory_space<vmem>>, vector<64x64xf32>
    %dot_general3A_29 = arith.constant dense<0.000000e+00> : vector<512x64xf32>
    %dot_general3A_30 = tpu.matmul %mul3A_16, %get3A_28, %dot_general3A_29 {dimension_numbers = #tpu.dot_dimension_numbers<[1], [0], [0], [1], [0, 0, 1, 1], [], []>, transpose_lhs_hint = false} : vector<512x64xf32>, vector<64x64xf32>, vector<512x64xf32> -> vector<512x64xf32>
    %get3A_31 = arith.constant 0 : index
    %get3A_32 = arith.constant 0 : index
    %get3A_33 = vector.load %arg7[%get3A_31, %get3A_32] : memref<1x64xf32, #tpu.memory_space<vmem>>, vector<1x64xf32>
    %add3A_34 = vector.broadcast %get3A_33 : vector<1x64xf32> to vector<512x64xf32>
    %add3A_35 = arith.addf %dot_general3A_30, %add3A_34 : vector<512x64xf32>
    %get3A_36 = arith.constant 0 : index
    %get3A_37 = arith.constant 0 : index
    %get3A_38 = vector.load %arg8[%get3A_36, %get3A_37] : memref<512x64xf32, #tpu.memory_space<vmem>>, vector<512x64xf32>
    %exp3A = math.exp %add3A_35 : vector<512x64xf32>
    %mul3A_39 = arith.mulf %get3A_38, %exp3A : vector<512x64xf32>
    %add3A_40 = arith.addf %mul3A_39, %add3A_25 : vector<512x64xf32>
    %swap3A = arith.constant 0 : index
    %swap3A_41 = arith.constant 0 : index
    %swap3A_42 = vector.load %arg9[%swap3A, %swap3A_41] : memref<512x64xf32, #tpu.memory_space<vmem>>, vector<512x64xf32>
    tpu.vector_store %arg9[%swap3A, %swap3A_41], %add3A_25 {strides = array<i32>} : memref<512x64xf32, #tpu.memory_space<vmem>>, vector<512x64xf32>,
    %swap3A_43 = arith.constant 0 : index
    %swap3A_44 = arith.constant 0 : index
    %swap3A_45 = vector.load %arg10[%swap3A_43, %swap3A_44] : memref<512x64xf32, #tpu.memory_space<vmem>>, vector<512x64xf32>
    tpu.vector_store %arg10[%swap3A_43, %swap3A_44], %add3A_35 {strides = array<i32>} : memref<512x64xf32, #tpu.memory_space<vmem>>, vector<512x64xf32>,
    %mul3A_46 = vector.broadcast %get3A_1 : vector<512x1xf32> to vector<512x64xf32>
    %mul3A_47 = arith.mulf %mul3A_46, %add3A_40 : vector<512x64xf32>
    %swap3A_48 = arith.constant 0 : index
    %swap3A_49 = arith.constant 0 : index
    %swap3A_50 = vector.load %arg11[%swap3A_48, %swap3A_49] : memref<512x64xf32, #tpu.memory_space<vmem>>, vector<512x64xf32>
    tpu.vector_store %arg11[%swap3A_48, %swap3A_49], %mul3A_47 {strides = array<i32>} : memref<512x64xf32, #tpu.memory_space<vmem>>, vector<512x64xf32>,
    return
  }
  func.func @transform_0(%arg0: i32) -> (i32, i32, i32) {
    %c0_i32 = arith.constant 0 : i32
    %c0_i32_0 = arith.constant 0 : i32
    %c0_i32_1 = arith.constant 0 : i32
    return %c0_i32, %arg0, %c0_i32_0 : i32, i32, i32
  }
  func.func @transform_1(%arg0: i32) -> (i32, i32) {
    %c0_i32 = arith.constant 0 : i32
    %c0_i32_0 = arith.constant 0 : i32
    return %arg0, %c0_i32 : i32, i32
  }
  func.func @transform_2(%arg0: i32) -> (i32, i32) {
    %c0_i32 = arith.constant 0 : i32
    %c0_i32_0 = arith.constant 0 : i32
    return %arg0, %c0_i32 : i32, i32
  }
  func.func @transform_3(%arg0: i32) -> (i32, i32) {
    %c0_i32 = arith.constant 0 : i32
    %c0_i32_0 = arith.constant 0 : i32
    %c0_i32_1 = arith.constant 0 : i32
    return %c0_i32, %c0_i32_0 : i32, i32
  }
  func.func @transform_4(%arg0: i32) -> (i32, i32) {
    %c0_i32 = arith.constant 0 : i32
    %c0_i32_0 = arith.constant 0 : i32
    %c0_i32_1 = arith.constant 0 : i32
    return %c0_i32, %c0_i32_0 : i32, i32
  }
  func.func @transform_5(%arg0: i32) -> (i32, i32) {
    %c0_i32 = arith.constant 0 : i32
    %c0_i32_0 = arith.constant 0 : i32
    %c0_i32_1 = arith.constant 0 : i32
    return %c0_i32, %c0_i32_0 : i32, i32
  }
  func.func @transform_6(%arg0: i32) -> (i32, i32) {
    %c0_i32 = arith.constant 0 : i32
    %c0_i32_0 = arith.constant 0 : i32
    %c0_i32_1 = arith.constant 0 : i32
    return %c0_i32, %c0_i32_0 : i32, i32
  }
  func.func @transform_7(%arg0: i32) -> (i32, i32) {
    %c0_i32 = arith.constant 0 : i32
    %c0_i32_0 = arith.constant 0 : i32
    return %arg0, %c0_i32 : i32, i32
  }
  func.func @transform_8(%arg0: i32) -> (i32, i32) {
    %c0_i32 = arith.constant 0 : i32
    %c0_i32_0 = arith.constant 0 : i32
    return %arg0, %c0_i32 : i32, i32
  }
  func.func @transform_9(%arg0: i32) -> (i32, i32) {
    %c0_i32 = arith.constant 0 : i32
    %c0_i32_0 = arith.constant 0 : i32
    return %arg0, %c0_i32 : i32, i32
  }
  func.func @transform_10(%arg0: i32) -> (i32, i32) {
    %c0_i32 = arith.constant 0 : i32
    %c0_i32_0 = arith.constant 0 : i32
    return %arg0, %c0_i32 : i32, i32
  }
}

module attributes {stable_mosaic.version = 14 : i64} {
  func.func @_stage_g_body(%arg0: i32, %arg1: memref<2x512x64xf32, #tpu.memory_space<vmem>>, %arg2: memref<512x64xf32, #tpu.memory_space<vmem>>, %arg3: memref<512x1xf32, #tpu.memory_space<vmem>>, %arg4: memref<64x64xf32, #tpu.memory_space<vmem>>, %arg5: memref<1x64xf32, #tpu.memory_space<vmem>>, %arg6: memref<64x64xf32, #tpu.memory_space<vmem>>, %arg7: memref<1x64xf32, #tpu.memory_space<vmem>>, %arg8: memref<512x64xf32, #tpu.memory_space<vmem>>, %arg9: memref<512x64xf32, #tpu.memory_space<vmem>>, %arg10: memref<64x512xf32, #tpu.memory_space<vmem>>) attributes {dimension_semantics = [#tpu.dimension_semantics<arbitrary>], iteration_bounds = array<i64: 20>, scalar_prefetch = 0 : i64, scratch_operands = 0 : i64, tpu.core_type = #tpu.core_type<tc>, window_params = [{transform_indices = @transform_0, window_bounds = array<i64: 2, 512, 64>}, {transform_indices = @transform_1, window_bounds = array<i64: 512, 64>}, {transform_indices = @transform_2, window_bounds = array<i64: 512, 1>}, {pipeline_mode = #tpu.pipeline_mode<synchronous>, transform_indices = @transform_3, window_bounds = array<i64: 64, 64>}, {pipeline_mode = #tpu.pipeline_mode<synchronous>, transform_indices = @transform_4, window_bounds = array<i64: 1, 64>}, {pipeline_mode = #tpu.pipeline_mode<synchronous>, transform_indices = @transform_5, window_bounds = array<i64: 64, 64>}, {pipeline_mode = #tpu.pipeline_mode<synchronous>, transform_indices = @transform_6, window_bounds = array<i64: 1, 64>}, {transform_indices = @transform_7, window_bounds = array<i64: 512, 64>}, {transform_indices = @transform_8, window_bounds = array<i64: 512, 64>}, {transform_indices = @transform_9, window_bounds = array<i64: 64, 512>}]} {
    %get3A = arith.constant 0 : index
    %get3A_0 = arith.constant 0 : index
    %get3A_1 = vector.load %arg3[%get3A, %get3A_0] : memref<512x1xf32, #tpu.memory_space<vmem>>, vector<512x1xf32>
    %get3A_2 = arith.constant 0 : index
    %get3A_3 = arith.constant 0 : index
    %get3A_4 = arith.constant 0 : index
    %get3A_5 = vector.load %arg1[%get3A_2, %get3A_3, %get3A_4] : memref<2x512x64xf32, #tpu.memory_space<vmem>>, vector<1x512x64xf32>
    %get3A_6 = vector.shape_cast %get3A_5 : vector<1x512x64xf32> to vector<512x64xf32>
    %get3A_7 = arith.constant 1 : index
    %get3A_8 = arith.constant 0 : index
    %get3A_9 = arith.constant 0 : index
    %get3A_10 = vector.load %arg1[%get3A_7, %get3A_8, %get3A_9] : memref<2x512x64xf32, #tpu.memory_space<vmem>>, vector<1x512x64xf32>
    %get3A_11 = vector.shape_cast %get3A_10 : vector<1x512x64xf32> to vector<512x64xf32>
    %add3A = arith.addf %get3A_6, %get3A_11 : vector<512x64xf32>
    %get3A_12 = arith.constant 0 : index
    %get3A_13 = arith.constant 0 : index
    %get3A_14 = vector.load %arg2[%get3A_12, %get3A_13] : memref<512x64xf32, #tpu.memory_space<vmem>>, vector<512x64xf32>
    %add3A_15 = arith.addf %add3A, %get3A_14 : vector<512x64xf32>
    %mul3A = vector.broadcast %get3A_1 : vector<512x1xf32> to vector<512x64xf32>
    %mul3A_16 = arith.mulf %mul3A, %add3A_15 : vector<512x64xf32>
    %get3A_17 = arith.constant 0 : index
    %get3A_18 = arith.constant 0 : index
    %get3A_19 = vector.load %arg4[%get3A_17, %get3A_18] : memref<64x64xf32, #tpu.memory_space<vmem>>, vector<64x64xf32>
    %dot_general3A = arith.constant dense<0.000000e+00> : vector<512x64xf32>
    %dot_general3A_20 = tpu.matmul %mul3A_16, %get3A_19, %dot_general3A {dimension_numbers = #tpu.dot_dimension_numbers<[1], [0], [0], [1], [0, 0, 1, 1], [], []>, transpose_lhs_hint = false} : vector<512x64xf32>, vector<64x64xf32>, vector<512x64xf32> -> vector<512x64xf32>
    %get3A_21 = arith.constant 0 : index
    %get3A_22 = arith.constant 0 : index
    %get3A_23 = vector.load %arg5[%get3A_21, %get3A_22] : memref<1x64xf32, #tpu.memory_space<vmem>>, vector<1x64xf32>
    %add3A_24 = vector.broadcast %get3A_23 : vector<1x64xf32> to vector<512x64xf32>
    %add3A_25 = arith.addf %dot_general3A_20, %add3A_24 : vector<512x64xf32>
    %max3A = arith.constant 0.000000e+00 : f32
    %max3A_26 = vector.broadcast %max3A : f32 to vector<512x64xf32>
    %max3A_27 = arith.maximumf %add3A_25, %max3A_26 : vector<512x64xf32>
    %mul3A_28 = vector.broadcast %get3A_1 : vector<512x1xf32> to vector<512x64xf32>
    %mul3A_29 = arith.mulf %mul3A_28, %max3A_27 : vector<512x64xf32>
    %swap3A = arith.constant 0 : index
    %swap3A_30 = arith.constant 0 : index
    %swap3A_31 = vector.load %arg8[%swap3A, %swap3A_30] : memref<512x64xf32, #tpu.memory_space<vmem>>, vector<512x64xf32>
    tpu.vector_store %arg8[%swap3A, %swap3A_30], %mul3A_29 {strides = array<i32>} : memref<512x64xf32, #tpu.memory_space<vmem>>, vector<512x64xf32>,
    %get3A_32 = arith.constant 0 : index
    %get3A_33 = arith.constant 0 : index
    %get3A_34 = vector.load %arg6[%get3A_32, %get3A_33] : memref<64x64xf32, #tpu.memory_space<vmem>>, vector<64x64xf32>
    %dot_general3A_35 = arith.constant dense<0.000000e+00> : vector<512x64xf32>
    %dot_general3A_36 = tpu.matmul %mul3A_16, %get3A_34, %dot_general3A_35 {dimension_numbers = #tpu.dot_dimension_numbers<[1], [0], [0], [1], [0, 0, 1, 1], [], []>, transpose_lhs_hint = false} : vector<512x64xf32>, vector<64x64xf32>, vector<512x64xf32> -> vector<512x64xf32>
    %get3A_37 = arith.constant 0 : index
    %get3A_38 = arith.constant 0 : index
    %get3A_39 = vector.load %arg7[%get3A_37, %get3A_38] : memref<1x64xf32, #tpu.memory_space<vmem>>, vector<1x64xf32>
    %add3A_40 = vector.broadcast %get3A_39 : vector<1x64xf32> to vector<512x64xf32>
    %add3A_41 = arith.addf %dot_general3A_36, %add3A_40 : vector<512x64xf32>
    %swap3A_42 = arith.constant 0 : index
    %swap3A_43 = arith.constant 0 : index
    %swap3A_44 = vector.load %arg9[%swap3A_42, %swap3A_43] : memref<512x64xf32, #tpu.memory_space<vmem>>, vector<512x64xf32>
    tpu.vector_store %arg9[%swap3A_42, %swap3A_43], %add3A_41 {strides = array<i32>} : memref<512x64xf32, #tpu.memory_space<vmem>>, vector<512x64xf32>,
    %transpose3A = tpu.transpose %add3A_41, [1, 0] : vector<512x64xf32> -> vector<64x512xf32>
    %swap3A_45 = arith.constant 0 : index
    %swap3A_46 = arith.constant 0 : index
    %swap3A_47 = vector.load %arg10[%swap3A_45, %swap3A_46] : memref<64x512xf32, #tpu.memory_space<vmem>>, vector<64x512xf32>
    tpu.vector_store %arg10[%swap3A_45, %swap3A_46], %transpose3A {strides = array<i32>} : memref<64x512xf32, #tpu.memory_space<vmem>>, vector<64x512xf32>,
    return
  }
  func.func @transform_0(%arg0: i32) -> (i32, i32, i32) {
    %c0_i32 = arith.constant 0 : i32
    %c0_i32_0 = arith.constant 0 : i32
    %c0_i32_1 = arith.constant 0 : i32
    return %c0_i32, %arg0, %c0_i32_0 : i32, i32, i32
  }
  func.func @transform_1(%arg0: i32) -> (i32, i32) {
    %c0_i32 = arith.constant 0 : i32
    %c0_i32_0 = arith.constant 0 : i32
    return %arg0, %c0_i32 : i32, i32
  }
  func.func @transform_2(%arg0: i32) -> (i32, i32) {
    %c0_i32 = arith.constant 0 : i32
    %c0_i32_0 = arith.constant 0 : i32
    return %arg0, %c0_i32 : i32, i32
  }
  func.func @transform_3(%arg0: i32) -> (i32, i32) {
    %c0_i32 = arith.constant 0 : i32
    %c0_i32_0 = arith.constant 0 : i32
    %c0_i32_1 = arith.constant 0 : i32
    return %c0_i32, %c0_i32_0 : i32, i32
  }
  func.func @transform_4(%arg0: i32) -> (i32, i32) {
    %c0_i32 = arith.constant 0 : i32
    %c0_i32_0 = arith.constant 0 : i32
    %c0_i32_1 = arith.constant 0 : i32
    return %c0_i32, %c0_i32_0 : i32, i32
  }
  func.func @transform_5(%arg0: i32) -> (i32, i32) {
    %c0_i32 = arith.constant 0 : i32
    %c0_i32_0 = arith.constant 0 : i32
    %c0_i32_1 = arith.constant 0 : i32
    return %c0_i32, %c0_i32_0 : i32, i32
  }
  func.func @transform_6(%arg0: i32) -> (i32, i32) {
    %c0_i32 = arith.constant 0 : i32
    %c0_i32_0 = arith.constant 0 : i32
    %c0_i32_1 = arith.constant 0 : i32
    return %c0_i32, %c0_i32_0 : i32, i32
  }
  func.func @transform_7(%arg0: i32) -> (i32, i32) {
    %c0_i32 = arith.constant 0 : i32
    %c0_i32_0 = arith.constant 0 : i32
    return %arg0, %c0_i32 : i32, i32
  }
  func.func @transform_8(%arg0: i32) -> (i32, i32) {
    %c0_i32 = arith.constant 0 : i32
    %c0_i32_0 = arith.constant 0 : i32
    return %arg0, %c0_i32 : i32, i32
  }
  func.func @transform_9(%arg0: i32) -> (i32, i32) {
    %c0_i32 = arith.constant 0 : i32
    %c0_i32_0 = arith.constant 0 : i32
    return %c0_i32, %arg0 : i32, i32
  }
}

module attributes {stable_mosaic.version = 14 : i64} {
  func.func @_stage_j_body(%arg0: i32, %arg1: memref<200x64xf32, #tpu.memory_space<vmem>>, %arg2: memref<64x10000xf32, #tpu.memory_space<vmem>>, %arg3: memref<200x10000xf32, #tpu.memory_space<vmem>>) attributes {dimension_semantics = [#tpu.dimension_semantics<arbitrary>], iteration_bounds = array<i64: 50>, scalar_prefetch = 0 : i64, scratch_operands = 0 : i64, tpu.core_type = #tpu.core_type<tc>, window_params = [{transform_indices = @transform_0, window_bounds = array<i64: 200, 64>}, {pipeline_mode = #tpu.pipeline_mode<synchronous>, transform_indices = @transform_1, window_bounds = array<i64: 64, 10000>}, {transform_indices = @transform_2, window_bounds = array<i64: 200, 10000>}]} {
    %get3A = arith.constant 0 : index
    %get3A_0 = arith.constant 0 : index
    %get3A_1 = vector.load %arg1[%get3A, %get3A_0] : memref<200x64xf32, #tpu.memory_space<vmem>>, vector<200x64xf32>
    %get3A_2 = arith.constant 0 : index
    %get3A_3 = arith.constant 0 : index
    %get3A_4 = vector.load %arg2[%get3A_2, %get3A_3] : memref<64x10000xf32, #tpu.memory_space<vmem>>, vector<64x10000xf32>
    %dot_general3A = arith.constant dense<0.000000e+00> : vector<200x10000xf32>
    %dot_general3A_5 = tpu.matmul %get3A_1, %get3A_4, %dot_general3A {dimension_numbers = #tpu.dot_dimension_numbers<[1], [0], [0], [1], [0, 0, 1, 1], [], []>, transpose_lhs_hint = false} : vector<200x64xf32>, vector<64x10000xf32>, vector<200x10000xf32> -> vector<200x10000xf32>
    %swap3A = arith.constant 0 : index
    %swap3A_6 = arith.constant 0 : index
    %swap3A_7 = vector.load %arg3[%swap3A, %swap3A_6] : memref<200x10000xf32, #tpu.memory_space<vmem>>, vector<200x10000xf32>
    tpu.vector_store %arg3[%swap3A, %swap3A_6], %dot_general3A_5 {strides = array<i32>} : memref<200x10000xf32, #tpu.memory_space<vmem>>, vector<200x10000xf32>,
    return
  }
  func.func @transform_0(%arg0: i32) -> (i32, i32) {
    %c0_i32 = arith.constant 0 : i32
    %c0_i32_0 = arith.constant 0 : i32
    return %arg0, %c0_i32 : i32, i32
  }
  func.func @transform_1(%arg0: i32) -> (i32, i32) {
    %c0_i32 = arith.constant 0 : i32
    %c0_i32_0 = arith.constant 0 : i32
    %c0_i32_1 = arith.constant 0 : i32
    return %c0_i32, %c0_i32_0 : i32, i32
  }
  func.func @transform_2(%arg0: i32) -> (i32, i32) {
    %c0_i32 = arith.constant 0 : i32
    %c0_i32_0 = arith.constant 0 : i32
    return %arg0, %c0_i32 : i32, i32
  }
}

module attributes {stable_mosaic.version = 14 : i64} {
  func.func @_stage_i_body(%arg0: i32, %arg1: memref<2x512x64xf32, #tpu.memory_space<vmem>>, %arg2: memref<512x64xf32, #tpu.memory_space<vmem>>, %arg3: memref<512x1xf32, #tpu.memory_space<vmem>>, %arg4: memref<64x128xf32, #tpu.memory_space<vmem>>, %arg5: memref<1x128xf32, #tpu.memory_space<vmem>>, %arg6: memref<512x128xf32, #tpu.memory_space<vmem>>) attributes {dimension_semantics = [#tpu.dimension_semantics<arbitrary>], iteration_bounds = array<i64: 20>, scalar_prefetch = 0 : i64, scratch_operands = 0 : i64, tpu.core_type = #tpu.core_type<tc>, window_params = [{transform_indices = @transform_0, window_bounds = array<i64: 2, 512, 64>}, {transform_indices = @transform_1, window_bounds = array<i64: 512, 64>}, {transform_indices = @transform_2, window_bounds = array<i64: 512, 1>}, {pipeline_mode = #tpu.pipeline_mode<synchronous>, transform_indices = @transform_3, window_bounds = array<i64: 64, 128>}, {pipeline_mode = #tpu.pipeline_mode<synchronous>, transform_indices = @transform_4, window_bounds = array<i64: 1, 128>}, {transform_indices = @transform_5, window_bounds = array<i64: 512, 128>}]} {
    %get3A = arith.constant 0 : index
    %get3A_0 = arith.constant 0 : index
    %get3A_1 = vector.load %arg3[%get3A, %get3A_0] : memref<512x1xf32, #tpu.memory_space<vmem>>, vector<512x1xf32>
    %get3A_2 = arith.constant 0 : index
    %get3A_3 = arith.constant 0 : index
    %get3A_4 = arith.constant 0 : index
    %get3A_5 = vector.load %arg1[%get3A_2, %get3A_3, %get3A_4] : memref<2x512x64xf32, #tpu.memory_space<vmem>>, vector<1x512x64xf32>
    %get3A_6 = vector.shape_cast %get3A_5 : vector<1x512x64xf32> to vector<512x64xf32>
    %get3A_7 = arith.constant 1 : index
    %get3A_8 = arith.constant 0 : index
    %get3A_9 = arith.constant 0 : index
    %get3A_10 = vector.load %arg1[%get3A_7, %get3A_8, %get3A_9] : memref<2x512x64xf32, #tpu.memory_space<vmem>>, vector<1x512x64xf32>
    %get3A_11 = vector.shape_cast %get3A_10 : vector<1x512x64xf32> to vector<512x64xf32>
    %add3A = arith.addf %get3A_6, %get3A_11 : vector<512x64xf32>
    %get3A_12 = arith.constant 0 : index
    %get3A_13 = arith.constant 0 : index
    %get3A_14 = vector.load %arg2[%get3A_12, %get3A_13] : memref<512x64xf32, #tpu.memory_space<vmem>>, vector<512x64xf32>
    %add3A_15 = arith.addf %add3A, %get3A_14 : vector<512x64xf32>
    %mul3A = vector.broadcast %get3A_1 : vector<512x1xf32> to vector<512x64xf32>
    %mul3A_16 = arith.mulf %mul3A, %add3A_15 : vector<512x64xf32>
    %get3A_17 = arith.constant 0 : index
    %get3A_18 = arith.constant 0 : index
    %get3A_19 = vector.load %arg4[%get3A_17, %get3A_18] : memref<64x128xf32, #tpu.memory_space<vmem>>, vector<64x128xf32>
    %dot_general3A = arith.constant dense<0.000000e+00> : vector<512x128xf32>
    %dot_general3A_20 = tpu.matmul %mul3A_16, %get3A_19, %dot_general3A {dimension_numbers = #tpu.dot_dimension_numbers<[1], [0], [0], [1], [0, 0, 1, 1], [], []>, transpose_lhs_hint = false} : vector<512x64xf32>, vector<64x128xf32>, vector<512x128xf32> -> vector<512x128xf32>
    %get3A_21 = arith.constant 0 : index
    %get3A_22 = arith.constant 0 : index
    %get3A_23 = vector.load %arg5[%get3A_21, %get3A_22] : memref<1x128xf32, #tpu.memory_space<vmem>>, vector<1x128xf32>
    %add3A_24 = vector.broadcast %get3A_23 : vector<1x128xf32> to vector<512x128xf32>
    %add3A_25 = arith.addf %dot_general3A_20, %add3A_24 : vector<512x128xf32>
    %swap3A = arith.constant 0 : index
    %swap3A_26 = arith.constant 0 : index
    %swap3A_27 = vector.load %arg6[%swap3A, %swap3A_26] : memref<512x128xf32, #tpu.memory_space<vmem>>, vector<512x128xf32>
    tpu.vector_store %arg6[%swap3A, %swap3A_26], %add3A_25 {strides = array<i32>} : memref<512x128xf32, #tpu.memory_space<vmem>>, vector<512x128xf32>,
    return
  }
  func.func @transform_0(%arg0: i32) -> (i32, i32, i32) {
    %c0_i32 = arith.constant 0 : i32
    %c0_i32_0 = arith.constant 0 : i32
    %c0_i32_1 = arith.constant 0 : i32
    return %c0_i32, %arg0, %c0_i32_0 : i32, i32, i32
  }
  func.func @transform_1(%arg0: i32) -> (i32, i32) {
    %c0_i32 = arith.constant 0 : i32
    %c0_i32_0 = arith.constant 0 : i32
    return %arg0, %c0_i32 : i32, i32
  }
  func.func @transform_2(%arg0: i32) -> (i32, i32) {
    %c0_i32 = arith.constant 0 : i32
    %c0_i32_0 = arith.constant 0 : i32
    return %arg0, %c0_i32 : i32, i32
  }
  func.func @transform_3(%arg0: i32) -> (i32, i32) {
    %c0_i32 = arith.constant 0 : i32
    %c0_i32_0 = arith.constant 0 : i32
    %c0_i32_1 = arith.constant 0 : i32
    return %c0_i32, %c0_i32_0 : i32, i32
  }
  func.func @transform_4(%arg0: i32) -> (i32, i32) {
    %c0_i32 = arith.constant 0 : i32
    %c0_i32_0 = arith.constant 0 : i32
    %c0_i32_1 = arith.constant 0 : i32
    return %c0_i32, %c0_i32_0 : i32, i32
  }
  func.func @transform_5(%arg0: i32) -> (i32, i32) {
    %c0_i32 = arith.constant 0 : i32
    %c0_i32_0 = arith.constant 0 : i32
    return %arg0, %c0_i32 : i32, i32
  }
}

</mosaic_0001>

<sc_bundles>
// kernel: kernel.13.cloned.1.call-start
scs
__scs_entry_jumppad:
0x0: {  	(pc) =	sbr.rel $0x88, $3  }
0x1: {  	(tag) =	ssettag $0x0;
	lr =	simm.s32 $0x1  }
0x2: {  	[smem:$0x3F95] =	sst lr;
	_ =	strace $0xD0000000  }
0x3: {  	_ = 	snop  }
0x4: {  	_ = 	snop  }
0x5: {  	_ = 	snop  }
0x6: {  	_ = 	snop  }
0x7: {  	_ = 	snop  }
__scs_overlays_trampoline_lowered:
0x8: {  	[smem:$0x3FA4] =	sst s0  }
0x9: {  	[smem:$0x3FA5] =	sst s1  }
0xa: {  	[smem:$0x3FA6] =	sst s2  }
0xb: {  	[smem:$0x3FA7] =	sst s3  }
0xc: {  	[smem:$0x3FA8] =	sst s4  }
0xd: {  	[smem:$0x3FA9] =	sst s5  }
0xe: {  	[smem:$0x3FAA] =	sst s6  }
0xf: {  	[smem:$0x3FAB] =	sst s7  }
0x10: {  	[smem:$0x3FAC] =	sst s8  }
0x11: {  	[smem:$0x3FAD] =	sst s9;
	s0 =	simm.s32 @!p0 $0x0  }
0x12: {  	s1 =	sld [smem:$0x3F93];
	s0 =	simm.s32 @p0 $0x1  }
0x13: {  	[smem:$0x3FAE] =	sst s0;
	s0 =	simm.s32 @!p1 $0x0  }
0x14: {  	s2 =	sld [smem:$0x3F92];
	s0 =	simm.s32 @p1 $0x1  }
0x15: {  	[smem:$0x3FAF] =	sst s0;
	s0 =	simm.s32 @!p2 $0x0  }
0x16: {  	s3 =	sld [smem:$0x3FDB];
	s0 =	simm.s32 @p2 $0x1  }
0x17: {  	s4 =	simm.s32 $0x1BF5;
	[smem:$0x3FB1] =	sst s0  }
0x18: {  	s0 =	sld [smem:$0x3F94];
	_ =	swait.ge [sflag:s4], $0x0  }
0x19: {  	s7 =	sld [smem:$0x3F95]  }
0x1a: {  	s8 =	sadd.s32 $0xFFFFE003, lr  }
0x1b: {  	s9 =	sadd.s32 $0xFFFFFEF7, lr;
	s5 =	simm.s32 $0xFFFFFFFF;
	p2 =	slt.u32 s8, $0xFFFFF086  }
0x1c: {  	p1 =	slt.u32 s9, $0xF7A;
	s5 =	simm.s32 @!p2 $0x0  }
0x1d: {  	s5 =	simm.s32 @p1 $0x1;
	p0 =	seq.s32 s7, s2  }
0x1e: {  	s7 =	smul.u32 @!p0 $0xF7A, s2;
	p2 =	seq.s32 @!p0 s5, $0x0  }
0x1f: {  	s9 =	smul.u32 $0xF7A, s1;
	s8 =	simm.s32 @!p0 $0x1BF5;
	p2 =	por !p2, p0  }
0x20: {  	[sflag:s8] =	ssyncset.s32 @!p0 $0xFFFFF086;
	s6 =	sadd.s32 @!p0 s3, s7;
	s7 =	simm.s32 @!p0 $0x108  }
0x21: {  	s3 =	sadd.s32 s3, s9;
	s6 =	sadd.s32 @!p0 $0x88, s6;
	s7 =	simm.s32 @p2 $0x1082  }
0x22: {  	[simem:s7], [sflag:s8] =	dma.local @!p0 [hbm:s6], $0xF7A  }
0x23: {  	s9 =	sor.u32 $0xD0000000, s2;
	s6 =	simm.s32 $0x108;
	_ =	swait.ge @!p0 [sflag:s8], $0x0  }
0x24: {  	s3 =	sadd.s32 $0x88, s3;
	s6 =	simm.s32 @!p1 $0x1082;
	[sflag:s4] =	ssyncset.s32 $0xFFFFF086  }
0x25: {  	[simem:s6], [sflag:s4] =	dma.local [hbm:s3], $0xF7A  }
0x26: {  	[smem:$0x3F95] =	sst s1;
	(tag) =	ssettag s2;
	_ =	strace s9  }
0x27: {  	s1 =	sld [smem:$0x3FA5]  }
0x28: {  	s2 =	sld [smem:$0x3FA6]  }
0x29: {  	s4 =	sld [smem:$0x3FA8]  }
0x2a: {  	p0 =	seq.s32 s5, $0x0;
	s5 =	sld [smem:$0x3FA9]  }
0x2b: {  	s6 =	sld [smem:$0x3FAA]  }
0x2c: {  	s7 =	sld [smem:$0x3FAB]  }
0x2d: {  	s3 =	simm.s32 $0x108;
	s8 =	sld [smem:$0x3FAC]  }
0x2e: {  	s3 =	simm.s32 @!p0 $0x1082;
	s9 =	sld [smem:$0x3FAD]  }
0x2f: {  	lr =	sadd.s32 s0, s3;
	s0 =	sld [smem:$0x3FA4]  }
0x30: {  	s3 =	sld [smem:$0x3FA7]  }
0x31: {  	[smem:$0x3FB0] =	sst s10  }
0x32: {  	s10 =	sld [smem:$0x3FAE];
	_ =	sdelay $0x3  }
0x33: {  	p0 =	seq.s32 s10, $0x1;
	s10 =	sld [smem:$0x3FB0];
	_ =	sdelay $0x3  }
0x34: {  	[smem:$0x3FB0] =	sst s10  }
0x35: {  	s10 =	sld [smem:$0x3FAF];
	_ =	sdelay $0x3  }
0x36: {  	p1 =	seq.s32 s10, $0x1;
	s10 =	sld [smem:$0x3FB0];
	_ =	sdelay $0x3  }
0x37: {  	[smem:$0x3FB0] =	sst s10  }
0x38: {  	s10 =	sld [smem:$0x3FB1]  }
0x39: {  	_ = 	snop;
	(pc) =	sbr.ind lr, $3  }
0x3a: {  	_ = 	snop  }
0x3b: {  	_ = 	snop  }
0x3c: {  	p2 =	seq.s32 s10, $0x1;
	s10 =	sld [smem:$0x3FB0]  }
0x3d: {  	_ =	shalt  }
0x3e: {  	_ =	shalt  }
0x3f: {  	_ =	shalt  }
0x40: {  	_ =	shalt  }
0x41: {  	_ =	shalt  }
0x42: {  	_ =	shalt  }
0x43: {  	_ =	shalt  }
0x44: {  	_ =	shalt  }
0x45: {  	_ =	shalt  }
0x46: {  	_ =	shalt  }
0x47: {  	_ =	shalt  }
0x48: {  	_ =	shalt  }
0x49: {  	_ =	shalt  }
0x4a: {  	_ =	shalt  }
0x4b: {  	_ =	shalt  }
0x4c: {  	_ =	shalt  }
0x4d: {  	_ =	shalt  }
0x4e: {  	_ =	shalt  }
0x4f: {  	_ =	shalt  }
0x50: {  	_ =	shalt  }
0x51: {  	_ =	shalt  }
0x52: {  	_ =	shalt  }
0x53: {  	_ =	shalt  }
0x54: {  	_ =	shalt  }
0x55: {  	_ =	shalt  }
0x56: {  	_ =	shalt  }
0x57: {  	_ =	shalt  }
0x58: {  	_ =	shalt  }
0x59: {  	_ =	shalt  }
0x5a: {  	_ =	shalt  }
0x5b: {  	_ =	shalt  }
0x5c: {  	_ =	shalt  }
0x5d: {  	_ =	shalt  }
0x5e: {  	_ =	shalt  }
0x5f: {  	_ =	shalt  }
0x60: {  	_ =	shalt  }
0x61: {  	_ =	shalt  }
0x62: {  	_ =	shalt  }
0x63: {  	_ =	shalt  }
0x64: {  	_ =	shalt  }
0x65: {  	_ =	shalt  }
0x66: {  	_ =	shalt  }
0x67: {  	_ =	shalt  }
0x68: {  	_ =	shalt  }
0x69: {  	_ =	shalt  }
0x6a: {  	_ =	shalt  }
0x6b: {  	_ =	shalt  }
0x6c: {  	_ =	shalt  }
0x6d: {  	_ =	shalt  }
0x6e: {  	_ =	shalt  }
0x6f: {  	_ =	shalt  }
0x70: {  	_ =	shalt  }
0x71: {  	_ =	shalt  }
0x72: {  	_ =	shalt  }
0x73: {  	_ =	shalt  }
0x74: {  	_ =	shalt  }
0x75: {  	_ =	shalt  }
0x76: {  	_ =	shalt  }
0x77: {  	_ =	shalt  }
0x78: {  	_ =	shalt  }
0x79: {  	_ =	shalt  }
0x7a: {  	_ =	shalt  }
0x7b: {  	_ =	shalt  }
0x7c: {  	_ =	shalt  }
0x7d: {  	_ =	shalt  }
0x7e: {  	_ =	shalt  }
0x7f: {  	_ =	shalt  }
0x80: {  	_ =	shalt  }
0x81: {  	_ =	shalt  }
0x82: {  	_ =	shalt  }
0x83: {  	_ =	shalt  }
0x84: {  	_ =	shalt  }
0x85: {  	_ =	shalt  }
0x86: {  	_ =	shalt  }
0x87: {  	_ =	shalt  }
.Lfunc_end0:
.L_simem_size_0:
called_computation_lowered:
.L_overlay_start_0:
0x88: {  	s2 =	sld [smem:$0x3FD9]  }
0x89: {  	s3 =	sld [smem:$0x3FFE];
	_ =	sdelay $0x1  }
0x8a: {  	s1 =	srdreg.scid  }
0x8b: {  	s0 =	sand.u32 $0x1, s1  }
0x8c: {  	s14 =	sshll.u32 s0, $0xA;
	s2 =	sadd.s32 s3, s2  }
0x8d: {  	s2 =	sadd.s32 s2, s14  }
0x8e: {  	[smem:$0x3FBC] =	sst s2  }
0x8f: {  	_ = 	snop  }
0x90: {  	s2 =	sld [smem:$0x3FD0];
	_ =	sdelay $0x2  }
0x91: {  	s15 =	simm.s32 $0xA;
	s4 =	simm.s32 $0x10  }
0x92: {  	[smem:s4], [sflag:s15] =	dma.local [hbm:s2], $0x1  }
0x93: {  	_ =	swait.eq [sflag:s15], $0x1  }
0x94: {  	[sflag:s15] =	ssyncset.done $0x0  }
0x95: {  	s16 =	sld [smem:$0x10];
	[sflag:s15] =	ssyncadd.s32 $0xFFFFFFFF  }
0x96: {  	s17 =	sld [smem:$0x11];
	(tm) =	ssettm $0x1  }
0x97: {  	s18 =	sld [smem:$0x3FFB];
	_ =	sdelay $0x3  }
0x98: {  	_ =	strace s18  }
0x99: {  	s4 =	sld [smem:$0x3FFC];
	_ =	sdelay $0x3  }
0x9a: {  	_ =	strace s4  }
0x9b: {  	s4 =	sld [smem:$0x3FFD];
	_ =	sdelay $0x3  }
0x9c: {  	_ =	strace s4  }
0x9d: {  	_ =	strace $0x8FFFFFFF  }
0x9e: {  	s19 =	sld [smem:$0x3FDB];
	_ =	sdelay $0x1  }
0x9f: {  	s5 =	simm.s32 $_scs_section_size  }
0xa0: {  	s6 =	simm.s32 $_size__tile_overlayer_lowered;
	s7 =	simm.s32 $_tile_overlayer_lowered  }
0xa1: {  	s22 =	simm.s32 $0x1BFF;
	s21 =	sshll.u32 s7, $0x1;
	s4 =	sadd.s32 s5, s19  }
0xa2: {  	s8 =	simm.s32 $0x0;
	s20 =	sshll.u32 s6, $0x1;
	s6 =	sadd.s32 s21, s4  }
0xa3: {  	[timem:s8], [sflag:s22] =	dma.local [hbm:s6], s20  }
0xa4: {  	_ =	swait.ge [sflag:s22], s20  }
0xa5: {  	s5 =	ssub.s32 $0x0, s20;
	[sflag:s22] =	ssyncset.done $0x0  }
0xa6: {  	[sflag:s22] =	ssyncadd.s32 s5;
	_ =	sdelay $0x1  }
0xa7: {  	s23 =	simm.s32 $0x1B8B  }
0xa8: {  	_ =	swait.ge [sflag:s23], $0x1  }
0xa9: {  	[sflag:s23] =	ssyncset.done $0x0  }
0xaa: {  	s25 =	simm.s32 $0x1B8E;
	s24 =	sld [smem:$0x3FFE];
	[sflag:s23] =	ssyncadd.s32 $0xFFFFFFFF  }
0xab: {  	s26 =	simm.s32 $execute0_lowered;
	[smem:$0x3FD2] =	sst s25  }
0xac: {  	s6 =	sshll.u32 s26, $0x1;
	_ =	strace $0x80000046;
	[dreg:$0x1] =	wrdreg $0xFFFFFFFF  }
0xad: {  	s28 =	simm.s32 $_size_execute0_lowered;
	s4 =	sadd.s32 s4, s6;
	[dreg:$0x0] =	wrdreg $0x0  }
0xae: {  	s6 =	sshll.u32 s28, $0x1;
	[dreg:$0x2] =	wrdreg s4  }
0xaf: {  	[dreg:$0x3] =	wrdreg s6  }
0xb0: {  	[dreg:$0x4] =	wrdreg $0xC0  }
0xb1: {  	_ =	task [dreg:s8], $0x5FFFF  }
0xb2: {  	[dreg:$0x1] =	wrdreg $0xFFFFFFFF  }
0xb3: {  	[dreg:$0x0] =	wrdreg $0x60  }
0xb4: {  	[dreg:$0x2] =	wrdreg s16  }
0xb5: {  	[dreg:$0x3] =	wrdreg s24  }
0xb6: {  	[dreg:$0x4] =	wrdreg s17  }
0xb7: {  	[dreg:$0x5] =	wrdreg $0x1C000  }
0xb8: {  	[dreg:$0x6] =	wrdreg $0x9  }
0xb9: {  	_ =	task.clear_ibuf [dreg:s8], $0x7FFFF;
	_ =	strace $0x90000046  }
0xba: {  	s29 =	simm.s32 $0x9;
	_ =	strace $0x80000048  }
0xbb: {  	_ =	swait.ge [sflag:s29], $0x1  }
0xbc: {  	[sflag:s29] =	ssyncadd.s32 $0xFFFFFFFF  }
0xbd: {  	_ =	strace $0x90000048  }
0xbe: {  	_ =	sfence  }
0xbf: {  	s30 =	sld [smem:$0x0];
	_ =	sdelay $0x2  }
0xc0: {  	s31 =	sshll.u32 s1, $0xD;
	s1 =	sshrl.u32 s1, $0x2  }
0xc1: {  	s3 =	sand.u32 $0x4000, s31;
	s1 =	sadd.s32 s1, s30  }
0xc2: {  	s0 =	sor.u32 s3, s0;
	s1 =	sshll.u32 s1, $0x11  }
0xc3: {  	s0 =	sor.u32 s1, s0  }
0xc4: {  	s0 =	sadd.s32 $0x8F2B, s0  }
0xc5: {  	[sflag:s0] =	ssyncadd.remote.s32 $0x1  }
0xc6: {  	_ =	sfence.sel $0xFFFF  }
0xc7: {  	[dreg:$0x0] =	wrdreg $0xFFFFFFFF;
	(pc) =	sbr.abs _section_cstart, $3  }
0xc8: {  	[dreg:$0x1] =	wrdreg $0xFFFFFFFF  }
0xc9: {  	_ =	task.clear_ibuf [dreg:s8], $0x2FFFF;
	_ =	strace $0x9FFFFFFF  }
0xca: {  	(tm) =	ssettm $0x7FFFFFFF  }
0xcb: {  	_ =	shalt  }
tec
execute0_lowered:
.L_overlay_start_1:
0x0: {  	(tag) =	ssettag $0x1  }
0x1: {  	s4 =	rddreg [dreg:$0x0]  }
0x2: {  	s5 =	rddreg [dreg:$0x1]  }
0x3: {  	s7 =	rddreg [dreg:$0x2];
	s1 =	srdreg.scid  }
0x4: {  	s0 =	stileid.u32;
	s2 =	rddreg [dreg:$0x3];
	s6 =	sand.u32 $0x1, s1  }
0x5: {  	s3 =	sshll.u32 s0, $0x1;
	s1 =	rddreg [dreg:$0x4];
	s11 =	smul.u32 $0x2800, s0  }
0x6: {  	s30 =	sshll.u32 s0, $0x6;
	s8 =	sor.u32 s6, s3;
	s31 =	smul.u32 $0x5000, s6  }
0x7: {  	s3 =	simm.s32 $0x0;
	s9 =	ssub.s32 $0x2, s6;
	s8 =	smul.u32 $0x280, s8  }
0x8: {  	[smem:$0x7FF] =	sst s3;
	s10 =	sshrl.u32 s9, $0x1;
	s12 =	sshrl.u32 s11, $0x3  }
0x9: {  	s11 =	sadd.s32 s11, s2;
	_ =	strace $0x80000047;
	s9 =	ssub.s32 s9, s10  }
0xa: {  	s4 =	sadd.s32 s4, s12;
	s13 =	sadd.s32 s7, s31;
	s10 =	simm.s32 $0x800  }
0xb: {  	s8 =	sadd.s32 s8, s5;
	s5 =	sor.u32 $0x1C01, s30;
	s7 =	smax.u32 s9, $0x1  }
0xc: {  	s9 =	simm.s32 $0x1;
	s12 =	sadd.s32 s12, s13;
	s13 =	simm.s32 $0x0  }
0xd: {  	v0 =	vimm.f32 $1.000000000e+00;
	s6 =	sadd.s32 $0x3E00, s8;
	s8 =	sshrl.u32 s11, $0x3;
	s11 =	simm.s32 $0x80  }
.LBB2_1:
0xe: {  	[spmem:s8], [sflag:s5] =	dma.local [hbm:s4], $0x500  }
0xf: {  	_ =	swait.ge [sflag:s9], $0x500  }
0x10: {  	[sflag:s9] =	ssyncset.done $0x0  }
0x11: {  	[sflag:s9] =	ssyncadd.s32 $0xFFFFFB00  }
0x12: {  	[tilespmem:s10], [sflag:$0x1] =	stream.linear.gather [hbm4b:s6+s3], $0x1400, $0x38;
	[tilespmem:$0x4400] =	vst v63  }
0x13: {  	_ =	swait.ge [sflag:s9], $0x1400  }
0x14: {  	[sflag:s9] =	ssyncset.done $0x0  }
0x15: {  	s14 =	simm.s32 $0x40;
	s15 =	simm.s32 $0x0;
	[sflag:s9] =	ssyncadd.s32 $0xFFFFEC00  }
.LBB2_2:
0x16: {  	p0 =	sne.s32 s14, $0x1FC0;
	[tilespmem:s15+$0x0] =	vst v0;
	s15 =	smov.u32 s14;
	s14 =	sadd.s32 $0x40, s14  }
.Ltmp0:
0x17: {  	(pc) =	sbr.rel @p0 .LBB2_2-.Ltmp0, $2  }
0x18: {  	_ =	sdelay $0x2  }
0x19: {  	s15 =	sshra.s32 s15, $0x2  }
0x1a: {  	[tilespmem:s15+$0x0] =	vst v0  }
0x1b: {  	s14 =	simm.s32 $0x800;
	[bflag:$0x0] =	sbarrier.arrive $0xFFFF  }
0x1c: {  	[spmem:s2] =	stream.indirect.scatter.add.f32 [tilespmem:s3], [sflag:$0x1], $0x10, s14, s11, $0xb8;
	[tilespmem:$0x4400] =	vst v63  }
0x1d: {  	s14 =	simm.s32 $0x200;
	_ =	swait.ge [sflag:s9], $0x800  }
.LBB2_4:
0x1e: {  	s15 =	sshra.s32 s14, $0x2;
	[sflag:s9] =	ssyncset.done $0x0;
	p0 =	sne.s32 s14, $0x4E00  }
.Ltmp1:
0x1f: {  	s15 =	sadd.s32 $0x800, s15;
	[sflag:s9] =	ssyncadd.s32 $0xFFFFF800;
	(pc) =	sbr.rel @p0 .LBB2_4-.Ltmp1, $3  }
0x20: {  	[spmem:s2] =	stream.indirect.scatter.add.f32 [tilespmem:s3], [sflag:$0x1], $0x10, s15, s11, $0xb8;
	[tilespmem:$0x4400] =	vst v63  }
0x21: {  	s14 =	sadd.s32 $0x200, s14;
	_ =	sdelay $0x1  }
0x22: {  	_ =	swait.ge [sflag:s9], $0x800  }
0x23: {  	[sflag:s9] =	ssyncset.done $0x0;
	s13 =	sadd.s32 $0x1, s13  }
0x24: {  	[sflag:s9] =	ssyncadd.s32 $0xFFFFF800;
	p0 =	sne.s32 s13, s7  }
.Ltmp2:
0x25: {  	[bflag:$0x0] =	sbarrier.arrive $0xFFFF;
	(pc) =	sbr.rel @p0 .LBB2_1-.Ltmp2, $4  }
0x26: {  	[hbm:s12], [sflag:s5] =	dma.local [spmem:s8], $0x500  }
0x27: {  	_ =	swait.ge [sflag:s9], $0x500  }
0x28: {  	[sflag:s9] =	ssyncset.done $0x0  }
0x29: {  	[sflag:s9] =	ssyncadd.s32 $0xFFFFFB00  }
0x2a: {  	_ =	sfence.sel $0x180000  }
0x2b: {  	[bflag:$0x0] =	sbarrier.arrive $0xFFFF  }
0x2c: {  	p0 =	sne.s32 s0, $0x0;
	_ =	strace $0x90000047  }
0x2d: {  	s0 =	sadd.s32 @!p0 $0x100000, s1;
	[bflag:$0x2] =	sbarrier.arrive $0xFFFF  }
0x2e: {  	[sflag:s0] =	ssyncadd.tile.s32 @!p0 $0x1;
	_ =	shalt  }
.Lfunc_end2:
_tile_overlayer_lowered:
.L_overlay_start_2:
0x2f: {  	(tag) =	ssettag $0x2  }
0x30: {  	s0 =	rddreg [dreg:$0x0];
	s2 =	stileid.u32  }
0x31: {  	s1 =	rddreg [dreg:$0x1];
	p0 =	sne.s32 s2, $0x0  }
0x32: {  	s3 =	rddreg [dreg:$0x2];
	[bflag:$0x3] =	sbarrier.arrive $0xFFFF;
	s2 =	simm.s32 @!p0 $0x1C01  }
0x33: {  	[timem:s3], [sflag:s2] =	dma.local @!p0 [hbm:s0], s1  }
0x34: {  	s0 =	simm.s32 @!p0 $0x1  }
0x35: {  	_ =	swait.ge @!p0 [sflag:s0], s1  }
0x36: {  	s1 =	ssub.s32 @!p0 $0x0, s1;
	[sflag:s0] =	ssyncset.done @!p0 $0x0  }
0x37: {  	[sflag:s0] =	ssyncadd.s32 @!p0 s1  }
0x38: {  	[bflag:$0x3] =	sbarrier.arrive $0xFFFF  }
0x39: {  	_ =	shalt  }

// kernel: kernel.16.cloned.1.call-start
scs
__scs_entry_jumppad:
0x0: {  	(pc) =	sbr.rel $0x88, $3  }
0x1: {  	(tag) =	ssettag $0x0;
	lr =	simm.s32 $0x1  }
0x2: {  	[smem:$0x3F95] =	sst lr;
	_ =	strace $0xD0000000  }
0x3: {  	_ = 	snop  }
0x4: {  	_ = 	snop  }
0x5: {  	_ = 	snop  }
0x6: {  	_ = 	snop  }
0x7: {  	_ = 	snop  }
__scs_overlays_trampoline_lowered:
0x8: {  	[smem:$0x3FA4] =	sst s0  }
0x9: {  	[smem:$0x3FA5] =	sst s1  }
0xa: {  	[smem:$0x3FA6] =	sst s2  }
0xb: {  	[smem:$0x3FA7] =	sst s3  }
0xc: {  	[smem:$0x3FA8] =	sst s4  }
0xd: {  	[smem:$0x3FA9] =	sst s5  }
0xe: {  	[smem:$0x3FAA] =	sst s6  }
0xf: {  	[smem:$0x3FAB] =	sst s7  }
0x10: {  	[smem:$0x3FAC] =	sst s8  }
0x11: {  	[smem:$0x3FAD] =	sst s9;
	s0 =	simm.s32 @!p0 $0x0  }
0x12: {  	s1 =	sld [smem:$0x3F93];
	s0 =	simm.s32 @p0 $0x1  }
0x13: {  	[smem:$0x3FAE] =	sst s0;
	s0 =	simm.s32 @!p1 $0x0  }
0x14: {  	s2 =	sld [smem:$0x3F92];
	s0 =	simm.s32 @p1 $0x1  }
0x15: {  	[smem:$0x3FAF] =	sst s0;
	s0 =	simm.s32 @!p2 $0x0  }
0x16: {  	s3 =	sld [smem:$0x3FDB];
	s0 =	simm.s32 @p2 $0x1  }
0x17: {  	s4 =	simm.s32 $0x1BF5;
	[smem:$0x3FB1] =	sst s0  }
0x18: {  	s0 =	sld [smem:$0x3F94];
	_ =	swait.ge [sflag:s4], $0x0  }
0x19: {  	s7 =	sld [smem:$0x3F95]  }
0x1a: {  	s8 =	sadd.s32 $0xFFFFE003, lr  }
0x1b: {  	s9 =	sadd.s32 $0xFFFFFEF7, lr;
	s5 =	simm.s32 $0xFFFFFFFF;
	p2 =	slt.u32 s8, $0xFFFFF086  }
0x1c: {  	p1 =	slt.u32 s9, $0xF7A;
	s5 =	simm.s32 @!p2 $0x0  }
0x1d: {  	s5 =	simm.s32 @p1 $0x1;
	p0 =	seq.s32 s7, s2  }
0x1e: {  	s7 =	smul.u32 @!p0 $0xF7A, s2;
	p2 =	seq.s32 @!p0 s5, $0x0  }
0x1f: {  	s9 =	smul.u32 $0xF7A, s1;
	s8 =	simm.s32 @!p0 $0x1BF5;
	p2 =	por !p2, p0  }
0x20: {  	[sflag:s8] =	ssyncset.s32 @!p0 $0xFFFFF086;
	s6 =	sadd.s32 @!p0 s3, s7;
	s7 =	simm.s32 @!p0 $0x108  }
0x21: {  	s3 =	sadd.s32 s3, s9;
	s6 =	sadd.s32 @!p0 $0x88, s6;
	s7 =	simm.s32 @p2 $0x1082  }
0x22: {  	[simem:s7], [sflag:s8] =	dma.local @!p0 [hbm:s6], $0xF7A  }
0x23: {  	s9 =	sor.u32 $0xD0000000, s2;
	s6 =	simm.s32 $0x108;
	_ =	swait.ge @!p0 [sflag:s8], $0x0  }
0x24: {  	s3 =	sadd.s32 $0x88, s3;
	s6 =	simm.s32 @!p1 $0x1082;
	[sflag:s4] =	ssyncset.s32 $0xFFFFF086  }
0x25: {  	[simem:s6], [sflag:s4] =	dma.local [hbm:s3], $0xF7A  }
0x26: {  	[smem:$0x3F95] =	sst s1;
	(tag) =	ssettag s2;
	_ =	strace s9  }
0x27: {  	s1 =	sld [smem:$0x3FA5]  }
0x28: {  	s2 =	sld [smem:$0x3FA6]  }
0x29: {  	s4 =	sld [smem:$0x3FA8]  }
0x2a: {  	p0 =	seq.s32 s5, $0x0;
	s5 =	sld [smem:$0x3FA9]  }
0x2b: {  	s6 =	sld [smem:$0x3FAA]  }
0x2c: {  	s7 =	sld [smem:$0x3FAB]  }
0x2d: {  	s3 =	simm.s32 $0x108;
	s8 =	sld [smem:$0x3FAC]  }
0x2e: {  	s3 =	simm.s32 @!p0 $0x1082;
	s9 =	sld [smem:$0x3FAD]  }
0x2f: {  	lr =	sadd.s32 s0, s3;
	s0 =	sld [smem:$0x3FA4]  }
0x30: {  	s3 =	sld [smem:$0x3FA7]  }
0x31: {  	[smem:$0x3FB0] =	sst s10  }
0x32: {  	s10 =	sld [smem:$0x3FAE];
	_ =	sdelay $0x3  }
0x33: {  	p0 =	seq.s32 s10, $0x1;
	s10 =	sld [smem:$0x3FB0];
	_ =	sdelay $0x3  }
0x34: {  	[smem:$0x3FB0] =	sst s10  }
0x35: {  	s10 =	sld [smem:$0x3FAF];
	_ =	sdelay $0x3  }
0x36: {  	p1 =	seq.s32 s10, $0x1;
	s10 =	sld [smem:$0x3FB0];
	_ =	sdelay $0x3  }
0x37: {  	[smem:$0x3FB0] =	sst s10  }
0x38: {  	s10 =	sld [smem:$0x3FB1]  }
0x39: {  	_ = 	snop;
	(pc) =	sbr.ind lr, $3  }
0x3a: {  	_ = 	snop  }
0x3b: {  	_ = 	snop  }
0x3c: {  	p2 =	seq.s32 s10, $0x1;
	s10 =	sld [smem:$0x3FB0]  }
0x3d: {  	_ =	shalt  }
0x3e: {  	_ =	shalt  }
0x3f: {  	_ =	shalt  }
0x40: {  	_ =	shalt  }
0x41: {  	_ =	shalt  }
0x42: {  	_ =	shalt  }
0x43: {  	_ =	shalt  }
0x44: {  	_ =	shalt  }
0x45: {  	_ =	shalt  }
0x46: {  	_ =	shalt  }
0x47: {  	_ =	shalt  }
0x48: {  	_ =	shalt  }
0x49: {  	_ =	shalt  }
0x4a: {  	_ =	shalt  }
0x4b: {  	_ =	shalt  }
0x4c: {  	_ =	shalt  }
0x4d: {  	_ =	shalt  }
0x4e: {  	_ =	shalt  }
0x4f: {  	_ =	shalt  }
0x50: {  	_ =	shalt  }
0x51: {  	_ =	shalt  }
0x52: {  	_ =	shalt  }
0x53: {  	_ =	shalt  }
0x54: {  	_ =	shalt  }
0x55: {  	_ =	shalt  }
0x56: {  	_ =	shalt  }
0x57: {  	_ =	shalt  }
0x58: {  	_ =	shalt  }
0x59: {  	_ =	shalt  }
0x5a: {  	_ =	shalt  }
0x5b: {  	_ =	shalt  }
0x5c: {  	_ =	shalt  }
0x5d: {  	_ =	shalt  }
0x5e: {  	_ =	shalt  }
0x5f: {  	_ =	shalt  }
0x60: {  	_ =	shalt  }
0x61: {  	_ =	shalt  }
0x62: {  	_ =	shalt  }
0x63: {  	_ =	shalt  }
0x64: {  	_ =	shalt  }
0x65: {  	_ =	shalt  }
0x66: {  	_ =	shalt  }
0x67: {  	_ =	shalt  }
0x68: {  	_ =	shalt  }
0x69: {  	_ =	shalt  }
0x6a: {  	_ =	shalt  }
0x6b: {  	_ =	shalt  }
0x6c: {  	_ =	shalt  }
0x6d: {  	_ =	shalt  }
0x6e: {  	_ =	shalt  }
0x6f: {  	_ =	shalt  }
0x70: {  	_ =	shalt  }
0x71: {  	_ =	shalt  }
0x72: {  	_ =	shalt  }
0x73: {  	_ =	shalt  }
0x74: {  	_ =	shalt  }
0x75: {  	_ =	shalt  }
0x76: {  	_ =	shalt  }
0x77: {  	_ =	shalt  }
0x78: {  	_ =	shalt  }
0x79: {  	_ =	shalt  }
0x7a: {  	_ =	shalt  }
0x7b: {  	_ =	shalt  }
0x7c: {  	_ =	shalt  }
0x7d: {  	_ =	shalt  }
0x7e: {  	_ =	shalt  }
0x7f: {  	_ =	shalt  }
0x80: {  	_ =	shalt  }
0x81: {  	_ =	shalt  }
0x82: {  	_ =	shalt  }
0x83: {  	_ =	shalt  }
0x84: {  	_ =	shalt  }
0x85: {  	_ =	shalt  }
0x86: {  	_ =	shalt  }
0x87: {  	_ =	shalt  }
.Lfunc_end0:
.L_simem_size_0:
called_computation.1_lowered:
.L_overlay_start_0:
0x88: {  	s2 =	sld [smem:$0x3FD9]  }
0x89: {  	s3 =	sld [smem:$0x3FFE];
	_ =	sdelay $0x1  }
0x8a: {  	s1 =	srdreg.scid  }
0x8b: {  	s0 =	sand.u32 $0x1, s1  }
0x8c: {  	s14 =	sshll.u32 s0, $0xA;
	s2 =	sadd.s32 s3, s2  }
0x8d: {  	s2 =	sadd.s32 s2, s14  }
0x8e: {  	[smem:$0x3FBC] =	sst s2  }
0x8f: {  	_ = 	snop  }
0x90: {  	s2 =	sld [smem:$0x3FD0];
	_ =	sdelay $0x2  }
0x91: {  	s15 =	simm.s32 $0xA;
	s4 =	simm.s32 $0x10  }
0x92: {  	[smem:s4], [sflag:s15] =	dma.local [hbm:s2], $0x1  }
0x93: {  	_ =	swait.eq [sflag:s15], $0x1  }
0x94: {  	[sflag:s15] =	ssyncset.done $0x0  }
0x95: {  	[sflag:s15] =	ssyncadd.s32 $0xFFFFFFFF  }
0x96: {  	s16 =	sld [smem:$0x12];
	(tm) =	ssettm $0x1  }
0x97: {  	s17 =	sld [smem:$0x3FFB];
	_ =	sdelay $0x3  }
0x98: {  	_ =	strace s17  }
0x99: {  	s3 =	sld [smem:$0x3FFC];
	_ =	sdelay $0x3  }
0x9a: {  	_ =	strace s3  }
0x9b: {  	s3 =	sld [smem:$0x3FFD];
	_ =	sdelay $0x3  }
0x9c: {  	_ =	strace s3  }
0x9d: {  	_ =	strace $0x8FFFFFFF  }
0x9e: {  	s18 =	sld [smem:$0x3FDB];
	_ =	sdelay $0x1  }
0x9f: {  	s19 =	simm.s32 $_scs_section_size  }
0xa0: {  	s5 =	simm.s32 $_size__tile_overlayer_lowered;
	s6 =	simm.s32 $_tile_overlayer_lowered  }
0xa1: {  	s22 =	simm.s32 $0x1BFF;
	s21 =	sshll.u32 s6, $0x1;
	s3 =	sadd.s32 s19, s18  }
0xa2: {  	s7 =	simm.s32 $0x0;
	s20 =	sshll.u32 s5, $0x1;
	s5 =	sadd.s32 s21, s3  }
0xa3: {  	[timem:s7], [sflag:s22] =	dma.local [hbm:s5], s20  }
0xa4: {  	_ =	swait.ge [sflag:s22], s20  }
0xa5: {  	s4 =	ssub.s32 $0x0, s20;
	[sflag:s22] =	ssyncset.done $0x0  }
0xa6: {  	[sflag:s22] =	ssyncadd.s32 s4;
	_ =	sdelay $0x1  }
0xa7: {  	s23 =	simm.s32 $0x1B8B  }
0xa8: {  	_ =	swait.ge [sflag:s23], $0x1  }
0xa9: {  	[sflag:s23] =	ssyncset.done $0x0  }
0xaa: {  	s25 =	simm.s32 $0x1B8E;
	s24 =	sld [smem:$0x3FFE];
	[sflag:s23] =	ssyncadd.s32 $0xFFFFFFFF  }
0xab: {  	s26 =	simm.s32 $execute0_lowered;
	[smem:$0x3FD2] =	sst s25  }
0xac: {  	s5 =	sshll.u32 s26, $0x1;
	_ =	strace $0x80000049;
	[dreg:$0x1] =	wrdreg $0xFFFFFFFF  }
0xad: {  	s28 =	simm.s32 $_size_execute0_lowered;
	s3 =	sadd.s32 s3, s5;
	[dreg:$0x0] =	wrdreg $0x0  }
0xae: {  	s5 =	sshll.u32 s28, $0x1;
	[dreg:$0x2] =	wrdreg s3  }
0xaf: {  	[dreg:$0x3] =	wrdreg s5  }
0xb0: {  	[dreg:$0x4] =	wrdreg $0xC0  }
0xb1: {  	_ =	task [dreg:s7], $0x5FFFF  }
0xb2: {  	[dreg:$0x1] =	wrdreg $0xFFFFFFFF  }
0xb3: {  	[dreg:$0x0] =	wrdreg $0x60  }
0xb4: {  	[dreg:$0x2] =	wrdreg s16  }
0xb5: {  	[dreg:$0x3] =	wrdreg s24  }
0xb6: {  	[dreg:$0x4] =	wrdreg $0xA8000  }
0xb7: {  	[dreg:$0x5] =	wrdreg $0x148000  }
0xb8: {  	[dreg:$0x6] =	wrdreg $0x9  }
0xb9: {  	_ =	task.clear_ibuf [dreg:s7], $0x7FFFF;
	_ =	strace $0x90000049  }
0xba: {  	s29 =	simm.s32 $0x9;
	_ =	strace $0x8000004B  }
0xbb: {  	_ =	swait.ge [sflag:s29], $0x1  }
0xbc: {  	[sflag:s29] =	ssyncadd.s32 $0xFFFFFFFF  }
0xbd: {  	_ =	strace $0x9000004B  }
0xbe: {  	_ =	sfence  }
0xbf: {  	s30 =	sld [smem:$0x0];
	_ =	sdelay $0x2  }
0xc0: {  	s31 =	sshll.u32 s1, $0xD;
	s1 =	sshrl.u32 s1, $0x2  }
0xc1: {  	s3 =	sand.u32 $0x4000, s31;
	s1 =	sadd.s32 s1, s30  }
0xc2: {  	s0 =	sor.u32 s3, s0;
	s1 =	sshll.u32 s1, $0x11  }
0xc3: {  	s0 =	sor.u32 s1, s0  }
0xc4: {  	s0 =	sadd.s32 $0x8F2B, s0  }
0xc5: {  	[sflag:s0] =	ssyncadd.remote.s32 $0x1  }
0xc6: {  	_ =	sfence.sel $0xFFFF  }
0xc7: {  	[dreg:$0x0] =	wrdreg $0xFFFFFFFF;
	(pc) =	sbr.abs _section_cstart, $3  }
0xc8: {  	[dreg:$0x1] =	wrdreg $0xFFFFFFFF  }
0xc9: {  	_ =	task.clear_ibuf [dreg:s7], $0x2FFFF;
	_ =	strace $0x9FFFFFFF  }
0xca: {  	(tm) =	ssettm $0x7FFFFFFF  }
0xcb: {  	_ =	shalt  }
tec
execute0_lowered:
.L_overlay_start_1:
0x0: {  	(tag) =	ssettag $0x1  }
0x1: {  	s0 =	rddreg [dreg:$0x0]  }
0x2: {  	s1 =	rddreg [dreg:$0x1]  }
0x3: {  	s2 =	rddreg [dreg:$0x2]  }
0x4: {  	s3 =	rddreg [dreg:$0x3];
	s13 =	stileid.u32  }
0x5: {  	s4 =	srdreg.scid;
	s14 =	simm.s32 $0x1400;
	s15 =	simm.s32 $0x80  }
0x6: {  	s16 =	simm.s32 $0x2800;
	s17 =	simm.s32 $0x4800;
	s18 =	simm.s32 $0x1  }
0x7: {  	s20 =	simm.s32 $0x6800;
	s21 =	simm.s32 $0x2;
	s29 =	simm.s32 $0x5  }
0x8: {  	s31 =	simm.s32 $0x4;
	s22 =	simm.s32 $0x7;
	s23 =	simm.s32 $0x8  }
0x9: {  	s28 =	simm.s32 $0x0;
	s5 =	sand.u32 $0x1, s4;
	s6 =	sshll.u32 s13, $0x1  }
0xa: {  	s4 =	simm.s32 $0x0;
	s7 =	smul.u32 $0xA000, s13;
	s25 =	sshll.u32 s13, $0x6  }
0xb: {  	s6 =	sor.u32 s5, s6;
	[smem:$0x7FF] =	sst s4;
	s8 =	smul.u32 $0x14000, s5  }
0xc: {  	s5 =	ssub.s32 $0x2, s5;
	s6 =	smul.u32 $0x280, s6;
	s19 =	sshrl.u32 s7, $0x3  }
0xd: {  	_ =	strace $0x8000004A;
	s10 =	sshrl.u32 s5, $0x1;
	s12 =	sadd.s32 s7, s2  }
0xe: {  	s26 =	sadd.s32 s7, s3;
	s9 =	sadd.s32 s19, s1;
	s10 =	ssub.s32 s5, s10  }
0xf: {  	s7 =	sadd.s32 s0, s19;
	s13 =	sshrl.u32 s26, $0x3;
	s26 =	simm.s32 $0x3  }
.Ltmp0:
0x10: {  	s11 =	sadd.s32 s6, s1;
	s1 =	sadd.s32 s8, s1;
	(pc) =	sbr.rel .LBB2_1-.Ltmp0, $4  }
0x11: {  	s24 =	sadd.s32 $0x35E00, s9;
	s6 =	sor.u32 $0x1C09, s25;
	s10 =	smax.u32 s10, $0x1  }
0x12: {  	s25 =	simm.s32 $0x8800;
	[dreg:$0x5] =	wrdreg s24;
	s8 =	sadd.s32 $0x8E00, s11  }
0x13: {  	s9 =	sadd.s32 $0x3E00, s11;
	s30 =	sadd.s32 $0x49E00, s1;
	s11 =	sshrl.u32 s12, $0x3  }
0x14: {  	s12 =	simm.s32 $0x9;
	s1 =	simm.s32 $0x6;
	s24 =	sadd.s32 s19, s30  }
.LBB2_4:
0x15: {  	_ =	swait.ge [sflag:s31], $0x2000  }
0x16: {  	[sflag:s31] =	ssyncset.done $0x0  }
0x17: {  	[sflag:s31] =	ssyncadd.s32 $0xFFFFE000  }
0x18: {  	[spmem:s2] =	stream.indirect.scatter.add.f32 [tilespmem:s25], [sflag:$0x8], $0x40, s19, s15, $0xb8;
	[tilespmem:$0x1E800] =	vst v63  }
0x19: {  	_ =	swait.ge [sflag:s29], $0x2000  }
0x1a: {  	[sflag:s29] =	ssyncset.done $0x0  }
0x1b: {  	[sflag:s29] =	ssyncadd.s32 $0xFFFFE000  }
0x1c: {  	_ =	swait.ge [sflag:s1], $0x2000  }
0x1d: {  	[sflag:s1] =	ssyncset.done $0x0  }
0x1e: {  	[sflag:s1] =	ssyncadd.s32 $0xFFFFE000  }
0x1f: {  	_ =	swait.ge [sflag:s22], $0x2000  }
0x20: {  	[sflag:s22] =	ssyncset.done $0x0  }
0x21: {  	[sflag:s22] =	ssyncadd.s32 $0xFFFFE000  }
0x22: {  	_ =	swait.ge [sflag:s23], $0x2000  }
0x23: {  	s28 =	sadd.s32 $0x1, s28;
	[sflag:s23] =	ssyncset.done $0x0  }
0x24: {  	p0 =	sne.s32 s28, s10;
	[sflag:s23] =	ssyncadd.s32 $0xFFFFE000  }
.Ltmp1:
0x25: {  	[bflag:$0x0] =	sbarrier.arrive $0xFFFF;
	(pc) =	sbr.rel @!p0 .LBB2_5-.Ltmp1, $4  }
0x26: {  	[hbm:s24], [sflag:s6] =	dma.local [spmem:s11], $0x1400  }
0x27: {  	_ =	swait.ge [sflag:s12], $0x1400  }
0x28: {  	[sflag:s12] =	ssyncset.done $0x0  }
0x29: {  	[sflag:s12] =	ssyncadd.s32 $0xFFFFEC00  }
.LBB2_1:
0x2a: {  	s0 =	rddreg [dreg:$0x5]  }
0x2b: {  	[spmem:s11], [sflag:s6] =	dma.local [hbm:s0], $0x1400  }
0x2c: {  	_ =	swait.ge [sflag:s12], $0x1400  }
0x2d: {  	[sflag:s12] =	ssyncset.done $0x0  }
0x2e: {  	[sflag:s12] =	ssyncadd.s32 $0xFFFFEC00  }
0x2f: {  	[spmem:s13], [sflag:s6] =	dma.local [hbm:s7], $0x1400  }
0x30: {  	_ =	swait.ge [sflag:s12], $0x1400  }
0x31: {  	[sflag:s12] =	ssyncset.done $0x0  }
0x32: {  	[sflag:s12] =	ssyncadd.s32 $0xFFFFEC00  }
0x33: {  	[tilespmem:s4], [sflag:$0x9] =	stream.linear.gather [hbm4b:s8+s4], $0x1400, $0x38;
	[tilespmem:$0x1E800] =	vst v63  }
0x34: {  	_ =	swait.ge [sflag:s12], $0x1400  }
0x35: {  	[sflag:s12] =	ssyncset.done $0x0  }
0x36: {  	[sflag:s12] =	ssyncadd.s32 $0xFFFFEC00  }
0x37: {  	[tilespmem:s14], [sflag:$0x9] =	stream.linear.gather [hbm4b:s9+s4], $0x1400, $0x38;
	[tilespmem:$0x1E800] =	vst v63  }
0x38: {  	_ =	swait.ge [sflag:s12], $0x1400  }
0x39: {  	[sflag:s12] =	ssyncset.done $0x0  }
0x3a: {  	[sflag:s12] =	ssyncadd.s32 $0xFFFFEC00  }
0x3b: {  	[bflag:$0x0] =	sbarrier.arrive $0xFFFF  }
0x3c: {  	[tilespmem:s16], [sflag:$0x1] =	stream.indirect.gather [spmem:s3], $0x40, s4, s15, $0xb8;
	[tilespmem:$0x1E800] =	vst v63  }
0x3d: {  	_ = 	snop  }
0x3e: {  	[tilespmem:s17], [sflag:$0x2] =	stream.indirect.gather [spmem:s3], $0x40, s15, s15, $0xb8;
	[tilespmem:$0x1E800] =	vst v63  }
0x3f: {  	_ =	swait.ge [sflag:s18], $0x2000  }
0x40: {  	[sflag:s18] =	ssyncset.done $0x0  }
0x41: {  	[sflag:s18] =	ssyncadd.s32 $0xFFFFE000  }
0x42: {  	[spmem:s2] =	stream.indirect.scatter.add.f32 [tilespmem:s16], [sflag:$0x5], $0x40, s14, s15, $0xb8;
	[tilespmem:$0x1E800] =	vst v63  }
0x43: {  	s19 =	simm.s32 $0x100  }
0x44: {  	[tilespmem:s20], [sflag:$0x3] =	stream.indirect.gather [spmem:s3], $0x40, s19, s15, $0xb8;
	[tilespmem:$0x1E800] =	vst v63  }
0x45: {  	_ =	swait.ge [sflag:s21], $0x2000  }
0x46: {  	[sflag:s21] =	ssyncset.done $0x0  }
0x47: {  	s5 =	simm.s32 $0x1480;
	[sflag:s21] =	ssyncadd.s32 $0xFFFFE000  }
0x48: {  	[spmem:s2] =	stream.indirect.scatter.add.f32 [tilespmem:s17], [sflag:$0x6], $0x40, s5, s15, $0xb8;
	[tilespmem:$0x1E800] =	vst v63  }
0x49: {  	s19 =	simm.s32 $0x180  }
0x4a: {  	[tilespmem:s25], [sflag:$0x4] =	stream.indirect.gather [spmem:s3], $0x40, s19, s15, $0xb8;
	[tilespmem:$0x1E800] =	vst v63  }
0x4b: {  	_ =	swait.ge [sflag:s26], $0x2000  }
0x4c: {  	[sflag:s26] =	ssyncset.done $0x0  }
0x4d: {  	s5 =	simm.s32 $0x1500;
	[sflag:s26] =	ssyncadd.s32 $0xFFFFE000  }
0x4e: {  	[spmem:s2] =	stream.indirect.scatter.add.f32 [tilespmem:s20], [sflag:$0x7], $0x40, s5, s15, $0xb8;
	[tilespmem:$0x1E800] =	vst v63  }
0x4f: {  	_ =	swait.ge [sflag:s29], $0x2000  }
0x50: {  	[sflag:s29] =	ssyncset.done $0x0  }
0x51: {  	s19 =	simm.s32 $0x200;
	[sflag:s29] =	ssyncadd.s32 $0xFFFFE000  }
0x52: {  	[tilespmem:s16], [sflag:$0x1] =	stream.indirect.gather [spmem:s3], $0x40, s19, s15, $0xb8;
	[tilespmem:$0x1E800] =	vst v63  }
0x53: {  	_ =	swait.ge [sflag:s31], $0x2000  }
0x54: {  	[sflag:s31] =	ssyncset.done $0x0  }
0x55: {  	s5 =	simm.s32 $0x1580;
	[sflag:s31] =	ssyncadd.s32 $0xFFFFE000  }
0x56: {  	[spmem:s2] =	stream.indirect.scatter.add.f32 [tilespmem:s25], [sflag:$0x8], $0x40, s5, s15, $0xb8;
	[tilespmem:$0x1E800] =	vst v63  }
0x57: {  	_ =	swait.ge [sflag:s1], $0x2000  }
0x58: {  	[sflag:s1] =	ssyncset.done $0x0  }
0x59: {  	s30 =	simm.s32 $0x0;
	s19 =	simm.s32 $0x280;
	[sflag:s1] =	ssyncadd.s32 $0xFFFFE000  }
0x5a: {  	[tilespmem:s17], [sflag:$0x2] =	stream.indirect.gather [spmem:s3], $0x40, s19, s15, $0xb8;
	[tilespmem:$0x1E800] =	vst v63  }
.LBB2_2:
0x5b: {  	_ =	swait.ge [sflag:s18], $0x2000  }
0x5c: {  	s0 =	sshra.s32 s30, $0x2;
	[sflag:s18] =	ssyncset.done $0x0  }
0x5d: {  	s19 =	sadd.s32 $0x1600, s0;
	[sflag:s18] =	ssyncadd.s32 $0xFFFFE000  }
0x5e: {  	[spmem:s2] =	stream.indirect.scatter.add.f32 [tilespmem:s16], [sflag:$0x5], $0x40, s19, s15, $0xb8;
	[tilespmem:$0x1E800] =	vst v63  }
0x5f: {  	_ =	swait.ge [sflag:s22], $0x2000  }
0x60: {  	[sflag:s22] =	ssyncset.done $0x0  }
0x61: {  	s5 =	sadd.s32 $0x300, s0;
	[sflag:s22] =	ssyncadd.s32 $0xFFFFE000  }
0x62: {  	[tilespmem:s20], [sflag:$0x3] =	stream.indirect.gather [spmem:s3], $0x40, s5, s15, $0xb8;
	[tilespmem:$0x1E800] =	vst v63  }
0x63: {  	_ =	swait.ge [sflag:s21], $0x2000  }
0x64: {  	[sflag:s21] =	ssyncset.done $0x0  }
0x65: {  	s5 =	sadd.s32 $0x1680, s0;
	[sflag:s21] =	ssyncadd.s32 $0xFFFFE000  }
0x66: {  	[spmem:s2] =	stream.indirect.scatter.add.f32 [tilespmem:s17], [sflag:$0x6], $0x40, s5, s15, $0xb8;
	[tilespmem:$0x1E800] =	vst v63  }
0x67: {  	_ =	swait.ge [sflag:s23], $0x2000  }
0x68: {  	[sflag:s23] =	ssyncset.done $0x0  }
0x69: {  	p0 =	seq.s32 s30, $0x4000;
	s5 =	sadd.s32 $0x380, s0;
	[sflag:s23] =	ssyncadd.s32 $0xFFFFE000  }
0x6a: {  	[tilespmem:s25], [sflag:$0x4] =	stream.indirect.gather [spmem:s3], $0x40, s5, s15, $0xb8;
	[tilespmem:$0x1E800] =	vst v63  }
.Ltmp2:
0x6b: {  	_ = 	snop;
	(pc) =	sbr.rel @p0 .LBB2_4-.Ltmp2, $4  }
0x6c: {  	_ =	swait.ge [sflag:s26], $0x2000  }
0x6d: {  	[sflag:s26] =	ssyncset.done $0x0  }
0x6e: {  	s19 =	sadd.s32 $0x1780, s0;
	s5 =	sadd.s32 $0x1700, s0;
	[sflag:s26] =	ssyncadd.s32 $0xFFFFE000  }
0x6f: {  	[spmem:s2] =	stream.indirect.scatter.add.f32 [tilespmem:s20], [sflag:$0x7], $0x40, s5, s15, $0xb8;
	[tilespmem:$0x1E800] =	vst v63  }
0x70: {  	_ =	swait.ge [sflag:s29], $0x2000  }
0x71: {  	[sflag:s29] =	ssyncset.done $0x0  }
0x72: {  	s5 =	sadd.s32 $0x400, s0;
	[sflag:s29] =	ssyncadd.s32 $0xFFFFE000  }
0x73: {  	[tilespmem:s16], [sflag:$0x1] =	stream.indirect.gather [spmem:s3], $0x40, s5, s15, $0xb8;
	[tilespmem:$0x1E800] =	vst v63  }
0x74: {  	_ =	swait.ge [sflag:s31], $0x2000  }
0x75: {  	[sflag:s31] =	ssyncset.done $0x0  }
0x76: {  	[sflag:s31] =	ssyncadd.s32 $0xFFFFE000  }
0x77: {  	[spmem:s2] =	stream.indirect.scatter.add.f32 [tilespmem:s25], [sflag:$0x8], $0x40, s19, s15, $0xb8;
	[tilespmem:$0x1E800] =	vst v63  }
.Ltmp3:
0x78: {  	_ = 	snop;
	(pc) =	sbr.rel .LBB2_2-.Ltmp3, $4  }
0x79: {  	_ =	swait.ge [sflag:s1], $0x2000  }
0x7a: {  	[sflag:s1] =	ssyncset.done $0x0  }
0x7b: {  	s30 =	sadd.s32 $0x800, s30;
	s19 =	sadd.s32 $0x480, s0;
	[sflag:s1] =	ssyncadd.s32 $0xFFFFE000  }
0x7c: {  	[tilespmem:s17], [sflag:$0x2] =	stream.indirect.gather [spmem:s3], $0x40, s19, s15, $0xb8;
	[tilespmem:$0x1E800] =	vst v63  }
.LBB2_5:
0x7d: {  	_ =	sfence.sel $0x180000  }
0x7e: {  	[bflag:$0x0] =	sbarrier.arrive $0xFFFF  }
0x7f: {  	_ =	strace $0x9000004A  }
0x80: {  	s0 =	stileid.u32;
	[bflag:$0x2] =	sbarrier.arrive $0xFFFF  }
0x81: {  	p0 =	sne.s32 s0, $0x0;
	s0 =	rddreg [dreg:$0x4]  }
0x82: {  	s0 =	sadd.s32 @!p0 $0x100000, s0  }
0x83: {  	[sflag:s0] =	ssyncadd.tile.s32 @!p0 $0x1;
	_ =	shalt  }
.Lfunc_end2:
_tile_overlayer_lowered:
.L_overlay_start_2:
0x84: {  	(tag) =	ssettag $0x2  }
0x85: {  	s0 =	rddreg [dreg:$0x0];
	s2 =	stileid.u32  }
0x86: {  	s1 =	rddreg [dreg:$0x1];
	p0 =	sne.s32 s2, $0x0  }
0x87: {  	s3 =	rddreg [dreg:$0x2];
	[bflag:$0x3] =	sbarrier.arrive $0xFFFF;
	s2 =	simm.s32 @!p0 $0x1C09  }
0x88: {  	[timem:s3], [sflag:s2] =	dma.local @!p0 [hbm:s0], s1  }
0x89: {  	s0 =	simm.s32 @!p0 $0x9  }
0x8a: {  	_ =	swait.ge @!p0 [sflag:s0], s1  }
0x8b: {  	s1 =	ssub.s32 @!p0 $0x0, s1;
	[sflag:s0] =	ssyncset.done @!p0 $0x0  }
0x8c: {  	[sflag:s0] =	ssyncadd.s32 @!p0 s1  }
0x8d: {  	[bflag:$0x3] =	sbarrier.arrive $0xFFFF  }
0x8e: {  	_ =	shalt  }

// kernel: kernel.19.cloned.1.call-start
scs
__scs_entry_jumppad:
0x0: {  	(pc) =	sbr.rel $0x88, $3  }
0x1: {  	(tag) =	ssettag $0x0;
	lr =	simm.s32 $0x1  }
0x2: {  	[smem:$0x3F95] =	sst lr;
	_ =	strace $0xD0000000  }
0x3: {  	_ = 	snop  }
0x4: {  	_ = 	snop  }
0x5: {  	_ = 	snop  }
0x6: {  	_ = 	snop  }
0x7: {  	_ = 	snop  }
__scs_overlays_trampoline_lowered:
0x8: {  	[smem:$0x3FA4] =	sst s0  }
0x9: {  	[smem:$0x3FA5] =	sst s1  }
0xa: {  	[smem:$0x3FA6] =	sst s2  }
0xb: {  	[smem:$0x3FA7] =	sst s3  }
0xc: {  	[smem:$0x3FA8] =	sst s4  }
0xd: {  	[smem:$0x3FA9] =	sst s5  }
0xe: {  	[smem:$0x3FAA] =	sst s6  }
0xf: {  	[smem:$0x3FAB] =	sst s7  }
0x10: {  	[smem:$0x3FAC] =	sst s8  }
0x11: {  	[smem:$0x3FAD] =	sst s9;
	s0 =	simm.s32 @!p0 $0x0  }
0x12: {  	s1 =	sld [smem:$0x3F93];
	s0 =	simm.s32 @p0 $0x1  }
0x13: {  	[smem:$0x3FAE] =	sst s0;
	s0 =	simm.s32 @!p1 $0x0  }
0x14: {  	s2 =	sld [smem:$0x3F92];
	s0 =	simm.s32 @p1 $0x1  }
0x15: {  	[smem:$0x3FAF] =	sst s0;
	s0 =	simm.s32 @!p2 $0x0  }
0x16: {  	s3 =	sld [smem:$0x3FDB];
	s0 =	simm.s32 @p2 $0x1  }
0x17: {  	s4 =	simm.s32 $0x1BF5;
	[smem:$0x3FB1] =	sst s0  }
0x18: {  	s0 =	sld [smem:$0x3F94];
	_ =	swait.ge [sflag:s4], $0x0  }
0x19: {  	s7 =	sld [smem:$0x3F95]  }
0x1a: {  	s8 =	sadd.s32 $0xFFFFE003, lr  }
0x1b: {  	s9 =	sadd.s32 $0xFFFFFEF7, lr;
	s5 =	simm.s32 $0xFFFFFFFF;
	p2 =	slt.u32 s8, $0xFFFFF086  }
0x1c: {  	p1 =	slt.u32 s9, $0xF7A;
	s5 =	simm.s32 @!p2 $0x0  }
0x1d: {  	s5 =	simm.s32 @p1 $0x1;
	p0 =	seq.s32 s7, s2  }
0x1e: {  	s7 =	smul.u32 @!p0 $0xF7A, s2;
	p2 =	seq.s32 @!p0 s5, $0x0  }
0x1f: {  	s9 =	smul.u32 $0xF7A, s1;
	s8 =	simm.s32 @!p0 $0x1BF5;
	p2 =	por !p2, p0  }
0x20: {  	[sflag:s8] =	ssyncset.s32 @!p0 $0xFFFFF086;
	s6 =	sadd.s32 @!p0 s3, s7;
	s7 =	simm.s32 @!p0 $0x108  }
0x21: {  	s3 =	sadd.s32 s3, s9;
	s6 =	sadd.s32 @!p0 $0x88, s6;
	s7 =	simm.s32 @p2 $0x1082  }
0x22: {  	[simem:s7], [sflag:s8] =	dma.local @!p0 [hbm:s6], $0xF7A  }
0x23: {  	s9 =	sor.u32 $0xD0000000, s2;
	s6 =	simm.s32 $0x108;
	_ =	swait.ge @!p0 [sflag:s8], $0x0  }
0x24: {  	s3 =	sadd.s32 $0x88, s3;
	s6 =	simm.s32 @!p1 $0x1082;
	[sflag:s4] =	ssyncset.s32 $0xFFFFF086  }
0x25: {  	[simem:s6], [sflag:s4] =	dma.local [hbm:s3], $0xF7A  }
0x26: {  	[smem:$0x3F95] =	sst s1;
	(tag) =	ssettag s2;
	_ =	strace s9  }
0x27: {  	s1 =	sld [smem:$0x3FA5]  }
0x28: {  	s2 =	sld [smem:$0x3FA6]  }
0x29: {  	s4 =	sld [smem:$0x3FA8]  }
0x2a: {  	p0 =	seq.s32 s5, $0x0;
	s5 =	sld [smem:$0x3FA9]  }
0x2b: {  	s6 =	sld [smem:$0x3FAA]  }
0x2c: {  	s7 =	sld [smem:$0x3FAB]  }
0x2d: {  	s3 =	simm.s32 $0x108;
	s8 =	sld [smem:$0x3FAC]  }
0x2e: {  	s3 =	simm.s32 @!p0 $0x1082;
	s9 =	sld [smem:$0x3FAD]  }
0x2f: {  	lr =	sadd.s32 s0, s3;
	s0 =	sld [smem:$0x3FA4]  }
0x30: {  	s3 =	sld [smem:$0x3FA7]  }
0x31: {  	[smem:$0x3FB0] =	sst s10  }
0x32: {  	s10 =	sld [smem:$0x3FAE];
	_ =	sdelay $0x3  }
0x33: {  	p0 =	seq.s32 s10, $0x1;
	s10 =	sld [smem:$0x3FB0];
	_ =	sdelay $0x3  }
0x34: {  	[smem:$0x3FB0] =	sst s10  }
0x35: {  	s10 =	sld [smem:$0x3FAF];
	_ =	sdelay $0x3  }
0x36: {  	p1 =	seq.s32 s10, $0x1;
	s10 =	sld [smem:$0x3FB0];
	_ =	sdelay $0x3  }
0x37: {  	[smem:$0x3FB0] =	sst s10  }
0x38: {  	s10 =	sld [smem:$0x3FB1]  }
0x39: {  	_ = 	snop;
	(pc) =	sbr.ind lr, $3  }
0x3a: {  	_ = 	snop  }
0x3b: {  	_ = 	snop  }
0x3c: {  	p2 =	seq.s32 s10, $0x1;
	s10 =	sld [smem:$0x3FB0]  }
0x3d: {  	_ =	shalt  }
0x3e: {  	_ =	shalt  }
0x3f: {  	_ =	shalt  }
0x40: {  	_ =	shalt  }
0x41: {  	_ =	shalt  }
0x42: {  	_ =	shalt  }
0x43: {  	_ =	shalt  }
0x44: {  	_ =	shalt  }
0x45: {  	_ =	shalt  }
0x46: {  	_ =	shalt  }
0x47: {  	_ =	shalt  }
0x48: {  	_ =	shalt  }
0x49: {  	_ =	shalt  }
0x4a: {  	_ =	shalt  }
0x4b: {  	_ =	shalt  }
0x4c: {  	_ =	shalt  }
0x4d: {  	_ =	shalt  }
0x4e: {  	_ =	shalt  }
0x4f: {  	_ =	shalt  }
0x50: {  	_ =	shalt  }
0x51: {  	_ =	shalt  }
0x52: {  	_ =	shalt  }
0x53: {  	_ =	shalt  }
0x54: {  	_ =	shalt  }
0x55: {  	_ =	shalt  }
0x56: {  	_ =	shalt  }
0x57: {  	_ =	shalt  }
0x58: {  	_ =	shalt  }
0x59: {  	_ =	shalt  }
0x5a: {  	_ =	shalt  }
0x5b: {  	_ =	shalt  }
0x5c: {  	_ =	shalt  }
0x5d: {  	_ =	shalt  }
0x5e: {  	_ =	shalt  }
0x5f: {  	_ =	shalt  }
0x60: {  	_ =	shalt  }
0x61: {  	_ =	shalt  }
0x62: {  	_ =	shalt  }
0x63: {  	_ =	shalt  }
0x64: {  	_ =	shalt  }
0x65: {  	_ =	shalt  }
0x66: {  	_ =	shalt  }
0x67: {  	_ =	shalt  }
0x68: {  	_ =	shalt  }
0x69: {  	_ =	shalt  }
0x6a: {  	_ =	shalt  }
0x6b: {  	_ =	shalt  }
0x6c: {  	_ =	shalt  }
0x6d: {  	_ =	shalt  }
0x6e: {  	_ =	shalt  }
0x6f: {  	_ =	shalt  }
0x70: {  	_ =	shalt  }
0x71: {  	_ =	shalt  }
0x72: {  	_ =	shalt  }
0x73: {  	_ =	shalt  }
0x74: {  	_ =	shalt  }
0x75: {  	_ =	shalt  }
0x76: {  	_ =	shalt  }
0x77: {  	_ =	shalt  }
0x78: {  	_ =	shalt  }
0x79: {  	_ =	shalt  }
0x7a: {  	_ =	shalt  }
0x7b: {  	_ =	shalt  }
0x7c: {  	_ =	shalt  }
0x7d: {  	_ =	shalt  }
0x7e: {  	_ =	shalt  }
0x7f: {  	_ =	shalt  }
0x80: {  	_ =	shalt  }
0x81: {  	_ =	shalt  }
0x82: {  	_ =	shalt  }
0x83: {  	_ =	shalt  }
0x84: {  	_ =	shalt  }
0x85: {  	_ =	shalt  }
0x86: {  	_ =	shalt  }
0x87: {  	_ =	shalt  }
.Lfunc_end0:
.L_simem_size_0:
called_computation.2_lowered:
.L_overlay_start_0:
0x88: {  	s2 =	sld [smem:$0x3FD9]  }
0x89: {  	s3 =	sld [smem:$0x3FFE];
	_ =	sdelay $0x1  }
0x8a: {  	s1 =	srdreg.scid  }
0x8b: {  	s0 =	sand.u32 $0x1, s1  }
0x8c: {  	s14 =	sshll.u32 s0, $0xA;
	s2 =	sadd.s32 s3, s2  }
0x8d: {  	s2 =	sadd.s32 s2, s14  }
0x8e: {  	[smem:$0x3FBC] =	sst s2  }
0x8f: {  	_ = 	snop  }
0x90: {  	s2 =	sld [smem:$0x3FD0];
	_ =	sdelay $0x2  }
0x91: {  	s15 =	simm.s32 $0xA;
	s4 =	simm.s32 $0x10  }
0x92: {  	[smem:s4], [sflag:s15] =	dma.local [hbm:s2], $0x1  }
0x93: {  	_ =	swait.eq [sflag:s15], $0x1  }
0x94: {  	[sflag:s15] =	ssyncset.done $0x0  }
0x95: {  	[sflag:s15] =	ssyncadd.s32 $0xFFFFFFFF  }
0x96: {  	s16 =	sld [smem:$0x12];
	(tm) =	ssettm $0x1  }
0x97: {  	s17 =	sld [smem:$0x3FFB];
	_ =	sdelay $0x3  }
0x98: {  	_ =	strace s17  }
0x99: {  	s3 =	sld [smem:$0x3FFC];
	_ =	sdelay $0x3  }
0x9a: {  	_ =	strace s3  }
0x9b: {  	s3 =	sld [smem:$0x3FFD];
	_ =	sdelay $0x3  }
0x9c: {  	_ =	strace s3  }
0x9d: {  	_ =	strace $0x8FFFFFFF  }
0x9e: {  	s18 =	sld [smem:$0x3FDB];
	_ =	sdelay $0x1  }
0x9f: {  	s19 =	simm.s32 $_scs_section_size  }
0xa0: {  	s5 =	simm.s32 $_size__tile_overlayer_lowered;
	s6 =	simm.s32 $_tile_overlayer_lowered  }
0xa1: {  	s22 =	simm.s32 $0x1BFF;
	s21 =	sshll.u32 s6, $0x1;
	s3 =	sadd.s32 s19, s18  }
0xa2: {  	s7 =	simm.s32 $0x0;
	s20 =	sshll.u32 s5, $0x1;
	s5 =	sadd.s32 s21, s3  }
0xa3: {  	[timem:s7], [sflag:s22] =	dma.local [hbm:s5], s20  }
0xa4: {  	_ =	swait.ge [sflag:s22], s20  }
0xa5: {  	s4 =	ssub.s32 $0x0, s20;
	[sflag:s22] =	ssyncset.done $0x0  }
0xa6: {  	[sflag:s22] =	ssyncadd.s32 s4;
	_ =	sdelay $0x1  }
0xa7: {  	s23 =	simm.s32 $0x1B8B  }
0xa8: {  	_ =	swait.ge [sflag:s23], $0x1  }
0xa9: {  	[sflag:s23] =	ssyncset.done $0x0  }
0xaa: {  	s25 =	simm.s32 $0x1B8E;
	s24 =	sld [smem:$0x3FFE];
	[sflag:s23] =	ssyncadd.s32 $0xFFFFFFFF  }
0xab: {  	s26 =	simm.s32 $execute0_lowered;
	[smem:$0x3FD2] =	sst s25  }
0xac: {  	s5 =	sshll.u32 s26, $0x1;
	_ =	strace $0x8000004C;
	[dreg:$0x1] =	wrdreg $0xFFFFFFFF  }
0xad: {  	s28 =	simm.s32 $_size_execute0_lowered;
	s3 =	sadd.s32 s3, s5;
	[dreg:$0x0] =	wrdreg $0x0  }
0xae: {  	s5 =	sshll.u32 s28, $0x1;
	[dreg:$0x2] =	wrdreg s3  }
0xaf: {  	[dreg:$0x3] =	wrdreg s5  }
0xb0: {  	[dreg:$0x4] =	wrdreg $0xC0  }
0xb1: {  	_ =	task [dreg:s7], $0x5FFFF  }
0xb2: {  	[dreg:$0x1] =	wrdreg $0xFFFFFFFF  }
0xb3: {  	[dreg:$0x0] =	wrdreg $0x60  }
0xb4: {  	[dreg:$0x2] =	wrdreg s16  }
0xb5: {  	[dreg:$0x3] =	wrdreg s24  }
0xb6: {  	[dreg:$0x4] =	wrdreg $0xA8000  }
0xb7: {  	[dreg:$0x5] =	wrdreg $0x148000  }
0xb8: {  	[dreg:$0x6] =	wrdreg $0x9  }
0xb9: {  	_ =	task.clear_ibuf [dreg:s7], $0x7FFFF;
	_ =	strace $0x9000004C  }
0xba: {  	s29 =	simm.s32 $0x9;
	_ =	strace $0x8000004E  }
0xbb: {  	_ =	swait.ge [sflag:s29], $0x1  }
0xbc: {  	[sflag:s29] =	ssyncadd.s32 $0xFFFFFFFF  }
0xbd: {  	_ =	strace $0x9000004E  }
0xbe: {  	_ =	sfence  }
0xbf: {  	s30 =	sld [smem:$0x0];
	_ =	sdelay $0x2  }
0xc0: {  	s31 =	sshll.u32 s1, $0xD;
	s1 =	sshrl.u32 s1, $0x2  }
0xc1: {  	s3 =	sand.u32 $0x4000, s31;
	s1 =	sadd.s32 s1, s30  }
0xc2: {  	s0 =	sor.u32 s3, s0;
	s1 =	sshll.u32 s1, $0x11  }
0xc3: {  	s0 =	sor.u32 s1, s0  }
0xc4: {  	s0 =	sadd.s32 $0x8F2B, s0  }
0xc5: {  	[sflag:s0] =	ssyncadd.remote.s32 $0x1  }
0xc6: {  	_ =	sfence.sel $0xFFFF  }
0xc7: {  	[dreg:$0x0] =	wrdreg $0xFFFFFFFF;
	(pc) =	sbr.abs _section_cstart, $3  }
0xc8: {  	[dreg:$0x1] =	wrdreg $0xFFFFFFFF  }
0xc9: {  	_ =	task.clear_ibuf [dreg:s7], $0x2FFFF;
	_ =	strace $0x9FFFFFFF  }
0xca: {  	(tm) =	ssettm $0x7FFFFFFF  }
0xcb: {  	_ =	shalt  }
tec
execute0_lowered:
.L_overlay_start_1:
0x0: {  	(tag) =	ssettag $0x1  }
0x1: {  	s0 =	rddreg [dreg:$0x0]  }
0x2: {  	s1 =	rddreg [dreg:$0x1]  }
0x3: {  	s2 =	rddreg [dreg:$0x2]  }
0x4: {  	s3 =	rddreg [dreg:$0x3];
	s13 =	stileid.u32  }
0x5: {  	s4 =	srdreg.scid;
	s14 =	simm.s32 $0x1400;
	s15 =	simm.s32 $0x80  }
0x6: {  	s16 =	simm.s32 $0x2800;
	s17 =	simm.s32 $0x4800;
	s18 =	simm.s32 $0x1  }
0x7: {  	s20 =	simm.s32 $0x6800;
	s21 =	simm.s32 $0x2;
	s29 =	simm.s32 $0x5  }
0x8: {  	s31 =	simm.s32 $0x4;
	s22 =	simm.s32 $0x7;
	s23 =	simm.s32 $0x8  }
0x9: {  	s28 =	simm.s32 $0x0;
	s5 =	sand.u32 $0x1, s4;
	s6 =	sshll.u32 s13, $0x1  }
0xa: {  	s4 =	simm.s32 $0x0;
	s7 =	smul.u32 $0xA000, s13;
	s25 =	sshll.u32 s13, $0x6  }
0xb: {  	s6 =	sor.u32 s5, s6;
	[smem:$0x7FF] =	sst s4;
	s8 =	smul.u32 $0x14000, s5  }
0xc: {  	s5 =	ssub.s32 $0x2, s5;
	s6 =	smul.u32 $0x280, s6;
	s19 =	sshrl.u32 s7, $0x3  }
0xd: {  	_ =	strace $0x8000004D;
	s10 =	sshrl.u32 s5, $0x1;
	s12 =	sadd.s32 s7, s2  }
0xe: {  	s26 =	sadd.s32 s7, s3;
	s9 =	sadd.s32 s19, s1;
	s10 =	ssub.s32 s5, s10  }
0xf: {  	s7 =	sadd.s32 s0, s19;
	s13 =	sshrl.u32 s26, $0x3;
	s26 =	simm.s32 $0x3  }
.Ltmp0:
0x10: {  	s11 =	sadd.s32 s6, s1;
	s1 =	sadd.s32 s8, s1;
	(pc) =	sbr.rel .LBB2_1-.Ltmp0, $4  }
0x11: {  	s24 =	sadd.s32 $0x35E00, s9;
	s6 =	sor.u32 $0x1C09, s25;
	s10 =	smax.u32 s10, $0x1  }
0x12: {  	s25 =	simm.s32 $0x8800;
	[dreg:$0x5] =	wrdreg s24;
	s8 =	sadd.s32 $0x8E00, s11  }
0x13: {  	s9 =	sadd.s32 $0x3E00, s11;
	s30 =	sadd.s32 $0x49E00, s1;
	s11 =	sshrl.u32 s12, $0x3  }
0x14: {  	s12 =	simm.s32 $0x9;
	s1 =	simm.s32 $0x6;
	s24 =	sadd.s32 s19, s30  }
.LBB2_4:
0x15: {  	_ =	swait.ge [sflag:s31], $0x2000  }
0x16: {  	[sflag:s31] =	ssyncset.done $0x0  }
0x17: {  	[sflag:s31] =	ssyncadd.s32 $0xFFFFE000  }
0x18: {  	[spmem:s2] =	stream.indirect.scatter.add.f32 [tilespmem:s25], [sflag:$0x8], $0x40, s19, s15, $0xb8;
	[tilespmem:$0x1E800] =	vst v63  }
0x19: {  	_ =	swait.ge [sflag:s29], $0x2000  }
0x1a: {  	[sflag:s29] =	ssyncset.done $0x0  }
0x1b: {  	[sflag:s29] =	ssyncadd.s32 $0xFFFFE000  }
0x1c: {  	_ =	swait.ge [sflag:s1], $0x2000  }
0x1d: {  	[sflag:s1] =	ssyncset.done $0x0  }
0x1e: {  	[sflag:s1] =	ssyncadd.s32 $0xFFFFE000  }
0x1f: {  	_ =	swait.ge [sflag:s22], $0x2000  }
0x20: {  	[sflag:s22] =	ssyncset.done $0x0  }
0x21: {  	[sflag:s22] =	ssyncadd.s32 $0xFFFFE000  }
0x22: {  	_ =	swait.ge [sflag:s23], $0x2000  }
0x23: {  	s28 =	sadd.s32 $0x1, s28;
	[sflag:s23] =	ssyncset.done $0x0  }
0x24: {  	p0 =	sne.s32 s28, s10;
	[sflag:s23] =	ssyncadd.s32 $0xFFFFE000  }
.Ltmp1:
0x25: {  	[bflag:$0x0] =	sbarrier.arrive $0xFFFF;
	(pc) =	sbr.rel @!p0 .LBB2_5-.Ltmp1, $4  }
0x26: {  	[hbm:s24], [sflag:s6] =	dma.local [spmem:s11], $0x1400  }
0x27: {  	_ =	swait.ge [sflag:s12], $0x1400  }
0x28: {  	[sflag:s12] =	ssyncset.done $0x0  }
0x29: {  	[sflag:s12] =	ssyncadd.s32 $0xFFFFEC00  }
.LBB2_1:
0x2a: {  	s0 =	rddreg [dreg:$0x5]  }
0x2b: {  	[spmem:s11], [sflag:s6] =	dma.local [hbm:s0], $0x1400  }
0x2c: {  	_ =	swait.ge [sflag:s12], $0x1400  }
0x2d: {  	[sflag:s12] =	ssyncset.done $0x0  }
0x2e: {  	[sflag:s12] =	ssyncadd.s32 $0xFFFFEC00  }
0x2f: {  	[spmem:s13], [sflag:s6] =	dma.local [hbm:s7], $0x1400  }
0x30: {  	_ =	swait.ge [sflag:s12], $0x1400  }
0x31: {  	[sflag:s12] =	ssyncset.done $0x0  }
0x32: {  	[sflag:s12] =	ssyncadd.s32 $0xFFFFEC00  }
0x33: {  	[tilespmem:s4], [sflag:$0x9] =	stream.linear.gather [hbm4b:s8+s4], $0x1400, $0x38;
	[tilespmem:$0x1E800] =	vst v63  }
0x34: {  	_ =	swait.ge [sflag:s12], $0x1400  }
0x35: {  	[sflag:s12] =	ssyncset.done $0x0  }
0x36: {  	[sflag:s12] =	ssyncadd.s32 $0xFFFFEC00  }
0x37: {  	[tilespmem:s14], [sflag:$0x9] =	stream.linear.gather [hbm4b:s9+s4], $0x1400, $0x38;
	[tilespmem:$0x1E800] =	vst v63  }
0x38: {  	_ =	swait.ge [sflag:s12], $0x1400  }
0x39: {  	[sflag:s12] =	ssyncset.done $0x0  }
0x3a: {  	[sflag:s12] =	ssyncadd.s32 $0xFFFFEC00  }
0x3b: {  	[bflag:$0x0] =	sbarrier.arrive $0xFFFF  }
0x3c: {  	[tilespmem:s16], [sflag:$0x1] =	stream.indirect.gather [spmem:s3], $0x40, s4, s15, $0xb8;
	[tilespmem:$0x1E800] =	vst v63  }
0x3d: {  	_ = 	snop  }
0x3e: {  	[tilespmem:s17], [sflag:$0x2] =	stream.indirect.gather [spmem:s3], $0x40, s15, s15, $0xb8;
	[tilespmem:$0x1E800] =	vst v63  }
0x3f: {  	_ =	swait.ge [sflag:s18], $0x2000  }
0x40: {  	[sflag:s18] =	ssyncset.done $0x0  }
0x41: {  	[sflag:s18] =	ssyncadd.s32 $0xFFFFE000  }
0x42: {  	[spmem:s2] =	stream.indirect.scatter.add.f32 [tilespmem:s16], [sflag:$0x5], $0x40, s14, s15, $0xb8;
	[tilespmem:$0x1E800] =	vst v63  }
0x43: {  	s19 =	simm.s32 $0x100  }
0x44: {  	[tilespmem:s20], [sflag:$0x3] =	stream.indirect.gather [spmem:s3], $0x40, s19, s15, $0xb8;
	[tilespmem:$0x1E800] =	vst v63  }
0x45: {  	_ =	swait.ge [sflag:s21], $0x2000  }
0x46: {  	[sflag:s21] =	ssyncset.done $0x0  }
0x47: {  	s5 =	simm.s32 $0x1480;
	[sflag:s21] =	ssyncadd.s32 $0xFFFFE000  }
0x48: {  	[spmem:s2] =	stream.indirect.scatter.add.f32 [tilespmem:s17], [sflag:$0x6], $0x40, s5, s15, $0xb8;
	[tilespmem:$0x1E800] =	vst v63  }
0x49: {  	s19 =	simm.s32 $0x180  }
0x4a: {  	[tilespmem:s25], [sflag:$0x4] =	stream.indirect.gather [spmem:s3], $0x40, s19, s15, $0xb8;
	[tilespmem:$0x1E800] =	vst v63  }
0x4b: {  	_ =	swait.ge [sflag:s26], $0x2000  }
0x4c: {  	[sflag:s26] =	ssyncset.done $0x0  }
0x4d: {  	s5 =	simm.s32 $0x1500;
	[sflag:s26] =	ssyncadd.s32 $0xFFFFE000  }
0x4e: {  	[spmem:s2] =	stream.indirect.scatter.add.f32 [tilespmem:s20], [sflag:$0x7], $0x40, s5, s15, $0xb8;
	[tilespmem:$0x1E800] =	vst v63  }
0x4f: {  	_ =	swait.ge [sflag:s29], $0x2000  }
0x50: {  	[sflag:s29] =	ssyncset.done $0x0  }
0x51: {  	s19 =	simm.s32 $0x200;
	[sflag:s29] =	ssyncadd.s32 $0xFFFFE000  }
0x52: {  	[tilespmem:s16], [sflag:$0x1] =	stream.indirect.gather [spmem:s3], $0x40, s19, s15, $0xb8;
	[tilespmem:$0x1E800] =	vst v63  }
0x53: {  	_ =	swait.ge [sflag:s31], $0x2000  }
0x54: {  	[sflag:s31] =	ssyncset.done $0x0  }
0x55: {  	s5 =	simm.s32 $0x1580;
	[sflag:s31] =	ssyncadd.s32 $0xFFFFE000  }
0x56: {  	[spmem:s2] =	stream.indirect.scatter.add.f32 [tilespmem:s25], [sflag:$0x8], $0x40, s5, s15, $0xb8;
	[tilespmem:$0x1E800] =	vst v63  }
0x57: {  	_ =	swait.ge [sflag:s1], $0x2000  }
0x58: {  	[sflag:s1] =	ssyncset.done $0x0  }
0x59: {  	s30 =	simm.s32 $0x0;
	s19 =	simm.s32 $0x280;
	[sflag:s1] =	ssyncadd.s32 $0xFFFFE000  }
0x5a: {  	[tilespmem:s17], [sflag:$0x2] =	stream.indirect.gather [spmem:s3], $0x40, s19, s15, $0xb8;
	[tilespmem:$0x1E800] =	vst v63  }
.LBB2_2:
0x5b: {  	_ =	swait.ge [sflag:s18], $0x2000  }
0x5c: {  	s0 =	sshra.s32 s30, $0x2;
	[sflag:s18] =	ssyncset.done $0x0  }
0x5d: {  	s19 =	sadd.s32 $0x1600, s0;
	[sflag:s18] =	ssyncadd.s32 $0xFFFFE000  }
0x5e: {  	[spmem:s2] =	stream.indirect.scatter.add.f32 [tilespmem:s16], [sflag:$0x5], $0x40, s19, s15, $0xb8;
	[tilespmem:$0x1E800] =	vst v63  }
0x5f: {  	_ =	swait.ge [sflag:s22], $0x2000  }
0x60: {  	[sflag:s22] =	ssyncset.done $0x0  }
0x61: {  	s5 =	sadd.s32 $0x300, s0;
	[sflag:s22] =	ssyncadd.s32 $0xFFFFE000  }
0x62: {  	[tilespmem:s20], [sflag:$0x3] =	stream.indirect.gather [spmem:s3], $0x40, s5, s15, $0xb8;
	[tilespmem:$0x1E800] =	vst v63  }
0x63: {  	_ =	swait.ge [sflag:s21], $0x2000  }
0x64: {  	[sflag:s21] =	ssyncset.done $0x0  }
0x65: {  	s5 =	sadd.s32 $0x1680, s0;
	[sflag:s21] =	ssyncadd.s32 $0xFFFFE000  }
0x66: {  	[spmem:s2] =	stream.indirect.scatter.add.f32 [tilespmem:s17], [sflag:$0x6], $0x40, s5, s15, $0xb8;
	[tilespmem:$0x1E800] =	vst v63  }
0x67: {  	_ =	swait.ge [sflag:s23], $0x2000  }
0x68: {  	[sflag:s23] =	ssyncset.done $0x0  }
0x69: {  	p0 =	seq.s32 s30, $0x4000;
	s5 =	sadd.s32 $0x380, s0;
	[sflag:s23] =	ssyncadd.s32 $0xFFFFE000  }
0x6a: {  	[tilespmem:s25], [sflag:$0x4] =	stream.indirect.gather [spmem:s3], $0x40, s5, s15, $0xb8;
	[tilespmem:$0x1E800] =	vst v63  }
.Ltmp2:
0x6b: {  	_ = 	snop;
	(pc) =	sbr.rel @p0 .LBB2_4-.Ltmp2, $4  }
0x6c: {  	_ =	swait.ge [sflag:s26], $0x2000  }
0x6d: {  	[sflag:s26] =	ssyncset.done $0x0  }
0x6e: {  	s19 =	sadd.s32 $0x1780, s0;
	s5 =	sadd.s32 $0x1700, s0;
	[sflag:s26] =	ssyncadd.s32 $0xFFFFE000  }
0x6f: {  	[spmem:s2] =	stream.indirect.scatter.add.f32 [tilespmem:s20], [sflag:$0x7], $0x40, s5, s15, $0xb8;
	[tilespmem:$0x1E800] =	vst v63  }
0x70: {  	_ =	swait.ge [sflag:s29], $0x2000  }
0x71: {  	[sflag:s29] =	ssyncset.done $0x0  }
0x72: {  	s5 =	sadd.s32 $0x400, s0;
	[sflag:s29] =	ssyncadd.s32 $0xFFFFE000  }
0x73: {  	[tilespmem:s16], [sflag:$0x1] =	stream.indirect.gather [spmem:s3], $0x40, s5, s15, $0xb8;
	[tilespmem:$0x1E800] =	vst v63  }
0x74: {  	_ =	swait.ge [sflag:s31], $0x2000  }
0x75: {  	[sflag:s31] =	ssyncset.done $0x0  }
0x76: {  	[sflag:s31] =	ssyncadd.s32 $0xFFFFE000  }
0x77: {  	[spmem:s2] =	stream.indirect.scatter.add.f32 [tilespmem:s25], [sflag:$0x8], $0x40, s19, s15, $0xb8;
	[tilespmem:$0x1E800] =	vst v63  }
.Ltmp3:
0x78: {  	_ = 	snop;
	(pc) =	sbr.rel .LBB2_2-.Ltmp3, $4  }
0x79: {  	_ =	swait.ge [sflag:s1], $0x2000  }
0x7a: {  	[sflag:s1] =	ssyncset.done $0x0  }
0x7b: {  	s30 =	sadd.s32 $0x800, s30;
	s19 =	sadd.s32 $0x480, s0;
	[sflag:s1] =	ssyncadd.s32 $0xFFFFE000  }
0x7c: {  	[tilespmem:s17], [sflag:$0x2] =	stream.indirect.gather [spmem:s3], $0x40, s19, s15, $0xb8;
	[tilespmem:$0x1E800] =	vst v63  }
.LBB2_5:
0x7d: {  	_ =	sfence.sel $0x180000  }
0x7e: {  	[bflag:$0x0] =	sbarrier.arrive $0xFFFF  }
0x7f: {  	_ =	strace $0x9000004D  }
0x80: {  	s0 =	stileid.u32;
	[bflag:$0x2] =	sbarrier.arrive $0xFFFF  }
0x81: {  	p0 =	sne.s32 s0, $0x0;
	s0 =	rddreg [dreg:$0x4]  }
0x82: {  	s0 =	sadd.s32 @!p0 $0x100000, s0  }
0x83: {  	[sflag:s0] =	ssyncadd.tile.s32 @!p0 $0x1;
	_ =	shalt  }
.Lfunc_end2:
_tile_overlayer_lowered:
.L_overlay_start_2:
0x84: {  	(tag) =	ssettag $0x2  }
0x85: {  	s0 =	rddreg [dreg:$0x0];
	s2 =	stileid.u32  }
0x86: {  	s1 =	rddreg [dreg:$0x1];
	p0 =	sne.s32 s2, $0x0  }
0x87: {  	s3 =	rddreg [dreg:$0x2];
	[bflag:$0x3] =	sbarrier.arrive $0xFFFF;
	s2 =	simm.s32 @!p0 $0x1C09  }
0x88: {  	[timem:s3], [sflag:s2] =	dma.local @!p0 [hbm:s0], s1  }
0x89: {  	s0 =	simm.s32 @!p0 $0x9  }
0x8a: {  	_ =	swait.ge @!p0 [sflag:s0], s1  }
0x8b: {  	s1 =	ssub.s32 @!p0 $0x0, s1;
	[sflag:s0] =	ssyncset.done @!p0 $0x0  }
0x8c: {  	[sflag:s0] =	ssyncadd.s32 @!p0 s1  }
0x8d: {  	[bflag:$0x3] =	sbarrier.arrive $0xFFFF  }
0x8e: {  	_ =	shalt  }

// kernel: kernel.22.cloned.1.call-start
scs
__scs_entry_jumppad:
0x0: {  	(pc) =	sbr.rel $0x88, $3  }
0x1: {  	(tag) =	ssettag $0x0;
	lr =	simm.s32 $0x1  }
0x2: {  	[smem:$0x3F95] =	sst lr;
	_ =	strace $0xD0000000  }
0x3: {  	_ = 	snop  }
0x4: {  	_ = 	snop  }
0x5: {  	_ = 	snop  }
0x6: {  	_ = 	snop  }
0x7: {  	_ = 	snop  }
__scs_overlays_trampoline_lowered:
0x8: {  	[smem:$0x3FA4] =	sst s0  }
0x9: {  	[smem:$0x3FA5] =	sst s1  }
0xa: {  	[smem:$0x3FA6] =	sst s2  }
0xb: {  	[smem:$0x3FA7] =	sst s3  }
0xc: {  	[smem:$0x3FA8] =	sst s4  }
0xd: {  	[smem:$0x3FA9] =	sst s5  }
0xe: {  	[smem:$0x3FAA] =	sst s6  }
0xf: {  	[smem:$0x3FAB] =	sst s7  }
0x10: {  	[smem:$0x3FAC] =	sst s8  }
0x11: {  	[smem:$0x3FAD] =	sst s9;
	s0 =	simm.s32 @!p0 $0x0  }
0x12: {  	s1 =	sld [smem:$0x3F93];
	s0 =	simm.s32 @p0 $0x1  }
0x13: {  	[smem:$0x3FAE] =	sst s0;
	s0 =	simm.s32 @!p1 $0x0  }
0x14: {  	s2 =	sld [smem:$0x3F92];
	s0 =	simm.s32 @p1 $0x1  }
0x15: {  	[smem:$0x3FAF] =	sst s0;
	s0 =	simm.s32 @!p2 $0x0  }
0x16: {  	s3 =	sld [smem:$0x3FDB];
	s0 =	simm.s32 @p2 $0x1  }
0x17: {  	s4 =	simm.s32 $0x1BF5;
	[smem:$0x3FB1] =	sst s0  }
0x18: {  	s0 =	sld [smem:$0x3F94];
	_ =	swait.ge [sflag:s4], $0x0  }
0x19: {  	s7 =	sld [smem:$0x3F95]  }
0x1a: {  	s8 =	sadd.s32 $0xFFFFE003, lr  }
0x1b: {  	s9 =	sadd.s32 $0xFFFFFEF7, lr;
	s5 =	simm.s32 $0xFFFFFFFF;
	p2 =	slt.u32 s8, $0xFFFFF086  }
0x1c: {  	p1 =	slt.u32 s9, $0xF7A;
	s5 =	simm.s32 @!p2 $0x0  }
0x1d: {  	s5 =	simm.s32 @p1 $0x1;
	p0 =	seq.s32 s7, s2  }
0x1e: {  	s7 =	smul.u32 @!p0 $0xF7A, s2;
	p2 =	seq.s32 @!p0 s5, $0x0  }
0x1f: {  	s9 =	smul.u32 $0xF7A, s1;
	s8 =	simm.s32 @!p0 $0x1BF5;
	p2 =	por !p2, p0  }
0x20: {  	[sflag:s8] =	ssyncset.s32 @!p0 $0xFFFFF086;
	s6 =	sadd.s32 @!p0 s3, s7;
	s7 =	simm.s32 @!p0 $0x108  }
0x21: {  	s3 =	sadd.s32 s3, s9;
	s6 =	sadd.s32 @!p0 $0x88, s6;
	s7 =	simm.s32 @p2 $0x1082  }
0x22: {  	[simem:s7], [sflag:s8] =	dma.local @!p0 [hbm:s6], $0xF7A  }
0x23: {  	s9 =	sor.u32 $0xD0000000, s2;
	s6 =	simm.s32 $0x108;
	_ =	swait.ge @!p0 [sflag:s8], $0x0  }
0x24: {  	s3 =	sadd.s32 $0x88, s3;
	s6 =	simm.s32 @!p1 $0x1082;
	[sflag:s4] =	ssyncset.s32 $0xFFFFF086  }
0x25: {  	[simem:s6], [sflag:s4] =	dma.local [hbm:s3], $0xF7A  }
0x26: {  	[smem:$0x3F95] =	sst s1;
	(tag) =	ssettag s2;
	_ =	strace s9  }
0x27: {  	s1 =	sld [smem:$0x3FA5]  }
0x28: {  	s2 =	sld [smem:$0x3FA6]  }
0x29: {  	s4 =	sld [smem:$0x3FA8]  }
0x2a: {  	p0 =	seq.s32 s5, $0x0;
	s5 =	sld [smem:$0x3FA9]  }
0x2b: {  	s6 =	sld [smem:$0x3FAA]  }
0x2c: {  	s7 =	sld [smem:$0x3FAB]  }
0x2d: {  	s3 =	simm.s32 $0x108;
	s8 =	sld [smem:$0x3FAC]  }
0x2e: {  	s3 =	simm.s32 @!p0 $0x1082;
	s9 =	sld [smem:$0x3FAD]  }
0x2f: {  	lr =	sadd.s32 s0, s3;
	s0 =	sld [smem:$0x3FA4]  }
0x30: {  	s3 =	sld [smem:$0x3FA7]  }
0x31: {  	[smem:$0x3FB0] =	sst s10  }
0x32: {  	s10 =	sld [smem:$0x3FAE];
	_ =	sdelay $0x3  }
0x33: {  	p0 =	seq.s32 s10, $0x1;
	s10 =	sld [smem:$0x3FB0];
	_ =	sdelay $0x3  }
0x34: {  	[smem:$0x3FB0] =	sst s10  }
0x35: {  	s10 =	sld [smem:$0x3FAF];
	_ =	sdelay $0x3  }
0x36: {  	p1 =	seq.s32 s10, $0x1;
	s10 =	sld [smem:$0x3FB0];
	_ =	sdelay $0x3  }
0x37: {  	[smem:$0x3FB0] =	sst s10  }
0x38: {  	s10 =	sld [smem:$0x3FB1]  }
0x39: {  	_ = 	snop;
	(pc) =	sbr.ind lr, $3  }
0x3a: {  	_ = 	snop  }
0x3b: {  	_ = 	snop  }
0x3c: {  	p2 =	seq.s32 s10, $0x1;
	s10 =	sld [smem:$0x3FB0]  }
0x3d: {  	_ =	shalt  }
0x3e: {  	_ =	shalt  }
0x3f: {  	_ =	shalt  }
0x40: {  	_ =	shalt  }
0x41: {  	_ =	shalt  }
0x42: {  	_ =	shalt  }
0x43: {  	_ =	shalt  }
0x44: {  	_ =	shalt  }
0x45: {  	_ =	shalt  }
0x46: {  	_ =	shalt  }
0x47: {  	_ =	shalt  }
0x48: {  	_ =	shalt  }
0x49: {  	_ =	shalt  }
0x4a: {  	_ =	shalt  }
0x4b: {  	_ =	shalt  }
0x4c: {  	_ =	shalt  }
0x4d: {  	_ =	shalt  }
0x4e: {  	_ =	shalt  }
0x4f: {  	_ =	shalt  }
0x50: {  	_ =	shalt  }
0x51: {  	_ =	shalt  }
0x52: {  	_ =	shalt  }
0x53: {  	_ =	shalt  }
0x54: {  	_ =	shalt  }
0x55: {  	_ =	shalt  }
0x56: {  	_ =	shalt  }
0x57: {  	_ =	shalt  }
0x58: {  	_ =	shalt  }
0x59: {  	_ =	shalt  }
0x5a: {  	_ =	shalt  }
0x5b: {  	_ =	shalt  }
0x5c: {  	_ =	shalt  }
0x5d: {  	_ =	shalt  }
0x5e: {  	_ =	shalt  }
0x5f: {  	_ =	shalt  }
0x60: {  	_ =	shalt  }
0x61: {  	_ =	shalt  }
0x62: {  	_ =	shalt  }
0x63: {  	_ =	shalt  }
0x64: {  	_ =	shalt  }
0x65: {  	_ =	shalt  }
0x66: {  	_ =	shalt  }
0x67: {  	_ =	shalt  }
0x68: {  	_ =	shalt  }
0x69: {  	_ =	shalt  }
0x6a: {  	_ =	shalt  }
0x6b: {  	_ =	shalt  }
0x6c: {  	_ =	shalt  }
0x6d: {  	_ =	shalt  }
0x6e: {  	_ =	shalt  }
0x6f: {  	_ =	shalt  }
0x70: {  	_ =	shalt  }
0x71: {  	_ =	shalt  }
0x72: {  	_ =	shalt  }
0x73: {  	_ =	shalt  }
0x74: {  	_ =	shalt  }
0x75: {  	_ =	shalt  }
0x76: {  	_ =	shalt  }
0x77: {  	_ =	shalt  }
0x78: {  	_ =	shalt  }
0x79: {  	_ =	shalt  }
0x7a: {  	_ =	shalt  }
0x7b: {  	_ =	shalt  }
0x7c: {  	_ =	shalt  }
0x7d: {  	_ =	shalt  }
0x7e: {  	_ =	shalt  }
0x7f: {  	_ =	shalt  }
0x80: {  	_ =	shalt  }
0x81: {  	_ =	shalt  }
0x82: {  	_ =	shalt  }
0x83: {  	_ =	shalt  }
0x84: {  	_ =	shalt  }
0x85: {  	_ =	shalt  }
0x86: {  	_ =	shalt  }
0x87: {  	_ =	shalt  }
.Lfunc_end0:
.L_simem_size_0:
called_computation.3_lowered:
.L_overlay_start_0:
0x88: {  	s2 =	sld [smem:$0x3FD9]  }
0x89: {  	s3 =	sld [smem:$0x3FFE];
	_ =	sdelay $0x1  }
0x8a: {  	s1 =	srdreg.scid  }
0x8b: {  	s0 =	sand.u32 $0x1, s1  }
0x8c: {  	s14 =	sshll.u32 s0, $0xA;
	s2 =	sadd.s32 s3, s2  }
0x8d: {  	s2 =	sadd.s32 s2, s14  }
0x8e: {  	[smem:$0x3FBC] =	sst s2  }
0x8f: {  	_ = 	snop  }
0x90: {  	s2 =	sld [smem:$0x3FD0];
	_ =	sdelay $0x2  }
0x91: {  	s15 =	simm.s32 $0xA;
	s4 =	simm.s32 $0x10  }
0x92: {  	[smem:s4], [sflag:s15] =	dma.local [hbm:s2], $0x1  }
0x93: {  	_ =	swait.eq [sflag:s15], $0x1  }
0x94: {  	[sflag:s15] =	ssyncset.done $0x0  }
0x95: {  	[sflag:s15] =	ssyncadd.s32 $0xFFFFFFFF  }
0x96: {  	s16 =	sld [smem:$0x12];
	(tm) =	ssettm $0x1  }
0x97: {  	s17 =	sld [smem:$0x3FFB];
	_ =	sdelay $0x3  }
0x98: {  	_ =	strace s17  }
0x99: {  	s3 =	sld [smem:$0x3FFC];
	_ =	sdelay $0x3  }
0x9a: {  	_ =	strace s3  }
0x9b: {  	s3 =	sld [smem:$0x3FFD];
	_ =	sdelay $0x3  }
0x9c: {  	_ =	strace s3  }
0x9d: {  	_ =	strace $0x8FFFFFFF  }
0x9e: {  	s18 =	sld [smem:$0x3FDB];
	_ =	sdelay $0x1  }
0x9f: {  	s19 =	simm.s32 $_scs_section_size  }
0xa0: {  	s5 =	simm.s32 $_size__tile_overlayer_lowered;
	s6 =	simm.s32 $_tile_overlayer_lowered  }
0xa1: {  	s22 =	simm.s32 $0x1BFF;
	s21 =	sshll.u32 s6, $0x1;
	s3 =	sadd.s32 s19, s18  }
0xa2: {  	s7 =	simm.s32 $0x0;
	s20 =	sshll.u32 s5, $0x1;
	s5 =	sadd.s32 s21, s3  }
0xa3: {  	[timem:s7], [sflag:s22] =	dma.local [hbm:s5], s20  }
0xa4: {  	_ =	swait.ge [sflag:s22], s20  }
0xa5: {  	s4 =	ssub.s32 $0x0, s20;
	[sflag:s22] =	ssyncset.done $0x0  }
0xa6: {  	[sflag:s22] =	ssyncadd.s32 s4;
	_ =	sdelay $0x1  }
0xa7: {  	s23 =	simm.s32 $0x1B8B  }
0xa8: {  	_ =	swait.ge [sflag:s23], $0x1  }
0xa9: {  	[sflag:s23] =	ssyncset.done $0x0  }
0xaa: {  	s25 =	simm.s32 $0x1B8E;
	s24 =	sld [smem:$0x3FFE];
	[sflag:s23] =	ssyncadd.s32 $0xFFFFFFFF  }
0xab: {  	s26 =	simm.s32 $execute0_lowered;
	[smem:$0x3FD2] =	sst s25  }
0xac: {  	s5 =	sshll.u32 s26, $0x1;
	_ =	strace $0x8000004F;
	[dreg:$0x1] =	wrdreg $0xFFFFFFFF  }
0xad: {  	s28 =	simm.s32 $_size_execute0_lowered;
	s3 =	sadd.s32 s3, s5;
	[dreg:$0x0] =	wrdreg $0x0  }
0xae: {  	s5 =	sshll.u32 s28, $0x1;
	[dreg:$0x2] =	wrdreg s3  }
0xaf: {  	[dreg:$0x3] =	wrdreg s5  }
0xb0: {  	[dreg:$0x4] =	wrdreg $0xC0  }
0xb1: {  	_ =	task [dreg:s7], $0x5FFFF  }
0xb2: {  	[dreg:$0x1] =	wrdreg $0xFFFFFFFF  }
0xb3: {  	[dreg:$0x0] =	wrdreg $0x60  }
0xb4: {  	[dreg:$0x2] =	wrdreg s16  }
0xb5: {  	[dreg:$0x3] =	wrdreg s24  }
0xb6: {  	[dreg:$0x4] =	wrdreg $0xA8000  }
0xb7: {  	[dreg:$0x5] =	wrdreg $0x148000  }
0xb8: {  	[dreg:$0x6] =	wrdreg $0x9  }
0xb9: {  	_ =	task.clear_ibuf [dreg:s7], $0x7FFFF;
	_ =	strace $0x9000004F  }
0xba: {  	s29 =	simm.s32 $0x9;
	_ =	strace $0x80000051  }
0xbb: {  	_ =	swait.ge [sflag:s29], $0x1  }
0xbc: {  	[sflag:s29] =	ssyncadd.s32 $0xFFFFFFFF  }
0xbd: {  	_ =	strace $0x90000051  }
0xbe: {  	_ =	sfence  }
0xbf: {  	s30 =	sld [smem:$0x0];
	_ =	sdelay $0x2  }
0xc0: {  	s31 =	sshll.u32 s1, $0xD;
	s1 =	sshrl.u32 s1, $0x2  }
0xc1: {  	s3 =	sand.u32 $0x4000, s31;
	s1 =	sadd.s32 s1, s30  }
0xc2: {  	s0 =	sor.u32 s3, s0;
	s1 =	sshll.u32 s1, $0x11  }
0xc3: {  	s0 =	sor.u32 s1, s0  }
0xc4: {  	s0 =	sadd.s32 $0x8F2B, s0  }
0xc5: {  	[sflag:s0] =	ssyncadd.remote.s32 $0x1  }
0xc6: {  	_ =	sfence.sel $0xFFFF  }
0xc7: {  	[dreg:$0x0] =	wrdreg $0xFFFFFFFF;
	(pc) =	sbr.abs _section_cstart, $3  }
0xc8: {  	[dreg:$0x1] =	wrdreg $0xFFFFFFFF  }
0xc9: {  	_ =	task.clear_ibuf [dreg:s7], $0x2FFFF;
	_ =	strace $0x9FFFFFFF  }
0xca: {  	(tm) =	ssettm $0x7FFFFFFF  }
0xcb: {  	_ =	shalt  }
tec
execute0_lowered:
.L_overlay_start_1:
0x0: {  	(tag) =	ssettag $0x1  }
0x1: {  	s0 =	rddreg [dreg:$0x0]  }
0x2: {  	s1 =	rddreg [dreg:$0x1]  }
0x3: {  	s2 =	rddreg [dreg:$0x2]  }
0x4: {  	s3 =	rddreg [dreg:$0x3];
	s13 =	stileid.u32  }
0x5: {  	s4 =	srdreg.scid;
	s14 =	simm.s32 $0x1400;
	s15 =	simm.s32 $0x80  }
0x6: {  	s16 =	simm.s32 $0x2800;
	s17 =	simm.s32 $0x4800;
	s18 =	simm.s32 $0x1  }
0x7: {  	s20 =	simm.s32 $0x6800;
	s21 =	simm.s32 $0x2;
	s29 =	simm.s32 $0x5  }
0x8: {  	s31 =	simm.s32 $0x4;
	s22 =	simm.s32 $0x7;
	s23 =	simm.s32 $0x8  }
0x9: {  	s28 =	simm.s32 $0x0;
	s5 =	sand.u32 $0x1, s4;
	s6 =	sshll.u32 s13, $0x1  }
0xa: {  	s4 =	simm.s32 $0x0;
	s7 =	smul.u32 $0xA000, s13;
	s25 =	sshll.u32 s13, $0x6  }
0xb: {  	s6 =	sor.u32 s5, s6;
	[smem:$0x7FF] =	sst s4;
	s8 =	smul.u32 $0x14000, s5  }
0xc: {  	s5 =	ssub.s32 $0x2, s5;
	s6 =	smul.u32 $0x280, s6;
	s19 =	sshrl.u32 s7, $0x3  }
0xd: {  	_ =	strace $0x80000050;
	s10 =	sshrl.u32 s5, $0x1;
	s12 =	sadd.s32 s7, s2  }
0xe: {  	s26 =	sadd.s32 s7, s3;
	s9 =	sadd.s32 s19, s1;
	s10 =	ssub.s32 s5, s10  }
0xf: {  	s7 =	sadd.s32 s0, s19;
	s13 =	sshrl.u32 s26, $0x3;
	s26 =	simm.s32 $0x3  }
.Ltmp0:
0x10: {  	s11 =	sadd.s32 s6, s1;
	s1 =	sadd.s32 s8, s1;
	(pc) =	sbr.rel .LBB2_1-.Ltmp0, $4  }
0x11: {  	s24 =	sadd.s32 $0x35E00, s9;
	s6 =	sor.u32 $0x1C09, s25;
	s10 =	smax.u32 s10, $0x1  }
0x12: {  	s25 =	simm.s32 $0x8800;
	[dreg:$0x5] =	wrdreg s24;
	s8 =	sadd.s32 $0x8E00, s11  }
0x13: {  	s9 =	sadd.s32 $0x3E00, s11;
	s30 =	sadd.s32 $0x49E00, s1;
	s11 =	sshrl.u32 s12, $0x3  }
0x14: {  	s12 =	simm.s32 $0x9;
	s1 =	simm.s32 $0x6;
	s24 =	sadd.s32 s19, s30  }
.LBB2_4:
0x15: {  	_ =	swait.ge [sflag:s31], $0x2000  }
0x16: {  	[sflag:s31] =	ssyncset.done $0x0  }
0x17: {  	[sflag:s31] =	ssyncadd.s32 $0xFFFFE000  }
0x18: {  	[spmem:s2] =	stream.indirect.scatter.add.f32 [tilespmem:s25], [sflag:$0x8], $0x40, s19, s15, $0xb8;
	[tilespmem:$0x1E800] =	vst v63  }
0x19: {  	_ =	swait.ge [sflag:s29], $0x2000  }
0x1a: {  	[sflag:s29] =	ssyncset.done $0x0  }
0x1b: {  	[sflag:s29] =	ssyncadd.s32 $0xFFFFE000  }
0x1c: {  	_ =	swait.ge [sflag:s1], $0x2000  }
0x1d: {  	[sflag:s1] =	ssyncset.done $0x0  }
0x1e: {  	[sflag:s1] =	ssyncadd.s32 $0xFFFFE000  }
0x1f: {  	_ =	swait.ge [sflag:s22], $0x2000  }
0x20: {  	[sflag:s22] =	ssyncset.done $0x0  }
0x21: {  	[sflag:s22] =	ssyncadd.s32 $0xFFFFE000  }
0x22: {  	_ =	swait.ge [sflag:s23], $0x2000  }
0x23: {  	s28 =	sadd.s32 $0x1, s28;
	[sflag:s23] =	ssyncset.done $0x0  }
0x24: {  	p0 =	sne.s32 s28, s10;
	[sflag:s23] =	ssyncadd.s32 $0xFFFFE000  }
.Ltmp1:
0x25: {  	[bflag:$0x0] =	sbarrier.arrive $0xFFFF;
	(pc) =	sbr.rel @!p0 .LBB2_5-.Ltmp1, $4  }
0x26: {  	[hbm:s24], [sflag:s6] =	dma.local [spmem:s11], $0x1400  }
0x27: {  	_ =	swait.ge [sflag:s12], $0x1400  }
0x28: {  	[sflag:s12] =	ssyncset.done $0x0  }
0x29: {  	[sflag:s12] =	ssyncadd.s32 $0xFFFFEC00  }
.LBB2_1:
0x2a: {  	s0 =	rddreg [dreg:$0x5]  }
0x2b: {  	[spmem:s11], [sflag:s6] =	dma.local [hbm:s0], $0x1400  }
0x2c: {  	_ =	swait.ge [sflag:s12], $0x1400  }
0x2d: {  	[sflag:s12] =	ssyncset.done $0x0  }
0x2e: {  	[sflag:s12] =	ssyncadd.s32 $0xFFFFEC00  }
0x2f: {  	[spmem:s13], [sflag:s6] =	dma.local [hbm:s7], $0x1400  }
0x30: {  	_ =	swait.ge [sflag:s12], $0x1400  }
0x31: {  	[sflag:s12] =	ssyncset.done $0x0  }
0x32: {  	[sflag:s12] =	ssyncadd.s32 $0xFFFFEC00  }
0x33: {  	[tilespmem:s4], [sflag:$0x9] =	stream.linear.gather [hbm4b:s8+s4], $0x1400, $0x38;
	[tilespmem:$0x1E800] =	vst v63  }
0x34: {  	_ =	swait.ge [sflag:s12], $0x1400  }
0x35: {  	[sflag:s12] =	ssyncset.done $0x0  }
0x36: {  	[sflag:s12] =	ssyncadd.s32 $0xFFFFEC00  }
0x37: {  	[tilespmem:s14], [sflag:$0x9] =	stream.linear.gather [hbm4b:s9+s4], $0x1400, $0x38;
	[tilespmem:$0x1E800] =	vst v63  }
0x38: {  	_ =	swait.ge [sflag:s12], $0x1400  }
0x39: {  	[sflag:s12] =	ssyncset.done $0x0  }
0x3a: {  	[sflag:s12] =	ssyncadd.s32 $0xFFFFEC00  }
0x3b: {  	[bflag:$0x0] =	sbarrier.arrive $0xFFFF  }
0x3c: {  	[tilespmem:s16], [sflag:$0x1] =	stream.indirect.gather [spmem:s3], $0x40, s4, s15, $0xb8;
	[tilespmem:$0x1E800] =	vst v63  }
0x3d: {  	_ = 	snop  }
0x3e: {  	[tilespmem:s17], [sflag:$0x2] =	stream.indirect.gather [spmem:s3], $0x40, s15, s15, $0xb8;
	[tilespmem:$0x1E800] =	vst v63  }
0x3f: {  	_ =	swait.ge [sflag:s18], $0x2000  }
0x40: {  	[sflag:s18] =	ssyncset.done $0x0  }
0x41: {  	[sflag:s18] =	ssyncadd.s32 $0xFFFFE000  }
0x42: {  	[spmem:s2] =	stream.indirect.scatter.add.f32 [tilespmem:s16], [sflag:$0x5], $0x40, s14, s15, $0xb8;
	[tilespmem:$0x1E800] =	vst v63  }
0x43: {  	s19 =	simm.s32 $0x100  }
0x44: {  	[tilespmem:s20], [sflag:$0x3] =	stream.indirect.gather [spmem:s3], $0x40, s19, s15, $0xb8;
	[tilespmem:$0x1E800] =	vst v63  }
0x45: {  	_ =	swait.ge [sflag:s21], $0x2000  }
0x46: {  	[sflag:s21] =	ssyncset.done $0x0  }
0x47: {  	s5 =	simm.s32 $0x1480;
	[sflag:s21] =	ssyncadd.s32 $0xFFFFE000  }
0x48: {  	[spmem:s2] =	stream.indirect.scatter.add.f32 [tilespmem:s17], [sflag:$0x6], $0x40, s5, s15, $0xb8;
	[tilespmem:$0x1E800] =	vst v63  }
0x49: {  	s19 =	simm.s32 $0x180  }
0x4a: {  	[tilespmem:s25], [sflag:$0x4] =	stream.indirect.gather [spmem:s3], $0x40, s19, s15, $0xb8;
	[tilespmem:$0x1E800] =	vst v63  }
0x4b: {  	_ =	swait.ge [sflag:s26], $0x2000  }
0x4c: {  	[sflag:s26] =	ssyncset.done $0x0  }
0x4d: {  	s5 =	simm.s32 $0x1500;
	[sflag:s26] =	ssyncadd.s32 $0xFFFFE000  }
0x4e: {  	[spmem:s2] =	stream.indirect.scatter.add.f32 [tilespmem:s20], [sflag:$0x7], $0x40, s5, s15, $0xb8;
	[tilespmem:$0x1E800] =	vst v63  }
0x4f: {  	_ =	swait.ge [sflag:s29], $0x2000  }
0x50: {  	[sflag:s29] =	ssyncset.done $0x0  }
0x51: {  	s19 =	simm.s32 $0x200;
	[sflag:s29] =	ssyncadd.s32 $0xFFFFE000  }
0x52: {  	[tilespmem:s16], [sflag:$0x1] =	stream.indirect.gather [spmem:s3], $0x40, s19, s15, $0xb8;
	[tilespmem:$0x1E800] =	vst v63  }
0x53: {  	_ =	swait.ge [sflag:s31], $0x2000  }
0x54: {  	[sflag:s31] =	ssyncset.done $0x0  }
0x55: {  	s5 =	simm.s32 $0x1580;
	[sflag:s31] =	ssyncadd.s32 $0xFFFFE000  }
0x56: {  	[spmem:s2] =	stream.indirect.scatter.add.f32 [tilespmem:s25], [sflag:$0x8], $0x40, s5, s15, $0xb8;
	[tilespmem:$0x1E800] =	vst v63  }
0x57: {  	_ =	swait.ge [sflag:s1], $0x2000  }
0x58: {  	[sflag:s1] =	ssyncset.done $0x0  }
0x59: {  	s30 =	simm.s32 $0x0;
	s19 =	simm.s32 $0x280;
	[sflag:s1] =	ssyncadd.s32 $0xFFFFE000  }
0x5a: {  	[tilespmem:s17], [sflag:$0x2] =	stream.indirect.gather [spmem:s3], $0x40, s19, s15, $0xb8;
	[tilespmem:$0x1E800] =	vst v63  }
.LBB2_2:
0x5b: {  	_ =	swait.ge [sflag:s18], $0x2000  }
0x5c: {  	s0 =	sshra.s32 s30, $0x2;
	[sflag:s18] =	ssyncset.done $0x0  }
0x5d: {  	s19 =	sadd.s32 $0x1600, s0;
	[sflag:s18] =	ssyncadd.s32 $0xFFFFE000  }
0x5e: {  	[spmem:s2] =	stream.indirect.scatter.add.f32 [tilespmem:s16], [sflag:$0x5], $0x40, s19, s15, $0xb8;
	[tilespmem:$0x1E800] =	vst v63  }
0x5f: {  	_ =	swait.ge [sflag:s22], $0x2000  }
0x60: {  	[sflag:s22] =	ssyncset.done $0x0  }
0x61: {  	s5 =	sadd.s32 $0x300, s0;
	[sflag:s22] =	ssyncadd.s32 $0xFFFFE000  }
0x62: {  	[tilespmem:s20], [sflag:$0x3] =	stream.indirect.gather [spmem:s3], $0x40, s5, s15, $0xb8;
	[tilespmem:$0x1E800] =	vst v63  }
0x63: {  	_ =	swait.ge [sflag:s21], $0x2000  }
0x64: {  	[sflag:s21] =	ssyncset.done $0x0  }
0x65: {  	s5 =	sadd.s32 $0x1680, s0;
	[sflag:s21] =	ssyncadd.s32 $0xFFFFE000  }
0x66: {  	[spmem:s2] =	stream.indirect.scatter.add.f32 [tilespmem:s17], [sflag:$0x6], $0x40, s5, s15, $0xb8;
	[tilespmem:$0x1E800] =	vst v63  }
0x67: {  	_ =	swait.ge [sflag:s23], $0x2000  }
0x68: {  	[sflag:s23] =	ssyncset.done $0x0  }
0x69: {  	p0 =	seq.s32 s30, $0x4000;
	s5 =	sadd.s32 $0x380, s0;
	[sflag:s23] =	ssyncadd.s32 $0xFFFFE000  }
0x6a: {  	[tilespmem:s25], [sflag:$0x4] =	stream.indirect.gather [spmem:s3], $0x40, s5, s15, $0xb8;
	[tilespmem:$0x1E800] =	vst v63  }
.Ltmp2:
0x6b: {  	_ = 	snop;
	(pc) =	sbr.rel @p0 .LBB2_4-.Ltmp2, $4  }
0x6c: {  	_ =	swait.ge [sflag:s26], $0x2000  }
0x6d: {  	[sflag:s26] =	ssyncset.done $0x0  }
0x6e: {  	s19 =	sadd.s32 $0x1780, s0;
	s5 =	sadd.s32 $0x1700, s0;
	[sflag:s26] =	ssyncadd.s32 $0xFFFFE000  }
0x6f: {  	[spmem:s2] =	stream.indirect.scatter.add.f32 [tilespmem:s20], [sflag:$0x7], $0x40, s5, s15, $0xb8;
	[tilespmem:$0x1E800] =	vst v63  }
0x70: {  	_ =	swait.ge [sflag:s29], $0x2000  }
0x71: {  	[sflag:s29] =	ssyncset.done $0x0  }
0x72: {  	s5 =	sadd.s32 $0x400, s0;
	[sflag:s29] =	ssyncadd.s32 $0xFFFFE000  }
0x73: {  	[tilespmem:s16], [sflag:$0x1] =	stream.indirect.gather [spmem:s3], $0x40, s5, s15, $0xb8;
	[tilespmem:$0x1E800] =	vst v63  }
0x74: {  	_ =	swait.ge [sflag:s31], $0x2000  }
0x75: {  	[sflag:s31] =	ssyncset.done $0x0  }
0x76: {  	[sflag:s31] =	ssyncadd.s32 $0xFFFFE000  }
0x77: {  	[spmem:s2] =	stream.indirect.scatter.add.f32 [tilespmem:s25], [sflag:$0x8], $0x40, s19, s15, $0xb8;
	[tilespmem:$0x1E800] =	vst v63  }
.Ltmp3:
0x78: {  	_ = 	snop;
	(pc) =	sbr.rel .LBB2_2-.Ltmp3, $4  }
0x79: {  	_ =	swait.ge [sflag:s1], $0x2000  }
0x7a: {  	[sflag:s1] =	ssyncset.done $0x0  }
0x7b: {  	s30 =	sadd.s32 $0x800, s30;
	s19 =	sadd.s32 $0x480, s0;
	[sflag:s1] =	ssyncadd.s32 $0xFFFFE000  }
0x7c: {  	[tilespmem:s17], [sflag:$0x2] =	stream.indirect.gather [spmem:s3], $0x40, s19, s15, $0xb8;
	[tilespmem:$0x1E800] =	vst v63  }
.LBB2_5:
0x7d: {  	_ =	sfence.sel $0x180000  }
0x7e: {  	[bflag:$0x0] =	sbarrier.arrive $0xFFFF  }
0x7f: {  	_ =	strace $0x90000050  }
0x80: {  	s0 =	stileid.u32;
	[bflag:$0x2] =	sbarrier.arrive $0xFFFF  }
0x81: {  	p0 =	sne.s32 s0, $0x0;
	s0 =	rddreg [dreg:$0x4]  }
0x82: {  	s0 =	sadd.s32 @!p0 $0x100000, s0  }
0x83: {  	[sflag:s0] =	ssyncadd.tile.s32 @!p0 $0x1;
	_ =	shalt  }
.Lfunc_end2:
_tile_overlayer_lowered:
.L_overlay_start_2:
0x84: {  	(tag) =	ssettag $0x2  }
0x85: {  	s0 =	rddreg [dreg:$0x0];
	s2 =	stileid.u32  }
0x86: {  	s1 =	rddreg [dreg:$0x1];
	p0 =	sne.s32 s2, $0x0  }
0x87: {  	s3 =	rddreg [dreg:$0x2];
	[bflag:$0x3] =	sbarrier.arrive $0xFFFF;
	s2 =	simm.s32 @!p0 $0x1C09  }
0x88: {  	[timem:s3], [sflag:s2] =	dma.local @!p0 [hbm:s0], s1  }
0x89: {  	s0 =	simm.s32 @!p0 $0x9  }
0x8a: {  	_ =	swait.ge @!p0 [sflag:s0], s1  }
0x8b: {  	s1 =	ssub.s32 @!p0 $0x0, s1;
	[sflag:s0] =	ssyncset.done @!p0 $0x0  }
0x8c: {  	[sflag:s0] =	ssyncadd.s32 @!p0 s1  }
0x8d: {  	[bflag:$0x3] =	sbarrier.arrive $0xFFFF  }
0x8e: {  	_ =	shalt  }

// kernel: kernel.25.cloned.1.call-start
scs
__scs_entry_jumppad:
0x0: {  	(pc) =	sbr.rel $0x88, $3  }
0x1: {  	(tag) =	ssettag $0x0;
	lr =	simm.s32 $0x1  }
0x2: {  	[smem:$0x3F95] =	sst lr;
	_ =	strace $0xD0000000  }
0x3: {  	_ = 	snop  }
0x4: {  	_ = 	snop  }
0x5: {  	_ = 	snop  }
0x6: {  	_ = 	snop  }
0x7: {  	_ = 	snop  }
__scs_overlays_trampoline_lowered:
0x8: {  	[smem:$0x3FA4] =	sst s0  }
0x9: {  	[smem:$0x3FA5] =	sst s1  }
0xa: {  	[smem:$0x3FA6] =	sst s2  }
0xb: {  	[smem:$0x3FA7] =	sst s3  }
0xc: {  	[smem:$0x3FA8] =	sst s4  }
0xd: {  	[smem:$0x3FA9] =	sst s5  }
0xe: {  	[smem:$0x3FAA] =	sst s6  }
0xf: {  	[smem:$0x3FAB] =	sst s7  }
0x10: {  	[smem:$0x3FAC] =	sst s8  }
0x11: {  	[smem:$0x3FAD] =	sst s9;
	s0 =	simm.s32 @!p0 $0x0  }
0x12: {  	s1 =	sld [smem:$0x3F93];
	s0 =	simm.s32 @p0 $0x1  }
0x13: {  	[smem:$0x3FAE] =	sst s0;
	s0 =	simm.s32 @!p1 $0x0  }
0x14: {  	s2 =	sld [smem:$0x3F92];
	s0 =	simm.s32 @p1 $0x1  }
0x15: {  	[smem:$0x3FAF] =	sst s0;
	s0 =	simm.s32 @!p2 $0x0  }
0x16: {  	s3 =	sld [smem:$0x3FDB];
	s0 =	simm.s32 @p2 $0x1  }
0x17: {  	s4 =	simm.s32 $0x1BF5;
	[smem:$0x3FB1] =	sst s0  }
0x18: {  	s0 =	sld [smem:$0x3F94];
	_ =	swait.ge [sflag:s4], $0x0  }
0x19: {  	s7 =	sld [smem:$0x3F95]  }
0x1a: {  	s8 =	sadd.s32 $0xFFFFE003, lr  }
0x1b: {  	s9 =	sadd.s32 $0xFFFFFEF7, lr;
	s5 =	simm.s32 $0xFFFFFFFF;
	p2 =	slt.u32 s8, $0xFFFFF086  }
0x1c: {  	p1 =	slt.u32 s9, $0xF7A;
	s5 =	simm.s32 @!p2 $0x0  }
0x1d: {  	s5 =	simm.s32 @p1 $0x1;
	p0 =	seq.s32 s7, s2  }
0x1e: {  	s7 =	smul.u32 @!p0 $0xF7A, s2;
	p2 =	seq.s32 @!p0 s5, $0x0  }
0x1f: {  	s9 =	smul.u32 $0xF7A, s1;
	s8 =	simm.s32 @!p0 $0x1BF5;
	p2 =	por !p2, p0  }
0x20: {  	[sflag:s8] =	ssyncset.s32 @!p0 $0xFFFFF086;
	s6 =	sadd.s32 @!p0 s3, s7;
	s7 =	simm.s32 @!p0 $0x108  }
0x21: {  	s3 =	sadd.s32 s3, s9;
	s6 =	sadd.s32 @!p0 $0x88, s6;
	s7 =	simm.s32 @p2 $0x1082  }
0x22: {  	[simem:s7], [sflag:s8] =	dma.local @!p0 [hbm:s6], $0xF7A  }
0x23: {  	s9 =	sor.u32 $0xD0000000, s2;
	s6 =	simm.s32 $0x108;
	_ =	swait.ge @!p0 [sflag:s8], $0x0  }
0x24: {  	s3 =	sadd.s32 $0x88, s3;
	s6 =	simm.s32 @!p1 $0x1082;
	[sflag:s4] =	ssyncset.s32 $0xFFFFF086  }
0x25: {  	[simem:s6], [sflag:s4] =	dma.local [hbm:s3], $0xF7A  }
0x26: {  	[smem:$0x3F95] =	sst s1;
	(tag) =	ssettag s2;
	_ =	strace s9  }
0x27: {  	s1 =	sld [smem:$0x3FA5]  }
0x28: {  	s2 =	sld [smem:$0x3FA6]  }
0x29: {  	s4 =	sld [smem:$0x3FA8]  }
0x2a: {  	p0 =	seq.s32 s5, $0x0;
	s5 =	sld [smem:$0x3FA9]  }
0x2b: {  	s6 =	sld [smem:$0x3FAA]  }
0x2c: {  	s7 =	sld [smem:$0x3FAB]  }
0x2d: {  	s3 =	simm.s32 $0x108;
	s8 =	sld [smem:$0x3FAC]  }
0x2e: {  	s3 =	simm.s32 @!p0 $0x1082;
	s9 =	sld [smem:$0x3FAD]  }
0x2f: {  	lr =	sadd.s32 s0, s3;
	s0 =	sld [smem:$0x3FA4]  }
0x30: {  	s3 =	sld [smem:$0x3FA7]  }
0x31: {  	[smem:$0x3FB0] =	sst s10  }
0x32: {  	s10 =	sld [smem:$0x3FAE];
	_ =	sdelay $0x3  }
0x33: {  	p0 =	seq.s32 s10, $0x1;
	s10 =	sld [smem:$0x3FB0];
	_ =	sdelay $0x3  }
0x34: {  	[smem:$0x3FB0] =	sst s10  }
0x35: {  	s10 =	sld [smem:$0x3FAF];
	_ =	sdelay $0x3  }
0x36: {  	p1 =	seq.s32 s10, $0x1;
	s10 =	sld [smem:$0x3FB0];
	_ =	sdelay $0x3  }
0x37: {  	[smem:$0x3FB0] =	sst s10  }
0x38: {  	s10 =	sld [smem:$0x3FB1]  }
0x39: {  	_ = 	snop;
	(pc) =	sbr.ind lr, $3  }
0x3a: {  	_ = 	snop  }
0x3b: {  	_ = 	snop  }
0x3c: {  	p2 =	seq.s32 s10, $0x1;
	s10 =	sld [smem:$0x3FB0]  }
0x3d: {  	_ =	shalt  }
0x3e: {  	_ =	shalt  }
0x3f: {  	_ =	shalt  }
0x40: {  	_ =	shalt  }
0x41: {  	_ =	shalt  }
0x42: {  	_ =	shalt  }
0x43: {  	_ =	shalt  }
0x44: {  	_ =	shalt  }
0x45: {  	_ =	shalt  }
0x46: {  	_ =	shalt  }
0x47: {  	_ =	shalt  }
0x48: {  	_ =	shalt  }
0x49: {  	_ =	shalt  }
0x4a: {  	_ =	shalt  }
0x4b: {  	_ =	shalt  }
0x4c: {  	_ =	shalt  }
0x4d: {  	_ =	shalt  }
0x4e: {  	_ =	shalt  }
0x4f: {  	_ =	shalt  }
0x50: {  	_ =	shalt  }
0x51: {  	_ =	shalt  }
0x52: {  	_ =	shalt  }
0x53: {  	_ =	shalt  }
0x54: {  	_ =	shalt  }
0x55: {  	_ =	shalt  }
0x56: {  	_ =	shalt  }
0x57: {  	_ =	shalt  }
0x58: {  	_ =	shalt  }
0x59: {  	_ =	shalt  }
0x5a: {  	_ =	shalt  }
0x5b: {  	_ =	shalt  }
0x5c: {  	_ =	shalt  }
0x5d: {  	_ =	shalt  }
0x5e: {  	_ =	shalt  }
0x5f: {  	_ =	shalt  }
0x60: {  	_ =	shalt  }
0x61: {  	_ =	shalt  }
0x62: {  	_ =	shalt  }
0x63: {  	_ =	shalt  }
0x64: {  	_ =	shalt  }
0x65: {  	_ =	shalt  }
0x66: {  	_ =	shalt  }
0x67: {  	_ =	shalt  }
0x68: {  	_ =	shalt  }
0x69: {  	_ =	shalt  }
0x6a: {  	_ =	shalt  }
0x6b: {  	_ =	shalt  }
0x6c: {  	_ =	shalt  }
0x6d: {  	_ =	shalt  }
0x6e: {  	_ =	shalt  }
0x6f: {  	_ =	shalt  }
0x70: {  	_ =	shalt  }
0x71: {  	_ =	shalt  }
0x72: {  	_ =	shalt  }
0x73: {  	_ =	shalt  }
0x74: {  	_ =	shalt  }
0x75: {  	_ =	shalt  }
0x76: {  	_ =	shalt  }
0x77: {  	_ =	shalt  }
0x78: {  	_ =	shalt  }
0x79: {  	_ =	shalt  }
0x7a: {  	_ =	shalt  }
0x7b: {  	_ =	shalt  }
0x7c: {  	_ =	shalt  }
0x7d: {  	_ =	shalt  }
0x7e: {  	_ =	shalt  }
0x7f: {  	_ =	shalt  }
0x80: {  	_ =	shalt  }
0x81: {  	_ =	shalt  }
0x82: {  	_ =	shalt  }
0x83: {  	_ =	shalt  }
0x84: {  	_ =	shalt  }
0x85: {  	_ =	shalt  }
0x86: {  	_ =	shalt  }
0x87: {  	_ =	shalt  }
.Lfunc_end0:
.L_simem_size_0:
called_computation.4_lowered:
.L_overlay_start_0:
0x88: {  	s2 =	sld [smem:$0x3FD9]  }
0x89: {  	s3 =	sld [smem:$0x3FFE];
	_ =	sdelay $0x1  }
0x8a: {  	s1 =	srdreg.scid  }
0x8b: {  	s0 =	sand.u32 $0x1, s1  }
0x8c: {  	s14 =	sshll.u32 s0, $0xA;
	s2 =	sadd.s32 s3, s2  }
0x8d: {  	s2 =	sadd.s32 s2, s14  }
0x8e: {  	[smem:$0x3FBC] =	sst s2  }
0x8f: {  	_ = 	snop  }
0x90: {  	s2 =	sld [smem:$0x3FD0];
	_ =	sdelay $0x2  }
0x91: {  	s15 =	simm.s32 $0xA;
	s4 =	simm.s32 $0x10  }
0x92: {  	[smem:s4], [sflag:s15] =	dma.local [hbm:s2], $0x1  }
0x93: {  	_ =	swait.eq [sflag:s15], $0x1  }
0x94: {  	[sflag:s15] =	ssyncset.done $0x0  }
0x95: {  	[sflag:s15] =	ssyncadd.s32 $0xFFFFFFFF  }
0x96: {  	s16 =	sld [smem:$0x12];
	(tm) =	ssettm $0x1  }
0x97: {  	s17 =	sld [smem:$0x3FFB];
	_ =	sdelay $0x3  }
0x98: {  	_ =	strace s17  }
0x99: {  	s3 =	sld [smem:$0x3FFC];
	_ =	sdelay $0x3  }
0x9a: {  	_ =	strace s3  }
0x9b: {  	s3 =	sld [smem:$0x3FFD];
	_ =	sdelay $0x3  }
0x9c: {  	_ =	strace s3  }
0x9d: {  	_ =	strace $0x8FFFFFFF  }
0x9e: {  	s18 =	sld [smem:$0x3FDB];
	_ =	sdelay $0x1  }
0x9f: {  	s19 =	simm.s32 $_scs_section_size  }
0xa0: {  	s5 =	simm.s32 $_size__tile_overlayer_lowered;
	s6 =	simm.s32 $_tile_overlayer_lowered  }
0xa1: {  	s22 =	simm.s32 $0x1BFF;
	s21 =	sshll.u32 s6, $0x1;
	s3 =	sadd.s32 s19, s18  }
0xa2: {  	s7 =	simm.s32 $0x0;
	s20 =	sshll.u32 s5, $0x1;
	s5 =	sadd.s32 s21, s3  }
0xa3: {  	[timem:s7], [sflag:s22] =	dma.local [hbm:s5], s20  }
0xa4: {  	_ =	swait.ge [sflag:s22], s20  }
0xa5: {  	s4 =	ssub.s32 $0x0, s20;
	[sflag:s22] =	ssyncset.done $0x0  }
0xa6: {  	[sflag:s22] =	ssyncadd.s32 s4;
	_ =	sdelay $0x1  }
0xa7: {  	s23 =	simm.s32 $0x1B8B  }
0xa8: {  	_ =	swait.ge [sflag:s23], $0x1  }
0xa9: {  	[sflag:s23] =	ssyncset.done $0x0  }
0xaa: {  	s25 =	simm.s32 $0x1B8E;
	s24 =	sld [smem:$0x3FFE];
	[sflag:s23] =	ssyncadd.s32 $0xFFFFFFFF  }
0xab: {  	s26 =	simm.s32 $execute0_lowered;
	[smem:$0x3FD2] =	sst s25  }
0xac: {  	s5 =	sshll.u32 s26, $0x1;
	_ =	strace $0x80000052;
	[dreg:$0x1] =	wrdreg $0xFFFFFFFF  }
0xad: {  	s28 =	simm.s32 $_size_execute0_lowered;
	s3 =	sadd.s32 s3, s5;
	[dreg:$0x0] =	wrdreg $0x0  }
0xae: {  	s5 =	sshll.u32 s28, $0x1;
	[dreg:$0x2] =	wrdreg s3  }
0xaf: {  	[dreg:$0x3] =	wrdreg s5  }
0xb0: {  	[dreg:$0x4] =	wrdreg $0xC0  }
0xb1: {  	_ =	task [dreg:s7], $0x5FFFF  }
0xb2: {  	[dreg:$0x1] =	wrdreg $0xFFFFFFFF  }
0xb3: {  	[dreg:$0x0] =	wrdreg $0x60  }
0xb4: {  	[dreg:$0x2] =	wrdreg s16  }
0xb5: {  	[dreg:$0x3] =	wrdreg s24  }
0xb6: {  	[dreg:$0x4] =	wrdreg $0xA8000  }
0xb7: {  	[dreg:$0x5] =	wrdreg $0x148000  }
0xb8: {  	[dreg:$0x6] =	wrdreg $0x9  }
0xb9: {  	_ =	task.clear_ibuf [dreg:s7], $0x7FFFF;
	_ =	strace $0x90000052  }
0xba: {  	s29 =	simm.s32 $0x9;
	_ =	strace $0x80000054  }
0xbb: {  	_ =	swait.ge [sflag:s29], $0x1  }
0xbc: {  	[sflag:s29] =	ssyncadd.s32 $0xFFFFFFFF  }
0xbd: {  	_ =	strace $0x90000054  }
0xbe: {  	_ =	sfence  }
0xbf: {  	s30 =	sld [smem:$0x0];
	_ =	sdelay $0x2  }
0xc0: {  	s31 =	sshll.u32 s1, $0xD;
	s1 =	sshrl.u32 s1, $0x2  }
0xc1: {  	s3 =	sand.u32 $0x4000, s31;
	s1 =	sadd.s32 s1, s30  }
0xc2: {  	s0 =	sor.u32 s3, s0;
	s1 =	sshll.u32 s1, $0x11  }
0xc3: {  	s0 =	sor.u32 s1, s0  }
0xc4: {  	s0 =	sadd.s32 $0x8F2B, s0  }
0xc5: {  	[sflag:s0] =	ssyncadd.remote.s32 $0x1  }
0xc6: {  	_ =	sfence.sel $0xFFFF  }
0xc7: {  	[dreg:$0x0] =	wrdreg $0xFFFFFFFF;
	(pc) =	sbr.abs _section_cstart, $3  }
0xc8: {  	[dreg:$0x1] =	wrdreg $0xFFFFFFFF  }
0xc9: {  	_ =	task.clear_ibuf [dreg:s7], $0x2FFFF;
	_ =	strace $0x9FFFFFFF  }
0xca: {  	(tm) =	ssettm $0x7FFFFFFF  }
0xcb: {  	_ =	shalt  }
tec
execute0_lowered:
.L_overlay_start_1:
0x0: {  	(tag) =	ssettag $0x1  }
0x1: {  	s0 =	rddreg [dreg:$0x0]  }
0x2: {  	s1 =	rddreg [dreg:$0x1]  }
0x3: {  	s2 =	rddreg [dreg:$0x2]  }
0x4: {  	s3 =	rddreg [dreg:$0x3];
	s13 =	stileid.u32  }
0x5: {  	s4 =	srdreg.scid;
	s14 =	simm.s32 $0x1400;
	s15 =	simm.s32 $0x80  }
0x6: {  	s16 =	simm.s32 $0x2800;
	s17 =	simm.s32 $0x4800;
	s18 =	simm.s32 $0x1  }
0x7: {  	s20 =	simm.s32 $0x6800;
	s21 =	simm.s32 $0x2;
	s29 =	simm.s32 $0x5  }
0x8: {  	s31 =	simm.s32 $0x4;
	s22 =	simm.s32 $0x7;
	s23 =	simm.s32 $0x8  }
0x9: {  	s28 =	simm.s32 $0x0;
	s5 =	sand.u32 $0x1, s4;
	s6 =	sshll.u32 s13, $0x1  }
0xa: {  	s4 =	simm.s32 $0x0;
	s7 =	smul.u32 $0xA000, s13;
	s25 =	sshll.u32 s13, $0x6  }
0xb: {  	s6 =	sor.u32 s5, s6;
	[smem:$0x7FF] =	sst s4;
	s8 =	smul.u32 $0x14000, s5  }
0xc: {  	s5 =	ssub.s32 $0x2, s5;
	s6 =	smul.u32 $0x280, s6;
	s19 =	sshrl.u32 s7, $0x3  }
0xd: {  	_ =	strace $0x80000053;
	s10 =	sshrl.u32 s5, $0x1;
	s12 =	sadd.s32 s7, s2  }
0xe: {  	s26 =	sadd.s32 s7, s3;
	s9 =	sadd.s32 s19, s1;
	s10 =	ssub.s32 s5, s10  }
0xf: {  	s7 =	sadd.s32 s0, s19;
	s13 =	sshrl.u32 s26, $0x3;
	s26 =	simm.s32 $0x3  }
.Ltmp0:
0x10: {  	s11 =	sadd.s32 s6, s1;
	s1 =	sadd.s32 s8, s1;
	(pc) =	sbr.rel .LBB2_1-.Ltmp0, $4  }
0x11: {  	s24 =	sadd.s32 $0x35E00, s9;
	s6 =	sor.u32 $0x1C09, s25;
	s10 =	smax.u32 s10, $0x1  }
0x12: {  	s25 =	simm.s32 $0x8800;
	[dreg:$0x5] =	wrdreg s24;
	s8 =	sadd.s32 $0x8E00, s11  }
0x13: {  	s9 =	sadd.s32 $0x3E00, s11;
	s30 =	sadd.s32 $0x49E00, s1;
	s11 =	sshrl.u32 s12, $0x3  }
0x14: {  	s12 =	simm.s32 $0x9;
	s1 =	simm.s32 $0x6;
	s24 =	sadd.s32 s19, s30  }
.LBB2_4:
0x15: {  	_ =	swait.ge [sflag:s31], $0x2000  }
0x16: {  	[sflag:s31] =	ssyncset.done $0x0  }
0x17: {  	[sflag:s31] =	ssyncadd.s32 $0xFFFFE000  }
0x18: {  	[spmem:s2] =	stream.indirect.scatter.add.f32 [tilespmem:s25], [sflag:$0x8], $0x40, s19, s15, $0xb8;
	[tilespmem:$0x1E800] =	vst v63  }
0x19: {  	_ =	swait.ge [sflag:s29], $0x2000  }
0x1a: {  	[sflag:s29] =	ssyncset.done $0x0  }
0x1b: {  	[sflag:s29] =	ssyncadd.s32 $0xFFFFE000  }
0x1c: {  	_ =	swait.ge [sflag:s1], $0x2000  }
0x1d: {  	[sflag:s1] =	ssyncset.done $0x0  }
0x1e: {  	[sflag:s1] =	ssyncadd.s32 $0xFFFFE000  }
0x1f: {  	_ =	swait.ge [sflag:s22], $0x2000  }
0x20: {  	[sflag:s22] =	ssyncset.done $0x0  }
0x21: {  	[sflag:s22] =	ssyncadd.s32 $0xFFFFE000  }
0x22: {  	_ =	swait.ge [sflag:s23], $0x2000  }
0x23: {  	s28 =	sadd.s32 $0x1, s28;
	[sflag:s23] =	ssyncset.done $0x0  }
0x24: {  	p0 =	sne.s32 s28, s10;
	[sflag:s23] =	ssyncadd.s32 $0xFFFFE000  }
.Ltmp1:
0x25: {  	[bflag:$0x0] =	sbarrier.arrive $0xFFFF;
	(pc) =	sbr.rel @!p0 .LBB2_5-.Ltmp1, $4  }
0x26: {  	[hbm:s24], [sflag:s6] =	dma.local [spmem:s11], $0x1400  }
0x27: {  	_ =	swait.ge [sflag:s12], $0x1400  }
0x28: {  	[sflag:s12] =	ssyncset.done $0x0  }
0x29: {  	[sflag:s12] =	ssyncadd.s32 $0xFFFFEC00  }
.LBB2_1:
0x2a: {  	s0 =	rddreg [dreg:$0x5]  }
0x2b: {  	[spmem:s11], [sflag:s6] =	dma.local [hbm:s0], $0x1400  }
0x2c: {  	_ =	swait.ge [sflag:s12], $0x1400  }
0x2d: {  	[sflag:s12] =	ssyncset.done $0x0  }
0x2e: {  	[sflag:s12] =	ssyncadd.s32 $0xFFFFEC00  }
0x2f: {  	[spmem:s13], [sflag:s6] =	dma.local [hbm:s7], $0x1400  }
0x30: {  	_ =	swait.ge [sflag:s12], $0x1400  }
0x31: {  	[sflag:s12] =	ssyncset.done $0x0  }
0x32: {  	[sflag:s12] =	ssyncadd.s32 $0xFFFFEC00  }
0x33: {  	[tilespmem:s4], [sflag:$0x9] =	stream.linear.gather [hbm4b:s8+s4], $0x1400, $0x38;
	[tilespmem:$0x1E800] =	vst v63  }
0x34: {  	_ =	swait.ge [sflag:s12], $0x1400  }
0x35: {  	[sflag:s12] =	ssyncset.done $0x0  }
0x36: {  	[sflag:s12] =	ssyncadd.s32 $0xFFFFEC00  }
0x37: {  	[tilespmem:s14], [sflag:$0x9] =	stream.linear.gather [hbm4b:s9+s4], $0x1400, $0x38;
	[tilespmem:$0x1E800] =	vst v63  }
0x38: {  	_ =	swait.ge [sflag:s12], $0x1400  }
0x39: {  	[sflag:s12] =	ssyncset.done $0x0  }
0x3a: {  	[sflag:s12] =	ssyncadd.s32 $0xFFFFEC00  }
0x3b: {  	[bflag:$0x0] =	sbarrier.arrive $0xFFFF  }
0x3c: {  	[tilespmem:s16], [sflag:$0x1] =	stream.indirect.gather [spmem:s3], $0x40, s4, s15, $0xb8;
	[tilespmem:$0x1E800] =	vst v63  }
0x3d: {  	_ = 	snop  }
0x3e: {  	[tilespmem:s17], [sflag:$0x2] =	stream.indirect.gather [spmem:s3], $0x40, s15, s15, $0xb8;
	[tilespmem:$0x1E800] =	vst v63  }
0x3f: {  	_ =	swait.ge [sflag:s18], $0x2000  }
0x40: {  	[sflag:s18] =	ssyncset.done $0x0  }
0x41: {  	[sflag:s18] =	ssyncadd.s32 $0xFFFFE000  }
0x42: {  	[spmem:s2] =	stream.indirect.scatter.add.f32 [tilespmem:s16], [sflag:$0x5], $0x40, s14, s15, $0xb8;
	[tilespmem:$0x1E800] =	vst v63  }
0x43: {  	s19 =	simm.s32 $0x100  }
0x44: {  	[tilespmem:s20], [sflag:$0x3] =	stream.indirect.gather [spmem:s3], $0x40, s19, s15, $0xb8;
	[tilespmem:$0x1E800] =	vst v63  }
0x45: {  	_ =	swait.ge [sflag:s21], $0x2000  }
0x46: {  	[sflag:s21] =	ssyncset.done $0x0  }
0x47: {  	s5 =	simm.s32 $0x1480;
	[sflag:s21] =	ssyncadd.s32 $0xFFFFE000  }
0x48: {  	[spmem:s2] =	stream.indirect.scatter.add.f32 [tilespmem:s17], [sflag:$0x6], $0x40, s5, s15, $0xb8;
	[tilespmem:$0x1E800] =	vst v63  }
0x49: {  	s19 =	simm.s32 $0x180  }
0x4a: {  	[tilespmem:s25], [sflag:$0x4] =	stream.indirect.gather [spmem:s3], $0x40, s19, s15, $0xb8;
	[tilespmem:$0x1E800] =	vst v63  }
0x4b: {  	_ =	swait.ge [sflag:s26], $0x2000  }
0x4c: {  	[sflag:s26] =	ssyncset.done $0x0  }
0x4d: {  	s5 =	simm.s32 $0x1500;
	[sflag:s26] =	ssyncadd.s32 $0xFFFFE000  }
0x4e: {  	[spmem:s2] =	stream.indirect.scatter.add.f32 [tilespmem:s20], [sflag:$0x7], $0x40, s5, s15, $0xb8;
	[tilespmem:$0x1E800] =	vst v63  }
0x4f: {  	_ =	swait.ge [sflag:s29], $0x2000  }
0x50: {  	[sflag:s29] =	ssyncset.done $0x0  }
0x51: {  	s19 =	simm.s32 $0x200;
	[sflag:s29] =	ssyncadd.s32 $0xFFFFE000  }
0x52: {  	[tilespmem:s16], [sflag:$0x1] =	stream.indirect.gather [spmem:s3], $0x40, s19, s15, $0xb8;
	[tilespmem:$0x1E800] =	vst v63  }
0x53: {  	_ =	swait.ge [sflag:s31], $0x2000  }
0x54: {  	[sflag:s31] =	ssyncset.done $0x0  }
0x55: {  	s5 =	simm.s32 $0x1580;
	[sflag:s31] =	ssyncadd.s32 $0xFFFFE000  }
0x56: {  	[spmem:s2] =	stream.indirect.scatter.add.f32 [tilespmem:s25], [sflag:$0x8], $0x40, s5, s15, $0xb8;
	[tilespmem:$0x1E800] =	vst v63  }
0x57: {  	_ =	swait.ge [sflag:s1], $0x2000  }
0x58: {  	[sflag:s1] =	ssyncset.done $0x0  }
0x59: {  	s30 =	simm.s32 $0x0;
	s19 =	simm.s32 $0x280;
	[sflag:s1] =	ssyncadd.s32 $0xFFFFE000  }
0x5a: {  	[tilespmem:s17], [sflag:$0x2] =	stream.indirect.gather [spmem:s3], $0x40, s19, s15, $0xb8;
	[tilespmem:$0x1E800] =	vst v63  }
.LBB2_2:
0x5b: {  	_ =	swait.ge [sflag:s18], $0x2000  }
0x5c: {  	s0 =	sshra.s32 s30, $0x2;
	[sflag:s18] =	ssyncset.done $0x0  }
0x5d: {  	s19 =	sadd.s32 $0x1600, s0;
	[sflag:s18] =	ssyncadd.s32 $0xFFFFE000  }
0x5e: {  	[spmem:s2] =	stream.indirect.scatter.add.f32 [tilespmem:s16], [sflag:$0x5], $0x40, s19, s15, $0xb8;
	[tilespmem:$0x1E800] =	vst v63  }
0x5f: {  	_ =	swait.ge [sflag:s22], $0x2000  }
0x60: {  	[sflag:s22] =	ssyncset.done $0x0  }
0x61: {  	s5 =	sadd.s32 $0x300, s0;
	[sflag:s22] =	ssyncadd.s32 $0xFFFFE000  }
0x62: {  	[tilespmem:s20], [sflag:$0x3] =	stream.indirect.gather [spmem:s3], $0x40, s5, s15, $0xb8;
	[tilespmem:$0x1E800] =	vst v63  }
0x63: {  	_ =	swait.ge [sflag:s21], $0x2000  }
0x64: {  	[sflag:s21] =	ssyncset.done $0x0  }
0x65: {  	s5 =	sadd.s32 $0x1680, s0;
	[sflag:s21] =	ssyncadd.s32 $0xFFFFE000  }
0x66: {  	[spmem:s2] =	stream.indirect.scatter.add.f32 [tilespmem:s17], [sflag:$0x6], $0x40, s5, s15, $0xb8;
	[tilespmem:$0x1E800] =	vst v63  }
0x67: {  	_ =	swait.ge [sflag:s23], $0x2000  }
0x68: {  	[sflag:s23] =	ssyncset.done $0x0  }
0x69: {  	p0 =	seq.s32 s30, $0x4000;
	s5 =	sadd.s32 $0x380, s0;
	[sflag:s23] =	ssyncadd.s32 $0xFFFFE000  }
0x6a: {  	[tilespmem:s25], [sflag:$0x4] =	stream.indirect.gather [spmem:s3], $0x40, s5, s15, $0xb8;
	[tilespmem:$0x1E800] =	vst v63  }
.Ltmp2:
0x6b: {  	_ = 	snop;
	(pc) =	sbr.rel @p0 .LBB2_4-.Ltmp2, $4  }
0x6c: {  	_ =	swait.ge [sflag:s26], $0x2000  }
0x6d: {  	[sflag:s26] =	ssyncset.done $0x0  }
0x6e: {  	s19 =	sadd.s32 $0x1780, s0;
	s5 =	sadd.s32 $0x1700, s0;
	[sflag:s26] =	ssyncadd.s32 $0xFFFFE000  }
0x6f: {  	[spmem:s2] =	stream.indirect.scatter.add.f32 [tilespmem:s20], [sflag:$0x7], $0x40, s5, s15, $0xb8;
	[tilespmem:$0x1E800] =	vst v63  }
0x70: {  	_ =	swait.ge [sflag:s29], $0x2000  }
0x71: {  	[sflag:s29] =	ssyncset.done $0x0  }
0x72: {  	s5 =	sadd.s32 $0x400, s0;
	[sflag:s29] =	ssyncadd.s32 $0xFFFFE000  }
0x73: {  	[tilespmem:s16], [sflag:$0x1] =	stream.indirect.gather [spmem:s3], $0x40, s5, s15, $0xb8;
	[tilespmem:$0x1E800] =	vst v63  }
0x74: {  	_ =	swait.ge [sflag:s31], $0x2000  }
0x75: {  	[sflag:s31] =	ssyncset.done $0x0  }
0x76: {  	[sflag:s31] =	ssyncadd.s32 $0xFFFFE000  }
0x77: {  	[spmem:s2] =	stream.indirect.scatter.add.f32 [tilespmem:s25], [sflag:$0x8], $0x40, s19, s15, $0xb8;
	[tilespmem:$0x1E800] =	vst v63  }
.Ltmp3:
0x78: {  	_ = 	snop;
	(pc) =	sbr.rel .LBB2_2-.Ltmp3, $4  }
0x79: {  	_ =	swait.ge [sflag:s1], $0x2000  }
0x7a: {  	[sflag:s1] =	ssyncset.done $0x0  }
0x7b: {  	s30 =	sadd.s32 $0x800, s30;
	s19 =	sadd.s32 $0x480, s0;
	[sflag:s1] =	ssyncadd.s32 $0xFFFFE000  }
0x7c: {  	[tilespmem:s17], [sflag:$0x2] =	stream.indirect.gather [spmem:s3], $0x40, s19, s15, $0xb8;
	[tilespmem:$0x1E800] =	vst v63  }
.LBB2_5:
0x7d: {  	_ =	sfence.sel $0x180000  }
0x7e: {  	[bflag:$0x0] =	sbarrier.arrive $0xFFFF  }
0x7f: {  	_ =	strace $0x90000053  }
0x80: {  	s0 =	stileid.u32;
	[bflag:$0x2] =	sbarrier.arrive $0xFFFF  }
0x81: {  	p0 =	sne.s32 s0, $0x0;
	s0 =	rddreg [dreg:$0x4]  }
0x82: {  	s0 =	sadd.s32 @!p0 $0x100000, s0  }
0x83: {  	[sflag:s0] =	ssyncadd.tile.s32 @!p0 $0x1;
	_ =	shalt  }
.Lfunc_end2:
_tile_overlayer_lowered:
.L_overlay_start_2:
0x84: {  	(tag) =	ssettag $0x2  }
0x85: {  	s0 =	rddreg [dreg:$0x0];
	s2 =	stileid.u32  }
0x86: {  	s1 =	rddreg [dreg:$0x1];
	p0 =	sne.s32 s2, $0x0  }
0x87: {  	s3 =	rddreg [dreg:$0x2];
	[bflag:$0x3] =	sbarrier.arrive $0xFFFF;
	s2 =	simm.s32 @!p0 $0x1C09  }
0x88: {  	[timem:s3], [sflag:s2] =	dma.local @!p0 [hbm:s0], s1  }
0x89: {  	s0 =	simm.s32 @!p0 $0x9  }
0x8a: {  	_ =	swait.ge @!p0 [sflag:s0], s1  }
0x8b: {  	s1 =	ssub.s32 @!p0 $0x0, s1;
	[sflag:s0] =	ssyncset.done @!p0 $0x0  }
0x8c: {  	[sflag:s0] =	ssyncadd.s32 @!p0 s1  }
0x8d: {  	[bflag:$0x3] =	sbarrier.arrive $0xFFFF  }
0x8e: {  	_ =	shalt  }

</sc_bundles>
